<compile_context>
chip_gen: v7x
topology: tpu7x:2x2x1
jax: 0.10.2.dev20260603
libtpu: 0.0.44.dev20260713+nightly
codegen_flags: <defaults>
</compile_context>

<pallas_src>
import functools

import jax
import jax.numpy as jnp
from jax import lax
from jax.experimental import pallas as pl
from jax.experimental.pallas import tpu as pltpu
from jax.experimental.pallas import tpu_sc as plsc

N = 10000
E = 320000
H = 4
C1 = 128

NC = 2
NS = 16
NW = NC * NS
L = 16

EPW = E // NW
BB = 80
NIT = EPW // BB


def _sc_mesh():
    return plsc.VectorSubcoreMesh(core_axis_name="c", subcore_axis_name="s",
                                  num_cores=NC, num_subcores=NS)


def _alpha1_body(qs_hbm, k_hbm, qwe_hbm, src_hbm, dst_hbm, ea_hbm, zer_hbm,
                 ex_hbm, denp_hbm,
                 src_v, dst_v, ea_v, qrows, krows, qwerows, exbuf, exT,
                 den_sh, sem):
    cid = lax.axis_index("c")
    sid = lax.axis_index("s")
    wid = sid * NC + cid

    rz = (N // NS) // 8 * 8
    rem = N - NS * rz
    rbase = sid * rz
    pltpu.sync_copy(zer_hbm.at[pl.ds(rbase, rz)],
                    den_sh.at[pl.ds(rbase, rz)])
    if rem:
        @pl.when(sid == 0)
        def _():
            pltpu.sync_copy(zer_hbm.at[pl.ds(NS * rz, rem)],
                            den_sh.at[pl.ds(NS * rz, rem)])
    plsc.subcore_barrier()

    def zrow(i, _z):
        exT[i, :] = jnp.zeros((16,), jnp.float32)
        return _z
    lax.fori_loop(0, BB, zrow, 0)

    def batch(it, _):
        base = wid * EPW + it * BB
        pltpu.sync_copy(src_hbm.at[pl.ds(base, BB)], src_v)
        pltpu.sync_copy(dst_hbm.at[pl.ds(base, BB)], dst_v)
        pltpu.sync_copy(ea_hbm.at[pl.ds(base, BB)], ea_v)
        pltpu.async_copy(qs_hbm.at[dst_v], qrows, sem).wait()
        pltpu.async_copy(k_hbm.at[src_v], krows, sem).wait()
        pltpu.async_copy(qwe_hbm.at[dst_v], qwerows, sem).wait()

        def group(g, _2):
            rowv = lax.iota(jnp.int32, L) + g * L
            eav = ea_v[pl.ds(g * L, L)]

            def head(h, _3):
                hv = jnp.full((L,), h, jnp.int32)

                def dot_c(c, acc):
                    colv = jnp.full((L,), h * C1 + c, jnp.int32)
                    qv = plsc.load_gather(qrows, [rowv, colv])
                    kv = plsc.load_gather(krows, [rowv, colv])
                    return acc + qv * kv

                acc = lax.fori_loop(0, C1, dot_c, jnp.zeros((L,), jnp.float32),
                                    unroll=4)
                qwev = plsc.load_gather(qwerows, [rowv, hv])
                ex = jnp.exp(acc + eav * qwev)
                exbuf[pl.ds(h * BB + g * L, L)] = ex
                plsc.store_scatter(exT, [rowv, hv], ex)
                return _3

            return lax.fori_loop(0, H, head, _2)

        lax.fori_loop(0, BB // L, group, 0)

        for h in range(H):
            pltpu.sync_copy(exbuf.at[pl.ds(h * BB, BB)],
                            ex_hbm.at[pl.ds(h * E + base, BB)])
        pltpu.sync_copy(exT, den_sh.at[dst_v], add=True)
        return _

    lax.fori_loop(0, NIT, batch, 0)

    plsc.subcore_barrier()
    pltpu.sync_copy(den_sh.at[pl.ds(rbase, rz)],
                    denp_hbm.at[cid, pl.ds(rbase, rz)])
    if rem:
        @pl.when(sid == 0)
        def _():
            pltpu.sync_copy(den_sh.at[pl.ds(NS * rz, rem)],
                            denp_hbm.at[cid, pl.ds(NS * rz, rem)])


def _alpha1(qs, k, qwe, src, dst, ea, zer):
    f = pl.kernel(
        _alpha1_body,
        out_type=[jax.ShapeDtypeStruct((H * E,), jnp.float32),
                  jax.ShapeDtypeStruct((NC, N, 16), jnp.float32)],
        mesh=_sc_mesh(),
        scratch_types=[
            pltpu.VMEM((BB,), jnp.int32),
            pltpu.VMEM((BB,), jnp.int32),
            pltpu.VMEM((BB,), jnp.float32),
            pltpu.VMEM((BB, 4 * C1), jnp.float32),
            pltpu.VMEM((BB, 4 * C1), jnp.float32),
            pltpu.VMEM((BB, 16), jnp.float32),
            pltpu.VMEM((H * BB,), jnp.float32),
            pltpu.VMEM((BB, 16), jnp.float32),
            pltpu.VMEM_SHARED((N, 16), jnp.float32),
            pltpu.SemaphoreType.DMA,
        ],
        compiler_params=pltpu.CompilerParams(use_tc_tiling_on_sc=False,
                                             needs_layout_passes=False),
    )
    return f(qs, k, qwe, src, dst, ea, zer)


def _post_l2_body(out_ref, xr_ref, wb_ref, wt_ref, bt_ref, g_ref, be_ref, y_ref):
    out = out_ref[...]
    xr = xr_ref[...]
    wb = wb_ref[...]
    wa = wb[:, 0:4]
    wbb = wb[:, 4:8]
    wc = wb[:, 8:12]
    lin = (jnp.sum(out * wa, axis=1, keepdims=True)
           + jnp.sum(xr * wbb, axis=1, keepdims=True)
           + jnp.sum((out - xr) * wc, axis=1, keepdims=True))
    beta = jax.nn.sigmoid(lin)
    h = beta * xr + (1.0 - beta) * out
    y = jnp.sum(h * wt_ref[...], axis=1, keepdims=True) + bt_ref[0, 0]
    mu = jnp.mean(y)
    var = jnp.mean(jnp.square(y - mu))
    y_ref[...] = (y - mu) / jnp.sqrt(var + 1e-5) * g_ref[0, 0] + be_ref[0, 0]


def _post_l2(out2, xr2, Wb2, Wt2, bt2, g2, be2):
    return pl.pallas_call(
        _post_l2_body,
        out_shape=jax.ShapeDtypeStruct((N, 1), jnp.float32),
    )(out2, xr2, Wb2.reshape(1, 12), Wt2.reshape(1, 4),
      bt2.reshape(1, 1), g2.reshape(1, 1), be2.reshape(1, 1))


def kernel(x, edge_index, edge_attr, Wq1, bq1, Wk1, bk1, Wv1, bv1, We1, Ws1,
           bs1, Wb1, Wt1, bt1, g1, be1, Wq2, bq2, Wk2, bk2, Wv2, bv2, We2,
           Ws2, bs2, Wb2, Wt2, bt2, g2, be2):
    src = edge_index[0]
    dst = edge_index[1]
    ea = edge_attr.reshape(E)
    zer = jnp.zeros((N, 16), jnp.float32)

    rsc = 1.0 / jnp.sqrt(128.0)
    qs1 = (x @ Wq1 + bq1) * rsc
    k1 = x @ Wk1 + bk1
    v1 = x @ Wv1 + bv1
    qwe1 = jnp.sum((qs1 * We1).reshape(N, H, C1), axis=-1)
    qwe1p = jnp.concatenate([qwe1, jnp.zeros((N, 12), jnp.float32)], axis=1)

    EXf, DENP = _alpha1(qs1, k1, qwe1p, src, dst, ea, zer)
    den = (DENP[0] + DENP[1])[:, :H]

    a = EXf.reshape(H, E).T / (den[dst] + 1e-16)
    e1 = (edge_attr @ We1).reshape(E, H, C1)
    msg = (v1[src].reshape(E, H, C1) + e1) * a[..., None]
    out1 = jax.ops.segment_sum(msg.reshape(E, H * C1), dst, num_segments=N)

    xr1 = x @ Ws1 + bs1
    beta1 = jax.nn.sigmoid(jnp.concatenate([out1, xr1, out1 - xr1], axis=-1) @ Wb1)
    h = beta1 * xr1 + (1.0 - beta1) * out1
    h = h @ Wt1 + bt1
    mu = h.mean(axis=0)
    var = h.var(axis=0)
    h = (h - mu) / jnp.sqrt(var + 1e-5) * g1 + be1

    q2 = h @ Wq2 + bq2
    k2 = h @ Wk2 + bk2
    v2 = h @ Wv2 + bv2
    e2 = (edge_attr @ We2).reshape(E, H, 1)
    m2 = q2[dst].reshape(E, H, 1) * (k2[src].reshape(E, H, 1) + e2)
    alpha2 = jnp.sum(m2, axis=-1)
    ex2 = jnp.exp(alpha2)
    den2 = jax.ops.segment_sum(ex2, dst, num_segments=N)
    a2 = ex2 / (den2[dst] + 1e-16)
    msg2 = (v2[src].reshape(E, H, 1) + e2) * a2[..., None]
    out2 = jax.ops.segment_sum(msg2.reshape(E, H), dst, num_segments=N)
    xr2 = h @ Ws2 + bs2
    return _post_l2(out2, xr2, Wb2, Wt2, bt2, g2, be2)

# --- scband reference (transcript-rebuilt; emitter-appended) ---
"""Pipeline reference for scband-dummy-net-36515811950832 (READ-ONLY COPY).

The authoritative reference and input builder live on the scoring server;
editing this copy changes nothing except your own understanding.
"""

import jax, jax.numpy as jnp
import numpy as np

N = 10000
E = 320000
FEAT = 128
H = 4


def _tconv(x, src, dst, e_attr, Wq, bq, Wk, bk, Wv, bv, We, Ws, bs, Wb, heads, C):
    n = x.shape[0]
    m = src.shape[0]
    q = (x @ Wq + bq)[dst].reshape(m, heads, C)
    k = (x @ Wk + bk)[src].reshape(m, heads, C)
    v = (x @ Wv + bv)[src].reshape(m, heads, C)
    e = (e_attr @ We).reshape(m, heads, C)
    alpha = jnp.sum(q * (k + e), axis=-1) / jnp.sqrt(float(C))
    amax = jax.ops.segment_max(alpha, dst, num_segments=n)
    amax = jnp.where(jnp.isfinite(amax), amax, 0.0)
    ex = jnp.exp(alpha - amax[dst])
    den = jax.ops.segment_sum(ex, dst, num_segments=n)
    a = ex / (den[dst] + 1e-16)
    msg = (v + e) * a[..., None]
    out = jax.ops.segment_sum(msg.reshape(m, heads * C), dst, num_segments=n)
    xr = x @ Ws + bs
    beta = jax.nn.sigmoid(jnp.concatenate([out, xr, out - xr], axis=-1) @ Wb)
    return beta * xr + (1.0 - beta) * out


def _bn(x, g, b):
    mu = x.mean(axis=0)
    var = x.var(axis=0)
    return (x - mu) / jnp.sqrt(var + 1e-5) * g + b


def setup_inputs(seed: int = 0):
    key = jax.random.key(seed)
    ks = jax.random.split(key, 32)
    def w(i, shape, s=0.1):
        return jax.random.normal(ks[i], shape, dtype=jnp.float32) * s
    inp = {}
    inp["x"] = jax.random.normal(ks[0], (N, FEAT), dtype=jnp.float32)
    inp["edge_index"] = jax.random.randint(ks[1], (2, E), 0, N, dtype=jnp.int32)
    inp["edge_attr"] = jax.random.normal(ks[2], (E, 1), dtype=jnp.float32)
    HC1 = H * 128
    inp["Wq1"] = w(3, (FEAT, HC1)); inp["bq1"] = jnp.zeros((HC1,), jnp.float32)
    inp["Wk1"] = w(4, (FEAT, HC1)); inp["bk1"] = jnp.zeros((HC1,), jnp.float32)
    inp["Wv1"] = w(5, (FEAT, HC1)); inp["bv1"] = jnp.zeros((HC1,), jnp.float32)
    inp["We1"] = w(6, (1, HC1))
    inp["Ws1"] = w(7, (FEAT, HC1)); inp["bs1"] = jnp.zeros((HC1,), jnp.float32)
    inp["Wb1"] = w(8, (3 * HC1, 1))
    inp["Wt1"] = w(9, (HC1, 128)); inp["bt1"] = jnp.zeros((128,), jnp.float32)
    inp["g1"] = jnp.ones((128,), jnp.float32); inp["be1"] = jnp.zeros((128,), jnp.float32)
    HC2 = H * 1
    inp["Wq2"] = w(10, (128, HC2)); inp["bq2"] = jnp.zeros((HC2,), jnp.float32)
    inp["Wk2"] = w(11, (128, HC2)); inp["bk2"] = jnp.zeros((HC2,), jnp.float32)
    inp["Wv2"] = w(12, (128, HC2)); inp["bv2"] = jnp.zeros((HC2,), jnp.float32)
    inp["We2"] = w(13, (1, HC2))
    inp["Ws2"] = w(14, (128, HC2)); inp["bs2"] = jnp.zeros((HC2,), jnp.float32)
    inp["Wb2"] = w(15, (3 * HC2, 1))
    inp["Wt2"] = w(16, (HC2, 1)); inp["bt2"] = jnp.zeros((1,), jnp.float32)
    inp["g2"] = jnp.ones((1,), jnp.float32); inp["be2"] = jnp.zeros((1,), jnp.float32)
    return inp


def reference(x, edge_index, edge_attr, Wq1, bq1, Wk1, bk1, Wv1, bv1, We1, Ws1, bs1, Wb1, Wt1, bt1, g1, be1, Wq2, bq2, Wk2, bk2, Wv2, bv2, We2, Ws2, bs2, Wb2, Wt2, bt2, g2, be2):
    src = edge_index[0]
    dst = edge_index[1]
    h = _tconv(x, src, dst, edge_attr, Wq1, bq1, Wk1, bk1, Wv1, bv1, We1, Ws1, bs1, Wb1, H, 128)
    h = h @ Wt1 + bt1
    h = _bn(h, g1, be1)
    h = _tconv(h, src, dst, edge_attr, Wq2, bq2, Wk2, bk2, Wv2, bv2, We2, Ws2, bs2, Wb2, H, 1)
    h = h @ Wt2 + bt2
    h = _bn(h, g2, be2)
    return h

if __name__ == "__main__":
    import jax
    _d = setup_inputs()
    print(jax.jit(kernel)(*tuple(_d.values())))

</pallas_src>

<mosaic_0001>
#map = affine_map<(d0, d1) -> (0, 0)>
#map1 = affine_map<(d0, d1) -> (0)>
#map2 = affine_map<(d0, d1) -> (0, 0, 0)>
module attributes {stable_mosaic.version = 14 : i64} {
  func.func @_alpha1_body(%arg0: i32, %arg1: i32, %arg2: memref<10000x512xf32, #tpu.memory_space<hbm>>, %arg3: memref<10000x512xf32, #tpu.memory_space<hbm>>, %arg4: memref<10000x16xf32, #tpu.memory_space<hbm>>, %arg5: memref<320000xi32, #tpu.memory_space<hbm>>, %arg6: memref<320000xi32, #tpu.memory_space<hbm>>, %arg7: memref<320000xf32, #tpu.memory_space<hbm>>, %arg8: memref<10000x16xf32, #tpu.memory_space<hbm>>, %arg9: memref<1280000xf32, #tpu.memory_space<hbm>>, %arg10: memref<2x10000x16xf32, #tpu.memory_space<hbm>>, %arg11: memref<80xi32, #tpu.memory_space<vmem>>, %arg12: memref<80xi32, #tpu.memory_space<vmem>>, %arg13: memref<80xf32, #tpu.memory_space<vmem>>, %arg14: memref<80x512xf32, #tpu.memory_space<vmem>>, %arg15: memref<80x512xf32, #tpu.memory_space<vmem>>, %arg16: memref<80x16xf32, #tpu.memory_space<vmem>>, %arg17: memref<320xf32, #tpu.memory_space<vmem>>, %arg18: memref<80x16xf32, #tpu.memory_space<vmem>>, %arg19: memref<10000x16xf32, #tpu.memory_space<vmem_shared>>, %arg20: memref<!tpu.dma_semaphore, #tpu.memory_space<semaphore_mem>>) attributes {dimension_semantics = [#tpu.dimension_semantics<core_parallel>, #tpu.dimension_semantics<subcore_parallel>], iteration_bounds = array<i64: 2, 16>, scalar_prefetch = 0 : i64, scratch_operands = 10 : i64, tpu.core_type = #tpu.core_type<sc_vector_subcore>, window_params = [{transform_indices = #map}, {transform_indices = #map}, {transform_indices = #map}, {transform_indices = #map1}, {transform_indices = #map1}, {transform_indices = #map1}, {transform_indices = #map}, {transform_indices = #map1}, {transform_indices = #map2}]} {
    %mul3A = arith.constant 2 : i32
    %mul3A_0 = arith.muli %arg1, %mul3A : i32
    %add3A = arith.addi %mul3A_0, %arg0 : i32
    %mul3A_1 = arith.constant 624 : i32
    %mul3A_2 = arith.muli %arg1, %mul3A_1 : i32
    "tpu.region"() ({
      %run_scoped3A = tpu.sem_alloc : memref<!tpu.dma_semaphore, #tpu.memory_space<semaphore_mem>>
      %dma_start3A = arith.constant 0 : i32
      %dma_start3A_22 = tpu.memref_slice %arg19[%mul3A_2, %dma_start3A] : memref<10000x16xf32, #tpu.memory_space<vmem_shared>> -> memref<624x16xf32, #tpu.memory_space<vmem_shared>>
      %dma_start3A_23 = arith.constant 0 : i32
      %dma_start3A_24 = tpu.memref_slice %arg8[%mul3A_2, %dma_start3A_23] : memref<10000x16xf32, #tpu.memory_space<hbm>> -> memref<624x16xf32, #tpu.memory_space<hbm>>
      tpu.enqueue_dma source(%dma_start3A_24 : memref<624x16xf32, #tpu.memory_space<hbm>>) target(%dma_start3A_22 : memref<624x16xf32, #tpu.memory_space<vmem_shared>>) target_semaphore(%run_scoped3A : memref<!tpu.dma_semaphore, #tpu.memory_space<semaphore_mem>>)
      %dma_wait3A = arith.constant 0 : i32
      %dma_wait3A_25 = tpu.memref_slice %arg19[%mul3A_2, %dma_wait3A] : memref<10000x16xf32, #tpu.memory_space<vmem_shared>> -> memref<624x16xf32, #tpu.memory_space<vmem_shared>>
      %dma_wait3A_26 = arith.constant 0 : i32
      %dma_wait3A_27 = tpu.memref_slice %arg8[%mul3A_2, %dma_wait3A_26] : memref<10000x16xf32, #tpu.memory_space<hbm>> -> memref<624x16xf32, #tpu.memory_space<hbm>>
      tpu.wait_dma2 semaphore(%run_scoped3A : memref<!tpu.dma_semaphore, #tpu.memory_space<semaphore_mem>>) src(%dma_wait3A_27 : memref<624x16xf32, #tpu.memory_space<hbm>>) dst(%dma_wait3A_25 : memref<624x16xf32, #tpu.memory_space<vmem_shared>>)
      tpu.yield
    }) : () -> ()
    %eq3A = arith.constant 0 : i32
    %eq3A_3 = arith.cmpi eq, %arg1, %eq3A : i32
    %convert_element_type3A = arith.extui %eq3A_3 : i1 to i32
    %cond3A = arith.constant 0 : i32
    %cond3A_4 = arith.cmpi ne, %convert_element_type3A, %cond3A : i32
    scf.if %cond3A_4 {
      "tpu.region"() ({
        %run_scoped3A = tpu.sem_alloc : memref<!tpu.dma_semaphore, #tpu.memory_space<semaphore_mem>>
        %dma_start3A = arith.constant 9984 : i32
        %dma_start3A_22 = arith.constant 0 : i32
        %dma_start3A_23 = tpu.memref_slice %arg19[%dma_start3A, %dma_start3A_22] : memref<10000x16xf32, #tpu.memory_space<vmem_shared>> -> memref<16x16xf32, #tpu.memory_space<vmem_shared>>
        %dma_start3A_24 = arith.constant 9984 : i32
        %dma_start3A_25 = arith.constant 0 : i32
        %dma_start3A_26 = tpu.memref_slice %arg8[%dma_start3A_24, %dma_start3A_25] : memref<10000x16xf32, #tpu.memory_space<hbm>> -> memref<16x16xf32, #tpu.memory_space<hbm>>
        tpu.enqueue_dma source(%dma_start3A_26 : memref<16x16xf32, #tpu.memory_space<hbm>>) target(%dma_start3A_23 : memref<16x16xf32, #tpu.memory_space<vmem_shared>>) target_semaphore(%run_scoped3A : memref<!tpu.dma_semaphore, #tpu.memory_space<semaphore_mem>>)
        %dma_wait3A = arith.constant 9984 : i32
        %dma_wait3A_27 = arith.constant 0 : i32
        %dma_wait3A_28 = tpu.memref_slice %arg19[%dma_wait3A, %dma_wait3A_27] : memref<10000x16xf32, #tpu.memory_space<vmem_shared>> -> memref<16x16xf32, #tpu.memory_space<vmem_shared>>
        %dma_wait3A_29 = arith.constant 9984 : i32
        %dma_wait3A_30 = arith.constant 0 : i32
        %dma_wait3A_31 = tpu.memref_slice %arg8[%dma_wait3A_29, %dma_wait3A_30] : memref<10000x16xf32, #tpu.memory_space<hbm>> -> memref<16x16xf32, #tpu.memory_space<hbm>>
        tpu.wait_dma2 semaphore(%run_scoped3A : memref<!tpu.dma_semaphore, #tpu.memory_space<semaphore_mem>>) src(%dma_wait3A_31 : memref<16x16xf32, #tpu.memory_space<hbm>>) dst(%dma_wait3A_28 : memref<16x16xf32, #tpu.memory_space<vmem_shared>>)
        tpu.yield
      }) : () -> ()
    } else {
    }
    %barrier3A = arith.constant 0 : index
    tpu.barrier barrier_id(%barrier3A)
    %scan3A = arith.constant 0 : i32
    %scan3A_5 = arith.constant 0 : i32
    %scan3A_6 = arith.constant 80 : i32
    %scan3A_7 = arith.addi %scan3A_5, %scan3A_6 : i32
    %scan3A_8 = arith.constant 1 : i32
    scf.for %scan3A_22 = %scan3A_5 to %scan3A_7 step %scan3A_8  : i32 {
      %broadcast_in_dim3A = arith.constant 0.000000e+00 : f32
      %broadcast_in_dim3A_23 = vector.broadcast %broadcast_in_dim3A : f32 to vector<16xf32>
      %swap3A = arith.index_cast %scan3A_22 : i32 to index
      %swap3A_24 = arith.constant 0 : index
      %swap3A_25 = tpu.vector_load %arg18[%swap3A, %swap3A_24] {strides = array<i32>} : memref<80x16xf32, #tpu.memory_space<vmem>>, vector<16xf32>,
      tpu.vector_store %arg18[%swap3A, %swap3A_24], %broadcast_in_dim3A_23 {strides = array<i32>} : memref<80x16xf32, #tpu.memory_space<vmem>>, vector<16xf32>,
    }
    %scan3A_9 = arith.constant 80 : i32
    %scan3A_10 = arith.constant 0 : i32
    %scan3A_11 = arith.constant 0 : i32
    %scan3A_12 = arith.constant 125 : i32
    %scan3A_13 = arith.addi %scan3A_11, %scan3A_12 : i32
    %scan3A_14 = arith.constant 1 : i32
    scf.for %scan3A_22 = %scan3A_11 to %scan3A_13 step %scan3A_14  : i32 {
      %mul3A_23 = arith.constant 10000 : i32
      %mul3A_24 = arith.muli %add3A, %mul3A_23 : i32
      %mul3A_25 = arith.constant 80 : i32
      %mul3A_26 = arith.muli %scan3A_22, %mul3A_25 : i32
      %add3A_27 = arith.addi %mul3A_24, %mul3A_26 : i32
      "tpu.region"() ({
        %run_scoped3A = tpu.sem_alloc : memref<!tpu.dma_semaphore, #tpu.memory_space<semaphore_mem>>
        %dma_start3A_58 = tpu.memref_slice %arg5[%add3A_27] : memref<320000xi32, #tpu.memory_space<hbm>> -> memref<80xi32, #tpu.memory_space<hbm>>
        %dma_start3A_59 = tpu.memref_slice %arg5[%add3A_27] : memref<320000xi32, #tpu.memory_space<hbm>> -> memref<80xi32, #tpu.memory_space<hbm>>
        tpu.enqueue_dma source(%dma_start3A_59 : memref<80xi32, #tpu.memory_space<hbm>>) target(%arg11 : memref<80xi32, #tpu.memory_space<vmem>>) target_semaphore(%run_scoped3A : memref<!tpu.dma_semaphore, #tpu.memory_space<semaphore_mem>>)
        %dma_wait3A_60 = tpu.memref_slice %arg5[%add3A_27] : memref<320000xi32, #tpu.memory_space<hbm>> -> memref<80xi32, #tpu.memory_space<hbm>>
        %dma_wait3A_61 = tpu.memref_slice %arg5[%add3A_27] : memref<320000xi32, #tpu.memory_space<hbm>> -> memref<80xi32, #tpu.memory_space<hbm>>
        tpu.wait_dma2 semaphore(%run_scoped3A : memref<!tpu.dma_semaphore, #tpu.memory_space<semaphore_mem>>) src(%dma_wait3A_61 : memref<80xi32, #tpu.memory_space<hbm>>) dst(%arg11 : memref<80xi32, #tpu.memory_space<vmem>>)
        tpu.yield
      }) : () -> ()
      "tpu.region"() ({
        %run_scoped3A = tpu.sem_alloc : memref<!tpu.dma_semaphore, #tpu.memory_space<semaphore_mem>>
        %dma_start3A_58 = tpu.memref_slice %arg6[%add3A_27] : memref<320000xi32, #tpu.memory_space<hbm>> -> memref<80xi32, #tpu.memory_space<hbm>>
        %dma_start3A_59 = tpu.memref_slice %arg6[%add3A_27] : memref<320000xi32, #tpu.memory_space<hbm>> -> memref<80xi32, #tpu.memory_space<hbm>>
        tpu.enqueue_dma source(%dma_start3A_59 : memref<80xi32, #tpu.memory_space<hbm>>) target(%arg12 : memref<80xi32, #tpu.memory_space<vmem>>) target_semaphore(%run_scoped3A : memref<!tpu.dma_semaphore, #tpu.memory_space<semaphore_mem>>)
        %dma_wait3A_60 = tpu.memref_slice %arg6[%add3A_27] : memref<320000xi32, #tpu.memory_space<hbm>> -> memref<80xi32, #tpu.memory_space<hbm>>
        %dma_wait3A_61 = tpu.memref_slice %arg6[%add3A_27] : memref<320000xi32, #tpu.memory_space<hbm>> -> memref<80xi32, #tpu.memory_space<hbm>>
        tpu.wait_dma2 semaphore(%run_scoped3A : memref<!tpu.dma_semaphore, #tpu.memory_space<semaphore_mem>>) src(%dma_wait3A_61 : memref<80xi32, #tpu.memory_space<hbm>>) dst(%arg12 : memref<80xi32, #tpu.memory_space<vmem>>)
        tpu.yield
      }) : () -> ()
      "tpu.region"() ({
        %run_scoped3A = tpu.sem_alloc : memref<!tpu.dma_semaphore, #tpu.memory_space<semaphore_mem>>
        %dma_start3A_58 = tpu.memref_slice %arg7[%add3A_27] : memref<320000xf32, #tpu.memory_space<hbm>> -> memref<80xf32, #tpu.memory_space<hbm>>
        %dma_start3A_59 = tpu.memref_slice %arg7[%add3A_27] : memref<320000xf32, #tpu.memory_space<hbm>> -> memref<80xf32, #tpu.memory_space<hbm>>
        tpu.enqueue_dma source(%dma_start3A_59 : memref<80xf32, #tpu.memory_space<hbm>>) target(%arg13 : memref<80xf32, #tpu.memory_space<vmem>>) target_semaphore(%run_scoped3A : memref<!tpu.dma_semaphore, #tpu.memory_space<semaphore_mem>>)
        %dma_wait3A_60 = tpu.memref_slice %arg7[%add3A_27] : memref<320000xf32, #tpu.memory_space<hbm>> -> memref<80xf32, #tpu.memory_space<hbm>>
        %dma_wait3A_61 = tpu.memref_slice %arg7[%add3A_27] : memref<320000xf32, #tpu.memory_space<hbm>> -> memref<80xf32, #tpu.memory_space<hbm>>
        tpu.wait_dma2 semaphore(%run_scoped3A : memref<!tpu.dma_semaphore, #tpu.memory_space<semaphore_mem>>) src(%dma_wait3A_61 : memref<80xf32, #tpu.memory_space<hbm>>) dst(%arg13 : memref<80xf32, #tpu.memory_space<vmem>>)
        tpu.yield
      }) : () -> ()
      %dma_start3A = arith.constant 0 : i32
      %dma_start3A_28 = arith.constant 0 : i32
      %dma_start3A_29 = tpu.memref_slice %arg2[%dma_start3A, %dma_start3A_28] : memref<10000x512xf32, #tpu.memory_space<hbm>> -> memref<10000x512xf32, #tpu.memory_space<hbm>>
      tpu.enqueue_indirect_dma source(%dma_start3A_29 : memref<10000x512xf32, #tpu.memory_space<hbm>>) target(%arg14 : memref<80x512xf32, #tpu.memory_space<vmem>>) offsets(%arg12 : memref<80xi32, #tpu.memory_space<vmem>>) semaphore(%arg20 : memref<!tpu.dma_semaphore, #tpu.memory_space<semaphore_mem>>)
      %dma_wait3A = arith.constant 0 : i32
      %dma_wait3A_30 = arith.constant 0 : i32
      %dma_wait3A_31 = tpu.memref_slice %arg2[%dma_wait3A, %dma_wait3A_30] : memref<10000x512xf32, #tpu.memory_space<hbm>> -> memref<10000x512xf32, #tpu.memory_space<hbm>>
      tpu.wait_indirect_dma semaphore(%arg20 : memref<!tpu.dma_semaphore, #tpu.memory_space<semaphore_mem>>) src(%dma_wait3A_31 : memref<10000x512xf32, #tpu.memory_space<hbm>>) dst(%arg14 : memref<80x512xf32, #tpu.memory_space<vmem>>)
      %dma_start3A_32 = arith.constant 0 : i32
      %dma_start3A_33 = arith.constant 0 : i32
      %dma_start3A_34 = tpu.memref_slice %arg3[%dma_start3A_32, %dma_start3A_33] : memref<10000x512xf32, #tpu.memory_space<hbm>> -> memref<10000x512xf32, #tpu.memory_space<hbm>>
      tpu.enqueue_indirect_dma source(%dma_start3A_34 : memref<10000x512xf32, #tpu.memory_space<hbm>>) target(%arg15 : memref<80x512xf32, #tpu.memory_space<vmem>>) offsets(%arg11 : memref<80xi32, #tpu.memory_space<vmem>>) semaphore(%arg20 : memref<!tpu.dma_semaphore, #tpu.memory_space<semaphore_mem>>)
      %dma_wait3A_35 = arith.constant 0 : i32
      %dma_wait3A_36 = arith.constant 0 : i32
      %dma_wait3A_37 = tpu.memref_slice %arg3[%dma_wait3A_35, %dma_wait3A_36] : memref<10000x512xf32, #tpu.memory_space<hbm>> -> memref<10000x512xf32, #tpu.memory_space<hbm>>
      tpu.wait_indirect_dma semaphore(%arg20 : memref<!tpu.dma_semaphore, #tpu.memory_space<semaphore_mem>>) src(%dma_wait3A_37 : memref<10000x512xf32, #tpu.memory_space<hbm>>) dst(%arg15 : memref<80x512xf32, #tpu.memory_space<vmem>>)
      %dma_start3A_38 = arith.constant 0 : i32
      %dma_start3A_39 = arith.constant 0 : i32
      %dma_start3A_40 = tpu.memref_slice %arg4[%dma_start3A_38, %dma_start3A_39] : memref<10000x16xf32, #tpu.memory_space<hbm>> -> memref<10000x16xf32, #tpu.memory_space<hbm>>
      tpu.enqueue_indirect_dma source(%dma_start3A_40 : memref<10000x16xf32, #tpu.memory_space<hbm>>) target(%arg16 : memref<80x16xf32, #tpu.memory_space<vmem>>) offsets(%arg12 : memref<80xi32, #tpu.memory_space<vmem>>) semaphore(%arg20 : memref<!tpu.dma_semaphore, #tpu.memory_space<semaphore_mem>>)
      %dma_wait3A_41 = arith.constant 0 : i32
      %dma_wait3A_42 = arith.constant 0 : i32
      %dma_wait3A_43 = tpu.memref_slice %arg4[%dma_wait3A_41, %dma_wait3A_42] : memref<10000x16xf32, #tpu.memory_space<hbm>> -> memref<10000x16xf32, #tpu.memory_space<hbm>>
      tpu.wait_indirect_dma semaphore(%arg20 : memref<!tpu.dma_semaphore, #tpu.memory_space<semaphore_mem>>) src(%dma_wait3A_43 : memref<10000x16xf32, #tpu.memory_space<hbm>>) dst(%arg16 : memref<80x16xf32, #tpu.memory_space<vmem>>)
      %scan3A_44 = arith.constant 0 : i32
      %scan3A_45 = arith.constant 0 : i32
      %scan3A_46 = arith.constant 5 : i32
      %scan3A_47 = arith.addi %scan3A_45, %scan3A_46 : i32
      %scan3A_48 = arith.constant 1 : i32
      scf.for %scan3A_58 = %scan3A_45 to %scan3A_47 step %scan3A_48  : i32 {
        %iota3A = tpu.iota {dimensions = array<i32: 0>} : vector<16xi32>
        %mul3A_59 = arith.constant 16 : i32
        %mul3A_60 = arith.muli %scan3A_58, %mul3A_59 : i32
        %add3A_61 = vector.broadcast %mul3A_60 : i32 to vector<16xi32>
        %add3A_62 = arith.addi %iota3A, %add3A_61 : vector<16xi32>
        %mul3A_63 = arith.constant 16 : i32
        %mul3A_64 = arith.muli %scan3A_58, %mul3A_63 : i32
        %get3A = arith.index_cast %mul3A_64 : i32 to index
        %get3A_65 = tpu.vector_load %arg13[%get3A] {strides = array<i32>} : memref<80xf32, #tpu.memory_space<vmem>>, vector<16xf32>,
        %scan3A_66 = arith.constant 0 : i32
        %scan3A_67 = arith.constant 4 : i32
        %scan3A_68 = arith.addi %scan3A_66, %scan3A_67 : i32
        %scan3A_69 = arith.constant 1 : i32
        scf.for %scan3A_71 = %scan3A_66 to %scan3A_68 step %scan3A_69  : i32 {
          %broadcast_in_dim3A = vector.broadcast %scan3A_71 : i32 to vector<16xi32>
          %broadcast_in_dim3A_72 = arith.constant 0.000000e+00 : f32
          %broadcast_in_dim3A_73 = vector.broadcast %broadcast_in_dim3A_72 : f32 to vector<16xf32>
          %scan3A_74 = arith.constant 0 : i32
          %scan3A_75 = arith.constant 128 : i32
          %scan3A_76 = arith.addi %scan3A_74, %scan3A_75 : i32
          %scan3A_77 = arith.constant 4 : i32
          %scan3A_78 = scf.for %scan3A_88 = %scan3A_74 to %scan3A_76 step %scan3A_77 iter_args(%scan3A_89 = %broadcast_in_dim3A_73) -> (vector<16xf32>)  : i32 {
            %mul3A_90 = arith.constant 128 : i32
            %mul3A_91 = arith.muli %scan3A_71, %mul3A_90 : i32
            %add3A_92 = arith.addi %mul3A_91, %scan3A_88 : i32
            %broadcast_in_dim3A_93 = vector.broadcast %add3A_92 : i32 to vector<16xi32>
            %gather3A_94 = tpu.vector_load_idx %arg14[%add3A_62, %broadcast_in_dim3A_93] : memref<80x512xf32, #tpu.memory_space<vmem>>[vector<16xi32>, vector<16xi32>], vector<16xf32>,
            %gather3A_95 = tpu.vector_load_idx %arg15[%add3A_62, %broadcast_in_dim3A_93] : memref<80x512xf32, #tpu.memory_space<vmem>>[vector<16xi32>, vector<16xi32>], vector<16xf32>,
            %mul3A_96 = arith.mulf %gather3A_94, %gather3A_95 : vector<16xf32>
            %add3A_97 = arith.addf %scan3A_89, %mul3A_96 : vector<16xf32>
            %scan3A_98 = arith.constant 1 : i32
            %scan3A_99 = arith.addi %scan3A_88, %scan3A_98 : i32
            %mul3A_100 = arith.constant 128 : i32
            %mul3A_101 = arith.muli %scan3A_71, %mul3A_100 : i32
            %add3A_102 = arith.addi %mul3A_101, %scan3A_99 : i32
            %broadcast_in_dim3A_103 = vector.broadcast %add3A_102 : i32 to vector<16xi32>
            %gather3A_104 = tpu.vector_load_idx %arg14[%add3A_62, %broadcast_in_dim3A_103] : memref<80x512xf32, #tpu.memory_space<vmem>>[vector<16xi32>, vector<16xi32>], vector<16xf32>,
            %gather3A_105 = tpu.vector_load_idx %arg15[%add3A_62, %broadcast_in_dim3A_103] : memref<80x512xf32, #tpu.memory_space<vmem>>[vector<16xi32>, vector<16xi32>], vector<16xf32>,
            %mul3A_106 = arith.mulf %gather3A_104, %gather3A_105 : vector<16xf32>
            %add3A_107 = arith.addf %add3A_97, %mul3A_106 : vector<16xf32>
            %scan3A_108 = arith.constant 2 : i32
            %scan3A_109 = arith.addi %scan3A_88, %scan3A_108 : i32
            %mul3A_110 = arith.constant 128 : i32
            %mul3A_111 = arith.muli %scan3A_71, %mul3A_110 : i32
            %add3A_112 = arith.addi %mul3A_111, %scan3A_109 : i32
            %broadcast_in_dim3A_113 = vector.broadcast %add3A_112 : i32 to vector<16xi32>
            %gather3A_114 = tpu.vector_load_idx %arg14[%add3A_62, %broadcast_in_dim3A_113] : memref<80x512xf32, #tpu.memory_space<vmem>>[vector<16xi32>, vector<16xi32>], vector<16xf32>,
            %gather3A_115 = tpu.vector_load_idx %arg15[%add3A_62, %broadcast_in_dim3A_113] : memref<80x512xf32, #tpu.memory_space<vmem>>[vector<16xi32>, vector<16xi32>], vector<16xf32>,
            %mul3A_116 = arith.mulf %gather3A_114, %gather3A_115 : vector<16xf32>
            %add3A_117 = arith.addf %add3A_107, %mul3A_116 : vector<16xf32>
            %scan3A_118 = arith.constant 3 : i32
            %scan3A_119 = arith.addi %scan3A_88, %scan3A_118 : i32
            %mul3A_120 = arith.constant 128 : i32
            %mul3A_121 = arith.muli %scan3A_71, %mul3A_120 : i32
            %add3A_122 = arith.addi %mul3A_121, %scan3A_119 : i32
            %broadcast_in_dim3A_123 = vector.broadcast %add3A_122 : i32 to vector<16xi32>
            %gather3A_124 = tpu.vector_load_idx %arg14[%add3A_62, %broadcast_in_dim3A_123] : memref<80x512xf32, #tpu.memory_space<vmem>>[vector<16xi32>, vector<16xi32>], vector<16xf32>,
            %gather3A_125 = tpu.vector_load_idx %arg15[%add3A_62, %broadcast_in_dim3A_123] : memref<80x512xf32, #tpu.memory_space<vmem>>[vector<16xi32>, vector<16xi32>], vector<16xf32>,
            %mul3A_126 = arith.mulf %gather3A_124, %gather3A_125 : vector<16xf32>
            %add3A_127 = arith.addf %add3A_117, %mul3A_126 : vector<16xf32>
            scf.yield %add3A_127 : vector<16xf32>
          }
          %scan3A_79 = arith.constant 128 : i32
          %gather3A = tpu.vector_load_idx %arg16[%add3A_62, %broadcast_in_dim3A] : memref<80x16xf32, #tpu.memory_space<vmem>>[vector<16xi32>, vector<16xi32>], vector<16xf32>,
          %mul3A_80 = arith.mulf %get3A_65, %gather3A : vector<16xf32>
          %add3A_81 = arith.addf %scan3A_78, %mul3A_80 : vector<16xf32>
          %exp3A = math.exp %add3A_81 : vector<16xf32>
          %mul3A_82 = arith.constant 80 : i32
          %mul3A_83 = arith.muli %scan3A_71, %mul3A_82 : i32
          %mul3A_84 = arith.constant 16 : i32
          %mul3A_85 = arith.muli %scan3A_58, %mul3A_84 : i32
          %add3A_86 = arith.addi %mul3A_83, %mul3A_85 : i32
          %swap3A = arith.index_cast %add3A_86 : i32 to index
          %swap3A_87 = tpu.vector_load %arg17[%swap3A] {strides = array<i32>} : memref<320xf32, #tpu.memory_space<vmem>>, vector<16xf32>,
          tpu.vector_store %arg17[%swap3A], %exp3A {strides = array<i32>} : memref<320xf32, #tpu.memory_space<vmem>>, vector<16xf32>,
          tpu.vector_store_idx %arg18[%add3A_62, %broadcast_in_dim3A], %exp3A : memref<80x16xf32, #tpu.memory_space<vmem>>[vector<16xi32>, vector<16xi32>], vector<16xf32>,
        }
        %scan3A_70 = arith.constant 4 : i32
      }
      %scan3A_49 = arith.constant 5 : i32
      %add3A_50 = arith.constant 0 : i32
      %add3A_51 = arith.addi %add3A_50, %add3A_27 : i32
      "tpu.region"() ({
        %run_scoped3A = tpu.sem_alloc : memref<!tpu.dma_semaphore, #tpu.memory_space<semaphore_mem>>
        %dma_start3A_58 = arith.constant 0 : i32
        %dma_start3A_59 = tpu.memref_slice %arg17[%dma_start3A_58] : memref<320xf32, #tpu.memory_space<vmem>> -> memref<80xf32, #tpu.memory_space<vmem>>
        %dma_start3A_60 = tpu.memref_slice %arg9[%add3A_51] : memref<1280000xf32, #tpu.memory_space<hbm>> -> memref<80xf32, #tpu.memory_space<hbm>>
        %dma_start3A_61 = tpu.memref_slice %arg9[%add3A_51] : memref<1280000xf32, #tpu.memory_space<hbm>> -> memref<80xf32, #tpu.memory_space<hbm>>
        %dma_start3A_62 = arith.constant 0 : i32
        %dma_start3A_63 = tpu.memref_slice %arg17[%dma_start3A_62] : memref<320xf32, #tpu.memory_space<vmem>> -> memref<80xf32, #tpu.memory_space<vmem>>
        tpu.enqueue_dma source(%dma_start3A_63 : memref<80xf32, #tpu.memory_space<vmem>>) target(%dma_start3A_61 : memref<80xf32, #tpu.memory_space<hbm>>) target_semaphore(%run_scoped3A : memref<!tpu.dma_semaphore, #tpu.memory_space<semaphore_mem>>)
        %dma_wait3A_64 = arith.constant 0 : i32
        %dma_wait3A_65 = tpu.memref_slice %arg17[%dma_wait3A_64] : memref<320xf32, #tpu.memory_space<vmem>> -> memref<80xf32, #tpu.memory_space<vmem>>
        %dma_wait3A_66 = tpu.memref_slice %arg9[%add3A_51] : memref<1280000xf32, #tpu.memory_space<hbm>> -> memref<80xf32, #tpu.memory_space<hbm>>
        %dma_wait3A_67 = tpu.memref_slice %arg9[%add3A_51] : memref<1280000xf32, #tpu.memory_space<hbm>> -> memref<80xf32, #tpu.memory_space<hbm>>
        %dma_wait3A_68 = arith.constant 0 : i32
        %dma_wait3A_69 = tpu.memref_slice %arg17[%dma_wait3A_68] : memref<320xf32, #tpu.memory_space<vmem>> -> memref<80xf32, #tpu.memory_space<vmem>>
        tpu.wait_dma2 semaphore(%run_scoped3A : memref<!tpu.dma_semaphore, #tpu.memory_space<semaphore_mem>>) src(%dma_wait3A_69 : memref<80xf32, #tpu.memory_space<vmem>>) dst(%dma_wait3A_67 : memref<80xf32, #tpu.memory_space<hbm>>)
        tpu.yield
      }) : () -> ()
      %add3A_52 = arith.constant 320000 : i32
      %add3A_53 = arith.addi %add3A_52, %add3A_27 : i32
      "tpu.region"() ({
        %run_scoped3A = tpu.sem_alloc : memref<!tpu.dma_semaphore, #tpu.memory_space<semaphore_mem>>
        %dma_start3A_58 = arith.constant 80 : i32
        %dma_start3A_59 = tpu.memref_slice %arg17[%dma_start3A_58] : memref<320xf32, #tpu.memory_space<vmem>> -> memref<80xf32, #tpu.memory_space<vmem>>
        %dma_start3A_60 = tpu.memref_slice %arg9[%add3A_53] : memref<1280000xf32, #tpu.memory_space<hbm>> -> memref<80xf32, #tpu.memory_space<hbm>>
        %dma_start3A_61 = tpu.memref_slice %arg9[%add3A_53] : memref<1280000xf32, #tpu.memory_space<hbm>> -> memref<80xf32, #tpu.memory_space<hbm>>
        %dma_start3A_62 = arith.constant 80 : i32
        %dma_start3A_63 = tpu.memref_slice %arg17[%dma_start3A_62] : memref<320xf32, #tpu.memory_space<vmem>> -> memref<80xf32, #tpu.memory_space<vmem>>
        tpu.enqueue_dma source(%dma_start3A_63 : memref<80xf32, #tpu.memory_space<vmem>>) target(%dma_start3A_61 : memref<80xf32, #tpu.memory_space<hbm>>) target_semaphore(%run_scoped3A : memref<!tpu.dma_semaphore, #tpu.memory_space<semaphore_mem>>)
        %dma_wait3A_64 = arith.constant 80 : i32
        %dma_wait3A_65 = tpu.memref_slice %arg17[%dma_wait3A_64] : memref<320xf32, #tpu.memory_space<vmem>> -> memref<80xf32, #tpu.memory_space<vmem>>
        %dma_wait3A_66 = tpu.memref_slice %arg9[%add3A_53] : memref<1280000xf32, #tpu.memory_space<hbm>> -> memref<80xf32, #tpu.memory_space<hbm>>
        %dma_wait3A_67 = tpu.memref_slice %arg9[%add3A_53] : memref<1280000xf32, #tpu.memory_space<hbm>> -> memref<80xf32, #tpu.memory_space<hbm>>
        %dma_wait3A_68 = arith.constant 80 : i32
        %dma_wait3A_69 = tpu.memref_slice %arg17[%dma_wait3A_68] : memref<320xf32, #tpu.memory_space<vmem>> -> memref<80xf32, #tpu.memory_space<vmem>>
        tpu.wait_dma2 semaphore(%run_scoped3A : memref<!tpu.dma_semaphore, #tpu.memory_space<semaphore_mem>>) src(%dma_wait3A_69 : memref<80xf32, #tpu.memory_space<vmem>>) dst(%dma_wait3A_67 : memref<80xf32, #tpu.memory_space<hbm>>)
        tpu.yield
      }) : () -> ()
      %add3A_54 = arith.constant 640000 : i32
      %add3A_55 = arith.addi %add3A_54, %add3A_27 : i32
      "tpu.region"() ({
        %run_scoped3A = tpu.sem_alloc : memref<!tpu.dma_semaphore, #tpu.memory_space<semaphore_mem>>
        %dma_start3A_58 = arith.constant 160 : i32
        %dma_start3A_59 = tpu.memref_slice %arg17[%dma_start3A_58] : memref<320xf32, #tpu.memory_space<vmem>> -> memref<80xf32, #tpu.memory_space<vmem>>
        %dma_start3A_60 = tpu.memref_slice %arg9[%add3A_55] : memref<1280000xf32, #tpu.memory_space<hbm>> -> memref<80xf32, #tpu.memory_space<hbm>>
        %dma_start3A_61 = tpu.memref_slice %arg9[%add3A_55] : memref<1280000xf32, #tpu.memory_space<hbm>> -> memref<80xf32, #tpu.memory_space<hbm>>
        %dma_start3A_62 = arith.constant 160 : i32
        %dma_start3A_63 = tpu.memref_slice %arg17[%dma_start3A_62] : memref<320xf32, #tpu.memory_space<vmem>> -> memref<80xf32, #tpu.memory_space<vmem>>
        tpu.enqueue_dma source(%dma_start3A_63 : memref<80xf32, #tpu.memory_space<vmem>>) target(%dma_start3A_61 : memref<80xf32, #tpu.memory_space<hbm>>) target_semaphore(%run_scoped3A : memref<!tpu.dma_semaphore, #tpu.memory_space<semaphore_mem>>)
        %dma_wait3A_64 = arith.constant 160 : i32
        %dma_wait3A_65 = tpu.memref_slice %arg17[%dma_wait3A_64] : memref<320xf32, #tpu.memory_space<vmem>> -> memref<80xf32, #tpu.memory_space<vmem>>
        %dma_wait3A_66 = tpu.memref_slice %arg9[%add3A_55] : memref<1280000xf32, #tpu.memory_space<hbm>> -> memref<80xf32, #tpu.memory_space<hbm>>
        %dma_wait3A_67 = tpu.memref_slice %arg9[%add3A_55] : memref<1280000xf32, #tpu.memory_space<hbm>> -> memref<80xf32, #tpu.memory_space<hbm>>
        %dma_wait3A_68 = arith.constant 160 : i32
        %dma_wait3A_69 = tpu.memref_slice %arg17[%dma_wait3A_68] : memref<320xf32, #tpu.memory_space<vmem>> -> memref<80xf32, #tpu.memory_space<vmem>>
        tpu.wait_dma2 semaphore(%run_scoped3A : memref<!tpu.dma_semaphore, #tpu.memory_space<semaphore_mem>>) src(%dma_wait3A_69 : memref<80xf32, #tpu.memory_space<vmem>>) dst(%dma_wait3A_67 : memref<80xf32, #tpu.memory_space<hbm>>)
        tpu.yield
      }) : () -> ()
      %add3A_56 = arith.constant 960000 : i32
      %add3A_57 = arith.addi %add3A_56, %add3A_27 : i32
      "tpu.region"() ({
        %run_scoped3A = tpu.sem_alloc : memref<!tpu.dma_semaphore, #tpu.memory_space<semaphore_mem>>
        %dma_start3A_58 = arith.constant 240 : i32
        %dma_start3A_59 = tpu.memref_slice %arg17[%dma_start3A_58] : memref<320xf32, #tpu.memory_space<vmem>> -> memref<80xf32, #tpu.memory_space<vmem>>
        %dma_start3A_60 = tpu.memref_slice %arg9[%add3A_57] : memref<1280000xf32, #tpu.memory_space<hbm>> -> memref<80xf32, #tpu.memory_space<hbm>>
        %dma_start3A_61 = tpu.memref_slice %arg9[%add3A_57] : memref<1280000xf32, #tpu.memory_space<hbm>> -> memref<80xf32, #tpu.memory_space<hbm>>
        %dma_start3A_62 = arith.constant 240 : i32
        %dma_start3A_63 = tpu.memref_slice %arg17[%dma_start3A_62] : memref<320xf32, #tpu.memory_space<vmem>> -> memref<80xf32, #tpu.memory_space<vmem>>
        tpu.enqueue_dma source(%dma_start3A_63 : memref<80xf32, #tpu.memory_space<vmem>>) target(%dma_start3A_61 : memref<80xf32, #tpu.memory_space<hbm>>) target_semaphore(%run_scoped3A : memref<!tpu.dma_semaphore, #tpu.memory_space<semaphore_mem>>)
        %dma_wait3A_64 = arith.constant 240 : i32
        %dma_wait3A_65 = tpu.memref_slice %arg17[%dma_wait3A_64] : memref<320xf32, #tpu.memory_space<vmem>> -> memref<80xf32, #tpu.memory_space<vmem>>
        %dma_wait3A_66 = tpu.memref_slice %arg9[%add3A_57] : memref<1280000xf32, #tpu.memory_space<hbm>> -> memref<80xf32, #tpu.memory_space<hbm>>
        %dma_wait3A_67 = tpu.memref_slice %arg9[%add3A_57] : memref<1280000xf32, #tpu.memory_space<hbm>> -> memref<80xf32, #tpu.memory_space<hbm>>
        %dma_wait3A_68 = arith.constant 240 : i32
        %dma_wait3A_69 = tpu.memref_slice %arg17[%dma_wait3A_68] : memref<320xf32, #tpu.memory_space<vmem>> -> memref<80xf32, #tpu.memory_space<vmem>>
        tpu.wait_dma2 semaphore(%run_scoped3A : memref<!tpu.dma_semaphore, #tpu.memory_space<semaphore_mem>>) src(%dma_wait3A_69 : memref<80xf32, #tpu.memory_space<vmem>>) dst(%dma_wait3A_67 : memref<80xf32, #tpu.memory_space<hbm>>)
        tpu.yield
      }) : () -> ()
      "tpu.region"() ({
        %run_scoped3A = tpu.sem_alloc : memref<!tpu.dma_semaphore, #tpu.memory_space<semaphore_mem>>
        %dma_start3A_58 = arith.constant 0 : i32
        %dma_start3A_59 = arith.constant 0 : i32
        %dma_start3A_60 = tpu.memref_slice %arg19[%dma_start3A_58, %dma_start3A_59] : memref<10000x16xf32, #tpu.memory_space<vmem_shared>> -> memref<10000x16xf32, #tpu.memory_space<vmem_shared>>
        tpu.enqueue_indirect_dma source(%arg18 : memref<80x16xf32, #tpu.memory_space<vmem>>) target(%dma_start3A_60 : memref<10000x16xf32, #tpu.memory_space<vmem_shared>>) offsets(%arg12 : memref<80xi32, #tpu.memory_space<vmem>>) semaphore(%run_scoped3A : memref<!tpu.dma_semaphore, #tpu.memory_space<semaphore_mem>>) {add = true}
        %dma_wait3A_61 = arith.constant 0 : i32
        %dma_wait3A_62 = arith.constant 0 : i32
        %dma_wait3A_63 = tpu.memref_slice %arg19[%dma_wait3A_61, %dma_wait3A_62] : memref<10000x16xf32, #tpu.memory_space<vmem_shared>> -> memref<10000x16xf32, #tpu.memory_space<vmem_shared>>
        tpu.wait_indirect_dma semaphore(%run_scoped3A : memref<!tpu.dma_semaphore, #tpu.memory_space<semaphore_mem>>) src(%arg18 : memref<80x16xf32, #tpu.memory_space<vmem>>) dst(%dma_wait3A_63 : memref<10000x16xf32, #tpu.memory_space<vmem_shared>>)
        tpu.yield
      }) : () -> ()
    }
    %scan3A_15 = arith.constant 125 : i32
    %barrier3A_16 = arith.constant 0 : index
    tpu.barrier barrier_id(%barrier3A_16)
    "tpu.region"() ({
      %run_scoped3A = tpu.sem_alloc : memref<!tpu.dma_semaphore, #tpu.memory_space<semaphore_mem>>
      %dma_start3A = arith.constant 0 : i32
      %dma_start3A_22 = tpu.memref_slice %arg10[%arg0, %mul3A_2, %dma_start3A] : memref<2x10000x16xf32, #tpu.memory_space<hbm>> -> memref<1x624x16xf32, #tpu.memory_space<hbm>>
      %dma_start3A_23 = tpu.memref_squeeze %dma_start3A_22 : memref<1x624x16xf32, #tpu.memory_space<hbm>> -> memref<624x16xf32, #tpu.memory_space<hbm>>
      %dma_start3A_24 = arith.constant 0 : i32
      %dma_start3A_25 = tpu.memref_slice %arg19[%mul3A_2, %dma_start3A_24] : memref<10000x16xf32, #tpu.memory_space<vmem_shared>> -> memref<624x16xf32, #tpu.memory_space<vmem_shared>>
      tpu.enqueue_dma source(%dma_start3A_25 : memref<624x16xf32, #tpu.memory_space<vmem_shared>>) target(%dma_start3A_23 : memref<624x16xf32, #tpu.memory_space<hbm>>) target_semaphore(%run_scoped3A : memref<!tpu.dma_semaphore, #tpu.memory_space<semaphore_mem>>)
      %dma_wait3A = arith.constant 0 : i32
      %dma_wait3A_26 = tpu.memref_slice %arg10[%arg0, %mul3A_2, %dma_wait3A] : memref<2x10000x16xf32, #tpu.memory_space<hbm>> -> memref<1x624x16xf32, #tpu.memory_space<hbm>>
      %dma_wait3A_27 = tpu.memref_squeeze %dma_wait3A_26 : memref<1x624x16xf32, #tpu.memory_space<hbm>> -> memref<624x16xf32, #tpu.memory_space<hbm>>
      %dma_wait3A_28 = arith.constant 0 : i32
      %dma_wait3A_29 = tpu.memref_slice %arg19[%mul3A_2, %dma_wait3A_28] : memref<10000x16xf32, #tpu.memory_space<vmem_shared>> -> memref<624x16xf32, #tpu.memory_space<vmem_shared>>
      tpu.wait_dma2 semaphore(%run_scoped3A : memref<!tpu.dma_semaphore, #tpu.memory_space<semaphore_mem>>) src(%dma_wait3A_29 : memref<624x16xf32, #tpu.memory_space<vmem_shared>>) dst(%dma_wait3A_27 : memref<624x16xf32, #tpu.memory_space<hbm>>)
      tpu.yield
    }) : () -> ()
    %eq3A_17 = arith.constant 0 : i32
    %eq3A_18 = arith.cmpi eq, %arg1, %eq3A_17 : i32
    %convert_element_type3A_19 = arith.extui %eq3A_18 : i1 to i32
    %cond3A_20 = arith.constant 0 : i32
    %cond3A_21 = arith.cmpi ne, %convert_element_type3A_19, %cond3A_20 : i32
    scf.if %cond3A_21 {
      "tpu.region"() ({
        %run_scoped3A = tpu.sem_alloc : memref<!tpu.dma_semaphore, #tpu.memory_space<semaphore_mem>>
        %dma_start3A = arith.constant 9984 : i32
        %dma_start3A_22 = arith.constant 0 : i32
        %dma_start3A_23 = tpu.memref_slice %arg10[%arg0, %dma_start3A, %dma_start3A_22] : memref<2x10000x16xf32, #tpu.memory_space<hbm>> -> memref<1x16x16xf32, #tpu.memory_space<hbm>>
        %dma_start3A_24 = tpu.memref_squeeze %dma_start3A_23 : memref<1x16x16xf32, #tpu.memory_space<hbm>> -> memref<16x16xf32, #tpu.memory_space<hbm>>
        %dma_start3A_25 = arith.constant 9984 : i32
        %dma_start3A_26 = arith.constant 0 : i32
        %dma_start3A_27 = tpu.memref_slice %arg19[%dma_start3A_25, %dma_start3A_26] : memref<10000x16xf32, #tpu.memory_space<vmem_shared>> -> memref<16x16xf32, #tpu.memory_space<vmem_shared>>
        tpu.enqueue_dma source(%dma_start3A_27 : memref<16x16xf32, #tpu.memory_space<vmem_shared>>) target(%dma_start3A_24 : memref<16x16xf32, #tpu.memory_space<hbm>>) target_semaphore(%run_scoped3A : memref<!tpu.dma_semaphore, #tpu.memory_space<semaphore_mem>>)
        %dma_wait3A = arith.constant 9984 : i32
        %dma_wait3A_28 = arith.constant 0 : i32
        %dma_wait3A_29 = tpu.memref_slice %arg10[%arg0, %dma_wait3A, %dma_wait3A_28] : memref<2x10000x16xf32, #tpu.memory_space<hbm>> -> memref<1x16x16xf32, #tpu.memory_space<hbm>>
        %dma_wait3A_30 = tpu.memref_squeeze %dma_wait3A_29 : memref<1x16x16xf32, #tpu.memory_space<hbm>> -> memref<16x16xf32, #tpu.memory_space<hbm>>
        %dma_wait3A_31 = arith.constant 9984 : i32
        %dma_wait3A_32 = arith.constant 0 : i32
        %dma_wait3A_33 = tpu.memref_slice %arg19[%dma_wait3A_31, %dma_wait3A_32] : memref<10000x16xf32, #tpu.memory_space<vmem_shared>> -> memref<16x16xf32, #tpu.memory_space<vmem_shared>>
        tpu.wait_dma2 semaphore(%run_scoped3A : memref<!tpu.dma_semaphore, #tpu.memory_space<semaphore_mem>>) src(%dma_wait3A_33 : memref<16x16xf32, #tpu.memory_space<vmem_shared>>) dst(%dma_wait3A_30 : memref<16x16xf32, #tpu.memory_space<hbm>>)
        tpu.yield
      }) : () -> ()
    } else {
    }
    return
  }
}

module attributes {stable_mosaic.version = 14 : i64} {
  func.func @_post_l2_body(%arg0: memref<10000x4xf32, #tpu.memory_space<vmem>>, %arg1: memref<10000x4xf32, #tpu.memory_space<vmem>>, %arg2: memref<1x12xf32, #tpu.memory_space<vmem>>, %arg3: memref<1x4xf32, #tpu.memory_space<vmem>>, %arg4: memref<1x1xf32, #tpu.memory_space<vmem>>, %arg5: memref<1x1xf32, #tpu.memory_space<vmem>>, %arg6: memref<1x1xf32, #tpu.memory_space<vmem>>, %arg7: memref<10000x1xf32, #tpu.memory_space<vmem>>) attributes {dimension_semantics = [], scalar_prefetch = 0 : i64, scratch_operands = 0 : i64, tpu.core_type = #tpu.core_type<tc>} {
    %get3A = arith.constant 0 : index
    %get3A_0 = arith.constant 0 : index
    %get3A_1 = vector.load %arg0[%get3A, %get3A_0] : memref<10000x4xf32, #tpu.memory_space<vmem>>, vector<10000x4xf32>
    %get3A_2 = arith.constant 0 : index
    %get3A_3 = arith.constant 0 : index
    %get3A_4 = vector.load %arg1[%get3A_2, %get3A_3] : memref<10000x4xf32, #tpu.memory_space<vmem>>, vector<10000x4xf32>
    %get3A_5 = arith.constant 0 : index
    %get3A_6 = arith.constant 0 : index
    %get3A_7 = vector.load %arg2[%get3A_5, %get3A_6] : memref<1x12xf32, #tpu.memory_space<vmem>>, vector<1x12xf32>
    %slice3A = vector.extract_strided_slice %get3A_7 {offsets = [0, 0], sizes = [1, 4], strides = [1, 1]} : vector<1x12xf32> to vector<1x4xf32>
    %slice3A_8 = vector.extract_strided_slice %get3A_7 {offsets = [0, 4], sizes = [1, 4], strides = [1, 1]} : vector<1x12xf32> to vector<1x4xf32>
    %slice3A_9 = vector.extract_strided_slice %get3A_7 {offsets = [0, 8], sizes = [1, 4], strides = [1, 1]} : vector<1x12xf32> to vector<1x4xf32>
    %mul3A = vector.broadcast %slice3A : vector<1x4xf32> to vector<10000x4xf32>
    %mul3A_10 = arith.mulf %get3A_1, %mul3A : vector<10000x4xf32>
    %reduce_sum3A = arith.constant dense<0.000000e+00> : vector<10000xf32>
    %reduce_sum3A_11 = vector.multi_reduction <add>, %mul3A_10, %reduce_sum3A [1] : vector<10000x4xf32> to vector<10000xf32>
    %broadcast_in_dim3A = vector.shape_cast %reduce_sum3A_11 : vector<10000xf32> to vector<10000x1xf32>
    %mul3A_12 = vector.broadcast %slice3A_8 : vector<1x4xf32> to vector<10000x4xf32>
    %mul3A_13 = arith.mulf %get3A_4, %mul3A_12 : vector<10000x4xf32>
    %reduce_sum3A_14 = arith.constant dense<0.000000e+00> : vector<10000xf32>
    %reduce_sum3A_15 = vector.multi_reduction <add>, %mul3A_13, %reduce_sum3A_14 [1] : vector<10000x4xf32> to vector<10000xf32>
    %broadcast_in_dim3A_16 = vector.shape_cast %reduce_sum3A_15 : vector<10000xf32> to vector<10000x1xf32>
    %add3A = arith.addf %broadcast_in_dim3A, %broadcast_in_dim3A_16 : vector<10000x1xf32>
    %sub3A = arith.subf %get3A_1, %get3A_4 : vector<10000x4xf32>
    %mul3A_17 = vector.broadcast %slice3A_9 : vector<1x4xf32> to vector<10000x4xf32>
    %mul3A_18 = arith.mulf %sub3A, %mul3A_17 : vector<10000x4xf32>
    %reduce_sum3A_19 = arith.constant dense<0.000000e+00> : vector<10000xf32>
    %reduce_sum3A_20 = vector.multi_reduction <add>, %mul3A_18, %reduce_sum3A_19 [1] : vector<10000x4xf32> to vector<10000xf32>
    %broadcast_in_dim3A_21 = vector.shape_cast %reduce_sum3A_20 : vector<10000xf32> to vector<10000x1xf32>
    %add3A_22 = arith.addf %add3A, %broadcast_in_dim3A_21 : vector<10000x1xf32>
    %logistic3A = arith.negf %add3A_22 : vector<10000x1xf32>
    %logistic3A_23 = math.exp %logistic3A : vector<10000x1xf32>
    %logistic3A_24 = arith.constant 1.000000e+00 : f32
    %logistic3A_25 = vector.broadcast %logistic3A_24 : f32 to vector<10000x1xf32>
    %logistic3A_26 = arith.addf %logistic3A_25, %logistic3A_23 : vector<10000x1xf32>
    %logistic3A_27 = arith.divf %logistic3A_25, %logistic3A_26 : vector<10000x1xf32>
    %mul3A_28 = vector.broadcast %logistic3A_27 : vector<10000x1xf32> to vector<10000x4xf32>
    %mul3A_29 = arith.mulf %mul3A_28, %get3A_4 : vector<10000x4xf32>
    %sub3A_30 = arith.constant 1.000000e+00 : f32
    %sub3A_31 = vector.broadcast %sub3A_30 : f32 to vector<10000x1xf32>
    %sub3A_32 = arith.subf %sub3A_31, %logistic3A_27 : vector<10000x1xf32>
    %mul3A_33 = vector.broadcast %sub3A_32 : vector<10000x1xf32> to vector<10000x4xf32>
    %mul3A_34 = arith.mulf %mul3A_33, %get3A_1 : vector<10000x4xf32>
    %add3A_35 = arith.addf %mul3A_29, %mul3A_34 : vector<10000x4xf32>
    %get3A_36 = arith.constant 0 : index
    %get3A_37 = arith.constant 0 : index
    %get3A_38 = vector.load %arg3[%get3A_36, %get3A_37] : memref<1x4xf32, #tpu.memory_space<vmem>>, vector<1x4xf32>
    %mul3A_39 = vector.broadcast %get3A_38 : vector<1x4xf32> to vector<10000x4xf32>
    %mul3A_40 = arith.mulf %add3A_35, %mul3A_39 : vector<10000x4xf32>
    %reduce_sum3A_41 = arith.constant dense<0.000000e+00> : vector<10000xf32>
    %reduce_sum3A_42 = vector.multi_reduction <add>, %mul3A_40, %reduce_sum3A_41 [1] : vector<10000x4xf32> to vector<10000xf32>
    %broadcast_in_dim3A_43 = vector.shape_cast %reduce_sum3A_42 : vector<10000xf32> to vector<10000x1xf32>
    %get3A_44 = arith.constant 0 : index
    %get3A_45 = arith.constant 0 : index
    %get3A_46 = vector.load %arg4[%get3A_44, %get3A_45] : memref<1x1xf32, #tpu.memory_space<vmem>>, vector<1x1xf32>
    %get3A_47 = vector.extract %get3A_46[0, 0] : f32 from vector<1x1xf32>
    %add3A_48 = vector.broadcast %get3A_47 : f32 to vector<10000x1xf32>
    %add3A_49 = arith.addf %broadcast_in_dim3A_43, %add3A_48 : vector<10000x1xf32>
    %reduce_sum3A_50 = vector.shape_cast %add3A_49 : vector<10000x1xf32> to vector<1x10000x1xf32>
    %reduce_sum3A_51 = arith.constant dense<0.000000e+00> : vector<1xf32>
    %reduce_sum3A_52 = vector.multi_reduction <add>, %reduce_sum3A_50, %reduce_sum3A_51 [1, 2] : vector<1x10000x1xf32> to vector<1xf32>
    %reduce_sum3A_53 = vector.shape_cast %reduce_sum3A_52 : vector<1xf32> to vector<1x1x1xf32>
    %reduce_sum3A_54 = vector.extract %reduce_sum3A_53[0, 0, 0] : f32 from vector<1x1x1xf32>
    %div3A = arith.constant 1.000000e+04 : f32
    %div3A_55 = arith.divf %reduce_sum3A_54, %div3A : f32
    %sub3A_56 = vector.broadcast %div3A_55 : f32 to vector<10000x1xf32>
    %sub3A_57 = arith.subf %add3A_49, %sub3A_56 : vector<10000x1xf32>
    %square3A = arith.mulf %sub3A_57, %sub3A_57 : vector<10000x1xf32>
    %reduce_sum3A_58 = vector.shape_cast %square3A : vector<10000x1xf32> to vector<1x10000x1xf32>
    %reduce_sum3A_59 = arith.constant dense<0.000000e+00> : vector<1xf32>
    %reduce_sum3A_60 = vector.multi_reduction <add>, %reduce_sum3A_58, %reduce_sum3A_59 [1, 2] : vector<1x10000x1xf32> to vector<1xf32>
    %reduce_sum3A_61 = vector.shape_cast %reduce_sum3A_60 : vector<1xf32> to vector<1x1x1xf32>
    %reduce_sum3A_62 = vector.extract %reduce_sum3A_61[0, 0, 0] : f32 from vector<1x1x1xf32>
    %div3A_63 = arith.constant 1.000000e+04 : f32
    %div3A_64 = arith.divf %reduce_sum3A_62, %div3A_63 : f32
    %sub3A_65 = vector.broadcast %div3A_55 : f32 to vector<10000x1xf32>
    %sub3A_66 = arith.subf %add3A_49, %sub3A_65 : vector<10000x1xf32>
    %add3A_67 = arith.constant 9.99999974E-6 : f32
    %add3A_68 = arith.addf %div3A_64, %add3A_67 : f32
    %sqrt3A = math.sqrt %add3A_68 : f32
    %div3A_69 = vector.broadcast %sqrt3A : f32 to vector<10000x1xf32>
    %div3A_70 = arith.divf %sub3A_66, %div3A_69 : vector<10000x1xf32>
    %get3A_71 = arith.constant 0 : index
    %get3A_72 = arith.constant 0 : index
    %get3A_73 = vector.load %arg5[%get3A_71, %get3A_72] : memref<1x1xf32, #tpu.memory_space<vmem>>, vector<1x1xf32>
    %get3A_74 = vector.extract %get3A_73[0, 0] : f32 from vector<1x1xf32>
    %mul3A_75 = vector.broadcast %get3A_74 : f32 to vector<10000x1xf32>
    %mul3A_76 = arith.mulf %div3A_70, %mul3A_75 : vector<10000x1xf32>
    %get3A_77 = arith.constant 0 : index
    %get3A_78 = arith.constant 0 : index
    %get3A_79 = vector.load %arg6[%get3A_77, %get3A_78] : memref<1x1xf32, #tpu.memory_space<vmem>>, vector<1x1xf32>
    %get3A_80 = vector.extract %get3A_79[0, 0] : f32 from vector<1x1xf32>
    %add3A_81 = vector.broadcast %get3A_80 : f32 to vector<10000x1xf32>
    %add3A_82 = arith.addf %mul3A_76, %add3A_81 : vector<10000x1xf32>
    %swap3A = arith.constant 0 : index
    %swap3A_83 = arith.constant 0 : index
    %swap3A_84 = vector.load %arg7[%swap3A, %swap3A_83] : memref<10000x1xf32, #tpu.memory_space<vmem>>, vector<10000x1xf32>
    tpu.vector_store %arg7[%swap3A, %swap3A_83], %add3A_82 {strides = array<i32>} : memref<10000x1xf32, #tpu.memory_space<vmem>>, vector<10000x1xf32>,
    return
  }
}

</mosaic_0001>

<sc_bundles>
// kernel: kernel.4.cloned.1.call-start
scs
__scs_entry_jumppad:
0x0: {  	(pc) =	sbr.rel $0x88, $3  }
0x1: {  	(tag) =	ssettag $0x0;
	lr =	simm.s32 $0x1  }
0x2: {  	[smem:$0x3F82] =	sst lr;
	_ =	strace $0xD0000000  }
0x3: {  	_ = 	snop  }
0x4: {  	_ = 	snop  }
0x5: {  	_ = 	snop  }
0x6: {  	_ = 	snop  }
0x7: {  	_ = 	snop  }
__scs_overlays_trampoline_lowered:
0x8: {  	[smem:$0x3F91] =	sst s0  }
0x9: {  	[smem:$0x3F92] =	sst s1  }
0xa: {  	[smem:$0x3F93] =	sst s2  }
0xb: {  	[smem:$0x3F94] =	sst s3  }
0xc: {  	[smem:$0x3F95] =	sst s4  }
0xd: {  	[smem:$0x3F96] =	sst s5  }
0xe: {  	[smem:$0x3F97] =	sst s6  }
0xf: {  	[smem:$0x3F98] =	sst s7  }
0x10: {  	[smem:$0x3F99] =	sst s8  }
0x11: {  	[smem:$0x3F9A] =	sst s9;
	s0 =	simm.s32 @!p0 $0x0  }
0x12: {  	s1 =	sld [smem:$0x3F80];
	s0 =	simm.s32 @p0 $0x1  }
0x13: {  	[smem:$0x3F9B] =	sst s0;
	s0 =	simm.s32 @!p1 $0x0  }
0x14: {  	s2 =	sld [smem:$0x3F7F];
	s0 =	simm.s32 @p1 $0x1  }
0x15: {  	[smem:$0x3F9C] =	sst s0;
	s0 =	simm.s32 @!p2 $0x0  }
0x16: {  	s3 =	sld [smem:$0x3FDB];
	s0 =	simm.s32 @p2 $0x1  }
0x17: {  	s4 =	simm.s32 $0x1BF5;
	[smem:$0x3F9E] =	sst s0  }
0x18: {  	s0 =	sld [smem:$0x3F81];
	_ =	swait.ge [sflag:s4], $0x0  }
0x19: {  	s7 =	sld [smem:$0x3F82]  }
0x1a: {  	s8 =	sadd.s32 $0xFFFFE003, lr  }
0x1b: {  	s9 =	sadd.s32 $0xFFFFFEF7, lr;
	s5 =	simm.s32 $0xFFFFFFFF;
	p2 =	slt.u32 s8, $0xFFFFF086  }
0x1c: {  	p1 =	slt.u32 s9, $0xF7A;
	s5 =	simm.s32 @!p2 $0x0  }
0x1d: {  	s5 =	simm.s32 @p1 $0x1;
	p0 =	seq.s32 s7, s2  }
0x1e: {  	s7 =	smul.u32 @!p0 $0xF7A, s2;
	p2 =	seq.s32 @!p0 s5, $0x0  }
0x1f: {  	s9 =	smul.u32 $0xF7A, s1;
	s8 =	simm.s32 @!p0 $0x1BF5;
	p2 =	por !p2, p0  }
0x20: {  	[sflag:s8] =	ssyncset.s32 @!p0 $0xFFFFF086;
	s6 =	sadd.s32 @!p0 s3, s7;
	s7 =	simm.s32 @!p0 $0x108  }
0x21: {  	s3 =	sadd.s32 s3, s9;
	s6 =	sadd.s32 @!p0 $0x88, s6;
	s7 =	simm.s32 @p2 $0x1082  }
0x22: {  	[simem:s7], [sflag:s8] =	dma.local @!p0 [hbm:s6], $0xF7A  }
0x23: {  	s9 =	sor.u32 $0xD0000000, s2;
	s6 =	simm.s32 $0x108;
	_ =	swait.ge @!p0 [sflag:s8], $0x0  }
0x24: {  	s3 =	sadd.s32 $0x88, s3;
	s6 =	simm.s32 @!p1 $0x1082;
	[sflag:s4] =	ssyncset.s32 $0xFFFFF086  }
0x25: {  	[simem:s6], [sflag:s4] =	dma.local [hbm:s3], $0xF7A  }
0x26: {  	[smem:$0x3F82] =	sst s1;
	(tag) =	ssettag s2;
	_ =	strace s9  }
0x27: {  	s1 =	sld [smem:$0x3F92]  }
0x28: {  	s2 =	sld [smem:$0x3F93]  }
0x29: {  	s4 =	sld [smem:$0x3F95]  }
0x2a: {  	p0 =	seq.s32 s5, $0x0;
	s5 =	sld [smem:$0x3F96]  }
0x2b: {  	s6 =	sld [smem:$0x3F97]  }
0x2c: {  	s7 =	sld [smem:$0x3F98]  }
0x2d: {  	s3 =	simm.s32 $0x108;
	s8 =	sld [smem:$0x3F99]  }
0x2e: {  	s3 =	simm.s32 @!p0 $0x1082;
	s9 =	sld [smem:$0x3F9A]  }
0x2f: {  	lr =	sadd.s32 s0, s3;
	s0 =	sld [smem:$0x3F91]  }
0x30: {  	s3 =	sld [smem:$0x3F94]  }
0x31: {  	[smem:$0x3F9D] =	sst s10  }
0x32: {  	s10 =	sld [smem:$0x3F9B];
	_ =	sdelay $0x3  }
0x33: {  	p0 =	seq.s32 s10, $0x1;
	s10 =	sld [smem:$0x3F9D];
	_ =	sdelay $0x3  }
0x34: {  	[smem:$0x3F9D] =	sst s10  }
0x35: {  	s10 =	sld [smem:$0x3F9C];
	_ =	sdelay $0x3  }
0x36: {  	p1 =	seq.s32 s10, $0x1;
	s10 =	sld [smem:$0x3F9D];
	_ =	sdelay $0x3  }
0x37: {  	[smem:$0x3F9D] =	sst s10  }
0x38: {  	s10 =	sld [smem:$0x3F9E]  }
0x39: {  	_ = 	snop;
	(pc) =	sbr.ind lr, $3  }
0x3a: {  	_ = 	snop  }
0x3b: {  	_ = 	snop  }
0x3c: {  	p2 =	seq.s32 s10, $0x1;
	s10 =	sld [smem:$0x3F9D]  }
0x3d: {  	_ =	shalt  }
0x3e: {  	_ =	shalt  }
0x3f: {  	_ =	shalt  }
0x40: {  	_ =	shalt  }
0x41: {  	_ =	shalt  }
0x42: {  	_ =	shalt  }
0x43: {  	_ =	shalt  }
0x44: {  	_ =	shalt  }
0x45: {  	_ =	shalt  }
0x46: {  	_ =	shalt  }
0x47: {  	_ =	shalt  }
0x48: {  	_ =	shalt  }
0x49: {  	_ =	shalt  }
0x4a: {  	_ =	shalt  }
0x4b: {  	_ =	shalt  }
0x4c: {  	_ =	shalt  }
0x4d: {  	_ =	shalt  }
0x4e: {  	_ =	shalt  }
0x4f: {  	_ =	shalt  }
0x50: {  	_ =	shalt  }
0x51: {  	_ =	shalt  }
0x52: {  	_ =	shalt  }
0x53: {  	_ =	shalt  }
0x54: {  	_ =	shalt  }
0x55: {  	_ =	shalt  }
0x56: {  	_ =	shalt  }
0x57: {  	_ =	shalt  }
0x58: {  	_ =	shalt  }
0x59: {  	_ =	shalt  }
0x5a: {  	_ =	shalt  }
0x5b: {  	_ =	shalt  }
0x5c: {  	_ =	shalt  }
0x5d: {  	_ =	shalt  }
0x5e: {  	_ =	shalt  }
0x5f: {  	_ =	shalt  }
0x60: {  	_ =	shalt  }
0x61: {  	_ =	shalt  }
0x62: {  	_ =	shalt  }
0x63: {  	_ =	shalt  }
0x64: {  	_ =	shalt  }
0x65: {  	_ =	shalt  }
0x66: {  	_ =	shalt  }
0x67: {  	_ =	shalt  }
0x68: {  	_ =	shalt  }
0x69: {  	_ =	shalt  }
0x6a: {  	_ =	shalt  }
0x6b: {  	_ =	shalt  }
0x6c: {  	_ =	shalt  }
0x6d: {  	_ =	shalt  }
0x6e: {  	_ =	shalt  }
0x6f: {  	_ =	shalt  }
0x70: {  	_ =	shalt  }
0x71: {  	_ =	shalt  }
0x72: {  	_ =	shalt  }
0x73: {  	_ =	shalt  }
0x74: {  	_ =	shalt  }
0x75: {  	_ =	shalt  }
0x76: {  	_ =	shalt  }
0x77: {  	_ =	shalt  }
0x78: {  	_ =	shalt  }
0x79: {  	_ =	shalt  }
0x7a: {  	_ =	shalt  }
0x7b: {  	_ =	shalt  }
0x7c: {  	_ =	shalt  }
0x7d: {  	_ =	shalt  }
0x7e: {  	_ =	shalt  }
0x7f: {  	_ =	shalt  }
0x80: {  	_ =	shalt  }
0x81: {  	_ =	shalt  }
0x82: {  	_ =	shalt  }
0x83: {  	_ =	shalt  }
0x84: {  	_ =	shalt  }
0x85: {  	_ =	shalt  }
0x86: {  	_ =	shalt  }
0x87: {  	_ =	shalt  }
.Lfunc_end0:
.L_simem_size_0:
called_computation.4_lowered:
.L_overlay_start_0:
0x88: {  	s2 =	sld [smem:$0x3FD9]  }
0x89: {  	s3 =	sld [smem:$0x3FFE];
	_ =	sdelay $0x1  }
0x8a: {  	s1 =	srdreg.scid  }
0x8b: {  	s0 =	sand.u32 $0x1, s1  }
0x8c: {  	s16 =	sshll.u32 s0, $0xA;
	s2 =	sadd.s32 s3, s2  }
0x8d: {  	s2 =	sadd.s32 s2, s16  }
0x8e: {  	[smem:$0x3FA9] =	sst s2  }
0x8f: {  	_ = 	snop  }
0x90: {  	(tm) =	ssettm $0x1  }
0x91: {  	s17 =	sld [smem:$0x3FFB];
	_ =	sdelay $0x3  }
0x92: {  	_ =	strace s17  }
0x93: {  	s2 =	sld [smem:$0x3FFC];
	_ =	sdelay $0x3  }
0x94: {  	_ =	strace s2  }
0x95: {  	s2 =	sld [smem:$0x3FFD];
	_ =	sdelay $0x3  }
0x96: {  	_ =	strace s2  }
0x97: {  	_ =	strace $0x8FFFFFFF  }
0x98: {  	s18 =	sld [smem:$0x3FDB];
	_ =	sdelay $0x1  }
0x99: {  	s19 =	simm.s32 $_scs_section_size  }
0x9a: {  	s4 =	simm.s32 $_size__tile_overlayer_lowered;
	s5 =	simm.s32 $_tile_overlayer_lowered  }
0x9b: {  	s22 =	simm.s32 $0x1BFF;
	s21 =	sshll.u32 s5, $0x1;
	s2 =	sadd.s32 s19, s18  }
0x9c: {  	s6 =	simm.s32 $0x0;
	s20 =	sshll.u32 s4, $0x1;
	s4 =	sadd.s32 s21, s2  }
0x9d: {  	[timem:s6], [sflag:s22] =	dma.local [hbm:s4], s20  }
0x9e: {  	_ =	swait.ge [sflag:s22], s20  }
0x9f: {  	s3 =	ssub.s32 $0x0, s20;
	[sflag:s22] =	ssyncset.done $0x0  }
0xa0: {  	[sflag:s22] =	ssyncadd.s32 s3;
	_ =	sdelay $0x1  }
0xa1: {  	s23 =	simm.s32 $0x1B8B  }
0xa2: {  	_ =	swait.ge [sflag:s23], $0x1  }
0xa3: {  	[sflag:s23] =	ssyncset.done $0x0  }
0xa4: {  	s25 =	simm.s32 $0x1B8E;
	s24 =	sld [smem:$0x3FFE];
	[sflag:s23] =	ssyncadd.s32 $0xFFFFFFFF  }
0xa5: {  	s26 =	simm.s32 $execute0_lowered;
	[smem:$0x3FD2] =	sst s25  }
0xa6: {  	s4 =	sshll.u32 s26, $0x1;
	_ =	strace $0x80000046;
	[dreg:$0x1] =	wrdreg $0xFFFFFFFF  }
0xa7: {  	s28 =	simm.s32 $_size_execute0_lowered;
	s2 =	sadd.s32 s2, s4;
	[dreg:$0x0] =	wrdreg $0x0  }
0xa8: {  	s4 =	sshll.u32 s28, $0x1;
	[dreg:$0x2] =	wrdreg s2  }
0xa9: {  	[dreg:$0x3] =	wrdreg s4  }
0xaa: {  	[dreg:$0x4] =	wrdreg $0xC0  }
0xab: {  	_ =	task [dreg:s6], $0x5FFFF  }
0xac: {  	[dreg:$0x1] =	wrdreg $0xFFFFFFFF  }
0xad: {  	[dreg:$0x0] =	wrdreg $0x60  }
0xae: {  	[dreg:$0x2] =	wrdreg s24  }
0xaf: {  	[dreg:$0x3] =	wrdreg $0x14C300  }
0xb0: {  	[dreg:$0x4] =	wrdreg $0x9  }
0xb1: {  	_ =	task.clear_ibuf [dreg:s6], $0x5FFFF;
	_ =	strace $0x90000046  }
0xb2: {  	s29 =	simm.s32 $0x9;
	_ =	strace $0x80000048  }
0xb3: {  	_ =	swait.ge [sflag:s29], $0x1  }
0xb4: {  	[sflag:s29] =	ssyncadd.s32 $0xFFFFFFFF  }
0xb5: {  	_ =	strace $0x90000048  }
0xb6: {  	_ =	sfence  }
0xb7: {  	s30 =	sld [smem:$0x0];
	_ =	sdelay $0x2  }
0xb8: {  	s31 =	sshll.u32 s1, $0xD;
	s1 =	sshrl.u32 s1, $0x2  }
0xb9: {  	s3 =	sand.u32 $0x4000, s31;
	s1 =	sadd.s32 s1, s30  }
0xba: {  	s0 =	sor.u32 s3, s0;
	s1 =	sshll.u32 s1, $0x11  }
0xbb: {  	s0 =	sor.u32 s1, s0  }
0xbc: {  	s0 =	sadd.s32 $0x8F2B, s0  }
0xbd: {  	[sflag:s0] =	ssyncadd.remote.s32 $0x1  }
0xbe: {  	_ =	sfence.sel $0xFFFF  }
0xbf: {  	[dreg:$0x0] =	wrdreg $0xFFFFFFFF;
	(pc) =	sbr.abs _section_cstart, $3  }
0xc0: {  	[dreg:$0x1] =	wrdreg $0xFFFFFFFF  }
0xc1: {  	_ =	task.clear_ibuf [dreg:s6], $0x2FFFF;
	_ =	strace $0x9FFFFFFF  }
0xc2: {  	(tm) =	ssettm $0x7FFFFFFF  }
0xc3: {  	_ =	shalt  }
tec
execute0_lowered:
.L_overlay_start_1:
0x0: {  	(tag) =	ssettag $0x1  }
0x1: {  	s0 =	rddreg [dreg:$0x0]  }
0x2: {  	s1 =	rddreg [dreg:$0x1];
	s2 =	simm.s32 $0x0  }
0x3: {  	s10 =	stileid.u32;
	s9 =	srdreg.scid;
	s18 =	simm.s32 $0x2  }
0x4: {  	s28 =	simm.s32 $0x145F0;
	s29 =	simm.s32 $0x14640;
	s30 =	simm.s32 $0x14690  }
0x5: {  	s31 =	simm.s32 $0x146E0;
	[smem:$0x7FF] =	sst s2;
	s3 =	sadd.s32 $0xB4C00, s0  }
0x6: {  	s4 =	sadd.s32 $0x151000, s0;
	s5 =	sadd.s32 $0x18800, s0;
	s11 =	smul.u32 $0x2700, s10  }
0x7: {  	s6 =	sadd.s32 $0x4C00, s0;
	s7 =	sadd.s32 $0xEA00, s0;
	s8 =	sadd.s32 $0x1D800, s0  }
0x8: {  	s13 =	sand.u32 $0x1, s9;
	s9 =	sadd.s32 $0x2C600, s0;
	s15 =	sadd.s32 $0x53800, s0  }
0x9: {  	s17 =	sshll.u32 s10, $0x1;
	s22 =	sshll.u32 s10, $0x6;
	p0 =	sne.s32 s10, $0x0  }
0xa: {  	_ =	strace $0x80000047;
	s14 =	ssub.s32 $0x2, s13;
	s20 =	sor.u32 s13, s17  }
0xb: {  	s13 =	smul.u32 $0x27100, s13;
	s19 =	sor.u32 $0x1C02, s22;
	s22 =	simm.s32 $0xF0  }
0xc: {  	s12 =	sshrl.u32 s11, $0x3;
	s16 =	sshrl.u32 s14, $0x1;
	s21 =	sadd.s32 s11, s1  }
0xd: {  	[dreg:$0x4] =	wrdreg s19;
	s12 =	sadd.s32 s12, s0;
	s14 =	ssub.s32 s14, s16  }
0xe: {  	s11 =	sadd.s32 s11, s13;
	s0 =	sadd.s32 $0x2C400, s0;
	s24 =	sshrl.u32 s13, $0x3  }
0xf: {  	s13 =	smul.u32 $0x2710, s20;
	s20 =	simm.s32 $0x50;
	s12 =	sadd.s32 $0x27600, s12  }
0x10: {  	[dreg:$0x5] =	wrdreg s0;
	s23 =	sshrl.u32 s11, $0x3;
	s25 =	sadd.s32 s15, s24  }
0x11: {  	s26 =	smax.u32 s14, $0x1;
	s11 =	sshrl.u32 s21, $0x3;
	[dreg:$0x3] =	wrdreg s12  }
0x12: {  	s21 =	simm.s32 $0xA0;
	s24 =	simm.s32 $0xA0F0;
	[dreg:$0x8] =	wrdreg s26  }
0x13: {  	s14 =	simm.s32 $0x0;
	s0 =	sadd.s32 s15, s23;
	[dreg:$0x9] =	wrdreg s11  }
0x14: {  	s12 =	sadd.s32 $0x27000, s1;
	[dreg:$0x6] =	wrdreg s0;
	s0 =	sadd.s32 $0x4E00, s25  }
0x15: {  	s23 =	simm.s32 $0x1;
	s12 =	sshrl.u32 @!p0 s12, $0x3;
	[dreg:$0x7] =	wrdreg s0  }
0x16: {  	v0 =	vimm.f32 $0.0e+00;
	v1 =	vlaneseq.u32;
	s26 =	simm.s32 $0x14730;
	s25 =	simm.s32 $0x140F0;
	[dreg:$0xa] =	wrdreg s12  }
.LBB2_1:
0x17: {  	[dreg:$0xb] =	wrdreg s14  }
0x18: {  	s0 =	rddreg [dreg:$0x3]  }
0x19: {  	[spmem:s11], [sflag:s19] =	dma.local [hbm:s0], $0x4E0  }
0x1a: {  	_ =	swait.ge [sflag:s18], $0x4E0  }
0x1b: {  	[sflag:s18] =	ssyncset.done $0x0  }
0x1c: {  	s10 =	simm.s32 @!p0 $0x2;
	s0 =	rddreg [dreg:$0x5];
	[sflag:s18] =	ssyncadd.s32 $0xFFFFFB20  }
0x1d: {  	[spmem:s12], [sflag:s19] =	dma.local @!p0 [hbm:s0], $0x20  }
0x1e: {  	_ =	swait.ge @!p0 [sflag:s10], $0x20  }
0x1f: {  	[sflag:s10] =	ssyncset.done @!p0 $0x0  }
0x20: {  	[sflag:s10] =	ssyncadd.s32 @!p0 $0xFFFFFFE0  }
0x21: {  	s11 =	simm.s32 $0x0;
	s10 =	simm.s32 $0x40;
	[bflag:$0x0] =	sbarrier.arrive $0xFFFF  }
.LBB2_2:
0x22: {  	p1 =	sne.s32 s10, $0x13C0;
	[tilespmem:s11+$0x14730] =	vst v0;
	s11 =	smov.u32 s10;
	s10 =	sadd.s32 $0x40, s10  }
.Ltmp0:
0x23: {  	(pc) =	sbr.rel @p1 .LBB2_2-.Ltmp0, $2  }
0x24: {  	_ =	sdelay $0x2  }
0x25: {  	s11 =	sshra.s32 s11, $0x2  }
0x26: {  	[tilespmem:s11+$0x14730] =	vst v0;
	s10 =	simm.s32 $0x0;
	s12 =	simm.s32 $0x0  }
.LBB2_4:
0x27: {  	s11 =	smul.u32 $0x50, s12;
	_ =	sdelay $0x1  }
0x28: {  	s11 =	sadd.s32 s13, s11  }
0x29: {  	s14 =	sshrl.u32 s11, $0x3  }
0x2a: {  	s11 =	sadd.s32 s6, s14  }
0x2b: {  	[tilespmem:s10], [sflag:$0x2] =	stream.linear.gather [hbm4b:s11+s10], $0x50, $0x38;
	[tilespmem:$0x17340] =	vst v63  }
0x2c: {  	_ =	swait.ge [sflag:s18], $0x50  }
0x2d: {  	[sflag:s18] =	ssyncset.done $0x0  }
0x2e: {  	s17 =	sadd.s32 s7, s14;
	[sflag:s18] =	ssyncadd.s32 $0xFFFFFFB0  }
0x2f: {  	[tilespmem:s20], [sflag:$0x2] =	stream.linear.gather [hbm4b:s17+s10], $0x50, $0x38;
	[tilespmem:$0x17340] =	vst v63  }
0x30: {  	_ =	swait.ge [sflag:s18], $0x50  }
0x31: {  	[sflag:s18] =	ssyncset.done $0x0  }
0x32: {  	s19 =	sadd.s32 s8, s14;
	[sflag:s18] =	ssyncadd.s32 $0xFFFFFFB0  }
0x33: {  	[tilespmem:s21], [sflag:$0x2] =	stream.linear.gather [hbm4b:s19+s10], $0x50, $0x38;
	[tilespmem:$0x17340] =	vst v63  }
0x34: {  	_ =	swait.ge [sflag:s18], $0x50  }
0x35: {  	[sflag:s18] =	ssyncset.done $0x0  }
0x36: {  	[sflag:s18] =	ssyncadd.s32 $0xFFFFFFB0  }
0x37: {  	[tilespmem:s22], [sflag:$0x1] =	stream.indirect.gather [hbm4b:s3+s20], $0x200, s20, s20, $0xb8;
	[tilespmem:$0x17340] =	vst v63  }
0x38: {  	_ =	swait.ge [sflag:s23], $0xA000  }
0x39: {  	[sflag:s23] =	ssyncset.done $0x0  }
0x3a: {  	[sflag:s23] =	ssyncadd.s32 $0xFFFF6000  }
0x3b: {  	[tilespmem:s24], [sflag:$0x1] =	stream.indirect.gather [hbm4b:s4+s20], $0x200, s10, s20, $0xb8;
	[tilespmem:$0x17340] =	vst v63  }
0x3c: {  	_ =	swait.ge [sflag:s23], $0xA000  }
0x3d: {  	[sflag:s23] =	ssyncset.done $0x0  }
0x3e: {  	[sflag:s23] =	ssyncadd.s32 $0xFFFF6000  }
0x3f: {  	[tilespmem:s25], [sflag:$0x1] =	stream.indirect.gather [hbm4b:s5+s20], $0x10, s20, s20, $0xb8;
	[tilespmem:$0x17340] =	vst v63  }
0x40: {  	_ =	swait.ge [sflag:s23], $0x500  }
0x41: {  	[sflag:s23] =	ssyncset.done $0x0  }
0x42: {  	s15 =	simm.s32 $0x0;
	[sflag:s23] =	ssyncadd.s32 $0xFFFFFB00  }
.LBB2_5:
0x43: {  	s11 =	sshll.u32 s15, $0x4  }
0x44: {  	v4 =	vor.u32 s11, v1;
	s17 =	sadd.s32 $0x145F0, s11  }
0x45: {  	s16 =	simm.s32 $0x0;
	v2 =	vld [tilespmem:s11+$0xA0];
	v3 =	vshll.u32 v4, $0x9;
	v4 =	vshll.u32 v4, $0x4;
	v5 =	vmov s17;
	s17 =	simm.s32 $0x0  }
.LBB2_6:
0x46: {  	s11 =	sadd.s32 $0xFFFFFFFC, s16  }
0x47: {  	s19 =	sadd.s32 $0x4, s11  }
0x48: {  	v6 =	vmov s19  }
0x49: {  	s0 =	sadd.s32 $0x5, s11;
	v6 =	vand.u32 $0x1FC, v6  }
0x4a: {  	v7 =	vmov s0;
	v6 =	vbroadcast v6, $0x0  }
0x4b: {  	s0 =	sadd.s32 $0x6, s11;
	v7 =	vand.u32 $0x1FD, v7  }
0x4c: {  	v8 =	vmov s0;
	v7 =	vbroadcast v7, $0x0;
	v6 =	vor.u32 v3, v6  }
0x4d: {  	s11 =	sadd.s32 $0x7, s11;
	s19 =	sadd.s32 $0x0, s16;
	v8 =	vand.u32 $0x1FE, v8  }
0x4e: {  	v9 =	vmov s11;
	s0 =	sadd.s32 $0x4, s19;
	v8 =	vbroadcast v8, $0x0;
	v7 =	vor.u32 v3, v7  }
0x4f: {  	v9 =	vand.u32 $0x1FF, v9;
	v10 =	vmov s0  }
0x50: {  	v9 =	vbroadcast v9, $0x0;
	v10 =	vand.u32 $0x1FC, v10;
	v8 =	vor.u32 v3, v8  }
0x51: {  	s0 =	sadd.s32 $0x5, s19;
	v10 =	vbroadcast v10, $0x0;
	v12 =	vld.idx.msk [tilespmem:v6+s22+$0x0], $0xffff  }
0x52: {  	v14 =	vor.u32 v3, v9;
	v13 =	vld.idx.msk [tilespmem:v6+s24+$0x0], $0xffff;
	v6 =	vmov s0  }
0x53: {  	v20 =	vor.u32 v3, v10;
	s0 =	sadd.s32 $0x6, s19;
	v19 =	vld.idx.msk [tilespmem:v7+s22+$0x0], $0xffff;
	s19 =	sadd.s32 $0x7, s19;
	v6 =	vand.u32 $0x1FD, v6  }
0x54: {  	v21 =	vld.idx.msk [tilespmem:v7+s24+$0x0], $0xffff;
	v9 =	vmov s0;
	s0 =	sadd.s32 $0x4, s16;
	v10 =	vmov s19;
	v7 =	vbroadcast v6, $0x0  }
0x55: {  	v11 =	vld.idx.msk [tilespmem:v8+s24+$0x0], $0xffff;
	v9 =	vand.u32 $0x1FE, v9;
	s19 =	sadd.s32 $0x4, s0;
	v10 =	vand.u32 $0x1FF, v10  }
0x56: {  	v6 =	vld.idx.msk [tilespmem:v8+s22+$0x0], $0xffff;
	v15 =	vmov s19;
	v16 =	vbroadcast v9, $0x0;
	v9 =	vor.u32 v3, v7  }
0x57: {  	v18 =	vimm.f32 $0.0e+00;
	s19 =	sadd.s32 $0x5, s0;
	v22 =	vbroadcast v10, $0x0;
	v8 =	vand.u32 $0x1FC, v15;
	v7 =	vld.idx.msk [tilespmem:v14+s22+$0x0], $0xffff  }
0x58: {  	v17 =	vmov s19;
	s19 =	sadd.s32 $0x6, s0;
	v14 =	vld.idx.msk [tilespmem:v14+s24+$0x0], $0xffff;
	v10 =	vor.u32 v3, v16;
	v23 =	vmul.f32 v13, v12  }
0x59: {  	v15 =	vbroadcast v8, $0x0;
	v17 =	vand.u32 $0x1FD, v17;
	v16 =	vmov s19;
	v8 =	vld.idx.msk [tilespmem:v20+s22+$0x0], $0xffff  }
0x5a: {  	s11 =	sadd.s32 $0x7, s0;
	s19 =	simm.s32 $0x8;
	v13 =	vld.idx.msk [tilespmem:v20+s24+$0x0], $0xffff;
	v12 =	vor.u32 v3, v22;
	v19 =	vmul.f32 v21, v19;
	v18 =	vadd.f32 v23, v18  }
.LBB2_7:
0x5b: {  	s0 =	sadd.s32 s19, s16;
	v17 =	vbroadcast v17, $0x0;
	v16 =	vand.u32 $0x1FE, v16;
	v20 =	vmov s11;
	v21 =	vld.idx.msk [tilespmem:v9+s22+$0x0], $0xffff  }
0x5c: {  	v22 =	vor.u32 v3, v15;
	s19 =	sadd.s32 $0x4, s19;
	s11 =	sadd.s32 $0x4, s0;
	v23 =	vld.idx.msk [tilespmem:v9+s24+$0x0], $0xffff;
	v15 =	vadd.f32 v19, v18;
	v18 =	vmul.f32 v11, v6  }
0x5d: {  	v16 =	vbroadcast v16, $0x0;
	v20 =	vand.u32 $0x1FF, v20;
	p1 =	slt.u32 s19, $0x7C;
	v19 =	vmov s11;
	v6 =	vld.idx.msk [tilespmem:v10+s22+$0x0], $0xffff  }
.Ltmp1:
0x5e: {  	s11 =	sadd.s32 $0x5, s0;
	v9 =	vor.u32 v3, v17;
	v17 =	vmul.f32 v14, v7;
	v11 =	vld.idx.msk [tilespmem:v10+s24+$0x0], $0xffff;
	v15 =	vadd.f32 v18, v15;
	(pc) =	sbr.rel @p1 .LBB2_7-.Ltmp1, $4  }
0x5f: {  	v20 =	vbroadcast v20, $0x0;
	v18 =	vand.u32 $0x1FC, v19;
	v19 =	vmov s11;
	v7 =	vld.idx.msk [tilespmem:v12+s22+$0x0], $0xffff  }
0x60: {  	s11 =	sadd.s32 $0x6, s0;
	v10 =	vor.u32 v3, v16;
	v24 =	vmul.f32 v13, v8;
	v14 =	vld.idx.msk [tilespmem:v12+s24+$0x0], $0xffff;
	v25 =	vadd.f32 v17, v15  }
0x61: {  	v16 =	vmov s11;
	v15 =	vbroadcast v18, $0x0;
	v17 =	vand.u32 $0x1FD, v19;
	v8 =	vld.idx.msk [tilespmem:v22+s22+$0x0], $0xffff  }
0x62: {  	s11 =	sadd.s32 $0x7, s0;
	v12 =	vor.u32 v3, v20;
	v19 =	vmul.f32 v23, v21;
	v13 =	vld.idx.msk [tilespmem:v22+s24+$0x0], $0xffff;
	v18 =	vadd.f32 v24, v25  }
0x63: {  	_ =	sdelay $0x3  }
0x64: {  	v20 =	vld.idx.msk [tilespmem:v9+s22+$0x0], $0xffff;
	v6 =	vmul.f32 v11, v6;
	v18 =	vadd.f32 v19, v18  }
0x65: {  	v43 =	vbroadcast v17, $0x0;
	v15 =	vor.u32 v3, v15;
	v44 =	vld.idx.msk [tilespmem:v9+s24+$0x0], $0xffff  }
0x66: {  	v16 =	vand.u32 $0x1FE, v16;
	v45 =	vld.idx.msk [tilespmem:v10+s22+$0x0], $0xffff;
	v7 =	vmul.f32 v14, v7;
	v6 =	vadd.f32 v6, v18  }
0x67: {  	v46 =	vmov s11;
	v47 =	vld.idx.msk [tilespmem:v10+s24+$0x0], $0xffff;
	v16 =	vbroadcast v16, $0x0;
	v11 =	vor.u32 v3, v43  }
0x68: {  	v48 =	vld.idx.msk [tilespmem:v12+s22+$0x0], $0xffff;
	v14 =	vand.u32 $0x1FF, v46;
	v8 =	vmul.f32 v13, v8;
	v6 =	vadd.f32 v7, v6  }
0x69: {  	v50 =	vld.idx.msk [tilespmem:v12+s24+$0x0], $0xffff;
	v49 =	vor.u32 v3, v16;
	v7 =	vbroadcast v14, $0x0  }
0x6a: {  	v53 =	vmov s17;
	v51 =	vld.idx.msk [tilespmem:v15+s22+$0x0], $0xffff;
	v52 =	vmul.f32 v44, v20;
	v6 =	vadd.f32 v8, v6  }
0x6b: {  	v9 =	vand.u32 $0x7, v53;
	v15 =	vld.idx.msk [tilespmem:v15+s24+$0x0], $0xffff;
	v7 =	vor.u32 v3, v7  }
0x6c: {  	v9 =	vbroadcast v9, $0x0;
	v55 =	vmul.f32 v47, v45;
	v54 =	vld.idx.msk [tilespmem:v11+s22+$0x0], $0xffff;
	v6 =	vadd.f32 v52, v6  }
0x6d: {  	v56 =	vld.idx.msk [tilespmem:v11+s24+$0x0], $0xffff  }
0x6e: {  	v9 =	vor.u32 v4, v9;
	v58 =	vmul.f32 v50, v48;
	v57 =	vld.idx.msk [tilespmem:v49+s22+$0x0], $0xffff;
	v6 =	vadd.f32 v55, v6  }
0x6f: {  	v59 =	vld.idx.msk [tilespmem:v49+s24+$0x0], $0xffff  }
0x70: {  	v14 =	vmul.f32 v15, v51;
	v60 =	vld.idx.msk [tilespmem:v7+s22+$0x0], $0xffff;
	v6 =	vadd.f32 v58, v6  }
0x71: {  	v7 =	vld.idx.msk [tilespmem:v7+s24+$0x0], $0xffff  }
0x72: {  	v61 =	vmul.f32 v56, v54;
	v6 =	vadd.f32 v14, v6  }
0x73: {  	v62 =	vld.idx.msk [tilespmem:v9+s25+$0x0], $0xffff  }
0x74: {  	v63 =	vmul.f32 v59, v57;
	v6 =	vadd.f32 v61, v6;
	_ =	sdelay $0x1  }
0x75: {  	v7 =	vmul.f32 v7, v60;
	v6 =	vadd.f32 v63, v6;
	_ =	sdelay $0x1  }
0x76: {  	v6 =	vadd.f32 v7, v6;
	v7 =	vmul.f32 v62, v2;
	_ =	sdelay $0x1  }
0x77: {  	v6 =	vadd.f32 v7, v6;
	_ =	sdelay $0x1  }
0x78: {  	v6 =	vmul.f32 $1.442695020e+00, v6;
	_ =	sdelay $0x1  }
0x79: {  	(erf) = vpow2.f32 v6;
	_ =	sdelay $0x4  }
0x7a: {  	s0 =	smul.u32 $0x140, s17;
	s17 =	sadd.s32 $0x1, s17  }
0x7b: {  	p1 =	sne.s32 s17, $0x4  }
.Ltmp2:
0x7c: {  	_ = 	snop;
	(pc) =	sbr.rel @p1 .LBB2_6-.Ltmp2, $4  }
0x7d: {  	_ = 	snop  }
0x7e: {  	s0 =	sshra.s32 s0, $0x2;
	v6 =	vpop (erf)  }
0x7f: {  	[tilespmem:v5+s0+$0x0 ss:$0x1] =	vst.idx.msk $0xffff, v6  }
0x80: {  	s16 =	sadd.s32 $0x80, s16;
	[tilespmem:v9+s26+$0x0] =	vst.idx.msk $0xffff, v6  }
0x81: {  	s15 =	sadd.s32 $0x1, s15  }
0x82: {  	p1 =	sne.s32 s15, $0x5  }
.Ltmp3:
0x83: {  	_ = 	snop;
	(pc) =	sbr.rel @p1 .LBB2_5-.Ltmp3, $1  }
0x84: {  	_ =	sdelay $0x3  }
0x85: {  	s0 =	sadd.s32 s9, s14  }
0x86: {  	[hbm4b:s0+s2] =	stream.linear.scatter [tilespmem:s28], [sflag:$0x2], $0x50, $0x38;
	[tilespmem:$0x17340] =	vst v63  }
0x87: {  	_ =	swait.ge [sflag:s18], $0x50  }
0x88: {  	[sflag:s18] =	ssyncset.done $0x0  }
0x89: {  	s11 =	sadd.s32 $0x9C40, s0;
	[sflag:s18] =	ssyncadd.s32 $0xFFFFFFB0  }
0x8a: {  	[hbm4b:s11+s2] =	stream.linear.scatter [tilespmem:s29], [sflag:$0x2], $0x50, $0x38;
	[tilespmem:$0x17340] =	vst v63  }
0x8b: {  	_ =	swait.ge [sflag:s18], $0x50  }
0x8c: {  	[sflag:s18] =	ssyncset.done $0x0  }
0x8d: {  	s19 =	sadd.s32 $0x13880, s0;
	[sflag:s18] =	ssyncadd.s32 $0xFFFFFFB0  }
0x8e: {  	[hbm4b:s19+s2] =	stream.linear.scatter [tilespmem:s30], [sflag:$0x2], $0x50, $0x38;
	[tilespmem:$0x17340] =	vst v63  }
0x8f: {  	_ =	swait.ge [sflag:s18], $0x50  }
0x90: {  	[sflag:s18] =	ssyncset.done $0x0  }
0x91: {  	s0 =	sadd.s32 $0x1D4C0, s0;
	[sflag:s18] =	ssyncadd.s32 $0xFFFFFFB0  }
0x92: {  	[hbm4b:s0+s2] =	stream.linear.scatter [tilespmem:s31], [sflag:$0x2], $0x50, $0x38;
	[tilespmem:$0x17340] =	vst v63  }
0x93: {  	s12 =	sadd.s32 $0x1, s12;
	_ =	swait.ge [sflag:s18], $0x50  }
0x94: {  	p1 =	sne.s32 s12, $0x7D;
	[sflag:s18] =	ssyncset.done $0x0  }
.Ltmp4:
0x95: {  	[sflag:s18] =	ssyncadd.s32 $0xFFFFFFB0;
	(pc) =	sbr.rel @p1 .LBB2_4-.Ltmp4, $4  }
0x96: {  	[spmem:s1] =	stream.indirect.scatter.add.f32 [tilespmem:s26], [sflag:$0x2], $0x10, s20, s20, $0xb8;
	[tilespmem:$0x17340] =	vst v63  }
0x97: {  	_ =	swait.ge [sflag:s18], $0x500  }
0x98: {  	[sflag:s18] =	ssyncset.done $0x0  }
0x99: {  	[sflag:s18] =	ssyncadd.s32 $0xFFFFFB00  }
0x9a: {  	[bflag:$0x0] =	sbarrier.arrive $0xFFFF  }
0x9b: {  	s19 =	rddreg [dreg:$0x4]  }
0x9c: {  	s0 =	rddreg [dreg:$0x6]  }
0x9d: {  	s11 =	rddreg [dreg:$0x9]  }
0x9e: {  	[hbm:s0], [sflag:s19] =	dma.local [spmem:s11], $0x4E0  }
0x9f: {  	_ =	swait.ge [sflag:s18], $0x4E0  }
0xa0: {  	[sflag:s18] =	ssyncset.done $0x0;
	s0 =	rddreg [dreg:$0x7]  }
0xa1: {  	s12 =	rddreg [dreg:$0xa];
	[sflag:s18] =	ssyncadd.s32 $0xFFFFFB20  }
0xa2: {  	[hbm:s0], [sflag:s19] =	dma.local @!p0 [spmem:s12], $0x20  }
0xa3: {  	s0 =	simm.s32 @!p0 $0x2  }
0xa4: {  	_ =	swait.ge @!p0 [sflag:s0], $0x20  }
0xa5: {  	s14 =	rddreg [dreg:$0xb]  }
0xa6: {  	s10 =	rddreg [dreg:$0x8];
	s14 =	sadd.s32 $0x1, s14  }
0xa7: {  	p1 =	sne.s32 s14, s10  }
.Ltmp5:
0xa8: {  	_ = 	snop;
	(pc) =	sbr.rel @p1 .LBB2_1-.Ltmp5, $3  }
0xa9: {  	_ =	sdelay $0x1  }
0xaa: {  	[sflag:s0] =	ssyncset.done @!p0 $0x0  }
0xab: {  	[sflag:s0] =	ssyncadd.s32 @!p0 $0xFFFFFFE0  }
0xac: {  	_ =	sfence.sel $0x180000  }
0xad: {  	[bflag:$0x0] =	sbarrier.arrive $0xFFFF  }
0xae: {  	_ =	strace $0x90000047  }
0xaf: {  	[bflag:$0x2] =	sbarrier.arrive $0xFFFF  }
0xb0: {  	s0 =	rddreg [dreg:$0x2]  }
0xb1: {  	s0 =	sadd.s32 @!p0 $0x100000, s0  }
0xb2: {  	[sflag:s0] =	ssyncadd.tile.s32 @!p0 $0x1;
	_ =	shalt  }
.Lfunc_end2:
_tile_overlayer_lowered:
.L_overlay_start_2:
0xb3: {  	(tag) =	ssettag $0x2  }
0xb4: {  	s0 =	rddreg [dreg:$0x0];
	s2 =	stileid.u32  }
0xb5: {  	s1 =	rddreg [dreg:$0x1];
	p0 =	sne.s32 s2, $0x0  }
0xb6: {  	s3 =	rddreg [dreg:$0x2];
	[bflag:$0x3] =	sbarrier.arrive $0xFFFF;
	s2 =	simm.s32 @!p0 $0x1C02  }
0xb7: {  	[timem:s3], [sflag:s2] =	dma.local @!p0 [hbm:s0], s1  }
0xb8: {  	s0 =	simm.s32 @!p0 $0x2  }
0xb9: {  	_ =	swait.ge @!p0 [sflag:s0], s1  }
0xba: {  	s1 =	ssub.s32 @!p0 $0x0, s1;
	[sflag:s0] =	ssyncset.done @!p0 $0x0  }
0xbb: {  	[sflag:s0] =	ssyncadd.s32 @!p0 s1  }
0xbc: {  	[bflag:$0x3] =	sbarrier.arrive $0xFFFF  }
0xbd: {  	_ =	shalt  }

// kernel: scatter_offload_async_start.1
scs
__scs_entry_jumppad:
0x0: {  	(pc) =	sbr.rel $0x88, $3  }
0x1: {  	(tag) =	ssettag $0x0;
	lr =	simm.s32 $0x1  }
0x2: {  	[smem:$0x3F82] =	sst lr;
	_ =	strace $0xD0000000  }
0x3: {  	_ = 	snop  }
0x4: {  	_ = 	snop  }
0x5: {  	_ = 	snop  }
0x6: {  	_ = 	snop  }
0x7: {  	_ = 	snop  }
__scs_overlays_trampoline_lowered:
0x8: {  	[smem:$0x3F91] =	sst s0  }
0x9: {  	[smem:$0x3F92] =	sst s1  }
0xa: {  	[smem:$0x3F93] =	sst s2  }
0xb: {  	[smem:$0x3F94] =	sst s3  }
0xc: {  	[smem:$0x3F95] =	sst s4  }
0xd: {  	[smem:$0x3F96] =	sst s5  }
0xe: {  	[smem:$0x3F97] =	sst s6  }
0xf: {  	[smem:$0x3F98] =	sst s7  }
0x10: {  	[smem:$0x3F99] =	sst s8  }
0x11: {  	[smem:$0x3F9A] =	sst s9;
	s0 =	simm.s32 @!p0 $0x0  }
0x12: {  	s1 =	sld [smem:$0x3F80];
	s0 =	simm.s32 @p0 $0x1  }
0x13: {  	[smem:$0x3F9B] =	sst s0;
	s0 =	simm.s32 @!p1 $0x0  }
0x14: {  	s2 =	sld [smem:$0x3F7F];
	s0 =	simm.s32 @p1 $0x1  }
0x15: {  	[smem:$0x3F9C] =	sst s0;
	s0 =	simm.s32 @!p2 $0x0  }
0x16: {  	s3 =	sld [smem:$0x3FDB];
	s0 =	simm.s32 @p2 $0x1  }
0x17: {  	s4 =	simm.s32 $0x1BF5;
	[smem:$0x3F9E] =	sst s0  }
0x18: {  	s0 =	sld [smem:$0x3F81];
	_ =	swait.ge [sflag:s4], $0x0  }
0x19: {  	s7 =	sld [smem:$0x3F82]  }
0x1a: {  	s8 =	sadd.s32 $0xFFFFE003, lr  }
0x1b: {  	s9 =	sadd.s32 $0xFFFFFEF7, lr;
	s5 =	simm.s32 $0xFFFFFFFF;
	p2 =	slt.u32 s8, $0xFFFFF086  }
0x1c: {  	p1 =	slt.u32 s9, $0xF7A;
	s5 =	simm.s32 @!p2 $0x0  }
0x1d: {  	s5 =	simm.s32 @p1 $0x1;
	p0 =	seq.s32 s7, s2  }
0x1e: {  	s7 =	smul.u32 @!p0 $0xF7A, s2;
	p2 =	seq.s32 @!p0 s5, $0x0  }
0x1f: {  	s9 =	smul.u32 $0xF7A, s1;
	s8 =	simm.s32 @!p0 $0x1BF5;
	p2 =	por !p2, p0  }
0x20: {  	[sflag:s8] =	ssyncset.s32 @!p0 $0xFFFFF086;
	s6 =	sadd.s32 @!p0 s3, s7;
	s7 =	simm.s32 @!p0 $0x108  }
0x21: {  	s3 =	sadd.s32 s3, s9;
	s6 =	sadd.s32 @!p0 $0x88, s6;
	s7 =	simm.s32 @p2 $0x1082  }
0x22: {  	[simem:s7], [sflag:s8] =	dma.local @!p0 [hbm:s6], $0xF7A  }
0x23: {  	s9 =	sor.u32 $0xD0000000, s2;
	s6 =	simm.s32 $0x108;
	_ =	swait.ge @!p0 [sflag:s8], $0x0  }
0x24: {  	s3 =	sadd.s32 $0x88, s3;
	s6 =	simm.s32 @!p1 $0x1082;
	[sflag:s4] =	ssyncset.s32 $0xFFFFF086  }
0x25: {  	[simem:s6], [sflag:s4] =	dma.local [hbm:s3], $0xF7A  }
0x26: {  	[smem:$0x3F82] =	sst s1;
	(tag) =	ssettag s2;
	_ =	strace s9  }
0x27: {  	s1 =	sld [smem:$0x3F92]  }
0x28: {  	s2 =	sld [smem:$0x3F93]  }
0x29: {  	s4 =	sld [smem:$0x3F95]  }
0x2a: {  	p0 =	seq.s32 s5, $0x0;
	s5 =	sld [smem:$0x3F96]  }
0x2b: {  	s6 =	sld [smem:$0x3F97]  }
0x2c: {  	s7 =	sld [smem:$0x3F98]  }
0x2d: {  	s3 =	simm.s32 $0x108;
	s8 =	sld [smem:$0x3F99]  }
0x2e: {  	s3 =	simm.s32 @!p0 $0x1082;
	s9 =	sld [smem:$0x3F9A]  }
0x2f: {  	lr =	sadd.s32 s0, s3;
	s0 =	sld [smem:$0x3F91]  }
0x30: {  	s3 =	sld [smem:$0x3F94]  }
0x31: {  	[smem:$0x3F9D] =	sst s10  }
0x32: {  	s10 =	sld [smem:$0x3F9B];
	_ =	sdelay $0x3  }
0x33: {  	p0 =	seq.s32 s10, $0x1;
	s10 =	sld [smem:$0x3F9D];
	_ =	sdelay $0x3  }
0x34: {  	[smem:$0x3F9D] =	sst s10  }
0x35: {  	s10 =	sld [smem:$0x3F9C];
	_ =	sdelay $0x3  }
0x36: {  	p1 =	seq.s32 s10, $0x1;
	s10 =	sld [smem:$0x3F9D];
	_ =	sdelay $0x3  }
0x37: {  	[smem:$0x3F9D] =	sst s10  }
0x38: {  	s10 =	sld [smem:$0x3F9E]  }
0x39: {  	_ = 	snop;
	(pc) =	sbr.ind lr, $3  }
0x3a: {  	_ = 	snop  }
0x3b: {  	_ = 	snop  }
0x3c: {  	p2 =	seq.s32 s10, $0x1;
	s10 =	sld [smem:$0x3F9D]  }
0x3d: {  	_ =	shalt  }
0x3e: {  	_ =	shalt  }
0x3f: {  	_ =	shalt  }
0x40: {  	_ =	shalt  }
0x41: {  	_ =	shalt  }
0x42: {  	_ =	shalt  }
0x43: {  	_ =	shalt  }
0x44: {  	_ =	shalt  }
0x45: {  	_ =	shalt  }
0x46: {  	_ =	shalt  }
0x47: {  	_ =	shalt  }
0x48: {  	_ =	shalt  }
0x49: {  	_ =	shalt  }
0x4a: {  	_ =	shalt  }
0x4b: {  	_ =	shalt  }
0x4c: {  	_ =	shalt  }
0x4d: {  	_ =	shalt  }
0x4e: {  	_ =	shalt  }
0x4f: {  	_ =	shalt  }
0x50: {  	_ =	shalt  }
0x51: {  	_ =	shalt  }
0x52: {  	_ =	shalt  }
0x53: {  	_ =	shalt  }
0x54: {  	_ =	shalt  }
0x55: {  	_ =	shalt  }
0x56: {  	_ =	shalt  }
0x57: {  	_ =	shalt  }
0x58: {  	_ =	shalt  }
0x59: {  	_ =	shalt  }
0x5a: {  	_ =	shalt  }
0x5b: {  	_ =	shalt  }
0x5c: {  	_ =	shalt  }
0x5d: {  	_ =	shalt  }
0x5e: {  	_ =	shalt  }
0x5f: {  	_ =	shalt  }
0x60: {  	_ =	shalt  }
0x61: {  	_ =	shalt  }
0x62: {  	_ =	shalt  }
0x63: {  	_ =	shalt  }
0x64: {  	_ =	shalt  }
0x65: {  	_ =	shalt  }
0x66: {  	_ =	shalt  }
0x67: {  	_ =	shalt  }
0x68: {  	_ =	shalt  }
0x69: {  	_ =	shalt  }
0x6a: {  	_ =	shalt  }
0x6b: {  	_ =	shalt  }
0x6c: {  	_ =	shalt  }
0x6d: {  	_ =	shalt  }
0x6e: {  	_ =	shalt  }
0x6f: {  	_ =	shalt  }
0x70: {  	_ =	shalt  }
0x71: {  	_ =	shalt  }
0x72: {  	_ =	shalt  }
0x73: {  	_ =	shalt  }
0x74: {  	_ =	shalt  }
0x75: {  	_ =	shalt  }
0x76: {  	_ =	shalt  }
0x77: {  	_ =	shalt  }
0x78: {  	_ =	shalt  }
0x79: {  	_ =	shalt  }
0x7a: {  	_ =	shalt  }
0x7b: {  	_ =	shalt  }
0x7c: {  	_ =	shalt  }
0x7d: {  	_ =	shalt  }
0x7e: {  	_ =	shalt  }
0x7f: {  	_ =	shalt  }
0x80: {  	_ =	shalt  }
0x81: {  	_ =	shalt  }
0x82: {  	_ =	shalt  }
0x83: {  	_ =	shalt  }
0x84: {  	_ =	shalt  }
0x85: {  	_ =	shalt  }
0x86: {  	_ =	shalt  }
0x87: {  	_ =	shalt  }
.Lfunc_end0:
.L_simem_size_0:
called_computation.1_lowered:
.L_overlay_start_0:
0x88: {  	s2 =	sld [smem:$0x3FD9]  }
0x89: {  	s3 =	sld [smem:$0x3FFE];
	_ =	sdelay $0x1  }
0x8a: {  	s1 =	srdreg.scid  }
0x8b: {  	s0 =	sand.u32 $0x1, s1  }
0x8c: {  	s15 =	sshll.u32 s0, $0xA;
	s2 =	sadd.s32 s3, s2  }
0x8d: {  	s2 =	sadd.s32 s2, s15  }
0x8e: {  	[smem:$0x3FA9] =	sst s2  }
0x8f: {  	_ = 	snop  }
0x90: {  	(tm) =	ssettm $0x1  }
0x91: {  	s16 =	sld [smem:$0x3FFB];
	_ =	sdelay $0x3  }
0x92: {  	_ =	strace s16  }
0x93: {  	s2 =	sld [smem:$0x3FFC];
	_ =	sdelay $0x3  }
0x94: {  	_ =	strace s2  }
0x95: {  	s2 =	sld [smem:$0x3FFD];
	_ =	sdelay $0x3  }
0x96: {  	_ =	strace s2  }
0x97: {  	_ =	strace $0x8FFFFFFF  }
0x98: {  	s17 =	sld [smem:$0x3FDB];
	_ =	sdelay $0x1  }
0x99: {  	s18 =	simm.s32 $_scs_section_size  }
0x9a: {  	s4 =	simm.s32 $_size__tile_overlayer_lowered;
	s5 =	simm.s32 $_tile_overlayer_lowered  }
0x9b: {  	s6 =	simm.s32 $0x1BFF;
	s19 =	sshll.u32 s5, $0x1;
	s3 =	sadd.s32 s18, s17  }
0x9c: {  	s20 =	simm.s32 $0x0;
	s4 =	sshll.u32 s4, $0x1;
	s5 =	sadd.s32 s19, s3  }
0x9d: {  	[timem:s20], [sflag:s6] =	dma.local [hbm:s5], s4  }
0x9e: {  	_ =	swait.ge [sflag:s6], s4  }
0x9f: {  	s4 =	ssub.s32 $0x0, s4;
	[sflag:s6] =	ssyncset.done $0x0  }
0xa0: {  	[sflag:s6] =	ssyncadd.s32 s4;
	_ =	sdelay $0x1  }
0xa1: {  	s21 =	simm.s32 $0x1B8B  }
0xa2: {  	_ =	swait.ge [sflag:s21], $0x1  }
0xa3: {  	[sflag:s21] =	ssyncset.done $0x0  }
0xa4: {  	s22 =	sld [smem:$0x3FFE];
	[sflag:s21] =	ssyncadd.s32 $0xFFFFFFFF  }
0xa5: {  	s24 =	simm.s32 $0x1B8E;
	s23 =	sld [smem:$0x0]  }
0xa6: {  	s25 =	simm.s32 $execute0_lowered;
	[smem:$0x3FD2] =	sst s24  }
0xa7: {  	s6 =	sshll.u32 s25, $0x1;
	_ =	strace $0x8000004F;
	[dreg:$0x1] =	wrdreg $0xFFFFFFFF  }
0xa8: {  	s7 =	simm.s32 $_size_execute0_lowered;
	s6 =	sadd.s32 s3, s6;
	[dreg:$0x0] =	wrdreg $0x0  }
0xa9: {  	s7 =	sshll.u32 s7, $0x1;
	[dreg:$0x2] =	wrdreg s6  }
0xaa: {  	[dreg:$0x3] =	wrdreg s7  }
0xab: {  	[dreg:$0x4] =	wrdreg $0xC0  }
0xac: {  	s26 =	simm.s32 $execute1_lowered;
	_ =	task [dreg:s20], $0x5FFFF  }
0xad: {  	s6 =	sshll.u32 s26, $0x1;
	[dreg:$0x1] =	wrdreg $0xFFFFFFFF  }
0xae: {  	s3 =	sadd.s32 s3, s6;
	[dreg:$0x0] =	wrdreg $0x60  }
0xaf: {  	[dreg:$0x2] =	wrdreg s3  }
0xb0: {  	[dreg:$0x3] =	wrdreg s22  }
0xb1: {  	[dreg:$0x4] =	wrdreg $0x9  }
0xb2: {  	_ =	task.clear_ibuf [dreg:s20], $0x5FFFF;
	_ =	strace $0x9000004F  }
0xb3: {  	s28 =	simm.s32 $0x9;
	_ =	strace $0x80000051  }
0xb4: {  	_ =	swait.ge [sflag:s28], $0x1  }
0xb5: {  	[sflag:s28] =	ssyncadd.s32 $0xFFFFFFFF  }
0xb6: {  	_ =	strace $0x90000051  }
0xb7: {  	s3 =	sld [smem:$0x0]  }
0xb8: {  	s6 =	sand.u32 $0xFFFFFFFE, s1  }
0xb9: {  	p0 =	sne.s32 s1, s6  }
0xba: {  	s6 =	sshll.u32 @p0 s6, $0xE  }
0xbb: {  	s6 =	sadd.s32 @p0 $0x11BF3, s6;
	s7 =	sshll.u32 @p0 s3, $0x11  }
0xbc: {  	s6 =	sor.u32 @p0 s7, s6  }
0xbd: {  	[sflag:s6] =	ssyncadd.remote.s32 @p0 $0x1;
	_ =	sdelay $0x1  }
0xbe: {  	s6 =	simm.s32 @p0 $0x1BF3  }
0xbf: {  	_ =	swait.eq @p0 [sflag:s6], $0x1  }
0xc0: {  	[sflag:s6] =	ssyncadd.s32 @p0 $0xFFFFFFFF  }
0xc1: {  	s7 =	sshll.u32 @!p0 s1, $0xE  }
0xc2: {  	s7 =	sor.u32 @!p0 $0x4000, s7;
	s6 =	simm.s32 @!p0 $0x1BF3  }
0xc3: {  	s3 =	sshll.u32 @!p0 s3, $0x11;
	s7 =	sadd.s32 @!p0 $0x11BF3, s7;
	_ =	swait.eq @!p0 [sflag:s6], $0x1  }
0xc4: {  	s3 =	sor.u32 @!p0 s3, s7;
	[sflag:s6] =	ssyncadd.s32 @!p0 $0xFFFFFFFF  }
0xc5: {  	[sflag:s3] =	ssyncadd.remote.s32 @!p0 $0x1  }
0xc6: {  	_ =	strace $0x80000052;
	[dreg:$0x1] =	wrdreg $0xFFFFFFFF  }
0xc7: {  	[dreg:$0x0] =	wrdreg $0x2030  }
0xc8: {  	[dreg:$0x2] =	wrdreg s22  }
0xc9: {  	[dreg:$0x3] =	wrdreg s1  }
0xca: {  	[dreg:$0x4] =	wrdreg s23  }
0xcb: {  	[dreg:$0x5] =	wrdreg $0xA  }
0xcc: {  	_ =	task.clear_ibuf [dreg:s20], $0x6FFFF;
	_ =	strace $0x90000052  }
0xcd: {  	s29 =	simm.s32 $0xA;
	_ =	strace $0x80000054  }
0xce: {  	_ =	swait.ge [sflag:s29], $0x1  }
0xcf: {  	[sflag:s29] =	ssyncadd.s32 $0xFFFFFFFF  }
0xd0: {  	_ =	strace $0x90000054  }
0xd1: {  	_ =	sfence  }
0xd2: {  	s30 =	sld [smem:$0x0];
	_ =	sdelay $0x2  }
0xd3: {  	s31 =	sshll.u32 s1, $0xD;
	s1 =	sshrl.u32 s1, $0x2  }
0xd4: {  	s4 =	sand.u32 $0x4000, s31;
	s1 =	sadd.s32 s1, s30  }
0xd5: {  	s0 =	sor.u32 s4, s0;
	s1 =	sshll.u32 s1, $0x11  }
0xd6: {  	s0 =	sor.u32 s1, s0  }
0xd7: {  	s0 =	sadd.s32 $0x8F2B, s0  }
0xd8: {  	[sflag:s0] =	ssyncadd.remote.s32 $0x1  }
0xd9: {  	_ =	sfence.sel $0xFFFF  }
0xda: {  	[dreg:$0x0] =	wrdreg $0xFFFFFFFF;
	(pc) =	sbr.abs _section_cstart, $3  }
0xdb: {  	[dreg:$0x1] =	wrdreg $0xFFFFFFFF  }
0xdc: {  	_ =	task.clear_ibuf [dreg:s20], $0x2FFFF;
	_ =	strace $0x9FFFFFFF  }
0xdd: {  	(tm) =	ssettm $0x7FFFFFFF  }
tec
execute0_lowered:
.L_overlay_start_1:
0x0: {  	(tag) =	ssettag $0x1  }
0x1: {  	s2 =	rddreg [dreg:$0x0]  }
0x2: {  	s7 =	rddreg [dreg:$0x1]  }
0x3: {  	s0 =	rddreg [dreg:$0x2]  }
0x4: {  	s3 =	stileid.u32;
	[bflag:$0x3] =	sbarrier.arrive $0xFFFF;
	s1 =	simm.s32 $_size_execute1_lowered  }
0x5: {  	s29 =	srdreg.scid;
	s9 =	simm.s32 $0x2;
	p0 =	sne.s32 s3, $0x0  }
0x6: {  	s1 =	sshll.u32 s1, $0x1;
	s4 =	simm.s32 @!p0 $0x1C3F;
	s5 =	simm.s32 @!p0 $0x4060  }
0x7: {  	[timem:s5], [sflag:s4] =	dma.local @!p0 [hbm:s2], s1  }
0x8: {  	s13 =	simm.s32 $0x0;
	s10 =	simm.s32 $0x80;
	s2 =	sshll.u32 s29, $0x9  }
0x9: {  	s12 =	simm.s32 $0x0;
	s3 =	sshll.u32 s3, $0xA;
	s2 =	sand.u32 $0x200, s2  }
0xa: {  	s11 =	simm.s32 $0x0;
	_ =	strace $0x80000050;
	s2 =	sor.u32 s3, s2  }
0xb: {  	s3 =	sshll.u32 s2, $0x4;
	p1 =	slt.u32 s2, $0x2710;
	s31 =	smax.u32 s2, $0x2510  }
0xc: {  	s5 =	ssub.s32 $0x2710, s2;
	s4 =	sadd.s32 $0xFFFD8F00, s3;
	s6 =	sshll.u32 s31, $0x7  }
0xd: {  	s4 =	smov.u32 @p1 s3;
	s3 =	simm.s32 $0x1;
	p1 =	sgt.s32 s5, $0x0  }
0xe: {  	s6 =	ssub.s32 $0x138800, s6;
	s8 =	sadd.s32 s4, s7;
	[sflag:s3] =	ssyncpa.u1 $0x0  }
.Ltmp0:
0xf: {  	s5 =	simm.s32 @!p1 $0x0;
	s4 =	simm.s32 $0x1;
	(pc) =	sbr.rel .LBB2_1-.Ltmp0, $4  }
0x10: {  	s6 =	sshrl.u32 s6, $0x2;
	s7 =	sadd.s32 $0x57A400, s7;
	s30 =	sand.u32 $0x3F10, s5  }
0x11: {  	s5 =	simm.s32 $0x3;
	[sflag:s9] =	ssyncpa.u1 $0x0;
	p1 =	sne.s32 s30, $0x0  }
0x12: {  	s4 =	simm.s32 @!p1 $0x0;
	s5 =	simm.s32 @!p1 $0x2;
	p1 =	sgt.u32 s2, $0x270F  }
0x13: {  	s8 =	sadd.s32 $0x553200, s8;
	s9 =	simm.s32 $0x20;
	s6 =	simm.s32 @p1 $0x0  }
.LBB2_5:
0x14: {  	_ =	sdelay $0x3  }
0x15: {  	[tilespmem:v1+s16+$0x0 ss:$0x1] =	vst.idx.msk $0xffff, v2  }
.LBB2_6:
0x16: {  	s16 =	smulhi.u32 $0xD1B71759, s12;
	_ =	sdelay $0x1  }
0x17: {  	s16 =	sshrl.u32 s16, $0xD  }
0x18: {  	s16 =	smul.u32 $0x2710, s16;
	_ =	sdelay $0x1  }
0x19: {  	s16 =	ssub.s32 s12, s16  }
0x1a: {  	s16 =	sshll.u32 s16, $0x4  }
0x1b: {  	s16 =	sadd.s32 s7, s16  }
0x1c: {  	[hbm4b:s16+s9] =	stream.strided.scatter [tilespmem:s15], [sflag:$0x2], s14, s10, s9, $0x38;
	[tilespmem:$0x10000] =	vst v63  }
.LBB2_7:
0x1d: {  	p1 =	slt.u32 s11, $0x2  }
0x1e: {  	p2 =	sgt.s32 @!p1 s13, $0x2510  }
0x1f: {  	p2 =	por !p2, p1  }
0x20: {  	p3 =	sgt.s32 @!p1 s13, $0x270F;
	s13 =	simm.s32 @p2 $0x2510  }
0x21: {  	s13 =	sshll.u32 @!p1 s13, $0x7  }
0x22: {  	s13 =	ssub.s32 @!p1 $0x138800, s13  }
0x23: {  	s11 =	sadd.s32 $0x1, s11;
	p2 =	por !p3, p1;
	s13 =	sshrl.u32 @!p1 s13, $0x2  }
0x24: {  	s13 =	simm.s32 @!p2 $0x0;
	p2 =	sne.s32 s11, s5  }
.Ltmp1:
0x25: {  	_ = 	snop;
	(pc) =	sbr.rel @!p2 .LBB2_8-.Ltmp1, $4  }
0x26: {  	s14 =	simm.s32 @!p1 $0x2  }
0x27: {  	_ =	swait.ge @!p1 [sflag:s14], s13  }
0x28: {  	s15 =	ssub.s32 @!p1 $0x0, s13;
	[sflag:s14] =	ssyncset.done @!p1 $0x0  }
0x29: {  	s13 =	smov.u32 s12;
	s12 =	smov.u32 s2;
	[sflag:s14] =	ssyncadd.s32 @!p1 s15  }
.LBB2_1:
0x2a: {  	p1 =	sge.u32 s11, s4;
	s31 =	sadd.s32 $0xFFFFFFFF, s11  }
0x2b: {  	s14 =	simm.s32 @!p1 $0x20;
	s15 =	simm.s32 @!p1 $0x80;
	s16 =	simm.s32 @!p1 $0x4000  }
0x2c: {  	[tilespmem:s16], [sflag:$0x1] =	stream.strided.gather @!p1 [hbm4b:s8+s14], s6, s15, s14, $0x38;
	[tilespmem:$0x10000] =	vst v63  }
0x2d: {  	p1 =	sge.u32 s31, s4  }
.Ltmp2:
0x2e: {  	_ = 	snop;
	(pc) =	sbr.rel @p1 .LBB2_7-.Ltmp2, $1  }
0x2f: {  	_ =	sdelay $0x3  }
0x30: {  	p1 =	sgt.s32 s12, $0x2510;
	s14 =	smov.u32 s12  }
0x31: {  	s14 =	simm.s32 @!p1 $0x2510  }
0x32: {  	s14 =	sshll.u32 s14, $0x7  }
0x33: {  	s14 =	ssub.s32 $0x138800, s14  }
0x34: {  	p1 =	sgt.u32 s12, $0x270F;
	s14 =	sshrl.u32 s14, $0x2  }
0x35: {  	s15 =	smov.u32 s12;
	s14 =	simm.s32 @p1 $0x0;
	p1 =	slt.s32 s12, $0x2510  }
0x36: {  	s15 =	simm.s32 @!p1 $0x2510  }
0x37: {  	s16 =	ssub.s32 s15, s12  }
0x38: {  	p1 =	slt.s32 s16, $0xFFFFFE01  }
.Ltmp3:
0x39: {  	_ = 	snop;
	(pc) =	sbr.rel @p1 .LBB2_6-.Ltmp3, $4  }
0x3a: {  	_ = 	snop  }
0x3b: {  	s17 =	sshll.u32 s11, $0xE;
	_ =	swait.ge [sflag:s3], s14  }
0x3c: {  	s17 =	sand.u32 $0x4000, s17;
	s18 =	ssub.s32 $0x0, s14;
	[sflag:s3] =	ssyncset.done $0x0  }
0x3d: {  	s15 =	sor.u32 $0x8000, s17;
	[sflag:s3] =	ssyncadd.s32 s18  }
0x3e: {  	v0 =	vmov s17;
	_ =	sdelay $0x1  }
0x3f: {  	s30 =	sadd.s32 $0x200, s16  }
0x40: {  	s31 =	simm.s32 $0x0;
	p1 =	sne.s32 s30, $0x1  }
.Ltmp4:
0x41: {  	s16 =	sand.u32 $0x3FE0, s31;
	(pc) =	sbr.rel @!p1 .LBB2_5-.Ltmp4, $2  }
0x42: {  	v1 =	vmov s15;
	v2 =	vld.idx.msk [tilespmem:v0+s16+$0x0 ss:$0x1], $0xffff;
	_ =	sdelay $0x2  }
0x43: {  	s18 =	simm.s32 $0x20;
	s17 =	sadd.s32 $0xFFFFFFFF, s30  }
.LBB2_4:
0x44: {  	s19 =	sand.u32 $0x3FE0, s18;
	p1 =	sne.s32 s17, $0x1;
	s17 =	sadd.s32 $0xFFFFFFFF, s17  }
.Ltmp5:
0x45: {  	[tilespmem:v1+s16+$0x0 ss:$0x1] =	vst.idx.msk $0xffff, v2;
	v2 =	vld.idx.msk [tilespmem:v0+s19+$0x0 ss:$0x1], $0xffff;
	s16 =	smov.u32 s19;
	(pc) =	sbr.rel @p1 .LBB2_4-.Ltmp5, $2  }
0x46: {  	_ =	sdelay $0x2  }
0x47: {  	s18 =	sadd.s32 $0x20, s18  }
.Ltmp6:
0x48: {  	_ = 	snop;
	(pc) =	sbr.rel .LBB2_5-.Ltmp6, $1  }
0x49: {  	_ =	sdelay $0x3  }
.LBB2_8:
0x4a: {  	_ =	sfence.sel $0x180000  }
0x4b: {  	s2 =	simm.s32 $0x1;
	[bflag:$0x0] =	sbarrier.arrive $0xFFFF  }
0x4c: {  	s31 =	simm.s32 $0x2;
	[sflag:s2] =	ssyncpa.u1 $0x1  }
0x4d: {  	[sflag:s31] =	ssyncpa.u1 $0x1  }
0x4e: {  	_ =	strace $0x90000050  }
0x4f: {  	s0 =	sadd.s32 @!p0 $0x100000, s0;
	[bflag:$0x2] =	sbarrier.arrive $0xFFFF  }
0x50: {  	[sflag:s0] =	ssyncadd.tile.s32 @!p0 $0x1;
	s0 =	simm.s32 @!p0 $0x3F  }
0x51: {  	_ =	swait.ge @!p0 [sflag:s0], s1  }
0x52: {  	s1 =	ssub.s32 @!p0 $0x0, s1;
	[sflag:s0] =	ssyncset.done @!p0 $0x0  }
0x53: {  	[sflag:s0] =	ssyncadd.s32 @!p0 s1  }
0x54: {  	[bflag:$0x3] =	sbarrier.arrive $0xFFFF  }
0x55: {  	_ =	shalt  }
.Lfunc_end2:
execute1_lowered:
.L_overlay_start_2:
0x56: {  	(tag) =	ssettag $0x2  }
0x57: {  	s11 =	rddreg [dreg:$0x0]  }
0x58: {  	s2 =	rddreg [dreg:$0x1];
	_ =	strace $0x80000053;
	s12 =	simm.s32 $0x1  }
0x59: {  	v0 =	vimm.s32 $0x0;
	[sflag:s12] =	ssyncpa.u1 $0x0  }
0x5a: {  	[tilespmem:$0x28] =	vst v0  }
0x5b: {  	[tilespmem:$0x38] =	vst v0  }
0x5c: {  	[tilespmem:$0x48] =	vst v0  }
0x5d: {  	[tilespmem:$0x58] =	vst v0  }
0x5e: {  	[tilespmem:$0x68] =	vst v0  }
0x5f: {  	[tilespmem:$0x78] =	vst v0  }
0x60: {  	[tilespmem:$0x88] =	vst v0  }
0x61: {  	[tilespmem:$0x98] =	vst v0  }
0x62: {  	[tilespmem:$0xA8] =	vst v0  }
0x63: {  	[tilespmem:$0xB8] =	vst v0  }
0x64: {  	[tilespmem:$0xC8] =	vst v0  }
0x65: {  	[tilespmem:$0xD8] =	vst v0  }
0x66: {  	[tilespmem:$0xE8] =	vst v0  }
0x67: {  	[tilespmem:$0xF8] =	vst v0  }
0x68: {  	[tilespmem:$0x108] =	vst v0  }
0x69: {  	[tilespmem:$0x118] =	vst v0  }
0x6a: {  	[tilespmem:$0x128] =	vst v0  }
0x6b: {  	[tilespmem:$0x138] =	vst v0  }
0x6c: {  	[tilespmem:$0x148] =	vst v0  }
0x6d: {  	[tilespmem:$0x158] =	vst v0  }
0x6e: {  	[tilespmem:$0x168] =	vst v0  }
0x6f: {  	[tilespmem:$0x178] =	vst v0  }
0x70: {  	[tilespmem:$0x188] =	vst v0  }
0x71: {  	[tilespmem:$0x198] =	vst v0  }
0x72: {  	[tilespmem:$0x1A8] =	vst v0  }
0x73: {  	[tilespmem:$0x1B8] =	vst v0  }
0x74: {  	[tilespmem:$0x1C8] =	vst v0  }
0x75: {  	[tilespmem:$0x1D8] =	vst v0  }
0x76: {  	[tilespmem:$0x1E8] =	vst v0  }
0x77: {  	[tilespmem:$0x1F8] =	vst v0  }
0x78: {  	[tilespmem:$0x208] =	vst v0  }
0x79: {  	[tilespmem:$0x218] =	vst v0  }
0x7a: {  	[tilespmem:$0x228] =	vst v0  }
0x7b: {  	[tilespmem:$0x238] =	vst v0  }
0x7c: {  	[tilespmem:$0x248] =	vst v0  }
0x7d: {  	[tilespmem:$0x258] =	vst v0  }
0x7e: {  	[tilespmem:$0x268] =	vst v0  }
0x7f: {  	[tilespmem:$0x278] =	vst v0  }
0x80: {  	[tilespmem:$0x288] =	vst v0  }
0x81: {  	[tilespmem:$0x298] =	vst v0  }
0x82: {  	[tilespmem:$0x2A8] =	vst v0  }
0x83: {  	[tilespmem:$0x2B8] =	vst v0  }
0x84: {  	[tilespmem:$0x2C8] =	vst v0  }
0x85: {  	[tilespmem:$0x2D8] =	vst v0  }
0x86: {  	[tilespmem:$0x2E8] =	vst v0  }
0x87: {  	[tilespmem:$0x2F8] =	vst v0  }
0x88: {  	[tilespmem:$0x308] =	vst v0  }
0x89: {  	[tilespmem:$0x318] =	vst v0  }
0x8a: {  	[tilespmem:$0x328] =	vst v0  }
0x8b: {  	[tilespmem:$0x338] =	vst v0  }
0x8c: {  	[tilespmem:$0x348] =	vst v0  }
0x8d: {  	[tilespmem:$0x358] =	vst v0  }
0x8e: {  	[tilespmem:$0x368] =	vst v0  }
0x8f: {  	[tilespmem:$0x378] =	vst v0  }
0x90: {  	[tilespmem:$0x388] =	vst v0  }
0x91: {  	[tilespmem:$0x398] =	vst v0  }
0x92: {  	[tilespmem:$0x3A8] =	vst v0  }
0x93: {  	[tilespmem:$0x3B8] =	vst v0  }
0x94: {  	[tilespmem:$0x3C8] =	vst v0  }
0x95: {  	[tilespmem:$0x3D8] =	vst v0  }
0x96: {  	[tilespmem:$0x3E8] =	vst v0  }
0x97: {  	[tilespmem:$0x3F8] =	vst v0  }
0x98: {  	[tilespmem:$0x408] =	vst v0  }
0x99: {  	[tilespmem:$0x418] =	vst v0  }
0x9a: {  	[tilespmem:$0x428] =	vst v0  }
0x9b: {  	[tilespmem:$0x438] =	vst v0  }
0x9c: {  	[tilespmem:$0x448] =	vst v0  }
0x9d: {  	[tilespmem:$0x458] =	vst v0  }
0x9e: {  	[tilespmem:$0x468] =	vst v0  }
0x9f: {  	[tilespmem:$0x478] =	vst v0  }
0xa0: {  	[tilespmem:$0x488] =	vst v0  }
0xa1: {  	[tilespmem:$0x498] =	vst v0  }
0xa2: {  	[tilespmem:$0x4A8] =	vst v0  }
0xa3: {  	[tilespmem:$0x4B8] =	vst v0  }
0xa4: {  	[tilespmem:$0x4C8] =	vst v0  }
0xa5: {  	[tilespmem:$0x4D8] =	vst v0  }
0xa6: {  	[tilespmem:$0x4E8] =	vst v0  }
0xa7: {  	[tilespmem:$0x4F8] =	vst v0  }
0xa8: {  	[tilespmem:$0x508] =	vst v0  }
0xa9: {  	[tilespmem:$0x518] =	vst v0  }
0xaa: {  	[tilespmem:$0x528] =	vst v0  }
0xab: {  	[tilespmem:$0x538] =	vst v0  }
0xac: {  	[tilespmem:$0x548] =	vst v0  }
0xad: {  	[tilespmem:$0x558] =	vst v0  }
0xae: {  	[tilespmem:$0x568] =	vst v0  }
0xaf: {  	[tilespmem:$0x578] =	vst v0  }
0xb0: {  	[tilespmem:$0x588] =	vst v0  }
0xb1: {  	[tilespmem:$0x598] =	vst v0  }
0xb2: {  	[tilespmem:$0x5A8] =	vst v0  }
0xb3: {  	[tilespmem:$0x5B8] =	vst v0  }
0xb4: {  	[tilespmem:$0x5C8] =	vst v0  }
0xb5: {  	[tilespmem:$0x5D8] =	vst v0  }
0xb6: {  	[tilespmem:$0x5E8] =	vst v0  }
0xb7: {  	[tilespmem:$0x5F8] =	vst v0  }
0xb8: {  	[tilespmem:$0x608] =	vst v0  }
0xb9: {  	[tilespmem:$0x618] =	vst v0  }
0xba: {  	[tilespmem:$0x628] =	vst v0  }
0xbb: {  	[tilespmem:$0x638] =	vst v0  }
0xbc: {  	[tilespmem:$0x648] =	vst v0  }
0xbd: {  	[tilespmem:$0x658] =	vst v0  }
0xbe: {  	[tilespmem:$0x668] =	vst v0  }
0xbf: {  	[tilespmem:$0x678] =	vst v0  }
0xc0: {  	[tilespmem:$0x688] =	vst v0  }
0xc1: {  	[tilespmem:$0x698] =	vst v0  }
0xc2: {  	[tilespmem:$0x6A8] =	vst v0  }
0xc3: {  	[tilespmem:$0x6B8] =	vst v0  }
0xc4: {  	[tilespmem:$0x6C8] =	vst v0  }
0xc5: {  	[tilespmem:$0x6D8] =	vst v0  }
0xc6: {  	[tilespmem:$0x6E8] =	vst v0  }
0xc7: {  	[tilespmem:$0x6F8] =	vst v0  }
0xc8: {  	[tilespmem:$0x708] =	vst v0  }
0xc9: {  	[tilespmem:$0x718] =	vst v0  }
0xca: {  	[tilespmem:$0x728] =	vst v0  }
0xcb: {  	[tilespmem:$0x738] =	vst v0  }
0xcc: {  	[tilespmem:$0x748] =	vst v0  }
0xcd: {  	[tilespmem:$0x758] =	vst v0  }
0xce: {  	[tilespmem:$0x768] =	vst v0  }
0xcf: {  	[tilespmem:$0x778] =	vst v0  }
0xd0: {  	[tilespmem:$0x788] =	vst v0  }
0xd1: {  	[tilespmem:$0x798] =	vst v0  }
0xd2: {  	[tilespmem:$0x7A8] =	vst v0  }
0xd3: {  	[tilespmem:$0x7B8] =	vst v0  }
0xd4: {  	[tilespmem:$0x7C8] =	vst v0  }
0xd5: {  	[tilespmem:$0x7D8] =	vst v0  }
0xd6: {  	[tilespmem:$0x7E8] =	vst v0  }
0xd7: {  	[tilespmem:$0x7F8] =	vst v0  }
0xd8: {  	[tilespmem:$0x808] =	vst v0  }
0xd9: {  	[tilespmem:$0x818] =	vst v0  }
0xda: {  	[tilespmem:$0x828] =	vst v0  }
0xdb: {  	[tilespmem:$0x838] =	vst v0  }
0xdc: {  	[tilespmem:$0x848] =	vst v0  }
0xdd: {  	[tilespmem:$0x858] =	vst v0  }
0xde: {  	[tilespmem:$0x868] =	vst v0  }
0xdf: {  	[tilespmem:$0x878] =	vst v0  }
0xe0: {  	[tilespmem:$0x888] =	vst v0  }
0xe1: {  	[tilespmem:$0x898] =	vst v0  }
0xe2: {  	[tilespmem:$0x8A8] =	vst v0  }
0xe3: {  	[tilespmem:$0x8B8] =	vst v0  }
0xe4: {  	[tilespmem:$0x8C8] =	vst v0  }
0xe5: {  	[tilespmem:$0x8D8] =	vst v0  }
0xe6: {  	[tilespmem:$0x8E8] =	vst v0  }
0xe7: {  	[tilespmem:$0x8F8] =	vst v0  }
0xe8: {  	[tilespmem:$0x908] =	vst v0  }
0xe9: {  	[tilespmem:$0x918] =	vst v0  }
0xea: {  	[tilespmem:$0x928] =	vst v0  }
0xeb: {  	[tilespmem:$0x938] =	vst v0  }
0xec: {  	[tilespmem:$0x948] =	vst v0  }
0xed: {  	[tilespmem:$0x958] =	vst v0  }
0xee: {  	[tilespmem:$0x968] =	vst v0  }
0xef: {  	[tilespmem:$0x978] =	vst v0  }
0xf0: {  	[tilespmem:$0x988] =	vst v0  }
0xf1: {  	[tilespmem:$0x998] =	vst v0  }
0xf2: {  	[tilespmem:$0x9A8] =	vst v0  }
0xf3: {  	[tilespmem:$0x9B8] =	vst v0  }
0xf4: {  	[tilespmem:$0x9C8] =	vst v0  }
0xf5: {  	[tilespmem:$0x9D8] =	vst v0  }
0xf6: {  	[tilespmem:$0x9E8] =	vst v0  }
0xf7: {  	[tilespmem:$0x9F8] =	vst v0  }
0xf8: {  	[tilespmem:$0xA08] =	vst v0  }
0xf9: {  	[tilespmem:$0xA18] =	vst v0  }
0xfa: {  	[tilespmem:$0xA28] =	vst v0  }
0xfb: {  	[tilespmem:$0xA38] =	vst v0  }
0xfc: {  	[tilespmem:$0xA48] =	vst v0  }
0xfd: {  	[tilespmem:$0xA58] =	vst v0  }
0xfe: {  	[tilespmem:$0xA68] =	vst v0  }
0xff: {  	[tilespmem:$0xA78] =	vst v0  }
0x100: {  	[tilespmem:$0xA88] =	vst v0  }
0x101: {  	[tilespmem:$0xA98] =	vst v0  }
0x102: {  	[tilespmem:$0xAA8] =	vst v0  }
0x103: {  	[tilespmem:$0xAB8] =	vst v0  }
0x104: {  	[tilespmem:$0xAC8] =	vst v0  }
0x105: {  	[tilespmem:$0xAD8] =	vst v0  }
0x106: {  	[tilespmem:$0xAE8] =	vst v0  }
0x107: {  	[tilespmem:$0xAF8] =	vst v0  }
0x108: {  	[tilespmem:$0xB08] =	vst v0  }
0x109: {  	[tilespmem:$0xB18] =	vst v0  }
0x10a: {  	[tilespmem:$0xB28] =	vst v0  }
0x10b: {  	[tilespmem:$0xB38] =	vst v0  }
0x10c: {  	[tilespmem:$0xB48] =	vst v0  }
0x10d: {  	[tilespmem:$0xB58] =	vst v0  }
0x10e: {  	[tilespmem:$0xB68] =	vst v0  }
0x10f: {  	[tilespmem:$0xB78] =	vst v0  }
0x110: {  	[tilespmem:$0xB88] =	vst v0  }
0x111: {  	[tilespmem:$0xB98] =	vst v0  }
0x112: {  	[tilespmem:$0xBA8] =	vst v0  }
0x113: {  	[tilespmem:$0xBB8] =	vst v0  }
0x114: {  	[tilespmem:$0xBC8] =	vst v0  }
0x115: {  	[tilespmem:$0xBD8] =	vst v0  }
0x116: {  	[tilespmem:$0xBE8] =	vst v0  }
0x117: {  	[tilespmem:$0xBF8] =	vst v0  }
0x118: {  	[tilespmem:$0xC08] =	vst v0  }
0x119: {  	[tilespmem:$0xC18] =	vst v0  }
0x11a: {  	[tilespmem:$0xC28] =	vst v0  }
0x11b: {  	[tilespmem:$0xC38] =	vst v0  }
0x11c: {  	[tilespmem:$0xC48] =	vst v0  }
0x11d: {  	[tilespmem:$0xC58] =	vst v0  }
0x11e: {  	[tilespmem:$0xC68] =	vst v0  }
0x11f: {  	[tilespmem:$0xC78] =	vst v0  }
0x120: {  	[tilespmem:$0xC88] =	vst v0  }
0x121: {  	[tilespmem:$0xC98] =	vst v0  }
0x122: {  	[tilespmem:$0xCA8] =	vst v0  }
0x123: {  	[tilespmem:$0xCB8] =	vst v0  }
0x124: {  	[tilespmem:$0xCC8] =	vst v0  }
0x125: {  	[tilespmem:$0xCD8] =	vst v0  }
0x126: {  	[tilespmem:$0xCE8] =	vst v0  }
0x127: {  	[tilespmem:$0xCF8] =	vst v0  }
0x128: {  	[tilespmem:$0xD08] =	vst v0  }
0x129: {  	[tilespmem:$0xD18] =	vst v0  }
0x12a: {  	[tilespmem:$0xD28] =	vst v0  }
0x12b: {  	[tilespmem:$0xD38] =	vst v0  }
0x12c: {  	[tilespmem:$0xD48] =	vst v0  }
0x12d: {  	[tilespmem:$0xD58] =	vst v0  }
0x12e: {  	[tilespmem:$0xD68] =	vst v0  }
0x12f: {  	[tilespmem:$0xD78] =	vst v0  }
0x130: {  	[tilespmem:$0xD88] =	vst v0  }
0x131: {  	[tilespmem:$0xD98] =	vst v0  }
0x132: {  	[tilespmem:$0xDA8] =	vst v0  }
0x133: {  	[tilespmem:$0xDB8] =	vst v0  }
0x134: {  	[tilespmem:$0xDC8] =	vst v0  }
0x135: {  	[tilespmem:$0xDD8] =	vst v0  }
0x136: {  	[tilespmem:$0xDE8] =	vst v0  }
0x137: {  	[tilespmem:$0xDF8] =	vst v0  }
0x138: {  	[tilespmem:$0xE08] =	vst v0  }
0x139: {  	[tilespmem:$0xE18] =	vst v0  }
0x13a: {  	[tilespmem:$0xE28] =	vst v0  }
0x13b: {  	[tilespmem:$0xE38] =	vst v0  }
0x13c: {  	[tilespmem:$0xE48] =	vst v0  }
0x13d: {  	[tilespmem:$0xE58] =	vst v0  }
0x13e: {  	[tilespmem:$0xE68] =	vst v0  }
0x13f: {  	[tilespmem:$0xE78] =	vst v0  }
0x140: {  	[tilespmem:$0xE88] =	vst v0  }
0x141: {  	[tilespmem:$0xE98] =	vst v0  }
0x142: {  	[tilespmem:$0xEA8] =	vst v0  }
0x143: {  	[tilespmem:$0xEB8] =	vst v0  }
0x144: {  	[tilespmem:$0xEC8] =	vst v0  }
0x145: {  	[tilespmem:$0xED8] =	vst v0  }
0x146: {  	[tilespmem:$0xEE8] =	vst v0  }
0x147: {  	[tilespmem:$0xEF8] =	vst v0  }
0x148: {  	[tilespmem:$0xF08] =	vst v0  }
0x149: {  	[tilespmem:$0xF18] =	vst v0  }
0x14a: {  	[tilespmem:$0xF28] =	vst v0  }
0x14b: {  	[tilespmem:$0xF38] =	vst v0  }
0x14c: {  	[tilespmem:$0xF48] =	vst v0  }
0x14d: {  	[tilespmem:$0xF58] =	vst v0  }
0x14e: {  	[tilespmem:$0xF68] =	vst v0  }
0x14f: {  	[tilespmem:$0xF78] =	vst v0  }
0x150: {  	[tilespmem:$0xF88] =	vst v0  }
0x151: {  	[tilespmem:$0xF98] =	vst v0  }
0x152: {  	[tilespmem:$0xFA8] =	vst v0  }
0x153: {  	[tilespmem:$0xFB8] =	vst v0  }
0x154: {  	[tilespmem:$0xFC8] =	vst v0  }
0x155: {  	[tilespmem:$0xFD8] =	vst v0  }
0x156: {  	[tilespmem:$0xFE8] =	vst v0  }
0x157: {  	[tilespmem:$0xFF8] =	vst v0  }
0x158: {  	[tilespmem:$0x1028] =	vst v0  }
0x159: {  	[tilespmem:$0x10E8] =	vst v0  }
0x15a: {  	[tilespmem:$0x1068] =	vst v0  }
0x15b: {  	[tilespmem:$0x1B28] =	vst v0  }
0x15c: {  	[tilespmem:$0x1B18] =	vst v0  }
0x15d: {  	[tilespmem:$0x1B08] =	vst v0  }
0x15e: {  	[tilespmem:$0x1AF8] =	vst v0  }
0x15f: {  	[tilespmem:$0x1AE8] =	vst v0  }
0x160: {  	[tilespmem:$0x1AD8] =	vst v0  }
0x161: {  	[tilespmem:$0x1AC8] =	vst v0  }
0x162: {  	[tilespmem:$0x1AB8] =	vst v0  }
0x163: {  	[tilespmem:$0x1AA8] =	vst v0  }
0x164: {  	[tilespmem:$0x1A98] =	vst v0  }
0x165: {  	[tilespmem:$0x1A88] =	vst v0  }
0x166: {  	[tilespmem:$0x1A78] =	vst v0  }
0x167: {  	[tilespmem:$0x1A68] =	vst v0  }
0x168: {  	[tilespmem:$0x1A58] =	vst v0  }
0x169: {  	[tilespmem:$0x1A48] =	vst v0  }
0x16a: {  	[tilespmem:$0x1A38] =	vst v0  }
0x16b: {  	[tilespmem:$0x1A28] =	vst v0  }
0x16c: {  	[tilespmem:$0x1A18] =	vst v0  }
0x16d: {  	[tilespmem:$0x1A08] =	vst v0  }
0x16e: {  	[tilespmem:$0x19F8] =	vst v0  }
0x16f: {  	[tilespmem:$0x19E8] =	vst v0  }
0x170: {  	[tilespmem:$0x19D8] =	vst v0  }
0x171: {  	[tilespmem:$0x19C8] =	vst v0  }
0x172: {  	[tilespmem:$0x19B8] =	vst v0  }
0x173: {  	[tilespmem:$0x19A8] =	vst v0  }
0x174: {  	[tilespmem:$0x1998] =	vst v0  }
0x175: {  	[tilespmem:$0x1988] =	vst v0  }
0x176: {  	[tilespmem:$0x1978] =	vst v0  }
0x177: {  	[tilespmem:$0x1968] =	vst v0  }
0x178: {  	[tilespmem:$0x1958] =	vst v0  }
0x179: {  	[tilespmem:$0x1948] =	vst v0  }
0x17a: {  	[tilespmem:$0x1938] =	vst v0  }
0x17b: {  	[tilespmem:$0x1928] =	vst v0  }
0x17c: {  	[tilespmem:$0x1918] =	vst v0  }
0x17d: {  	[tilespmem:$0x1908] =	vst v0  }
0x17e: {  	[tilespmem:$0x18F8] =	vst v0  }
0x17f: {  	[tilespmem:$0x18E8] =	vst v0  }
0x180: {  	[tilespmem:$0x18D8] =	vst v0  }
0x181: {  	[tilespmem:$0x18C8] =	vst v0  }
0x182: {  	[tilespmem:$0x18B8] =	vst v0  }
0x183: {  	[tilespmem:$0x18A8] =	vst v0  }
0x184: {  	[tilespmem:$0x1898] =	vst v0  }
0x185: {  	[tilespmem:$0x1888] =	vst v0  }
0x186: {  	[tilespmem:$0x1878] =	vst v0  }
0x187: {  	[tilespmem:$0x1868] =	vst v0  }
0x188: {  	[tilespmem:$0x1858] =	vst v0  }
0x189: {  	[tilespmem:$0x1848] =	vst v0  }
0x18a: {  	[tilespmem:$0x1838] =	vst v0  }
0x18b: {  	[tilespmem:$0x1828] =	vst v0  }
0x18c: {  	[tilespmem:$0x1818] =	vst v0  }
0x18d: {  	[tilespmem:$0x1808] =	vst v0  }
0x18e: {  	[tilespmem:$0x17F8] =	vst v0  }
0x18f: {  	[tilespmem:$0x17E8] =	vst v0  }
0x190: {  	[tilespmem:$0x17D8] =	vst v0  }
0x191: {  	[tilespmem:$0x17C8] =	vst v0  }
0x192: {  	[tilespmem:$0x17B8] =	vst v0  }
0x193: {  	[tilespmem:$0x17A8] =	vst v0  }
0x194: {  	[tilespmem:$0x1798] =	vst v0  }
0x195: {  	[tilespmem:$0x1788] =	vst v0  }
0x196: {  	[tilespmem:$0x1778] =	vst v0  }
0x197: {  	[tilespmem:$0x1768] =	vst v0  }
0x198: {  	[tilespmem:$0x1758] =	vst v0  }
0x199: {  	[tilespmem:$0x1748] =	vst v0  }
0x19a: {  	[tilespmem:$0x1738] =	vst v0  }
0x19b: {  	[tilespmem:$0x1728] =	vst v0  }
0x19c: {  	[tilespmem:$0x1718] =	vst v0  }
0x19d: {  	[tilespmem:$0x1708] =	vst v0  }
0x19e: {  	[tilespmem:$0x16F8] =	vst v0  }
0x19f: {  	[tilespmem:$0x16E8] =	vst v0  }
0x1a0: {  	[tilespmem:$0x16D8] =	vst v0  }
0x1a1: {  	[tilespmem:$0x16C8] =	vst v0  }
0x1a2: {  	[tilespmem:$0x16B8] =	vst v0  }
0x1a3: {  	[tilespmem:$0x16A8] =	vst v0  }
0x1a4: {  	[tilespmem:$0x1698] =	vst v0  }
0x1a5: {  	[tilespmem:$0x1688] =	vst v0  }
0x1a6: {  	[tilespmem:$0x1678] =	vst v0  }
0x1a7: {  	[tilespmem:$0x1668] =	vst v0  }
0x1a8: {  	[tilespmem:$0x1658] =	vst v0  }
0x1a9: {  	[tilespmem:$0x1648] =	vst v0  }
0x1aa: {  	[tilespmem:$0x1638] =	vst v0  }
0x1ab: {  	[tilespmem:$0x1628] =	vst v0  }
0x1ac: {  	[tilespmem:$0x1618] =	vst v0  }
0x1ad: {  	[tilespmem:$0x1608] =	vst v0  }
0x1ae: {  	[tilespmem:$0x15F8] =	vst v0  }
0x1af: {  	[tilespmem:$0x15E8] =	vst v0  }
0x1b0: {  	[tilespmem:$0x15D8] =	vst v0  }
0x1b1: {  	[tilespmem:$0x15C8] =	vst v0  }
0x1b2: {  	[tilespmem:$0x15B8] =	vst v0  }
0x1b3: {  	[tilespmem:$0x15A8] =	vst v0  }
0x1b4: {  	[tilespmem:$0x1598] =	vst v0  }
0x1b5: {  	[tilespmem:$0x1588] =	vst v0  }
0x1b6: {  	[tilespmem:$0x1578] =	vst v0  }
0x1b7: {  	[tilespmem:$0x1568] =	vst v0  }
0x1b8: {  	[tilespmem:$0x1558] =	vst v0  }
0x1b9: {  	[tilespmem:$0x1548] =	vst v0  }
0x1ba: {  	[tilespmem:$0x1538] =	vst v0  }
0x1bb: {  	[tilespmem:$0x1528] =	vst v0  }
0x1bc: {  	[tilespmem:$0x1518] =	vst v0  }
0x1bd: {  	[tilespmem:$0x1508] =	vst v0  }
0x1be: {  	[tilespmem:$0x14F8] =	vst v0  }
0x1bf: {  	[tilespmem:$0x14E8] =	vst v0  }
0x1c0: {  	[tilespmem:$0x14D8] =	vst v0  }
0x1c1: {  	[tilespmem:$0x14C8] =	vst v0  }
0x1c2: {  	[tilespmem:$0x14B8] =	vst v0  }
0x1c3: {  	[tilespmem:$0x14A8] =	vst v0  }
0x1c4: {  	[tilespmem:$0x1498] =	vst v0  }
0x1c5: {  	[tilespmem:$0x1488] =	vst v0  }
0x1c6: {  	[tilespmem:$0x1478] =	vst v0  }
0x1c7: {  	[tilespmem:$0x1468] =	vst v0  }
0x1c8: {  	[tilespmem:$0x1458] =	vst v0  }
0x1c9: {  	[tilespmem:$0x1448] =	vst v0  }
0x1ca: {  	[tilespmem:$0x1438] =	vst v0  }
0x1cb: {  	[tilespmem:$0x1428] =	vst v0  }
0x1cc: {  	[tilespmem:$0x1418] =	vst v0  }
0x1cd: {  	[tilespmem:$0x1408] =	vst v0  }
0x1ce: {  	[tilespmem:$0x13F8] =	vst v0  }
0x1cf: {  	[tilespmem:$0x13E8] =	vst v0  }
0x1d0: {  	[tilespmem:$0x13D8] =	vst v0  }
0x1d1: {  	[tilespmem:$0x13C8] =	vst v0  }
0x1d2: {  	[tilespmem:$0x13B8] =	vst v0  }
0x1d3: {  	[tilespmem:$0x13A8] =	vst v0  }
0x1d4: {  	[tilespmem:$0x1398] =	vst v0  }
0x1d5: {  	[tilespmem:$0x1388] =	vst v0  }
0x1d6: {  	[tilespmem:$0x1378] =	vst v0  }
0x1d7: {  	[tilespmem:$0x1368] =	vst v0  }
0x1d8: {  	[tilespmem:$0x1358] =	vst v0  }
0x1d9: {  	[tilespmem:$0x1348] =	vst v0  }
0x1da: {  	[tilespmem:$0x1338] =	vst v0  }
0x1db: {  	[tilespmem:$0x1328] =	vst v0  }
0x1dc: {  	[tilespmem:$0x1318] =	vst v0  }
0x1dd: {  	[tilespmem:$0x1308] =	vst v0  }
0x1de: {  	[tilespmem:$0x12F8] =	vst v0  }
0x1df: {  	[tilespmem:$0x12E8] =	vst v0  }
0x1e0: {  	[tilespmem:$0x12D8] =	vst v0  }
0x1e1: {  	[tilespmem:$0x12C8] =	vst v0  }
0x1e2: {  	[tilespmem:$0x12B8] =	vst v0  }
0x1e3: {  	[tilespmem:$0x12A8] =	vst v0  }
0x1e4: {  	[tilespmem:$0x1298] =	vst v0  }
0x1e5: {  	[tilespmem:$0x1288] =	vst v0  }
0x1e6: {  	[tilespmem:$0x1278] =	vst v0  }
0x1e7: {  	[tilespmem:$0x1268] =	vst v0  }
0x1e8: {  	[tilespmem:$0x1258] =	vst v0  }
0x1e9: {  	[tilespmem:$0x1248] =	vst v0  }
0x1ea: {  	[tilespmem:$0x1238] =	vst v0  }
0x1eb: {  	[tilespmem:$0x1228] =	vst v0  }
0x1ec: {  	[tilespmem:$0x1218] =	vst v0  }
0x1ed: {  	[tilespmem:$0x1208] =	vst v0  }
0x1ee: {  	[tilespmem:$0x11F8] =	vst v0  }
0x1ef: {  	[tilespmem:$0x11E8] =	vst v0  }
0x1f0: {  	[tilespmem:$0x11D8] =	vst v0  }
0x1f1: {  	[tilespmem:$0x11C8] =	vst v0  }
0x1f2: {  	[tilespmem:$0x11B8] =	vst v0  }
0x1f3: {  	[tilespmem:$0x11A8] =	vst v0  }
0x1f4: {  	[tilespmem:$0x1198] =	vst v0  }
0x1f5: {  	[tilespmem:$0x1188] =	vst v0  }
0x1f6: {  	[tilespmem:$0x1178] =	vst v0  }
0x1f7: {  	[tilespmem:$0x1168] =	vst v0  }
0x1f8: {  	[tilespmem:$0x1158] =	vst v0  }
0x1f9: {  	[tilespmem:$0x1148] =	vst v0  }
0x1fa: {  	[tilespmem:$0x1138] =	vst v0  }
0x1fb: {  	[tilespmem:$0x1128] =	vst v0  }
0x1fc: {  	[tilespmem:$0x1118] =	vst v0  }
0x1fd: {  	s4 =	stileid.u32;
	[tilespmem:$0x1108] =	vst v0  }
0x1fe: {  	s0 =	smul.u32 $0x17, s4;
	[tilespmem:$0x10F8] =	vst v0  }
0x1ff: {  	s1 =	smin.u32 s4, $0x3;
	[tilespmem:$0x10C8] =	vst v0  }
0x200: {  	[tilespmem:$0x10D8] =	vst v0;
	s0 =	sadd.s32 s1, s0  }
0x201: {  	p0 =	slt.u32 s4, $0x3;
	[tilespmem:$0x10B8] =	vst v0;
	s1 =	simm.s32 $0x2880;
	s6 =	smul.u32 $0x1B0, s0  }
0x202: {  	s1 =	simm.s32 @!p0 $0x26D0;
	[tilespmem:$0x1038] =	vst v0  }
0x203: {  	[tilespmem:$0x10A8] =	vst v0;
	s0 =	sadd.s32 s1, s6  }
0x204: {  	s3 =	simm.s32 $0x2;
	s8 =	simm.s32 $0x9;
	[tilespmem:$0x1098] =	vst v0;
	s7 =	smin.u32 s0, $0x27100  }
0x205: {  	s10 =	simm.s32 $0xA;
	s30 =	simm.s32 $0xB;
	[tilespmem:$0x1088] =	vst v0;
	s0 =	ssub.s32 s7, s6  }
0x206: {  	s16 =	simm.s32 $0x0;
	p4 =	por $0x0, $0x0;
	[tilespmem:$0x1078] =	vst v0;
	p0 =	sgt.s32 s0, $0x0  }
0x207: {  	s17 =	simm.s32 $0xC;
	s21 =	simm.s32 $0x0;
	[tilespmem:$0x1058] =	vst v0;
	s0 =	simm.s32 @!p0 $0x0  }
0x208: {  	s18 =	simm.s32 $0x0;
	s2 =	sand.u32 $0x1, s2;
	[tilespmem:$0x1048] =	vst v0;
	s29 =	smulhi.u32 $0x4BDA12F7, s0  }
0x209: {  	s20 =	simm.s32 $0x0;
	s31 =	sshll.u32 s4, $0x5;
	[tilespmem:$0x1018] =	vst v0;
	[dreg:$0x5] =	wrdreg s2  }
0x20a: {  	s2 =	smul.u32 $0x4E20, s2;
	[tilespmem:$0x1008] =	vst v0;
	[sflag:s3] =	ssyncpa.u1 $0x0;
	s1 =	sshrl.u32 s29, $0x7  }
0x20b: {  	v0 =	vimm.s32 $0xFFFFFFFF;
	s3 =	sadd.s32 $0x57A400, s11;
	[dreg:$0x4] =	wrdreg s31;
	s5 =	smul.u32 $0x1B0, s1  }
.Ltmp7:
0x20c: {  	[tilespmem:$0x3648] =	vst v0;
	[sflag:s8] =	ssyncpa.u1 $0x0;
	s2 =	sadd.s32 s2, s11;
	(pc) =	sbr.rel .LBB3_1-.Ltmp7, $4  }
0x20d: {  	[sflag:s10] =	ssyncpa.u1 $0x0;
	s11 =	sadd.s32 $0x71200, s11;
	p0 =	sne.s32 s0, s5  }
0x20e: {  	[sflag:s30] =	ssyncpa.u1 $0x0;
	s14 =	sadd.s32 $0xEA00, s2;
	s12 =	simm.s32 @!p0 $0x0  }
0x20f: {  	s15 =	sadd.s32 $0x4C00, s2;
	s19 =	smov.u32 s6;
	s12 =	sadd.s32 s12, s1  }
0x210: {  	v0 =	vlaneseq.u32;
	[dreg:$0x6] =	wrdreg s6;
	p0 =	por $0x1, $0x1;
	s4 =	sadd.s32 $0x1, s12  }
.LBB3_18:
0x211: {  	s0 =	simm.s32 $0x2  }
0x212: {  	_ =	swait.ge [sflag:s0], $0x0  }
0x213: {  	[sflag:s0] =	ssyncset.done $0x0;
	s0 =	simm.s32 $0x0  }
.LBB3_19:
0x214: {  	_ =	swait.ge [sflag:s17], s0  }
0x215: {  	s31 =	ssub.s32 $0x0, s0;
	v1 =	vmov s23;
	vm0 =	veq.s32 v0, $0x0;
	[sflag:s17] =	ssyncset.done $0x0  }
0x216: {  	vm15 =	veq.s32 v0, $0x2;
	v1 =	vsel vm0, s28, v1;
	[sflag:s17] =	ssyncadd.s32 s31  }
0x217: {  	v1 =	vsel vm15, s21, v1;
	[sflag:s17] =	ssyncpa.u1 $0x1  }
0x218: {  	[tilespmem:$0x3648] =	vst v1  }
.LBB3_20:
0x219: {  	s0 =	sadd.s32 $0x1B0, s19  }
0x21a: {  	s1 =	smov.u32 s6;
	p1 =	slt.s32 s0, s7  }
0x21b: {  	s1 =	smov.u32 @p1 s0;
	p1 =	sne.s32 s20, s4  }
.Ltmp8:
0x21c: {  	_ = 	snop;
	(pc) =	sbr.rel @!p1 .LBB3_21-.Ltmp8, $4  }
0x21d: {  	_ = 	snop  }
0x21e: {  	s21 =	smov.u32 s18  }
0x21f: {  	s31 =	sadd.s32 $0x1, s20;
	s18 =	smov.u32 s19;
	p0 =	por !p0, !p0  }
0x220: {  	p4 =	por !p4, !p4;
	s20 =	smov.u32 s31;
	s19 =	smov.u32 s1  }
.LBB3_1:
0x221: {  	p2 =	sge.u32 s20, s12  }
0x222: {  	s0 =	smulhi.u32 @!p2 $0xAAAAAAAB, s20  }
0x223: {  	s1 =	smov.u32 s19;
	p3 =	sgt.s32 @!p2 s19, $0x26F50  }
0x224: {  	s2 =	sshra.s32 @!p2 s19, $0x1F;
	p3 =	por !p3, p2;
	s0 =	sshrl.u32 @!p2 s0, $0x1  }
0x225: {  	s2 =	sand.u32 @!p2 s2, s19;
	s1 =	simm.s32 @p3 $0x26F50;
	s0 =	smul.u32 @!p2 $0x3, s0  }
0x226: {  	s1 =	ssub.s32 @!p2 s1, s2  }
0x227: {  	s23 =	sadd.s32 $0xFFFFFFFF, s20;
	s1 =	sadd.s32 @!p2 $0xFFFD90B0, s1;
	s0 =	ssub.s32 @!p2 s20, s0  }
0x228: {  	s2 =	sshll.u32 @!p2 s1, $0x2;
	p3 =	sgt.s32 @!p2 s1, $0x1AF;
	s0 =	smul.u32 @!p2 $0x6C0, s0  }
0x229: {  	s5 =	sand.u32 @!p2 $0x7, s19;
	s1 =	ssub.s32 @!p2 $0x6C0, s2;
	p3 =	por !p3, p2  }
0x22a: {  	s2 =	sshrl.u32 @!p2 s19, $0x3;
	s1 =	sshrl.u32 @!p2 s1, $0x2;
	s0 =	sshrl.u32 @!p2 s0, $0x2  }
0x22b: {  	s2 =	sadd.s32 @!p2 s2, s14;
	s1 =	simm.s32 @!p3 $0x0;
	s0 =	sadd.s32 @!p2 $0x3888, s0  }
0x22c: {  	[tilespmem:s0], [sflag:$0xA] =	stream.linear.gather @!p2 [hbm4b:s2+s5], s1, $0x38;
	[tilespmem:$0x1F0F8] =	vst v63  }
0x22d: {  	p2 =	sge.u32 s23, s12  }
0x22e: {  	p3 =	sgt.s32 @!p2 s18, $0x26F50  }
0x22f: {  	s0 =	smov.u32 s18;
	s1 =	sshra.s32 @!p2 s18, $0x1F;
	p3 =	por !p3, p2  }
0x230: {  	s1 =	sand.u32 @!p2 s1, s18;
	s0 =	simm.s32 @p3 $0x26F50  }
0x231: {  	s0 =	ssub.s32 @!p2 s0, s1  }
0x232: {  	s0 =	sadd.s32 @!p2 $0xFFFD90B0, s0  }
0x233: {  	s1 =	sshll.u32 @!p2 s0, $0x2  }
0x234: {  	p3 =	sgt.s32 @!p2 s0, $0x1AF;
	s0 =	ssub.s32 @!p2 $0x6C0, s1  }
0x235: {  	s22 =	ssub.s32 @!p2 $0x27100, s18;
	p3 =	por !p3, p2;
	s0 =	sshrl.u32 @!p2 s0, $0x2  }
0x236: {  	s1 =	sand.u32 @!p2 $0x1, s23;
	s0 =	simm.s32 @!p3 $0x0;
	p3 =	slt.s32 @!p2 s22, $0x1  }
0x237: {  	s2 =	simm.s32 @!p2 $0xA;
	s1 =	smul.u32 @!p2 $0x6C0, s1;
	p3 =	por p2, p3  }
.Ltmp9:
0x238: {  	_ =	swait.ge @!p2 [sflag:s2], s0;
	(pc) =	sbr.rel @p3 .LBB3_7-.Ltmp9, $4  }
0x239: {  	s5 =	ssub.s32 @!p2 $0x0, s0;
	[sflag:s2] =	ssyncset.done @!p2 $0x0  }
0x23a: {  	s1 =	sshrl.u32 @!p2 s1, $0x2;
	[sflag:s2] =	ssyncadd.s32 @!p2 s5;
	s2 =	sshrl.u32 @!p2 s18, $0x3  }
0x23b: {  	s1 =	sadd.s32 @!p2 $0x3D98, s1;
	s5 =	sand.u32 @!p2 $0x7, s18;
	s2 =	sadd.s32 @!p2 s2, s15  }
0x23c: {  	[tilespmem:s1], [sflag:$0xB] =	stream.linear.gather @!p2 [hbm4b:s2+s5], s0, $0x38;
	[tilespmem:$0x1F0F8] =	vst v63  }
0x23d: {  	s0 =	smulhi.u32 $0xAAAAAAAB, s23;
	_ =	sdelay $0x1  }
0x23e: {  	s0 =	sshrl.u32 s0, $0x1  }
0x23f: {  	s0 =	smul.u32 $0x3, s0;
	_ =	sdelay $0x1  }
0x240: {  	s0 =	ssub.s32 s23, s0  }
0x241: {  	s1 =	simm.s32 $0x1;
	s0 =	smul.u32 $0x6C0, s0  }
.Ltmp10:
0x242: {  	s1 =	simm.s32 @!p0 $0x0;
	(pc) =	sbr.rel .LBB3_4-.Ltmp10, $4  }
0x243: {  	s1 =	smul.u32 $0x36000, s1  }
0x244: {  	p3 =	slt.s32 @!p2 s22, $0x1B0;
	s0 =	sshrl.u32 s0, $0x2  }
0x245: {  	p2 =	por !p3, p2;
	s1 =	sshrl.u32 s1, $0x2;
	s0 =	sadd.s32 $0x3888, s0  }
0x246: {  	s24 =	simm.s32 $0x0;
	s22 =	simm.s32 @p2 $0x1B0;
	s23 =	sadd.s32 $0x40F8, s1;
	v1 =	vmov s0  }
.LBB3_3:
0x247: {  	p2 =	sge.s32 s24, s22  }
.Ltmp11:
0x248: {  	_ = 	snop;
	(pc) =	sbr.rel @p2 .LBB3_7-.Ltmp11, $2  }
0x249: {  	_ =	sdelay $0x2  }
0x24a: {  	s23 =	sadd.s32 $0x800, s23  }
.LBB3_4:
0x24b: {  	p2 =	sle.s32 s22, s24  }
.Ltmp12:
0x24c: {  	_ = 	snop;
	(pc) =	sbr.rel @p2 .LBB3_3-.Ltmp12, $2  }
0x24d: {  	_ =	sdelay $0x2  }
0x24e: {  	s0 =	smov.u32 s24;
	s24 =	sadd.s32 $0x10, s24  }
0x24f: {  	s1 =	ssub.s32 s22, s0  }
0x250: {  	p2 =	slt.s32 s1, $0x10  }
0x251: {  	s1 =	simm.s32 @!p2 $0x10  }
0x252: {  	v2 =	vmov s1  }
0x253: {  	vm0 =	vgt.s32 v2, v0;
	_ =	sdelay $0x5  }
0x254: {  	v2 =	vld.idx.msk [tilespmem:v1+s0+$0x0 ss:$0x1], vm0;
	_ =	sdelay $0x2  }
0x255: {  	p2 =	slt.s32 s24, s22;
	s1 =	smov.u32 s22  }
0x256: {  	s2 =	smov.u32 s23;
	s25 =	simm.s32 $0x0;
	s1 =	smov.u32 @p2 s24  }
.LBB3_6:
0x257: {  	(v2sf) =	vpush v2, s25;
	_ =	sdelay $0xc  }
0x258: {  	s25 =	sadd.s32 $0x1, s25  }
0x259: {  	s31 =	sadd.s32 s25, s0  }
0x25a: {  	p2 =	slt.s32 s31, s1;
	s5 =	spop (v2sf)  }
.Ltmp13:
0x25b: {  	s5 =	sshll.u32 s5, $0x4;
	(pc) =	sbr.rel @p2 .LBB3_6-.Ltmp13, $4  }
0x25c: {  	s5 =	sand.u32 $0x1FFFFFF0, s5  }
0x25d: {  	s5 =	sadd.s32 s11, s5  }
0x25e: {  	[tilespmem:s2], [sflag:$0x9] =	stream.linear.gather [hbm4b:s5+s16], $0x4, $0x38;
	[tilespmem:$0x1F0F8] =	vst v63  }
0x25f: {  	s2 =	sadd.s32 $0x80, s2  }
.Ltmp14:
0x260: {  	_ = 	snop;
	(pc) =	sbr.rel .LBB3_3-.Ltmp14, $1  }
0x261: {  	_ =	sdelay $0x3  }
.LBB3_7:
0x262: {  	p2 =	slt.u32 s20, $0x2  }
.Ltmp15:
0x263: {  	_ = 	snop;
	(pc) =	sbr.rel @p2 .LBB3_20-.Ltmp15, $1  }
0x264: {  	_ =	sdelay $0x3  }
0x265: {  	p2 =	sgt.s32 s21, $0x26F50  }
0x266: {  	s0 =	smov.u32 s21;
	s1 =	sshra.s32 s21, $0x1F;
	s2 =	ssub.s32 $0x27100, s21  }
0x267: {  	s0 =	simm.s32 @!p2 $0x26F50;
	s1 =	sand.u32 s1, s21;
	p2 =	slt.s32 s2, $0x1B0  }
0x268: {  	s0 =	ssub.s32 s0, s1;
	s2 =	simm.s32 @!p2 $0x1B0  }
0x269: {  	s0 =	sadd.s32 $0xFFFD90B0, s0;
	s24 =	sshll.u32 s2, $0x2  }
0x26a: {  	s28 =	simm.s32 $0x9;
	s25 =	sshll.u32 s0, $0x2;
	s1 =	sand.u32 $0x3FFFFFFC, s24  }
0x26b: {  	p2 =	sgt.s32 s0, $0x1AF;
	s26 =	ssub.s32 $0x6C0, s25;
	_ =	swait.ge [sflag:s28], s1  }
0x26c: {  	s1 =	ssub.s32 $0x0, s1;
	[sflag:s28] =	ssyncset.done $0x0;
	s0 =	sshrl.u32 s26, $0x2  }
0x26d: {  	s30 =	simm.s32 $0xB;
	[sflag:s28] =	ssyncadd.s32 s1;
	s0 =	simm.s32 @p2 $0x0  }
0x26e: {  	_ =	swait.ge [sflag:s30], s0  }
0x26f: {  	s0 =	ssub.s32 $0x0, s0;
	[sflag:s30] =	ssyncset.done $0x0  }
0x270: {  	[sflag:s30] =	ssyncadd.s32 s0  }
0x271: {  	v1 =	vld [tilespmem:$0x3648];
	_ =	sdelay $0x4  }
0x272: {  	(v2sf) =	vpush v1, $0x0  }
0x273: {  	(v2sf) =	vpush v1, $0x1  }
0x274: {  	(v2sf) =	vpush v1, $0x2;
	_ =	sdelay $0x3  }
0x275: {  	s0 =	sadd.s32 $0x1B0, s21  }
0x276: {  	s1 =	ssub.s32 $0x4E200, s21;
	p2 =	slt.s32 s7, s0  }
0x277: {  	s0 =	smov.u32 @p2 s7;
	p2 =	sgt.s32 s1, $0x0  }
0x278: {  	s25 =	ssub.s32 s0, s21;
	s1 =	simm.s32 @!p2 $0x0  }
0x279: {  	p2 =	slt.s32 s1, s25  }
0x27a: {  	s25 =	smov.u32 @p2 s1  }
0x27b: {  	s24 =	simm.s32 $0x1;
	p2 =	slt.s32 s25, $0x1  }
.Ltmp16:
0x27c: {  	s24 =	simm.s32 @!p4 $0x0;
	(pc) =	sbr.rel @p2 .LBB3_12-.Ltmp16, $4  }
0x27d: {  	s31 =	smul.u32 $0x6C0, s24  }
0x27e: {  	s26 =	spop (v2sf)  }
0x27f: {  	s0 =	sshrl.u32 s31, $0x2;
	s29 =	spop (v2sf)  }
0x280: {  	s22 =	sadd.s32 $0x3D98, s0;
	s21 =	spop (v2sf)  }
0x281: {  	s0 =	smin.u32 s25, $0x10  }
0x282: {  	v1 =	vmov s0  }
0x283: {  	p3 =	sgt.s32 s25, $0x10;
	vm1 =	vgt.u32 v1, v0  }
.Ltmp17:
0x284: {  	_ = 	snop;
	(pc) =	sbr.rel @!p3 .LBB3_11-.Ltmp17, $2  }
0x285: {  	_ =	sdelay $0x2  }
0x286: {  	s23 =	simm.s32 $0x10;
	s28 =	sadd.s32 $0xFFFFFFF0, s25;
	s0 =	smov.u32 s22;
	vm0 =	vmmov vm1  }
.LBB3_10:
0x287: {  	s1 =	smin.u32 s28, $0x10;
	s23 =	sadd.s32 $0x10, s23;
	v1 =	vld.msk [tilespmem:s0+$0x0 ss:$0x1], vm1  }
0x288: {  	v2 =	vmov s1;
	p3 =	slt.s32 s23, s25  }
0x289: {  	vm1 =	vgt.u32 v2, v0  }
.Ltmp18:
0x28a: {  	(pc) =	sbr.rel @p3 .LBB3_10-.Ltmp18, $3  }
0x28b: {  	_ =	sdelay $0x1  }
0x28c: {  	v1 =	vshll.u32 v1, $0x4  }
0x28d: {  	s28 =	sadd.s32 $0xFFFFFFF0, s28;
	[tilespmem:s0+$0x0] =	vst.msk vm0, v1;
	s0 =	sadd.s32 $0x10, s0;
	vm0 =	vmmov vm1  }
.LBB3_11:
0x28e: {  	_ =	sdelay $0x4  }
0x28f: {  	v1 =	vld.msk [tilespmem:s0+$0x0 ss:$0x1], vm1;
	_ =	sdelay $0x4  }
0x290: {  	v1 =	vshll.u32 v1, $0x4  }
0x291: {  	[tilespmem:s0+$0x0] =	vst.msk vm0, v1  }
.LBB3_12:
0x292: {  	s0 =	sand.u32 $0x1, s20  }
0x293: {  	s0 =	smul.u32 $0x1B0, s0  }
0x294: {  	p3 =	sne.s32 s29, $0xFFFFFFFF  }
0x295: {  	v1 =	vld.msk @!p3 [tilespmem:s0+$0x3D98], $0x1;
	_ =	sdelay $0x4  }
0x296: {  	(v2sf) =	vpush @!p3 v1, $0x0;
	_ =	sdelay $0xc  }
.Ltmp19:
0x297: {  	_ = 	snop;
	(pc) =	sbr.rel @p2 .LBB3_18-.Ltmp19, $4  }
0x298: {  	_ = 	snop  }
0x299: {  	s28 =	spop @!p3 (v2sf)  }
0x29a: {  	s21 =	simm.s32 @!p3 $0x0;
	s23 =	smov.u32 s28  }
0x29b: {  	[sflag:s17] =	ssyncpa.u1 $0x0;
	s28 =	smov.u32 @p3 s26;
	s23 =	smov.u32 @p3 s29  }
0x29c: {  	v1 =	vld.msk [tilespmem:s22+$0x0], $0x1;
	_ =	sdelay $0x4  }
0x29d: {  	(v2sf) =	vpush v1, $0x0;
	_ =	sdelay $0xe  }
0x29e: {  	s0 =	simm.s32 @!p4 $0x0;
	s26 =	smul.u32 $0x36000, s24;
	s31 =	spop (v2sf)  }
0x29f: {  	s29 =	ssub.s32 $0x0, s25;
	s0 =	simm.s32 @p4 $0x1;
	p2 =	seq.s32 s28, s31  }
0x2a0: {  	s1 =	smov.u32 s28;
	[smem:$0x7FD] =	sst s0;
	p3 =	sgt.s32 @!p2 s28, $0x0  }
0x2a1: {  	s0 =	sshrl.u32 s26, $0x2;
	s26 =	sadd.s32 $0x1, s29;
	p3 =	por !p3, p2  }
0x2a2: {  	s1 =	simm.s32 @p3 $0x0;
	p3 =	seq.s32 s26, $0x0  }
.Ltmp20:
0x2a3: {  	_ = 	snop;
	(pc) =	sbr.rel @p3 .LBB3_15-.Ltmp20, $4  }
0x2a4: {  	s6 =	smov.u32 s4;
	s25 =	simm.s32 $0x0  }
0x2a5: {  	s24 =	sadd.s32 $0x40F8, s0;
	s0 =	simm.s32 @!p2 $0x1;
	s2 =	smin.u32 @!p2 s1, $0x270FF  }
0x2a6: {  	s30 =	sadd.s32 $0x1, s22;
	s0 =	smov.u32 @p2 s25;
	s5 =	sand.u32 @!p2 $0x3FFF8, s2  }
0x2a7: {  	s1 =	simm.s32 @!p2 $0x1B38;
	s2 =	sand.u32 @!p2 $0x7, s2;
	s5 =	sadd.s32 @!p2 s3, s5  }
.LBB3_14:
0x2a8: {  	s4 =	smov.u32 s0  }
0x2a9: {  	[tilespmem:s1], [sflag:$0x2] =	stream.linear.gather @!p2 [hbm4b:s5+s2], $0x4, $0x38;
	[tilespmem:$0x1F0F8] =	vst v63  }
0x2aa: {  	s26 =	sadd.s32 $0x1, s26;
	s2 =	smov.u32 s31;
	v1 =	vld.msk [tilespmem:s30+$0x0], $0x1  }
0x2ab: {  	p3 =	seq.s32 s26, $0x0;
	_ =	sdelay $0x3  }
0x2ac: {  	(v2sf) =	vpush v1, $0x0;
	_ =	sdelay $0xe  }
0x2ad: {  	s31 =	spop (v2sf)  }
0x2ae: {  	p2 =	seq.s32 s2, s31  }
0x2af: {  	p4 =	sgt.s32 @!p2 s2, $0x0;
	s1 =	sshll.u32 @!p2 s0, $0x6;
	s0 =	sadd.s32 @!p2 $0x1, s0  }
.Ltmp21:
0x2b0: {  	p4 =	por !p4, p2;
	s1 =	sshra.s32 @!p2 s1, $0x2;
	(pc) =	sbr.rel @!p3 .LBB3_14-.Ltmp21, $4  }
0x2b1: {  	s0 =	smov.u32 @p2 s4;
	s2 =	simm.s32 @p4 $0x0;
	s1 =	sadd.s32 @!p2 $0x1B38, s1  }
0x2b2: {  	s2 =	smin.u32 @!p2 s2, $0x270FF  }
0x2b3: {  	s4 =	sand.u32 @!p2 $0x3FFF8, s2;
	s2 =	sand.u32 @!p2 $0x7, s2  }
0x2b4: {  	s30 =	sadd.s32 $0x1, s30;
	s5 =	sadd.s32 @!p2 s3, s4  }
.LBB3_15:
0x2b5: {  	[tilespmem:s1], [sflag:$0x2] =	stream.linear.gather @!p2 [hbm4b:s5+s2], $0x4, $0x38;
	[tilespmem:$0x1F0F8] =	vst v63  }
0x2b6: {  	s0 =	sshll.u32 s0, $0x2  }
0x2b7: {  	s31 =	simm.s32 $0x2;
	s0 =	sand.u32 $0x3FFFFFFC, s0  }
0x2b8: {  	_ =	swait.ge [sflag:s31], s0  }
0x2b9: {  	s0 =	ssub.s32 $0x0, s0;
	[sflag:s31] =	ssyncset.done $0x0  }
0x2ba: {  	[sflag:s31] =	ssyncadd.s32 s0  }
0x2bb: {  	v1 =	vld.msk [tilespmem:s22+$0x0], $0x1;
	_ =	sdelay $0x4  }
0x2bc: {  	(v2sf) =	vpush v1, $0x0;
	_ =	sdelay $0xe  }
0x2bd: {  	s26 =	spop (v2sf)  }
0x2be: {  	p2 =	sne.s32 s28, s26  }
0x2bf: {  	p4 =	sne.s32 @p2 s28, s23  }
0x2c0: {  	p3 =	por !p4, !p2  }
0x2c1: {  	s0 =	simm.s32 @!p3 $0x0  }
0x2c2: {  	v1 =	vld.msk @!p3 [tilespmem:s0+$0x1B38], $0xf  }
0x2c3: {  	p5 =	sgt.u32 @!p3 s28, $0x270FF  }
0x2c4: {  	s1 =	sshll.u32 @!p3 s21, $0x6;
	p6 =	por @p2 p5, !p4  }
0x2c5: {  	s1 =	sshra.s32 @!p3 s1, $0x2;
	p1 =	por p6, !p2;
	p6 =	por p4, !p2  }
0x2c6: {  	s2 =	sadd.s32 @!p3 $0x28, s1;
	s4 =	sand.u32 @!p1 $0x3FFF8, s28;
	s5 =	sshll.u32 @!p6 s21, $0x6  }
0x2c7: {  	s28 =	sand.u32 @!p1 $0x7, s28;
	[tilespmem:s1+$0x28] =	vst.add.f32.msk @!p3 $0xf, v1;
	s1 =	sadd.s32 @!p1 s3, s4;
	s4 =	sshra.s32 @!p6 s5, $0x2  }
0x2c8: {  	[hbm4b:s1+s28] =	stream.linear.scatter @!p1 [tilespmem:s2], [sflag:$0xC], $0x4, $0x38;
	[tilespmem:$0x1F0F8] =	vst v63  }
0x2c9: {  	s0 =	rddreg [dreg:$0x4];
	s1 =	sadd.s32 @!p6 $0x28, s4;
	s2 =	simm.s32 @!p6 $0x1  }
0x2ca: {  	[spmem:s0] =	stream.linear.scatter @!p6 [tilespmem:s1], [sflag:$0x1], $0x4, $0x38;
	[tilespmem:$0x1F0F8] =	vst v63  }
0x2cb: {  	s0 =	sadd.s32 @p2 $0x1, s21;
	_ =	swait.ge @!p6 [sflag:s2], $0x4  }
0x2cc: {  	s1 =	sshrl.u32 @p2 s0, $0x4;
	[sflag:s2] =	ssyncset.done @!p6 $0x0  }
0x2cd: {  	s1 =	smulhi.u32 @p2 $0x97B425F, s1;
	[sflag:s2] =	ssyncadd.s32 @!p6 $0xFFFFFFFC  }
0x2ce: {  	s28 =	sadd.s32 $0x1, s29;
	v1 =	vld.msk @p2 [tilespmem:s24+$0x0], $0xf  }
0x2cf: {  	p1 =	por @p2 !p5, !p4;
	p4 =	seq.s32 s28, $0x0;
	s1 =	smul.u32 @p2 $0x1B0, s1  }
.Ltmp22:
0x2d0: {  	p1 =	por !p1, !p2;
	s2 =	simm.s32 @!p3 $0x0;
	(pc) =	sbr.rel @p4 .LBB3_17-.Ltmp22, $4  }
0x2d1: {  	s4 =	sshll.u32 @!p2 s21, $0x6;
	s2 =	simm.s32 @!p1 $0x10;
	s0 =	ssub.s32 @p2 s0, s1  }
0x2d2: {  	s29 =	simm.s32 $0x0;
	s2 =	sadd.s32 @!p3 $0x0, s2;
	s5 =	sshll.u32 @p2 s0, $0x4  }
0x2d3: {  	s30 =	sshra.s32 @!p2 s4, $0x2;
	s1 =	simm.s32 @p2 $0x1;
	s2 =	smov.u32 @p3 s25;
	[tilespmem:s5+$0x28] =	vst.msk @p2 $0xf, v1  }
0x2d4: {  	s21 =	smov.u32 @p2 s0;
	s29 =	smov.u32 @p2 s2;
	s25 =	smov.u32 @p2 s1;
	v1 =	vld.msk @!p2 [tilespmem:s24+$0x0], $0xf  }
.LBB3_16:
0x2d5: {  	_ =	sdelay $0x3  }
0x2d6: {  	s22 =	sadd.s32 $0x1, s22;
	[tilespmem:s30+$0x28] =	vst.add.f32.msk @!p2 $0xf, v1  }
0x2d7: {  	v1 =	vld.msk [tilespmem:s22+$0x0], $0x1;
	_ =	sdelay $0x4  }
0x2d8: {  	(v2sf) =	vpush v1, $0x0;
	_ =	sdelay $0xe  }
0x2d9: {  	s0 =	smov.u32 s26;
	s26 =	spop (v2sf)  }
0x2da: {  	p2 =	sne.s32 s0, s26  }
0x2db: {  	p5 =	sne.s32 @p2 s0, s23  }
0x2dc: {  	s4 =	sshll.u32 @!p2 s21, $0x6;
	p4 =	por !p5, !p2  }
0x2dd: {  	s30 =	sshra.s32 @!p2 s4, $0x2;
	s4 =	sshll.u32 @!p4 s25, $0x6  }
0x2de: {  	s4 =	sshra.s32 @!p4 s4, $0x2  }
0x2df: {  	p1 =	sgt.u32 @!p4 s0, $0x270FF;
	v1 =	vld.msk @!p4 [tilespmem:s4+$0x1B38], $0xf  }
0x2e0: {  	s31 =	sshll.u32 @!p4 s21, $0x6;
	p6 =	por @p2 p1, !p5;
	p1 =	por @p2 !p1, !p5  }
0x2e1: {  	s8 =	simm.s32 @!p4 $0x0;
	s31 =	sshra.s32 @!p4 s31, $0x2;
	p1 =	por !p1, !p2  }
0x2e2: {  	p5 =	por p5, !p2;
	s8 =	simm.s32 @!p1 $0x10;
	p1 =	por p6, !p2  }
0x2e3: {  	s4 =	sadd.s32 @!p4 $0x28, s31;
	s13 =	sshll.u32 @!p5 s21, $0x6;
	s10 =	sand.u32 @!p1 $0x3FFF8, s0  }
0x2e4: {  	s13 =	sshra.s32 @!p5 s13, $0x2;
	s0 =	sand.u32 @!p1 $0x7, s0;
	s10 =	sadd.s32 @!p1 s3, s10;
	[tilespmem:s31+$0x28] =	vst.add.f32.msk @!p4 $0xf, v1  }
0x2e5: {  	[hbm4b:s10+s0] =	stream.linear.scatter @!p1 [tilespmem:s4], [sflag:$0xC], $0x4, $0x38;
	[tilespmem:$0x1F0F8] =	vst v63  }
0x2e6: {  	s1 =	rddreg [dreg:$0x4];
	s0 =	sadd.s32 @!p5 $0x28, s13;
	s4 =	simm.s32 @!p5 $0x1  }
0x2e7: {  	[spmem:s1] =	stream.linear.scatter @!p5 [tilespmem:s0], [sflag:$0x1], $0x4, $0x38;
	[tilespmem:$0x1F0F8] =	vst v63  }
0x2e8: {  	s2 =	sadd.s32 @p2 $0x1, s21;
	_ =	swait.ge @!p5 [sflag:s4], $0x4  }
0x2e9: {  	s5 =	sshrl.u32 @p2 s2, $0x4;
	[sflag:s4] =	ssyncset.done @!p5 $0x0  }
0x2ea: {  	s24 =	sadd.s32 $0x80, s24;
	s5 =	smulhi.u32 @p2 $0x97B425F, s5;
	[sflag:s4] =	ssyncadd.s32 @!p5 $0xFFFFFFFC  }
0x2eb: {  	s28 =	sadd.s32 $0x1, s28;
	v1 =	vld.msk @p2 [tilespmem:s24+$0x0], $0xf  }
0x2ec: {  	p3 =	seq.s32 s28, $0x0;
	s5 =	smul.u32 @p2 $0x1B0, s5  }
.Ltmp23:
0x2ed: {  	_ = 	snop;
	(pc) =	sbr.rel @!p3 .LBB3_16-.Ltmp23, $4  }
0x2ee: {  	s2 =	ssub.s32 @p2 s2, s5  }
0x2ef: {  	s8 =	sadd.s32 @!p4 s8, s29;
	s5 =	sshll.u32 @p2 s2, $0x4  }
0x2f0: {  	s9 =	sadd.s32 @p2 $0x1, s25;
	s8 =	smov.u32 @p4 s29;
	[tilespmem:s5+$0x28] =	vst.msk @p2 $0xf, v1  }
0x2f1: {  	s25 =	smov.u32 @p2 s9;
	s21 =	smov.u32 @p2 s2;
	s29 =	smov.u32 @p2 s8;
	v1 =	vld.msk @!p2 [tilespmem:s24+$0x0], $0xf  }
.LBB3_17:
.Ltmp24:
0x2f2: {  	_ = 	snop;
	(pc) =	sbr.rel .LBB3_19-.Ltmp24, $3  }
0x2f3: {  	s1 =	sld [smem:$0x7FD];
	_ =	sdelay $0x1  }
0x2f4: {  	s0 =	sshrl.u32 s29, $0x2;
	s28 =	smov.u32 s26  }
0x2f5: {  	s4 =	smov.u32 s6;
	s6 =	rddreg [dreg:$0x6];
	p4 =	seq.s32 s1, $0x1;
	[tilespmem:s30+$0x28] =	vst.add.f32.msk @!p2 $0xf, v1  }
.LBB3_21:
0x2f6: {  	_ =	sfence.sel $0x180000  }
0x2f7: {  	s0 =	simm.s32 $0x9;
	[bflag:$0x0] =	sbarrier.arrive $0xFFFF  }
0x2f8: {  	s24 =	simm.s32 $0xA;
	[sflag:s0] =	ssyncpa.u1 $0x1  }
0x2f9: {  	s25 =	simm.s32 $0xB;
	[sflag:s24] =	ssyncpa.u1 $0x1  }
0x2fa: {  	s26 =	simm.s32 $0x2;
	[sflag:s25] =	ssyncpa.u1 $0x1  }
0x2fb: {  	[sflag:s26] =	ssyncpa.u1 $0x1  }
0x2fc: {  	v0 =	vld [tilespmem:$0x3648];
	_ =	sdelay $0x4  }
0x2fd: {  	(v2sf) =	vpush v0, $0x0  }
0x2fe: {  	(v2sf) =	vpush v0, $0x1;
	_ =	sdelay $0x1  }
0x2ff: {  	(v2sf) =	vpush v0, $0x2;
	_ =	sdelay $0xb  }
0x300: {  	s0 =	spop (v2sf)  }
0x301: {  	s1 =	spop (v2sf)  }
0x302: {  	s2 =	smov.u32 s0;
	p0 =	sne.s32 s0, s1  }
0x303: {  	s4 =	spop (v2sf);
	s2 =	simm.s32 @!p0 $0xFFFFFFFF  }
0x304: {  	v2 =	vimm.s32 $0x1;
	v3 =	vlaneseq.u32;
	p0 =	seq.s32 s4, $0xFFFFFFFF;
	v1 =	vmov s2  }
0x305: {  	s16 =	stileid.u32;
	v0 =	vperm.xlane v0, v2;
	p1 =	sne.s32 @!p0 s0, s1;
	v1 =	vperm.xlane v1, v3  }
0x306: {  	vm0 =	vcmask $0x3F04;
	s6 =	simm.s32 $0x3648;
	s0 =	simm.s32 @!p0 $0x1;
	p1 =	por !p1, p0  }
0x307: {  	s2 =	sshll.u32 s16, $0x1;
	s1 =	sshll.u32 @!p0 s4, $0x6;
	s0 =	simm.s32 @p1 $0x0;
	v0 =	vsel vm0, v1, v0  }
0x308: {  	s5 =	sor.u32 $0x200, s2;
	s1 =	sshra.s32 @!p0 s1, $0x2;
	s0 =	sor.u32 @!p0 s0, s2;
	[tilespmem:$0x3648] =	vst v0  }
0x309: {  	[spmem:s5] =	stream.linear.scatter [tilespmem:s6], [sflag:$0x1], $0x2, $0x38;
	[tilespmem:$0x1F0F8] =	vst v63  }
0x30a: {  	s1 =	sadd.s32 @!p0 $0x28, s1;
	s0 =	sshll.u32 @!p0 s0, $0x4  }
0x30b: {  	[spmem:s0] =	stream.linear.scatter @!p0 [tilespmem:s1], [sflag:$0x1], $0x10, $0x38;
	[tilespmem:$0x1F0F8] =	vst v63  }
0x30c: {  	s0 =	simm.s32 @!p0 $0x12  }
0x30d: {  	s28 =	simm.s32 $0x1;
	s0 =	simm.s32 @p0 $0x2  }
0x30e: {  	_ =	swait.ge [sflag:s28], s0  }
0x30f: {  	s0 =	ssub.s32 $0x0, s0;
	[sflag:s28] =	ssyncset.done $0x0  }
0x310: {  	p0 =	sne.s32 s16, $0x0;
	[sflag:s28] =	ssyncadd.s32 s0  }
.Ltmp25:
0x311: {  	_ =	sfence.stream.spmem;
	(pc) =	sbr.rel @p0 .LBB3_38-.Ltmp25, $4  }
0x312: {  	s29 =	simm.s32 $0x3;
	[bflag:$0x0] =	sbarrier.arrive $0xFFFF  }
0x313: {  	s30 =	simm.s32 $0x4;
	[sflag:s29] =	ssyncpa.u1 $0x1  }
0x314: {  	s31 =	simm.s32 $0x3C;
	[sflag:s30] =	ssyncpa.u1 $0x1  }
0x315: {  	s17 =	rddreg [dreg:$0x5];
	[sflag:s31] =	ssyncpa.u1 $0x1  }
0x316: {  	_ =	sfence.stream.spmem;
	s0 =	simm.s32 $0x5  }
0x317: {  	s1 =	simm.s32 $0x200;
	s2 =	simm.s32 $0x3658;
	[sflag:s0] =	ssyncpa.u1 $0x0  }
0x318: {  	[tilespmem:s2], [sflag:$0x5] =	stream.linear.gather [spmem:s1], $0x20, $0x38;
	[tilespmem:$0x1F0F8] =	vst v63  }
0x319: {  	s26 =	simm.s32 $0x0;
	s28 =	simm.s32 $0x3678  }
0x31a: {  	[tilespmem:s28], [sflag:$0x5] =	stream.linear.gather [spmem:s26], $0x200, $0x38;
	[tilespmem:$0x1F0F8] =	vst v63  }
0x31b: {  	_ =	swait.ge [sflag:s0], $0x220  }
0x31c: {  	[sflag:s0] =	ssyncset.done $0x0  }
0x31d: {  	s29 =	simm.s32 $0x0;
	[sflag:s0] =	ssyncadd.s32 $0xFFFFFDE0  }
0x31e: {  	v0 =	vld.msk [tilespmem:s29+$0x3658], $0x1;
	_ =	sdelay $0x1  }
0x31f: {  	s30 =	simm.s32 $0x1  }
0x320: {  	v1 =	vld.msk [tilespmem:s30+$0x3658], $0x1;
	_ =	sdelay $0x1  }
0x321: {  	(v2sf) =	vpush v0, $0x0;
	_ =	sdelay $0x2  }
0x322: {  	(v2sf) =	vpush v1, $0x0;
	_ =	sdelay $0x2  }
0x323: {  	s31 =	simm.s32 $0x2  }
0x324: {  	v0 =	vld.msk [tilespmem:s31+$0x3658], $0x1;
	_ =	sdelay $0x2  }
0x325: {  	s6 =	simm.s32 $0xFFFFFFFF;
	s1 =	simm.s32 $0xFFFFFFFF;
	s0 =	simm.s32 $0xC  }
.LBB3_23:
0x326: {  	s2 =	smov.u32 s6;
	s4 =	smov.u32 s1  }
0x327: {  	s1 =	sshra.s32 s0, $0x2;
	p1 =	sne.s32 s0, $0x7C;
	s0 =	sadd.s32 $0x4, s0;
	(v2sf) =	vpush v0, $0x0  }
0x328: {  	v0 =	vld.msk [tilespmem:s1+$0x3658], $0x1  }
.Ltmp26:
0x329: {  	(pc) =	sbr.rel @p1 .LBB3_23-.Ltmp26, $4  }
0x32a: {  	s6 =	spop (v2sf)  }
0x32b: {  	p2 =	sne.s32 s4, $0xFFFFFFFF;
	s1 =	smov.u32 s6  }
0x32c: {  	p3 =	seq.s32 s6, $0xFFFFFFFF;
	s1 =	smov.u32 @p2 s4  }
0x32d: {  	s6 =	smov.u32 @p3 s2;
	s1 =	smov.u32 @p3 s4  }
0x32e: {  	(v2sf) =	vpush v0, $0x0;
	_ =	sdelay $0x8  }
0x32f: {  	s0 =	spop (v2sf)  }
0x330: {  	p1 =	sne.s32 s1, $0xFFFFFFFF;
	s2 =	smov.u32 s0  }
0x331: {  	s9 =	simm.s32 $0x6;
	p2 =	seq.s32 s0, $0xFFFFFFFF;
	s2 =	smov.u32 @p1 s1  }
0x332: {  	s10 =	simm.s32 $0x3638;
	s2 =	smov.u32 @p2 s1;
	s1 =	spop (v2sf)  }
0x333: {  	s0 =	smov.u32 @p2 s6;
	p1 =	sne.s32 s2, $0xFFFFFFFF;
	s4 =	smov.u32 s1  }
.Ltmp27:
0x334: {  	p2 =	seq.s32 s1, $0xFFFFFFFF;
	s4 =	smov.u32 @p1 s2;
	(pc) =	sbr.rel .LBB3_25-.Ltmp27, $4  }
0x335: {  	s11 =	simm.s32 $0x0;
	s4 =	smov.u32 @p2 s2;
	s7 =	spop (v2sf)  }
0x336: {  	[sflag:s9] =	ssyncpa.u1 $0x0;
	p1 =	sne.s32 s4, $0xFFFFFFFF;
	s8 =	smov.u32 s7  }
0x337: {  	s1 =	smov.u32 @p2 s0;
	p2 =	seq.s32 s7, $0xFFFFFFFF;
	s8 =	smov.u32 @p1 s4  }
0x338: {  	s6 =	simm.s32 $0x0;
	s7 =	smov.u32 @p2 s1;
	s8 =	smov.u32 @p2 s4  }
.LBB3_30:
0x339: {  	p1 =	sgt.u32 s12, $0x270FF  }
0x33a: {  	p2 =	seq.s32 @!p1 s12, s8  }
0x33b: {  	p1 =	por p1, p2  }
0x33c: {  	p2 =	sne.s32 @!p1 s12, s7  }
0x33d: {  	p1 =	por p1, !p2  }
0x33e: {  	s0 =	sshll.u32 @p1 s11, $0x6  }
0x33f: {  	s0 =	sand.u32 @!p1 $0x3FFF8, s12  }
0x340: {  	s1 =	sand.u32 @!p1 $0x7, s12;
	s0 =	sadd.s32 @!p1 s3, s0  }
0x341: {  	[tilespmem:s10], [sflag:$0x6] =	stream.linear.gather @!p1 [hbm4b:s0+s1], $0x4, $0x38;
	[tilespmem:$0x1F0F8] =	vst v63  }
0x342: {  	_ =	swait.ge @!p1 [sflag:s9], $0x4  }
0x343: {  	[sflag:s9] =	ssyncset.done @!p1 $0x0  }
0x344: {  	[sflag:s9] =	ssyncadd.s32 @!p1 $0xFFFFFFFC  }
0x345: {  	v1 =	vld @!p1 [tilespmem:$0x3638];
	_ =	sdelay $0x2  }
0x346: {  	s0 =	sshll.u32 @!p1 s11, $0x6  }
0x347: {  	s1 =	sshrl.u32 @!p1 s0, $0x2  }
0x348: {  	[tilespmem:s1+$0x3678] =	vst.add.f32.msk @!p1 $0xffff, v1  }
0x349: {  	s0 =	sshrl.u32 s0, $0x2;
	[tilespmem:s6+$0x3658] =	vst.msk $0x1, v0  }
0x34a: {  	v0 =	vld [tilespmem:s0+$0x3678];
	_ =	sdelay $0x2  }
0x34b: {  	s31 =	sshll.u32 s6, $0x6  }
0x34c: {  	s0 =	sshra.s32 s31, $0x2  }
0x34d: {  	s6 =	sadd.s32 $0x1, s6;
	[tilespmem:s0+$0x3678] =	vst v0  }
.LBB3_32:
0x34e: {  	s11 =	sadd.s32 $0x1, s11  }
0x34f: {  	p1 =	sne.s32 s11, $0x20  }
.Ltmp28:
0x350: {  	_ = 	snop;
	(pc) =	sbr.rel @!p1 .LBB3_33-.Ltmp28, $1  }
0x351: {  	_ =	sdelay $0x3  }
.LBB3_25:
0x352: {  	v0 =	vld.msk [tilespmem:s11+$0x3658], $0x1;
	_ =	sdelay $0x4  }
0x353: {  	(v2sf) =	vpush v0, $0x0;
	_ =	sdelay $0xe  }
0x354: {  	s12 =	spop (v2sf)  }
0x355: {  	p1 =	seq.s32 s12, $0xFFFFFFFF  }
.Ltmp29:
0x356: {  	_ = 	snop;
	(pc) =	sbr.rel @p1 .LBB3_32-.Ltmp29, $1  }
0x357: {  	_ =	sdelay $0x3  }
0x358: {  	p1 =	slt.s32 s6, $0x1  }
.Ltmp30:
0x359: {  	_ = 	snop;
	(pc) =	sbr.rel @p1 .LBB3_30-.Ltmp30, $1  }
0x35a: {  	_ =	sdelay $0x3  }
0x35b: {  	s13 =	simm.s32 $0x3658;
	p1 =	por $0x0, $0x0  }
0x35c: {  	v1 =	vld.msk @!p1 [tilespmem:s13+$0x0], $0x1;
	_ =	sdelay $0x4  }
0x35d: {  	(v2sf) =	vpush @!p1 v1, $0x0;
	_ =	sdelay $0xd  }
0x35e: {  	p3 =	sne.s32 s6, $0x1  }
.Ltmp31:
0x35f: {  	s0 =	spop @!p1 (v2sf);
	(pc) =	sbr.rel @!p3 .LBB3_29-.Ltmp31, $4  }
0x360: {  	p2 =	seq.s32 @!p1 s12, s0  }
0x361: {  	s14 =	simm.s32 $0x0;
	p2 =	por !p2, p1  }
0x362: {  	s0 =	simm.s32 $0xFFFFFFFF;
	s14 =	simm.s32 @p2 $0xFFFFFFFF  }
0x363: {  	s15 =	simm.s32 $0x1;
	s14 =	smov.u32 @p1 s0  }
.LBB3_28:
0x364: {  	s0 =	smov.u32 s14;
	p1 =	sne.s32 s14, $0xFFFFFFFF  }
0x365: {  	s13 =	sadd.s32 $0x1, s13;
	s14 =	smov.u32 s15;
	s15 =	sadd.s32 $0x1, s15  }
0x366: {  	p2 =	sne.s32 s6, s15;
	v1 =	vld.msk @!p1 [tilespmem:s13+$0x0], $0x1;
	_ =	sdelay $0x4  }
0x367: {  	(v2sf) =	vpush @!p1 v1, $0x0;
	_ =	sdelay $0xe  }
.Ltmp32:
0x368: {  	s1 =	spop @!p1 (v2sf);
	(pc) =	sbr.rel @p2 .LBB3_28-.Ltmp32, $4  }
0x369: {  	p3 =	seq.s32 @!p1 s12, s1  }
0x36a: {  	p3 =	por !p3, p1  }
0x36b: {  	s14 =	simm.s32 @p3 $0xFFFFFFFF  }
0x36c: {  	s14 =	smov.u32 @p1 s0  }
.LBB3_29:
0x36d: {  	p1 =	sne.s32 s14, $0xFFFFFFFF  }
.Ltmp33:
0x36e: {  	_ = 	snop;
	(pc) =	sbr.rel @!p1 .LBB3_30-.Ltmp33, $1  }
0x36f: {  	_ =	sdelay $0x3  }
0x370: {  	s0 =	sshll.u32 s11, $0x4  }
0x371: {  	s0 =	sand.u32 $0x3FFFFFF0, s0  }
0x372: {  	v0 =	vld [tilespmem:s0+$0x3678]  }
.Ltmp34:
0x373: {  	_ = 	snop;
	(pc) =	sbr.rel .LBB3_32-.Ltmp34, $4  }
0x374: {  	_ = 	snop  }
0x375: {  	s31 =	sshll.u32 s14, $0x6  }
0x376: {  	s0 =	sshra.s32 s31, $0x2  }
0x377: {  	[tilespmem:s0+$0x3678] =	vst.add.f32.msk $0xffff, v0  }
.LBB3_33:
0x378: {  	s0 =	simm.s32 $0x6;
	p1 =	seq.s32 s6, $0x0  }
0x379: {  	[sflag:s0] =	ssyncpa.u1 $0x1;
	v0 =	vimm.s32 @p1 $0xFFFFFFFF  }
0x37a: {  	s9 =	sadd.s32 $0xFFFFFFFF, s6;
	[tilespmem:$0x3878] =	vst @p1 v0  }
0x37b: {  	v0 =	vld.msk @!p1 [tilespmem:s9+$0x3658], $0x1;
	_ =	sdelay $0x1  }
0x37c: {  	v1 =	vld.msk @!p1 [tilespmem:$0x3658], $0x1;
	_ =	sdelay $0x2  }
0x37d: {  	p2 =	seq.s32 @!p1 s9, $0x0;
	v0 =	vbroadcast @!p1 v0, $0x0  }
0x37e: {  	vm0 =	vmmov @!p1 $0x1;
	p2 =	por !p2, p1  }
0x37f: {  	v1 =	vnsel @!p1 vm0, $0xFFFFFFFF, v1;
	vm0 =	vcmask @!p1 $0x308;
	v0 =	vpsel !p2, $0xFFFFFFFF, v0  }
0x380: {  	p2 =	sne.s32 @!p1 s8, s7;
	v0 =	vsel @!p1 vm0, v1, v0  }
0x381: {  	s0 =	simm.s32 @!p1 $0x3678;
	s1 =	simm.s32 @!p1 $0x0;
	p3 =	por !p2, p1;
	[tilespmem:$0x3878] =	vst @!p1 v0  }
0x382: {  	[spmem:s1] =	stream.linear.scatter @!p1 [tilespmem:s0], [sflag:$0x1], $0x10, $0x38;
	[tilespmem:$0x1F0F8] =	vst v63  }
0x383: {  	s0 =	sshll.u32 @!p3 s9, $0x6  }
0x384: {  	s0 =	sshra.s32 @!p3 s0, $0x2  }
0x385: {  	s1 =	simm.s32 @!p3 $0x10;
	s0 =	sadd.s32 @!p3 $0x3678, s0  }
0x386: {  	[spmem:s1] =	stream.linear.scatter @!p3 [tilespmem:s0], [sflag:$0x1], $0x10, $0x38;
	[tilespmem:$0x1F0F8] =	vst v63  }
0x387: {  	s0 =	simm.s32 @!p3 $0x1  }
0x388: {  	_ =	swait.ge @!p3 [sflag:s0], $0x20  }
0x389: {  	p1 =	por p2, p1;
	[sflag:s0] =	ssyncset.done @!p3 $0x0  }
0x38a: {  	[sflag:s0] =	ssyncadd.s32 @!p3 $0xFFFFFFE0;
	s0 =	simm.s32 @!p1 $0x1  }
0x38b: {  	_ =	swait.ge @!p1 [sflag:s0], $0x10  }
0x38c: {  	s29 =	simm.s32 $0x3878;
	[sflag:s0] =	ssyncset.done @!p1 $0x0  }
0x38d: {  	s30 =	simm.s32 $0x200;
	s31 =	simm.s32 $0x1;
	[sflag:s0] =	ssyncadd.s32 @!p1 $0xFFFFFFF0  }
0x38e: {  	[spmem:s30] =	stream.linear.scatter [tilespmem:s29], [sflag:$0x1], $0x10, $0x38;
	[tilespmem:$0x1F0F8] =	vst v63  }
0x38f: {  	_ =	swait.ge [sflag:s31], $0x10  }
0x390: {  	[sflag:s31] =	ssyncset.done $0x0  }
0x391: {  	p1 =	seq.s32 s17, $0x0;
	s8 =	rddreg [dreg:$0x1];
	[sflag:s31] =	ssyncadd.s32 $0xFFFFFFF0  }
0x392: {  	s1 =	sshll.u32 @p1 s8, $0xE;
	s7 =	rddreg [dreg:$0x2]  }
0x393: {  	s0 =	sadd.s32 @p1 $0x15C3C, s1;
	s1 =	sshll.u32 @p1 s7, $0x11  }
0x394: {  	_ =	sfence.stream.spmem;
	s0 =	sor.u32 @p1 s1, s0  }
0x395: {  	[sflag:s0] =	ssyncadd.remote.s32 @p1 $0x1;
	s0 =	simm.s32 @p1 $0x4  }
0x396: {  	s2 =	simm.s32 @!p1 $0x3C;
	s1 =	sand.u32 $0xFFFFFFFE, s8;
	_ =	swait.ge @p1 [sflag:s0], $0x6  }
0x397: {  	s4 =	simm.s32 @!p1 $0x0;
	s1 =	sadd.s32 @!p1 $0x4, s1;
	[sflag:s0] =	ssyncset.done @p1 $0x0  }
0x398: {  	s5 =	simm.s32 @!p1 $0x20;
	[sflag:s0] =	ssyncadd.s32 @p1 $0xFFFFFFFA;
	s0 =	sshll.u32 @!p1 s1, $0x1A  }
0x399: {  	s1 =	sshll.u32 @!p1 s1, $0xD;
	s0 =	sor.u32 @!p1 s0, s7;
	_ =	swait.eq @!p1 [sflag:s2], $0x1  }
0x39a: {  	s1 =	sor.u32 @!p1 $0x1C04, s1;
	s2 =	simm.s32 @!p1 $0x1C03;
	s0 =	sor.u32 @!p1 $0x80004000, s0  }
0x39b: {  	[spmem:s5], [sflag:s1] =	dma.general @!p1 [spmem:s4], [sflag:s2], length:$0x4, [dreg:$0x0], stride_count:$0x0, ici_dest:s0, dma_misc:DstOpCode:WRITE  }
0x39c: {  	p2 =	slt.s32 s9, $0x2;
	s4 =	simm.s32 @!p1 $0x40;
	s5 =	simm.s32 @!p1 $0x42  }
0x39d: {  	[spmem:s5], [sflag:s1] =	dma.general @!p1 [spmem:s4], [sflag:s2], length:$0x2, [dreg:$0x0], stride_count:$0x0, ici_dest:s0, dma_misc:DstOpCode:WRITE  }
.Ltmp35:
0x39e: {  	s0 =	simm.s32 @!p1 $0x3;
	(pc) =	sbr.rel @p2 .LBB3_37-.Ltmp35, $4  }
0x39f: {  	s1 =	sshll.u32 @!p1 s8, $0xE;
	_ =	swait.ge @!p1 [sflag:s0], $0x6  }
0x3a0: {  	s2 =	sshll.u32 @!p1 s7, $0x11;
	s1 =	sadd.s32 @!p1 $0x11C3C, s1;
	[sflag:s0] =	ssyncset.done @!p1 $0x0  }
0x3a1: {  	[sflag:s0] =	ssyncadd.s32 @!p1 $0xFFFFFFFA;
	s0 =	sor.u32 @!p1 s2, s1  }
0x3a2: {  	[sflag:s0] =	ssyncadd.remote.s32 @!p1 $0xFFFFFFFF;
	s0 =	simm.s32 $0x0  }
0x3a3: {  	s0 =	simm.s32 $0x3659  }
0x3a4: {  	v0 =	vld.msk [tilespmem:s0+$0x0], $0x1;
	_ =	sdelay $0x4  }
0x3a5: {  	(v2sf) =	vpush v0, $0x0;
	_ =	sdelay $0xd  }
0x3a6: {  	s2 =	sadd.s32 $0xFFFFFFFE, s6  }
0x3a7: {  	s2 =	sadd.s32 $0xFFFFFFFF, s2;
	s0 =	spop (v2sf)  }
0x3a8: {  	p2 =	sne.s32 s2, $0x0;
	p1 =	sgt.u32 s0, $0x270FF  }
.Ltmp36:
0x3a9: {  	s4 =	sand.u32 @!p1 $0x3FFF8, s0;
	(pc) =	sbr.rel @!p2 .LBB3_36-.Ltmp36, $4  }
0x3aa: {  	s1 =	simm.s32 $0x3688;
	s0 =	sand.u32 @!p1 $0x7, s0;
	s4 =	sadd.s32 @!p1 s3, s4  }
0x3ab: {  	[hbm4b:s4+s0] =	stream.linear.scatter @!p1 [tilespmem:s1], [sflag:$0x5], $0x4, $0x38;
	[tilespmem:$0x1F0F8] =	vst v63  }
0x3ac: {  	s0 =	simm.s32 $0x0  }
0x3ad: {  	s6 =	simm.s32 $0x0;
	s7 =	simm.s32 $0x365A;
	s0 =	simm.s32 @!p1 $0x10  }
.LBB3_35:
0x3ae: {  	v0 =	vld.msk [tilespmem:s7+$0x0], $0x1;
	s2 =	sadd.s32 $0xFFFFFFFF, s2;
	s6 =	sadd.s32 s6, s0  }
0x3af: {  	p1 =	sne.s32 s2, $0x0;
	_ =	sdelay $0x3  }
0x3b0: {  	(v2sf) =	vpush v0, $0x0;
	_ =	sdelay $0xe  }
.Ltmp37:
0x3b1: {  	s4 =	spop (v2sf);
	(pc) =	sbr.rel @p1 .LBB3_35-.Ltmp37, $4  }
0x3b2: {  	s0 =	simm.s32 $0x0;
	p2 =	sgt.u32 s4, $0x270FF  }
0x3b3: {  	s1 =	sadd.s32 $0x10, s1;
	s0 =	simm.s32 @!p2 $0x10;
	s5 =	sand.u32 @!p2 $0x3FFF8, s4  }
0x3b4: {  	s7 =	sadd.s32 $0x1, s7;
	s4 =	sand.u32 @!p2 $0x7, s4;
	s5 =	sadd.s32 @!p2 s3, s5  }
0x3b5: {  	[hbm4b:s5+s4] =	stream.linear.scatter @!p2 [tilespmem:s1], [sflag:$0x5], $0x4, $0x38;
	[tilespmem:$0x1F0F8] =	vst v63  }
.LBB3_36:
0x3b6: {  	s0 =	sadd.s32 s6, s0  }
0x3b7: {  	s0 =	sshrl.u32 s0, $0x2  }
.LBB3_37:
0x3b8: {  	s1 =	simm.s32 $0x5  }
0x3b9: {  	_ =	swait.ge [sflag:s1], s0  }
0x3ba: {  	s31 =	ssub.s32 $0x0, s0;
	[sflag:s1] =	ssyncset.done $0x0  }
0x3bb: {  	[sflag:s1] =	ssyncadd.s32 s31  }
0x3bc: {  	[sflag:s1] =	ssyncpa.u1 $0x1  }
.LBB3_38:
0x3bd: {  	s0 =	sor.u32 s17, s16  }
0x3be: {  	p1 =	sne.s32 s0, $0x0  }
.Ltmp38:
0x3bf: {  	_ = 	snop;
	(pc) =	sbr.rel @p1 .LBB3_53-.Ltmp38, $3  }
0x3c0: {  	_ =	sdelay $0x1  }
0x3c1: {  	[bflag:$0x0] =	sbarrier.arrive $0xFFFF  }
0x3c2: {  	_ =	sfence  }
0x3c3: {  	s0 =	simm.s32 $0x7  }
0x3c4: {  	s1 =	simm.s32 $0x200;
	s2 =	simm.s32 $0x3658;
	[sflag:s0] =	ssyncpa.u1 $0x0  }
0x3c5: {  	[tilespmem:s2], [sflag:$0x7] =	stream.linear.gather [spmem:s1], $0x20, $0x38;
	[tilespmem:$0x1F0F8] =	vst v63  }
0x3c6: {  	s30 =	simm.s32 $0x3678;
	s1 =	simm.s32 $0x0  }
0x3c7: {  	[tilespmem:s30], [sflag:$0x7] =	stream.linear.gather [spmem:s1], $0x200, $0x38;
	[tilespmem:$0x1F0F8] =	vst v63  }
.Ltmp39:
0x3c8: {  	_ = 	snop;
	(pc) =	sbr.rel .LBB3_40-.Ltmp39, $4  }
0x3c9: {  	_ =	swait.ge [sflag:s0], $0x220  }
0x3ca: {  	[sflag:s0] =	ssyncset.done $0x0  }
0x3cb: {  	s31 =	simm.s32 $0x8;
	[sflag:s0] =	ssyncadd.s32 $0xFFFFFDE0  }
0x3cc: {  	s2 =	simm.s32 $0x0;
	[sflag:s31] =	ssyncpa.u1 $0x0  }
.LBB3_45:
0x3cd: {  	p1 =	slt.u32 s4, $0x27100  }
0x3ce: {  	s0 =	sand.u32 @p1 $0x3FFF8, s4  }
0x3cf: {  	s4 =	sand.u32 @p1 $0x7, s4;
	s5 =	simm.s32 @p1 $0x3638;
	s0 =	sadd.s32 @p1 s3, s0  }
0x3d0: {  	[tilespmem:s5], [sflag:$0x8] =	stream.linear.gather @p1 [hbm4b:s0+s4], $0x4, $0x38;
	[tilespmem:$0x1F0F8] =	vst v63  }
0x3d1: {  	s0 =	simm.s32 @p1 $0x8  }
0x3d2: {  	_ =	swait.ge @p1 [sflag:s0], $0x4  }
0x3d3: {  	[sflag:s0] =	ssyncset.done @p1 $0x0  }
0x3d4: {  	[sflag:s0] =	ssyncadd.s32 @p1 $0xFFFFFFFC  }
0x3d5: {  	v1 =	vld @p1 [tilespmem:$0x3638];
	_ =	sdelay $0x2  }
0x3d6: {  	s0 =	sshll.u32 @p1 s2, $0x6  }
0x3d7: {  	s5 =	sshll.u32 @!p1 s2, $0x6;
	s4 =	sshrl.u32 @p1 s0, $0x2  }
0x3d8: {  	s5 =	smov.u32 @p1 s0;
	[tilespmem:s4+$0x3678] =	vst.add.f32.msk @p1 $0xffff, v1  }
0x3d9: {  	s0 =	sshrl.u32 s5, $0x2;
	[tilespmem:s1+$0x3658] =	vst.msk $0x1, v0  }
0x3da: {  	v0 =	vld [tilespmem:s0+$0x3678];
	_ =	sdelay $0x2  }
0x3db: {  	s31 =	sshll.u32 s1, $0x6  }
0x3dc: {  	s0 =	sshra.s32 s31, $0x2  }
0x3dd: {  	s1 =	sadd.s32 $0x1, s1;
	[tilespmem:s0+$0x3678] =	vst v0  }
.LBB3_47:
0x3de: {  	s2 =	sadd.s32 $0x1, s2  }
0x3df: {  	p1 =	sne.s32 s2, $0x20  }
.Ltmp40:
0x3e0: {  	_ = 	snop;
	(pc) =	sbr.rel @!p1 .LBB3_48-.Ltmp40, $1  }
0x3e1: {  	_ =	sdelay $0x3  }
.LBB3_40:
0x3e2: {  	v0 =	vld.msk [tilespmem:s2+$0x3658], $0x1;
	_ =	sdelay $0x4  }
0x3e3: {  	(v2sf) =	vpush v0, $0x0;
	_ =	sdelay $0xe  }
0x3e4: {  	s4 =	spop (v2sf)  }
0x3e5: {  	p1 =	seq.s32 s4, $0xFFFFFFFF  }
.Ltmp41:
0x3e6: {  	_ = 	snop;
	(pc) =	sbr.rel @p1 .LBB3_47-.Ltmp41, $1  }
0x3e7: {  	_ =	sdelay $0x3  }
0x3e8: {  	p1 =	slt.s32 s1, $0x1  }
.Ltmp42:
0x3e9: {  	_ = 	snop;
	(pc) =	sbr.rel @p1 .LBB3_45-.Ltmp42, $1  }
0x3ea: {  	_ =	sdelay $0x3  }
0x3eb: {  	s5 =	simm.s32 $0x3658;
	p1 =	por $0x0, $0x0  }
0x3ec: {  	v1 =	vld.msk @!p1 [tilespmem:s5+$0x0], $0x1;
	_ =	sdelay $0x4  }
0x3ed: {  	(v2sf) =	vpush @!p1 v1, $0x0;
	_ =	sdelay $0xd  }
0x3ee: {  	p3 =	sne.s32 s1, $0x1  }
.Ltmp43:
0x3ef: {  	s0 =	spop @!p1 (v2sf);
	(pc) =	sbr.rel @!p3 .LBB3_44-.Ltmp43, $4  }
0x3f0: {  	p2 =	seq.s32 @!p1 s4, s0  }
0x3f1: {  	s6 =	simm.s32 $0x0;
	p2 =	por !p2, p1  }
0x3f2: {  	s0 =	simm.s32 $0xFFFFFFFF;
	s6 =	simm.s32 @p2 $0xFFFFFFFF  }
0x3f3: {  	s7 =	simm.s32 $0x1;
	s6 =	smov.u32 @p1 s0  }
.LBB3_43:
0x3f4: {  	s0 =	smov.u32 s6;
	p1 =	sne.s32 s6, $0xFFFFFFFF  }
0x3f5: {  	s5 =	sadd.s32 $0x1, s5;
	s6 =	smov.u32 s7;
	s7 =	sadd.s32 $0x1, s7  }
0x3f6: {  	p2 =	sne.s32 s1, s7;
	v1 =	vld.msk @!p1 [tilespmem:s5+$0x0], $0x1;
	_ =	sdelay $0x4  }
0x3f7: {  	(v2sf) =	vpush @!p1 v1, $0x0;
	_ =	sdelay $0xe  }
.Ltmp44:
0x3f8: {  	s8 =	spop @!p1 (v2sf);
	(pc) =	sbr.rel @p2 .LBB3_43-.Ltmp44, $4  }
0x3f9: {  	p3 =	seq.s32 @!p1 s4, s8  }
0x3fa: {  	p3 =	por !p3, p1  }
0x3fb: {  	s6 =	simm.s32 @p3 $0xFFFFFFFF  }
0x3fc: {  	s6 =	smov.u32 @p1 s0  }
.LBB3_44:
0x3fd: {  	p1 =	sne.s32 s6, $0xFFFFFFFF  }
.Ltmp45:
0x3fe: {  	_ = 	snop;
	(pc) =	sbr.rel @!p1 .LBB3_45-.Ltmp45, $1  }
0x3ff: {  	_ =	sdelay $0x3  }
0x400: {  	s0 =	sshll.u32 s2, $0x4  }
0x401: {  	s0 =	sand.u32 $0x3FFFFFF0, s0  }
0x402: {  	v0 =	vld [tilespmem:s0+$0x3678]  }
.Ltmp46:
0x403: {  	_ = 	snop;
	(pc) =	sbr.rel .LBB3_47-.Ltmp46, $4  }
0x404: {  	_ = 	snop  }
0x405: {  	s31 =	sshll.u32 s6, $0x6  }
0x406: {  	s0 =	sshra.s32 s31, $0x2  }
0x407: {  	[tilespmem:s0+$0x3678] =	vst.add.f32.msk $0xffff, v0  }
.LBB3_48:
0x408: {  	p1 =	slt.s32 s1, $0x1  }
.Ltmp47:
0x409: {  	_ = 	snop;
	(pc) =	sbr.rel @p1 .LBB3_52-.Ltmp47, $3  }
0x40a: {  	_ =	sdelay $0x1  }
0x40b: {  	s0 =	simm.s32 $0x8  }
0x40c: {  	s2 =	simm.s32 $0x0;
	[sflag:s0] =	ssyncpa.u1 $0x1  }
0x40d: {  	s0 =	simm.s32 $0x3658  }
0x40e: {  	v0 =	vld.msk [tilespmem:s0+$0x0], $0x1;
	_ =	sdelay $0x4  }
0x40f: {  	(v2sf) =	vpush v0, $0x0;
	_ =	sdelay $0xe  }
0x410: {  	s1 =	sadd.s32 $0xFFFFFFFF, s1;
	s0 =	spop (v2sf)  }
0x411: {  	p2 =	sne.s32 s1, $0x0;
	p1 =	sgt.u32 s0, $0x270FF  }
.Ltmp48:
0x412: {  	s5 =	sand.u32 @!p1 $0x3FFF8, s0;
	(pc) =	sbr.rel @!p2 .LBB3_51-.Ltmp48, $4  }
0x413: {  	s4 =	simm.s32 $0x3678;
	s0 =	sand.u32 @!p1 $0x7, s0;
	s5 =	sadd.s32 @!p1 s3, s5  }
0x414: {  	[hbm4b:s5+s0] =	stream.linear.scatter @!p1 [tilespmem:s4], [sflag:$0x7], $0x4, $0x38;
	[tilespmem:$0x1F0F8] =	vst v63  }
0x415: {  	s0 =	simm.s32 $0x0  }
0x416: {  	s5 =	simm.s32 $0x3659;
	s0 =	simm.s32 @!p1 $0x10  }
.LBB3_50:
0x417: {  	v0 =	vld.msk [tilespmem:s5+$0x0], $0x1;
	s1 =	sadd.s32 $0xFFFFFFFF, s1;
	s2 =	sadd.s32 s2, s0  }
0x418: {  	p1 =	sne.s32 s1, $0x0;
	_ =	sdelay $0x3  }
0x419: {  	(v2sf) =	vpush v0, $0x0;
	_ =	sdelay $0xe  }
.Ltmp49:
0x41a: {  	s6 =	spop (v2sf);
	(pc) =	sbr.rel @p1 .LBB3_50-.Ltmp49, $4  }
0x41b: {  	s0 =	simm.s32 $0x0;
	p2 =	sgt.u32 s6, $0x270FF  }
0x41c: {  	s4 =	sadd.s32 $0x10, s4;
	s0 =	simm.s32 @!p2 $0x10;
	s7 =	sand.u32 @!p2 $0x3FFF8, s6  }
0x41d: {  	s5 =	sadd.s32 $0x1, s5;
	s6 =	sand.u32 @!p2 $0x7, s6;
	s7 =	sadd.s32 @!p2 s3, s7  }
0x41e: {  	[hbm4b:s7+s6] =	stream.linear.scatter @!p2 [tilespmem:s4], [sflag:$0x7], $0x4, $0x38;
	[tilespmem:$0x1F0F8] =	vst v63  }
.LBB3_51:
0x41f: {  	s0 =	sadd.s32 s2, s0  }
0x420: {  	s2 =	sshrl.u32 s0, $0x2  }
.LBB3_52:
0x421: {  	s0 =	simm.s32 $0x7  }
0x422: {  	_ =	swait.ge [sflag:s0], s2  }
0x423: {  	s1 =	ssub.s32 $0x0, s2;
	[sflag:s0] =	ssyncset.done $0x0  }
0x424: {  	[sflag:s0] =	ssyncadd.s32 s1  }
0x425: {  	[sflag:s0] =	ssyncpa.u1 $0x1  }
.LBB3_53:
0x426: {  	_ =	sfence;
	s0 =	simm.s32 $0x1  }
0x427: {  	[sflag:s0] =	ssyncpa.u1 $0x1  }
0x428: {  	_ =	strace $0x90000053  }
0x429: {  	[bflag:$0x2] =	sbarrier.arrive $0xFFFF  }
0x42a: {  	s0 =	rddreg [dreg:$0x3]  }
0x42b: {  	s0 =	sadd.s32 @!p0 $0x100000, s0  }
0x42c: {  	[sflag:s0] =	ssyncadd.tile.s32 @!p0 $0x1;
	_ =	shalt  }
.Lfunc_end3:
_tile_overlayer_lowered:
.L_overlay_start_3:
0x42d: {  	(tag) =	ssettag $0x3  }
0x42e: {  	s0 =	rddreg [dreg:$0x0];
	s2 =	stileid.u32  }
0x42f: {  	s1 =	rddreg [dreg:$0x1];
	p0 =	sne.s32 s2, $0x0  }
0x430: {  	s3 =	rddreg [dreg:$0x2];
	[bflag:$0x3] =	sbarrier.arrive $0xFFFF;
	s2 =	simm.s32 @!p0 $0x1C01  }
0x431: {  	[timem:s3], [sflag:s2] =	dma.local @!p0 [hbm:s0], s1  }
0x432: {  	s0 =	simm.s32 @!p0 $0x1  }
0x433: {  	_ =	swait.ge @!p0 [sflag:s0], s1  }
0x434: {  	s1 =	ssub.s32 @!p0 $0x0, s1;
	[sflag:s0] =	ssyncset.done @!p0 $0x0  }
0x435: {  	[sflag:s0] =	ssyncadd.s32 @!p0 s1  }
0x436: {  	[bflag:$0x3] =	sbarrier.arrive $0xFFFF  }
0x437: {  	_ =	shalt  }

// kernel: scatter_offload_async_start.2
scs
__scs_entry_jumppad:
0x0: {  	(pc) =	sbr.rel $0x88, $3  }
0x1: {  	(tag) =	ssettag $0x0;
	lr =	simm.s32 $0x1  }
0x2: {  	[smem:$0x3F82] =	sst lr;
	_ =	strace $0xD0000000  }
0x3: {  	_ = 	snop  }
0x4: {  	_ = 	snop  }
0x5: {  	_ = 	snop  }
0x6: {  	_ = 	snop  }
0x7: {  	_ = 	snop  }
__scs_overlays_trampoline_lowered:
0x8: {  	[smem:$0x3F91] =	sst s0  }
0x9: {  	[smem:$0x3F92] =	sst s1  }
0xa: {  	[smem:$0x3F93] =	sst s2  }
0xb: {  	[smem:$0x3F94] =	sst s3  }
0xc: {  	[smem:$0x3F95] =	sst s4  }
0xd: {  	[smem:$0x3F96] =	sst s5  }
0xe: {  	[smem:$0x3F97] =	sst s6  }
0xf: {  	[smem:$0x3F98] =	sst s7  }
0x10: {  	[smem:$0x3F99] =	sst s8  }
0x11: {  	[smem:$0x3F9A] =	sst s9;
	s0 =	simm.s32 @!p0 $0x0  }
0x12: {  	s1 =	sld [smem:$0x3F80];
	s0 =	simm.s32 @p0 $0x1  }
0x13: {  	[smem:$0x3F9B] =	sst s0;
	s0 =	simm.s32 @!p1 $0x0  }
0x14: {  	s2 =	sld [smem:$0x3F7F];
	s0 =	simm.s32 @p1 $0x1  }
0x15: {  	[smem:$0x3F9C] =	sst s0;
	s0 =	simm.s32 @!p2 $0x0  }
0x16: {  	s3 =	sld [smem:$0x3FDB];
	s0 =	simm.s32 @p2 $0x1  }
0x17: {  	s4 =	simm.s32 $0x1BF5;
	[smem:$0x3F9E] =	sst s0  }
0x18: {  	s0 =	sld [smem:$0x3F81];
	_ =	swait.ge [sflag:s4], $0x0  }
0x19: {  	s7 =	sld [smem:$0x3F82]  }
0x1a: {  	s8 =	sadd.s32 $0xFFFFE003, lr  }
0x1b: {  	s9 =	sadd.s32 $0xFFFFFEF7, lr;
	s5 =	simm.s32 $0xFFFFFFFF;
	p2 =	slt.u32 s8, $0xFFFFF086  }
0x1c: {  	p1 =	slt.u32 s9, $0xF7A;
	s5 =	simm.s32 @!p2 $0x0  }
0x1d: {  	s5 =	simm.s32 @p1 $0x1;
	p0 =	seq.s32 s7, s2  }
0x1e: {  	s7 =	smul.u32 @!p0 $0xF7A, s2;
	p2 =	seq.s32 @!p0 s5, $0x0  }
0x1f: {  	s9 =	smul.u32 $0xF7A, s1;
	s8 =	simm.s32 @!p0 $0x1BF5;
	p2 =	por !p2, p0  }
0x20: {  	[sflag:s8] =	ssyncset.s32 @!p0 $0xFFFFF086;
	s6 =	sadd.s32 @!p0 s3, s7;
	s7 =	simm.s32 @!p0 $0x108  }
0x21: {  	s3 =	sadd.s32 s3, s9;
	s6 =	sadd.s32 @!p0 $0x88, s6;
	s7 =	simm.s32 @p2 $0x1082  }
0x22: {  	[simem:s7], [sflag:s8] =	dma.local @!p0 [hbm:s6], $0xF7A  }
0x23: {  	s9 =	sor.u32 $0xD0000000, s2;
	s6 =	simm.s32 $0x108;
	_ =	swait.ge @!p0 [sflag:s8], $0x0  }
0x24: {  	s3 =	sadd.s32 $0x88, s3;
	s6 =	simm.s32 @!p1 $0x1082;
	[sflag:s4] =	ssyncset.s32 $0xFFFFF086  }
0x25: {  	[simem:s6], [sflag:s4] =	dma.local [hbm:s3], $0xF7A  }
0x26: {  	[smem:$0x3F82] =	sst s1;
	(tag) =	ssettag s2;
	_ =	strace s9  }
0x27: {  	s1 =	sld [smem:$0x3F92]  }
0x28: {  	s2 =	sld [smem:$0x3F93]  }
0x29: {  	s4 =	sld [smem:$0x3F95]  }
0x2a: {  	p0 =	seq.s32 s5, $0x0;
	s5 =	sld [smem:$0x3F96]  }
0x2b: {  	s6 =	sld [smem:$0x3F97]  }
0x2c: {  	s7 =	sld [smem:$0x3F98]  }
0x2d: {  	s3 =	simm.s32 $0x108;
	s8 =	sld [smem:$0x3F99]  }
0x2e: {  	s3 =	simm.s32 @!p0 $0x1082;
	s9 =	sld [smem:$0x3F9A]  }
0x2f: {  	lr =	sadd.s32 s0, s3;
	s0 =	sld [smem:$0x3F91]  }
0x30: {  	s3 =	sld [smem:$0x3F94]  }
0x31: {  	[smem:$0x3F9D] =	sst s10  }
0x32: {  	s10 =	sld [smem:$0x3F9B];
	_ =	sdelay $0x3  }
0x33: {  	p0 =	seq.s32 s10, $0x1;
	s10 =	sld [smem:$0x3F9D];
	_ =	sdelay $0x3  }
0x34: {  	[smem:$0x3F9D] =	sst s10  }
0x35: {  	s10 =	sld [smem:$0x3F9C];
	_ =	sdelay $0x3  }
0x36: {  	p1 =	seq.s32 s10, $0x1;
	s10 =	sld [smem:$0x3F9D];
	_ =	sdelay $0x3  }
0x37: {  	[smem:$0x3F9D] =	sst s10  }
0x38: {  	s10 =	sld [smem:$0x3F9E]  }
0x39: {  	_ = 	snop;
	(pc) =	sbr.ind lr, $3  }
0x3a: {  	_ = 	snop  }
0x3b: {  	_ = 	snop  }
0x3c: {  	p2 =	seq.s32 s10, $0x1;
	s10 =	sld [smem:$0x3F9D]  }
0x3d: {  	_ =	shalt  }
0x3e: {  	_ =	shalt  }
0x3f: {  	_ =	shalt  }
0x40: {  	_ =	shalt  }
0x41: {  	_ =	shalt  }
0x42: {  	_ =	shalt  }
0x43: {  	_ =	shalt  }
0x44: {  	_ =	shalt  }
0x45: {  	_ =	shalt  }
0x46: {  	_ =	shalt  }
0x47: {  	_ =	shalt  }
0x48: {  	_ =	shalt  }
0x49: {  	_ =	shalt  }
0x4a: {  	_ =	shalt  }
0x4b: {  	_ =	shalt  }
0x4c: {  	_ =	shalt  }
0x4d: {  	_ =	shalt  }
0x4e: {  	_ =	shalt  }
0x4f: {  	_ =	shalt  }
0x50: {  	_ =	shalt  }
0x51: {  	_ =	shalt  }
0x52: {  	_ =	shalt  }
0x53: {  	_ =	shalt  }
0x54: {  	_ =	shalt  }
0x55: {  	_ =	shalt  }
0x56: {  	_ =	shalt  }
0x57: {  	_ =	shalt  }
0x58: {  	_ =	shalt  }
0x59: {  	_ =	shalt  }
0x5a: {  	_ =	shalt  }
0x5b: {  	_ =	shalt  }
0x5c: {  	_ =	shalt  }
0x5d: {  	_ =	shalt  }
0x5e: {  	_ =	shalt  }
0x5f: {  	_ =	shalt  }
0x60: {  	_ =	shalt  }
0x61: {  	_ =	shalt  }
0x62: {  	_ =	shalt  }
0x63: {  	_ =	shalt  }
0x64: {  	_ =	shalt  }
0x65: {  	_ =	shalt  }
0x66: {  	_ =	shalt  }
0x67: {  	_ =	shalt  }
0x68: {  	_ =	shalt  }
0x69: {  	_ =	shalt  }
0x6a: {  	_ =	shalt  }
0x6b: {  	_ =	shalt  }
0x6c: {  	_ =	shalt  }
0x6d: {  	_ =	shalt  }
0x6e: {  	_ =	shalt  }
0x6f: {  	_ =	shalt  }
0x70: {  	_ =	shalt  }
0x71: {  	_ =	shalt  }
0x72: {  	_ =	shalt  }
0x73: {  	_ =	shalt  }
0x74: {  	_ =	shalt  }
0x75: {  	_ =	shalt  }
0x76: {  	_ =	shalt  }
0x77: {  	_ =	shalt  }
0x78: {  	_ =	shalt  }
0x79: {  	_ =	shalt  }
0x7a: {  	_ =	shalt  }
0x7b: {  	_ =	shalt  }
0x7c: {  	_ =	shalt  }
0x7d: {  	_ =	shalt  }
0x7e: {  	_ =	shalt  }
0x7f: {  	_ =	shalt  }
0x80: {  	_ =	shalt  }
0x81: {  	_ =	shalt  }
0x82: {  	_ =	shalt  }
0x83: {  	_ =	shalt  }
0x84: {  	_ =	shalt  }
0x85: {  	_ =	shalt  }
0x86: {  	_ =	shalt  }
0x87: {  	_ =	shalt  }
.Lfunc_end0:
.L_simem_size_0:
called_computation.2_lowered:
.L_overlay_start_0:
0x88: {  	s2 =	sld [smem:$0x3FD9]  }
0x89: {  	s3 =	sld [smem:$0x3FFE];
	_ =	sdelay $0x1  }
0x8a: {  	s1 =	srdreg.scid  }
0x8b: {  	s0 =	sand.u32 $0x1, s1  }
0x8c: {  	s15 =	sshll.u32 s0, $0xA;
	s2 =	sadd.s32 s3, s2  }
0x8d: {  	s2 =	sadd.s32 s2, s15  }
0x8e: {  	[smem:$0x3FA9] =	sst s2  }
0x8f: {  	_ = 	snop  }
0x90: {  	(tm) =	ssettm $0x1  }
0x91: {  	s16 =	sld [smem:$0x3FFB];
	_ =	sdelay $0x3  }
0x92: {  	_ =	strace s16  }
0x93: {  	s2 =	sld [smem:$0x3FFC];
	_ =	sdelay $0x3  }
0x94: {  	_ =	strace s2  }
0x95: {  	s2 =	sld [smem:$0x3FFD];
	_ =	sdelay $0x3  }
0x96: {  	_ =	strace s2  }
0x97: {  	_ =	strace $0x8FFFFFFF  }
0x98: {  	s17 =	sld [smem:$0x3FDB];
	_ =	sdelay $0x1  }
0x99: {  	s18 =	simm.s32 $_scs_section_size  }
0x9a: {  	s4 =	simm.s32 $_size__tile_overlayer_lowered;
	s5 =	simm.s32 $_tile_overlayer_lowered  }
0x9b: {  	s21 =	simm.s32 $0x1BFF;
	s20 =	sshll.u32 s5, $0x1;
	s2 =	sadd.s32 s18, s17  }
0x9c: {  	s6 =	simm.s32 $0x0;
	s19 =	sshll.u32 s4, $0x1;
	s4 =	sadd.s32 s20, s2  }
0x9d: {  	[timem:s6], [sflag:s21] =	dma.local [hbm:s4], s19  }
0x9e: {  	_ =	swait.ge [sflag:s21], s19  }
0x9f: {  	s3 =	ssub.s32 $0x0, s19;
	[sflag:s21] =	ssyncset.done $0x0  }
0xa0: {  	[sflag:s21] =	ssyncadd.s32 s3;
	_ =	sdelay $0x1  }
0xa1: {  	s22 =	simm.s32 $0x1B8B  }
0xa2: {  	_ =	swait.ge [sflag:s22], $0x1  }
0xa3: {  	[sflag:s22] =	ssyncset.done $0x0  }
0xa4: {  	s23 =	sld [smem:$0x3FFE];
	[sflag:s22] =	ssyncadd.s32 $0xFFFFFFFF  }
0xa5: {  	s25 =	simm.s32 $0x1B8E;
	s24 =	sld [smem:$0x0]  }
0xa6: {  	s26 =	simm.s32 $execute0_lowered;
	[smem:$0x3FD2] =	sst s25  }
0xa7: {  	s5 =	sshll.u32 s26, $0x1;
	_ =	strace $0x80000055;
	[dreg:$0x1] =	wrdreg $0xFFFFFFFF  }
0xa8: {  	s28 =	simm.s32 $_size_execute0_lowered;
	s2 =	sadd.s32 s2, s5;
	[dreg:$0x0] =	wrdreg $0x0  }
0xa9: {  	s5 =	sshll.u32 s28, $0x1;
	[dreg:$0x2] =	wrdreg s2  }
0xaa: {  	[dreg:$0x3] =	wrdreg s5  }
0xab: {  	[dreg:$0x4] =	wrdreg $0xC0  }
0xac: {  	_ =	task [dreg:s6], $0x5FFFF  }
0xad: {  	[dreg:$0x1] =	wrdreg $0xFFFFFFFF  }
0xae: {  	[dreg:$0x0] =	wrdreg $0x60  }
0xaf: {  	[dreg:$0x2] =	wrdreg s23  }
0xb0: {  	[dreg:$0x3] =	wrdreg s1  }
0xb1: {  	[dreg:$0x4] =	wrdreg s24  }
0xb2: {  	[dreg:$0x5] =	wrdreg $0x9  }
0xb3: {  	_ =	task.clear_ibuf [dreg:s6], $0x6FFFF;
	_ =	strace $0x90000055  }
0xb4: {  	s29 =	simm.s32 $0x9;
	_ =	strace $0x80000057  }
0xb5: {  	_ =	swait.ge [sflag:s29], $0x1  }
0xb6: {  	[sflag:s29] =	ssyncadd.s32 $0xFFFFFFFF  }
0xb7: {  	_ =	strace $0x90000057  }
0xb8: {  	_ =	sfence  }
0xb9: {  	s30 =	sld [smem:$0x0];
	_ =	sdelay $0x2  }
0xba: {  	s31 =	sshll.u32 s1, $0xD;
	s1 =	sshrl.u32 s1, $0x2  }
0xbb: {  	s3 =	sand.u32 $0x4000, s31;
	s1 =	sadd.s32 s1, s30  }
0xbc: {  	s0 =	sor.u32 s3, s0;
	s1 =	sshll.u32 s1, $0x11  }
0xbd: {  	s0 =	sor.u32 s1, s0  }
0xbe: {  	s0 =	sadd.s32 $0x8F2B, s0  }
0xbf: {  	[sflag:s0] =	ssyncadd.remote.s32 $0x1  }
0xc0: {  	_ =	sfence.sel $0xFFFF  }
0xc1: {  	[dreg:$0x0] =	wrdreg $0xFFFFFFFF;
	(pc) =	sbr.abs _section_cstart, $3  }
0xc2: {  	[dreg:$0x1] =	wrdreg $0xFFFFFFFF  }
0xc3: {  	_ =	task.clear_ibuf [dreg:s6], $0x2FFFF;
	_ =	strace $0x9FFFFFFF  }
0xc4: {  	(tm) =	ssettm $0x7FFFFFFF  }
0xc5: {  	_ =	shalt  }
tec
execute0_lowered:
.L_overlay_start_1:
0x0: {  	(tag) =	ssettag $0x1  }
0x1: {  	s11 =	rddreg [dreg:$0x0]  }
0x2: {  	s2 =	rddreg [dreg:$0x1];
	_ =	strace $0x80000056;
	s12 =	simm.s32 $0x1  }
0x3: {  	v0 =	vimm.s32 $0x0;
	[sflag:s12] =	ssyncpa.u1 $0x0  }
0x4: {  	[tilespmem:$0x28] =	vst v0  }
0x5: {  	[tilespmem:$0x38] =	vst v0  }
0x6: {  	[tilespmem:$0x48] =	vst v0  }
0x7: {  	[tilespmem:$0x58] =	vst v0  }
0x8: {  	[tilespmem:$0x68] =	vst v0  }
0x9: {  	[tilespmem:$0x78] =	vst v0  }
0xa: {  	[tilespmem:$0x88] =	vst v0  }
0xb: {  	[tilespmem:$0x98] =	vst v0  }
0xc: {  	[tilespmem:$0xA8] =	vst v0  }
0xd: {  	[tilespmem:$0xB8] =	vst v0  }
0xe: {  	[tilespmem:$0xC8] =	vst v0  }
0xf: {  	[tilespmem:$0xD8] =	vst v0  }
0x10: {  	[tilespmem:$0xE8] =	vst v0  }
0x11: {  	[tilespmem:$0xF8] =	vst v0  }
0x12: {  	[tilespmem:$0x108] =	vst v0  }
0x13: {  	[tilespmem:$0x118] =	vst v0  }
0x14: {  	[tilespmem:$0x128] =	vst v0  }
0x15: {  	[tilespmem:$0x138] =	vst v0  }
0x16: {  	[tilespmem:$0x148] =	vst v0  }
0x17: {  	[tilespmem:$0x158] =	vst v0  }
0x18: {  	[tilespmem:$0x168] =	vst v0  }
0x19: {  	[tilespmem:$0x178] =	vst v0  }
0x1a: {  	[tilespmem:$0x188] =	vst v0  }
0x1b: {  	[tilespmem:$0x198] =	vst v0  }
0x1c: {  	[tilespmem:$0x1A8] =	vst v0  }
0x1d: {  	[tilespmem:$0x1B8] =	vst v0  }
0x1e: {  	[tilespmem:$0x1C8] =	vst v0  }
0x1f: {  	[tilespmem:$0x1D8] =	vst v0  }
0x20: {  	[tilespmem:$0x1E8] =	vst v0  }
0x21: {  	[tilespmem:$0x1F8] =	vst v0  }
0x22: {  	[tilespmem:$0x208] =	vst v0  }
0x23: {  	[tilespmem:$0x218] =	vst v0  }
0x24: {  	[tilespmem:$0x228] =	vst v0  }
0x25: {  	[tilespmem:$0x238] =	vst v0  }
0x26: {  	[tilespmem:$0x248] =	vst v0  }
0x27: {  	[tilespmem:$0x258] =	vst v0  }
0x28: {  	[tilespmem:$0x268] =	vst v0  }
0x29: {  	[tilespmem:$0x278] =	vst v0  }
0x2a: {  	[tilespmem:$0x288] =	vst v0  }
0x2b: {  	[tilespmem:$0x298] =	vst v0  }
0x2c: {  	[tilespmem:$0x2A8] =	vst v0  }
0x2d: {  	[tilespmem:$0x2B8] =	vst v0  }
0x2e: {  	[tilespmem:$0x2C8] =	vst v0  }
0x2f: {  	[tilespmem:$0x2D8] =	vst v0  }
0x30: {  	[tilespmem:$0x2E8] =	vst v0  }
0x31: {  	[tilespmem:$0x2F8] =	vst v0  }
0x32: {  	[tilespmem:$0x308] =	vst v0  }
0x33: {  	[tilespmem:$0x318] =	vst v0  }
0x34: {  	[tilespmem:$0x328] =	vst v0  }
0x35: {  	[tilespmem:$0x338] =	vst v0  }
0x36: {  	[tilespmem:$0x348] =	vst v0  }
0x37: {  	[tilespmem:$0x358] =	vst v0  }
0x38: {  	[tilespmem:$0x368] =	vst v0  }
0x39: {  	[tilespmem:$0x378] =	vst v0  }
0x3a: {  	[tilespmem:$0x388] =	vst v0  }
0x3b: {  	[tilespmem:$0x398] =	vst v0  }
0x3c: {  	[tilespmem:$0x3A8] =	vst v0  }
0x3d: {  	[tilespmem:$0x3B8] =	vst v0  }
0x3e: {  	[tilespmem:$0x3C8] =	vst v0  }
0x3f: {  	[tilespmem:$0x3D8] =	vst v0  }
0x40: {  	[tilespmem:$0x3E8] =	vst v0  }
0x41: {  	[tilespmem:$0x3F8] =	vst v0  }
0x42: {  	[tilespmem:$0x408] =	vst v0  }
0x43: {  	[tilespmem:$0x418] =	vst v0  }
0x44: {  	[tilespmem:$0x428] =	vst v0  }
0x45: {  	[tilespmem:$0x438] =	vst v0  }
0x46: {  	[tilespmem:$0x448] =	vst v0  }
0x47: {  	[tilespmem:$0x458] =	vst v0  }
0x48: {  	[tilespmem:$0x468] =	vst v0  }
0x49: {  	[tilespmem:$0x478] =	vst v0  }
0x4a: {  	[tilespmem:$0x488] =	vst v0  }
0x4b: {  	[tilespmem:$0x498] =	vst v0  }
0x4c: {  	[tilespmem:$0x4A8] =	vst v0  }
0x4d: {  	[tilespmem:$0x4B8] =	vst v0  }
0x4e: {  	[tilespmem:$0x4C8] =	vst v0  }
0x4f: {  	[tilespmem:$0x4D8] =	vst v0  }
0x50: {  	[tilespmem:$0x4E8] =	vst v0  }
0x51: {  	[tilespmem:$0x4F8] =	vst v0  }
0x52: {  	[tilespmem:$0x508] =	vst v0  }
0x53: {  	[tilespmem:$0x518] =	vst v0  }
0x54: {  	[tilespmem:$0x528] =	vst v0  }
0x55: {  	[tilespmem:$0x538] =	vst v0  }
0x56: {  	[tilespmem:$0x548] =	vst v0  }
0x57: {  	[tilespmem:$0x558] =	vst v0  }
0x58: {  	[tilespmem:$0x568] =	vst v0  }
0x59: {  	[tilespmem:$0x578] =	vst v0  }
0x5a: {  	[tilespmem:$0x588] =	vst v0  }
0x5b: {  	[tilespmem:$0x598] =	vst v0  }
0x5c: {  	[tilespmem:$0x5A8] =	vst v0  }
0x5d: {  	[tilespmem:$0x5B8] =	vst v0  }
0x5e: {  	[tilespmem:$0x5C8] =	vst v0  }
0x5f: {  	[tilespmem:$0x5D8] =	vst v0  }
0x60: {  	[tilespmem:$0x5E8] =	vst v0  }
0x61: {  	[tilespmem:$0x5F8] =	vst v0  }
0x62: {  	[tilespmem:$0x608] =	vst v0  }
0x63: {  	[tilespmem:$0x618] =	vst v0  }
0x64: {  	[tilespmem:$0x628] =	vst v0  }
0x65: {  	[tilespmem:$0x638] =	vst v0  }
0x66: {  	[tilespmem:$0x648] =	vst v0  }
0x67: {  	[tilespmem:$0x658] =	vst v0  }
0x68: {  	[tilespmem:$0x668] =	vst v0  }
0x69: {  	[tilespmem:$0x678] =	vst v0  }
0x6a: {  	[tilespmem:$0x688] =	vst v0  }
0x6b: {  	[tilespmem:$0x698] =	vst v0  }
0x6c: {  	[tilespmem:$0x6A8] =	vst v0  }
0x6d: {  	[tilespmem:$0x6B8] =	vst v0  }
0x6e: {  	[tilespmem:$0x6C8] =	vst v0  }
0x6f: {  	[tilespmem:$0x6D8] =	vst v0  }
0x70: {  	[tilespmem:$0x6E8] =	vst v0  }
0x71: {  	[tilespmem:$0x6F8] =	vst v0  }
0x72: {  	[tilespmem:$0x708] =	vst v0  }
0x73: {  	[tilespmem:$0x718] =	vst v0  }
0x74: {  	[tilespmem:$0x728] =	vst v0  }
0x75: {  	[tilespmem:$0x738] =	vst v0  }
0x76: {  	[tilespmem:$0x748] =	vst v0  }
0x77: {  	[tilespmem:$0x758] =	vst v0  }
0x78: {  	[tilespmem:$0x768] =	vst v0  }
0x79: {  	[tilespmem:$0x778] =	vst v0  }
0x7a: {  	[tilespmem:$0x788] =	vst v0  }
0x7b: {  	[tilespmem:$0x798] =	vst v0  }
0x7c: {  	[tilespmem:$0x7A8] =	vst v0  }
0x7d: {  	[tilespmem:$0x7B8] =	vst v0  }
0x7e: {  	[tilespmem:$0x7C8] =	vst v0  }
0x7f: {  	[tilespmem:$0x7D8] =	vst v0  }
0x80: {  	[tilespmem:$0x7E8] =	vst v0  }
0x81: {  	[tilespmem:$0x7F8] =	vst v0  }
0x82: {  	[tilespmem:$0x808] =	vst v0  }
0x83: {  	[tilespmem:$0x818] =	vst v0  }
0x84: {  	[tilespmem:$0x828] =	vst v0  }
0x85: {  	[tilespmem:$0x838] =	vst v0  }
0x86: {  	[tilespmem:$0x848] =	vst v0  }
0x87: {  	[tilespmem:$0x858] =	vst v0  }
0x88: {  	[tilespmem:$0x868] =	vst v0  }
0x89: {  	[tilespmem:$0x878] =	vst v0  }
0x8a: {  	[tilespmem:$0x888] =	vst v0  }
0x8b: {  	[tilespmem:$0x898] =	vst v0  }
0x8c: {  	[tilespmem:$0x8A8] =	vst v0  }
0x8d: {  	[tilespmem:$0x8B8] =	vst v0  }
0x8e: {  	[tilespmem:$0x8C8] =	vst v0  }
0x8f: {  	[tilespmem:$0x8D8] =	vst v0  }
0x90: {  	[tilespmem:$0x8E8] =	vst v0  }
0x91: {  	[tilespmem:$0x8F8] =	vst v0  }
0x92: {  	[tilespmem:$0x908] =	vst v0  }
0x93: {  	[tilespmem:$0x918] =	vst v0  }
0x94: {  	[tilespmem:$0x928] =	vst v0  }
0x95: {  	[tilespmem:$0x938] =	vst v0  }
0x96: {  	[tilespmem:$0x948] =	vst v0  }
0x97: {  	[tilespmem:$0x958] =	vst v0  }
0x98: {  	[tilespmem:$0x968] =	vst v0  }
0x99: {  	[tilespmem:$0x978] =	vst v0  }
0x9a: {  	[tilespmem:$0x988] =	vst v0  }
0x9b: {  	[tilespmem:$0x998] =	vst v0  }
0x9c: {  	[tilespmem:$0x9A8] =	vst v0  }
0x9d: {  	[tilespmem:$0x9B8] =	vst v0  }
0x9e: {  	[tilespmem:$0x9C8] =	vst v0  }
0x9f: {  	[tilespmem:$0x9D8] =	vst v0  }
0xa0: {  	[tilespmem:$0x9E8] =	vst v0  }
0xa1: {  	[tilespmem:$0x9F8] =	vst v0  }
0xa2: {  	[tilespmem:$0xA08] =	vst v0  }
0xa3: {  	[tilespmem:$0xA18] =	vst v0  }
0xa4: {  	[tilespmem:$0xA28] =	vst v0  }
0xa5: {  	[tilespmem:$0xA38] =	vst v0  }
0xa6: {  	[tilespmem:$0xA48] =	vst v0  }
0xa7: {  	[tilespmem:$0xA58] =	vst v0  }
0xa8: {  	[tilespmem:$0xA68] =	vst v0  }
0xa9: {  	[tilespmem:$0xA78] =	vst v0  }
0xaa: {  	[tilespmem:$0xA88] =	vst v0  }
0xab: {  	[tilespmem:$0xA98] =	vst v0  }
0xac: {  	[tilespmem:$0xAA8] =	vst v0  }
0xad: {  	[tilespmem:$0xAB8] =	vst v0  }
0xae: {  	[tilespmem:$0xAC8] =	vst v0  }
0xaf: {  	[tilespmem:$0xAD8] =	vst v0  }
0xb0: {  	[tilespmem:$0xAE8] =	vst v0  }
0xb1: {  	[tilespmem:$0xAF8] =	vst v0  }
0xb2: {  	[tilespmem:$0xB08] =	vst v0  }
0xb3: {  	[tilespmem:$0xB18] =	vst v0  }
0xb4: {  	[tilespmem:$0xB28] =	vst v0  }
0xb5: {  	[tilespmem:$0xB38] =	vst v0  }
0xb6: {  	[tilespmem:$0xB48] =	vst v0  }
0xb7: {  	[tilespmem:$0xB58] =	vst v0  }
0xb8: {  	[tilespmem:$0xB68] =	vst v0  }
0xb9: {  	[tilespmem:$0xB78] =	vst v0  }
0xba: {  	[tilespmem:$0xB88] =	vst v0  }
0xbb: {  	[tilespmem:$0xB98] =	vst v0  }
0xbc: {  	[tilespmem:$0xBA8] =	vst v0  }
0xbd: {  	[tilespmem:$0xBB8] =	vst v0  }
0xbe: {  	[tilespmem:$0xBC8] =	vst v0  }
0xbf: {  	[tilespmem:$0xBD8] =	vst v0  }
0xc0: {  	[tilespmem:$0xBE8] =	vst v0  }
0xc1: {  	[tilespmem:$0xBF8] =	vst v0  }
0xc2: {  	[tilespmem:$0xC08] =	vst v0  }
0xc3: {  	[tilespmem:$0xC18] =	vst v0  }
0xc4: {  	[tilespmem:$0xC28] =	vst v0  }
0xc5: {  	[tilespmem:$0xC38] =	vst v0  }
0xc6: {  	[tilespmem:$0xC48] =	vst v0  }
0xc7: {  	[tilespmem:$0xC58] =	vst v0  }
0xc8: {  	[tilespmem:$0xC68] =	vst v0  }
0xc9: {  	[tilespmem:$0xC78] =	vst v0  }
0xca: {  	[tilespmem:$0xC88] =	vst v0  }
0xcb: {  	[tilespmem:$0xC98] =	vst v0  }
0xcc: {  	[tilespmem:$0xCA8] =	vst v0  }
0xcd: {  	[tilespmem:$0xCB8] =	vst v0  }
0xce: {  	[tilespmem:$0xCC8] =	vst v0  }
0xcf: {  	[tilespmem:$0xCD8] =	vst v0  }
0xd0: {  	[tilespmem:$0xCE8] =	vst v0  }
0xd1: {  	[tilespmem:$0xCF8] =	vst v0  }
0xd2: {  	[tilespmem:$0xD08] =	vst v0  }
0xd3: {  	[tilespmem:$0xD18] =	vst v0  }
0xd4: {  	[tilespmem:$0xD28] =	vst v0  }
0xd5: {  	[tilespmem:$0xD38] =	vst v0  }
0xd6: {  	[tilespmem:$0xD48] =	vst v0  }
0xd7: {  	[tilespmem:$0xD58] =	vst v0  }
0xd8: {  	[tilespmem:$0xD68] =	vst v0  }
0xd9: {  	[tilespmem:$0xD78] =	vst v0  }
0xda: {  	[tilespmem:$0xD88] =	vst v0  }
0xdb: {  	[tilespmem:$0xD98] =	vst v0  }
0xdc: {  	[tilespmem:$0xDA8] =	vst v0  }
0xdd: {  	[tilespmem:$0xDB8] =	vst v0  }
0xde: {  	[tilespmem:$0xDC8] =	vst v0  }
0xdf: {  	[tilespmem:$0xDD8] =	vst v0  }
0xe0: {  	[tilespmem:$0xDE8] =	vst v0  }
0xe1: {  	[tilespmem:$0xDF8] =	vst v0  }
0xe2: {  	[tilespmem:$0xE08] =	vst v0  }
0xe3: {  	[tilespmem:$0xE18] =	vst v0  }
0xe4: {  	[tilespmem:$0xE28] =	vst v0  }
0xe5: {  	[tilespmem:$0xE38] =	vst v0  }
0xe6: {  	[tilespmem:$0xE48] =	vst v0  }
0xe7: {  	[tilespmem:$0xE58] =	vst v0  }
0xe8: {  	[tilespmem:$0xE68] =	vst v0  }
0xe9: {  	[tilespmem:$0xE78] =	vst v0  }
0xea: {  	[tilespmem:$0xE88] =	vst v0  }
0xeb: {  	[tilespmem:$0xE98] =	vst v0  }
0xec: {  	[tilespmem:$0xEA8] =	vst v0  }
0xed: {  	[tilespmem:$0xEB8] =	vst v0  }
0xee: {  	[tilespmem:$0xEC8] =	vst v0  }
0xef: {  	[tilespmem:$0xED8] =	vst v0  }
0xf0: {  	[tilespmem:$0xEE8] =	vst v0  }
0xf1: {  	[tilespmem:$0xEF8] =	vst v0  }
0xf2: {  	[tilespmem:$0xF08] =	vst v0  }
0xf3: {  	[tilespmem:$0xF18] =	vst v0  }
0xf4: {  	[tilespmem:$0xF28] =	vst v0  }
0xf5: {  	[tilespmem:$0xF38] =	vst v0  }
0xf6: {  	[tilespmem:$0xF48] =	vst v0  }
0xf7: {  	[tilespmem:$0xF58] =	vst v0  }
0xf8: {  	[tilespmem:$0xF68] =	vst v0  }
0xf9: {  	[tilespmem:$0xF78] =	vst v0  }
0xfa: {  	[tilespmem:$0xF88] =	vst v0  }
0xfb: {  	[tilespmem:$0xF98] =	vst v0  }
0xfc: {  	[tilespmem:$0xFA8] =	vst v0  }
0xfd: {  	[tilespmem:$0xFB8] =	vst v0  }
0xfe: {  	[tilespmem:$0xFC8] =	vst v0  }
0xff: {  	[tilespmem:$0xFD8] =	vst v0  }
0x100: {  	[tilespmem:$0xFE8] =	vst v0  }
0x101: {  	[tilespmem:$0xFF8] =	vst v0  }
0x102: {  	[tilespmem:$0x1028] =	vst v0  }
0x103: {  	[tilespmem:$0x10E8] =	vst v0  }
0x104: {  	[tilespmem:$0x1068] =	vst v0  }
0x105: {  	[tilespmem:$0x1B28] =	vst v0  }
0x106: {  	[tilespmem:$0x1B18] =	vst v0  }
0x107: {  	[tilespmem:$0x1B08] =	vst v0  }
0x108: {  	[tilespmem:$0x1AF8] =	vst v0  }
0x109: {  	[tilespmem:$0x1AE8] =	vst v0  }
0x10a: {  	[tilespmem:$0x1AD8] =	vst v0  }
0x10b: {  	[tilespmem:$0x1AC8] =	vst v0  }
0x10c: {  	[tilespmem:$0x1AB8] =	vst v0  }
0x10d: {  	[tilespmem:$0x1AA8] =	vst v0  }
0x10e: {  	[tilespmem:$0x1A98] =	vst v0  }
0x10f: {  	[tilespmem:$0x1A88] =	vst v0  }
0x110: {  	[tilespmem:$0x1A78] =	vst v0  }
0x111: {  	[tilespmem:$0x1A68] =	vst v0  }
0x112: {  	[tilespmem:$0x1A58] =	vst v0  }
0x113: {  	[tilespmem:$0x1A48] =	vst v0  }
0x114: {  	[tilespmem:$0x1A38] =	vst v0  }
0x115: {  	[tilespmem:$0x1A28] =	vst v0  }
0x116: {  	[tilespmem:$0x1A18] =	vst v0  }
0x117: {  	[tilespmem:$0x1A08] =	vst v0  }
0x118: {  	[tilespmem:$0x19F8] =	vst v0  }
0x119: {  	[tilespmem:$0x19E8] =	vst v0  }
0x11a: {  	[tilespmem:$0x19D8] =	vst v0  }
0x11b: {  	[tilespmem:$0x19C8] =	vst v0  }
0x11c: {  	[tilespmem:$0x19B8] =	vst v0  }
0x11d: {  	[tilespmem:$0x19A8] =	vst v0  }
0x11e: {  	[tilespmem:$0x1998] =	vst v0  }
0x11f: {  	[tilespmem:$0x1988] =	vst v0  }
0x120: {  	[tilespmem:$0x1978] =	vst v0  }
0x121: {  	[tilespmem:$0x1968] =	vst v0  }
0x122: {  	[tilespmem:$0x1958] =	vst v0  }
0x123: {  	[tilespmem:$0x1948] =	vst v0  }
0x124: {  	[tilespmem:$0x1938] =	vst v0  }
0x125: {  	[tilespmem:$0x1928] =	vst v0  }
0x126: {  	[tilespmem:$0x1918] =	vst v0  }
0x127: {  	[tilespmem:$0x1908] =	vst v0  }
0x128: {  	[tilespmem:$0x18F8] =	vst v0  }
0x129: {  	[tilespmem:$0x18E8] =	vst v0  }
0x12a: {  	[tilespmem:$0x18D8] =	vst v0  }
0x12b: {  	[tilespmem:$0x18C8] =	vst v0  }
0x12c: {  	[tilespmem:$0x18B8] =	vst v0  }
0x12d: {  	[tilespmem:$0x18A8] =	vst v0  }
0x12e: {  	[tilespmem:$0x1898] =	vst v0  }
0x12f: {  	[tilespmem:$0x1888] =	vst v0  }
0x130: {  	[tilespmem:$0x1878] =	vst v0  }
0x131: {  	[tilespmem:$0x1868] =	vst v0  }
0x132: {  	[tilespmem:$0x1858] =	vst v0  }
0x133: {  	[tilespmem:$0x1848] =	vst v0  }
0x134: {  	[tilespmem:$0x1838] =	vst v0  }
0x135: {  	[tilespmem:$0x1828] =	vst v0  }
0x136: {  	[tilespmem:$0x1818] =	vst v0  }
0x137: {  	[tilespmem:$0x1808] =	vst v0  }
0x138: {  	[tilespmem:$0x17F8] =	vst v0  }
0x139: {  	[tilespmem:$0x17E8] =	vst v0  }
0x13a: {  	[tilespmem:$0x17D8] =	vst v0  }
0x13b: {  	[tilespmem:$0x17C8] =	vst v0  }
0x13c: {  	[tilespmem:$0x17B8] =	vst v0  }
0x13d: {  	[tilespmem:$0x17A8] =	vst v0  }
0x13e: {  	[tilespmem:$0x1798] =	vst v0  }
0x13f: {  	[tilespmem:$0x1788] =	vst v0  }
0x140: {  	[tilespmem:$0x1778] =	vst v0  }
0x141: {  	[tilespmem:$0x1768] =	vst v0  }
0x142: {  	[tilespmem:$0x1758] =	vst v0  }
0x143: {  	[tilespmem:$0x1748] =	vst v0  }
0x144: {  	[tilespmem:$0x1738] =	vst v0  }
0x145: {  	[tilespmem:$0x1728] =	vst v0  }
0x146: {  	[tilespmem:$0x1718] =	vst v0  }
0x147: {  	[tilespmem:$0x1708] =	vst v0  }
0x148: {  	[tilespmem:$0x16F8] =	vst v0  }
0x149: {  	[tilespmem:$0x16E8] =	vst v0  }
0x14a: {  	[tilespmem:$0x16D8] =	vst v0  }
0x14b: {  	[tilespmem:$0x16C8] =	vst v0  }
0x14c: {  	[tilespmem:$0x16B8] =	vst v0  }
0x14d: {  	[tilespmem:$0x16A8] =	vst v0  }
0x14e: {  	[tilespmem:$0x1698] =	vst v0  }
0x14f: {  	[tilespmem:$0x1688] =	vst v0  }
0x150: {  	[tilespmem:$0x1678] =	vst v0  }
0x151: {  	[tilespmem:$0x1668] =	vst v0  }
0x152: {  	[tilespmem:$0x1658] =	vst v0  }
0x153: {  	[tilespmem:$0x1648] =	vst v0  }
0x154: {  	[tilespmem:$0x1638] =	vst v0  }
0x155: {  	[tilespmem:$0x1628] =	vst v0  }
0x156: {  	[tilespmem:$0x1618] =	vst v0  }
0x157: {  	[tilespmem:$0x1608] =	vst v0  }
0x158: {  	[tilespmem:$0x15F8] =	vst v0  }
0x159: {  	[tilespmem:$0x15E8] =	vst v0  }
0x15a: {  	[tilespmem:$0x15D8] =	vst v0  }
0x15b: {  	[tilespmem:$0x15C8] =	vst v0  }
0x15c: {  	[tilespmem:$0x15B8] =	vst v0  }
0x15d: {  	[tilespmem:$0x15A8] =	vst v0  }
0x15e: {  	[tilespmem:$0x1598] =	vst v0  }
0x15f: {  	[tilespmem:$0x1588] =	vst v0  }
0x160: {  	[tilespmem:$0x1578] =	vst v0  }
0x161: {  	[tilespmem:$0x1568] =	vst v0  }
0x162: {  	[tilespmem:$0x1558] =	vst v0  }
0x163: {  	[tilespmem:$0x1548] =	vst v0  }
0x164: {  	[tilespmem:$0x1538] =	vst v0  }
0x165: {  	[tilespmem:$0x1528] =	vst v0  }
0x166: {  	[tilespmem:$0x1518] =	vst v0  }
0x167: {  	[tilespmem:$0x1508] =	vst v0  }
0x168: {  	[tilespmem:$0x14F8] =	vst v0  }
0x169: {  	[tilespmem:$0x14E8] =	vst v0  }
0x16a: {  	[tilespmem:$0x14D8] =	vst v0  }
0x16b: {  	[tilespmem:$0x14C8] =	vst v0  }
0x16c: {  	[tilespmem:$0x14B8] =	vst v0  }
0x16d: {  	[tilespmem:$0x14A8] =	vst v0  }
0x16e: {  	[tilespmem:$0x1498] =	vst v0  }
0x16f: {  	[tilespmem:$0x1488] =	vst v0  }
0x170: {  	[tilespmem:$0x1478] =	vst v0  }
0x171: {  	[tilespmem:$0x1468] =	vst v0  }
0x172: {  	[tilespmem:$0x1458] =	vst v0  }
0x173: {  	[tilespmem:$0x1448] =	vst v0  }
0x174: {  	[tilespmem:$0x1438] =	vst v0  }
0x175: {  	[tilespmem:$0x1428] =	vst v0  }
0x176: {  	[tilespmem:$0x1418] =	vst v0  }
0x177: {  	[tilespmem:$0x1408] =	vst v0  }
0x178: {  	[tilespmem:$0x13F8] =	vst v0  }
0x179: {  	[tilespmem:$0x13E8] =	vst v0  }
0x17a: {  	[tilespmem:$0x13D8] =	vst v0  }
0x17b: {  	[tilespmem:$0x13C8] =	vst v0  }
0x17c: {  	[tilespmem:$0x13B8] =	vst v0  }
0x17d: {  	[tilespmem:$0x13A8] =	vst v0  }
0x17e: {  	[tilespmem:$0x1398] =	vst v0  }
0x17f: {  	[tilespmem:$0x1388] =	vst v0  }
0x180: {  	[tilespmem:$0x1378] =	vst v0  }
0x181: {  	[tilespmem:$0x1368] =	vst v0  }
0x182: {  	[tilespmem:$0x1358] =	vst v0  }
0x183: {  	[tilespmem:$0x1348] =	vst v0  }
0x184: {  	[tilespmem:$0x1338] =	vst v0  }
0x185: {  	[tilespmem:$0x1328] =	vst v0  }
0x186: {  	[tilespmem:$0x1318] =	vst v0  }
0x187: {  	[tilespmem:$0x1308] =	vst v0  }
0x188: {  	[tilespmem:$0x12F8] =	vst v0  }
0x189: {  	[tilespmem:$0x12E8] =	vst v0  }
0x18a: {  	[tilespmem:$0x12D8] =	vst v0  }
0x18b: {  	[tilespmem:$0x12C8] =	vst v0  }
0x18c: {  	[tilespmem:$0x12B8] =	vst v0  }
0x18d: {  	[tilespmem:$0x12A8] =	vst v0  }
0x18e: {  	[tilespmem:$0x1298] =	vst v0  }
0x18f: {  	[tilespmem:$0x1288] =	vst v0  }
0x190: {  	[tilespmem:$0x1278] =	vst v0  }
0x191: {  	[tilespmem:$0x1268] =	vst v0  }
0x192: {  	[tilespmem:$0x1258] =	vst v0  }
0x193: {  	[tilespmem:$0x1248] =	vst v0  }
0x194: {  	[tilespmem:$0x1238] =	vst v0  }
0x195: {  	[tilespmem:$0x1228] =	vst v0  }
0x196: {  	[tilespmem:$0x1218] =	vst v0  }
0x197: {  	[tilespmem:$0x1208] =	vst v0  }
0x198: {  	[tilespmem:$0x11F8] =	vst v0  }
0x199: {  	[tilespmem:$0x11E8] =	vst v0  }
0x19a: {  	[tilespmem:$0x11D8] =	vst v0  }
0x19b: {  	[tilespmem:$0x11C8] =	vst v0  }
0x19c: {  	[tilespmem:$0x11B8] =	vst v0  }
0x19d: {  	[tilespmem:$0x11A8] =	vst v0  }
0x19e: {  	[tilespmem:$0x1198] =	vst v0  }
0x19f: {  	[tilespmem:$0x1188] =	vst v0  }
0x1a0: {  	[tilespmem:$0x1178] =	vst v0  }
0x1a1: {  	[tilespmem:$0x1168] =	vst v0  }
0x1a2: {  	[tilespmem:$0x1158] =	vst v0  }
0x1a3: {  	[tilespmem:$0x1148] =	vst v0  }
0x1a4: {  	[tilespmem:$0x1138] =	vst v0  }
0x1a5: {  	[tilespmem:$0x1128] =	vst v0  }
0x1a6: {  	[tilespmem:$0x1118] =	vst v0  }
0x1a7: {  	s4 =	stileid.u32;
	[tilespmem:$0x1108] =	vst v0  }
0x1a8: {  	s0 =	smul.u32 $0x17, s4;
	[tilespmem:$0x10F8] =	vst v0  }
0x1a9: {  	s1 =	smin.u32 s4, $0x3;
	[tilespmem:$0x10C8] =	vst v0  }
0x1aa: {  	[tilespmem:$0x10D8] =	vst v0;
	s0 =	sadd.s32 s1, s0  }
0x1ab: {  	p0 =	slt.u32 s4, $0x3;
	[tilespmem:$0x10B8] =	vst v0;
	s1 =	simm.s32 $0x2880;
	s6 =	smul.u32 $0x1B0, s0  }
0x1ac: {  	s1 =	simm.s32 @!p0 $0x26D0;
	[tilespmem:$0x1038] =	vst v0  }
0x1ad: {  	[tilespmem:$0x10A8] =	vst v0;
	s0 =	sadd.s32 s1, s6  }
0x1ae: {  	s3 =	simm.s32 $0x2;
	s8 =	simm.s32 $0x9;
	[tilespmem:$0x1098] =	vst v0;
	s7 =	smin.u32 s0, $0x27100  }
0x1af: {  	s10 =	simm.s32 $0xA;
	s30 =	simm.s32 $0xB;
	[tilespmem:$0x1088] =	vst v0;
	s0 =	ssub.s32 s7, s6  }
0x1b0: {  	s16 =	simm.s32 $0x0;
	p4 =	por $0x0, $0x0;
	[tilespmem:$0x1078] =	vst v0;
	p0 =	sgt.s32 s0, $0x0  }
0x1b1: {  	s17 =	simm.s32 $0xC;
	s21 =	simm.s32 $0x0;
	[tilespmem:$0x1058] =	vst v0;
	s0 =	simm.s32 @!p0 $0x0  }
0x1b2: {  	s18 =	simm.s32 $0x0;
	s2 =	sand.u32 $0x1, s2;
	[tilespmem:$0x1048] =	vst v0;
	s29 =	smulhi.u32 $0x4BDA12F7, s0  }
0x1b3: {  	s20 =	simm.s32 $0x0;
	s31 =	sshll.u32 s4, $0x5;
	[tilespmem:$0x1018] =	vst v0;
	[dreg:$0x5] =	wrdreg s2  }
0x1b4: {  	s2 =	smul.u32 $0x4E20, s2;
	[tilespmem:$0x1008] =	vst v0;
	[sflag:s3] =	ssyncpa.u1 $0x0;
	s1 =	sshrl.u32 s29, $0x7  }
0x1b5: {  	v0 =	vimm.s32 $0xFFFFFFFF;
	s3 =	sadd.s32 $0x553200, s11;
	[dreg:$0x4] =	wrdreg s31;
	s5 =	smul.u32 $0x1B0, s1  }
.Ltmp0:
0x1b6: {  	[tilespmem:$0x3648] =	vst v0;
	[sflag:s8] =	ssyncpa.u1 $0x0;
	s2 =	sadd.s32 s2, s11;
	(pc) =	sbr.rel .LBB2_1-.Ltmp0, $4  }
0x1b7: {  	[sflag:s10] =	ssyncpa.u1 $0x0;
	s11 =	sadd.s32 $0x5A1600, s11;
	p0 =	sne.s32 s0, s5  }
0x1b8: {  	[sflag:s30] =	ssyncpa.u1 $0x0;
	s14 =	sadd.s32 $0xEA00, s2;
	s12 =	simm.s32 @!p0 $0x0  }
0x1b9: {  	s15 =	sadd.s32 $0x4C00, s2;
	s19 =	smov.u32 s6;
	s12 =	sadd.s32 s12, s1  }
0x1ba: {  	v0 =	vlaneseq.u32;
	[dreg:$0x6] =	wrdreg s6;
	p0 =	por $0x1, $0x1;
	s4 =	sadd.s32 $0x1, s12  }
.LBB2_18:
0x1bb: {  	s0 =	simm.s32 $0x2  }
0x1bc: {  	_ =	swait.ge [sflag:s0], $0x0  }
0x1bd: {  	[sflag:s0] =	ssyncset.done $0x0;
	s0 =	simm.s32 $0x0  }
.LBB2_19:
0x1be: {  	_ =	swait.ge [sflag:s17], s0  }
0x1bf: {  	s31 =	ssub.s32 $0x0, s0;
	v1 =	vmov s23;
	vm0 =	veq.s32 v0, $0x0;
	[sflag:s17] =	ssyncset.done $0x0  }
0x1c0: {  	vm15 =	veq.s32 v0, $0x2;
	v1 =	vsel vm0, s28, v1;
	[sflag:s17] =	ssyncadd.s32 s31  }
0x1c1: {  	v1 =	vsel vm15, s21, v1;
	[sflag:s17] =	ssyncpa.u1 $0x1  }
0x1c2: {  	[tilespmem:$0x3648] =	vst v1  }
.LBB2_20:
0x1c3: {  	s0 =	sadd.s32 $0x1B0, s19  }
0x1c4: {  	s1 =	smov.u32 s6;
	p1 =	slt.s32 s0, s7  }
0x1c5: {  	s1 =	smov.u32 @p1 s0;
	p1 =	sne.s32 s20, s4  }
.Ltmp1:
0x1c6: {  	_ = 	snop;
	(pc) =	sbr.rel @!p1 .LBB2_21-.Ltmp1, $4  }
0x1c7: {  	_ = 	snop  }
0x1c8: {  	s21 =	smov.u32 s18  }
0x1c9: {  	s31 =	sadd.s32 $0x1, s20;
	s18 =	smov.u32 s19;
	p0 =	por !p0, !p0  }
0x1ca: {  	p4 =	por !p4, !p4;
	s20 =	smov.u32 s31;
	s19 =	smov.u32 s1  }
.LBB2_1:
0x1cb: {  	p2 =	sge.u32 s20, s12  }
0x1cc: {  	s0 =	smulhi.u32 @!p2 $0xAAAAAAAB, s20  }
0x1cd: {  	s1 =	smov.u32 s19;
	p3 =	sgt.s32 @!p2 s19, $0x26F50  }
0x1ce: {  	s2 =	sshra.s32 @!p2 s19, $0x1F;
	p3 =	por !p3, p2;
	s0 =	sshrl.u32 @!p2 s0, $0x1  }
0x1cf: {  	s2 =	sand.u32 @!p2 s2, s19;
	s1 =	simm.s32 @p3 $0x26F50;
	s0 =	smul.u32 @!p2 $0x3, s0  }
0x1d0: {  	s1 =	ssub.s32 @!p2 s1, s2  }
0x1d1: {  	s23 =	sadd.s32 $0xFFFFFFFF, s20;
	s1 =	sadd.s32 @!p2 $0xFFFD90B0, s1;
	s0 =	ssub.s32 @!p2 s20, s0  }
0x1d2: {  	s2 =	sshll.u32 @!p2 s1, $0x2;
	p3 =	sgt.s32 @!p2 s1, $0x1AF;
	s0 =	smul.u32 @!p2 $0x6C0, s0  }
0x1d3: {  	s5 =	sand.u32 @!p2 $0x7, s19;
	s1 =	ssub.s32 @!p2 $0x6C0, s2;
	p3 =	por !p3, p2  }
0x1d4: {  	s2 =	sshrl.u32 @!p2 s19, $0x3;
	s1 =	sshrl.u32 @!p2 s1, $0x2;
	s0 =	sshrl.u32 @!p2 s0, $0x2  }
0x1d5: {  	s2 =	sadd.s32 @!p2 s2, s14;
	s1 =	simm.s32 @!p3 $0x0;
	s0 =	sadd.s32 @!p2 $0x3888, s0  }
0x1d6: {  	[tilespmem:s0], [sflag:$0xA] =	stream.linear.gather @!p2 [hbm4b:s2+s5], s1, $0x38;
	[tilespmem:$0x1F0F8] =	vst v63  }
0x1d7: {  	p2 =	sge.u32 s23, s12  }
0x1d8: {  	p3 =	sgt.s32 @!p2 s18, $0x26F50  }
0x1d9: {  	s0 =	smov.u32 s18;
	s1 =	sshra.s32 @!p2 s18, $0x1F;
	p3 =	por !p3, p2  }
0x1da: {  	s1 =	sand.u32 @!p2 s1, s18;
	s0 =	simm.s32 @p3 $0x26F50  }
0x1db: {  	s0 =	ssub.s32 @!p2 s0, s1  }
0x1dc: {  	s0 =	sadd.s32 @!p2 $0xFFFD90B0, s0  }
0x1dd: {  	s1 =	sshll.u32 @!p2 s0, $0x2  }
0x1de: {  	p3 =	sgt.s32 @!p2 s0, $0x1AF;
	s0 =	ssub.s32 @!p2 $0x6C0, s1  }
0x1df: {  	s22 =	ssub.s32 @!p2 $0x27100, s18;
	p3 =	por !p3, p2;
	s0 =	sshrl.u32 @!p2 s0, $0x2  }
0x1e0: {  	s1 =	sand.u32 @!p2 $0x1, s23;
	s0 =	simm.s32 @!p3 $0x0;
	p3 =	slt.s32 @!p2 s22, $0x1  }
0x1e1: {  	s2 =	simm.s32 @!p2 $0xA;
	s1 =	smul.u32 @!p2 $0x6C0, s1;
	p3 =	por p2, p3  }
.Ltmp2:
0x1e2: {  	_ =	swait.ge @!p2 [sflag:s2], s0;
	(pc) =	sbr.rel @p3 .LBB2_7-.Ltmp2, $4  }
0x1e3: {  	s5 =	ssub.s32 @!p2 $0x0, s0;
	[sflag:s2] =	ssyncset.done @!p2 $0x0  }
0x1e4: {  	s1 =	sshrl.u32 @!p2 s1, $0x2;
	[sflag:s2] =	ssyncadd.s32 @!p2 s5;
	s2 =	sshrl.u32 @!p2 s18, $0x3  }
0x1e5: {  	s1 =	sadd.s32 @!p2 $0x3D98, s1;
	s5 =	sand.u32 @!p2 $0x7, s18;
	s2 =	sadd.s32 @!p2 s2, s15  }
0x1e6: {  	[tilespmem:s1], [sflag:$0xB] =	stream.linear.gather @!p2 [hbm4b:s2+s5], s0, $0x38;
	[tilespmem:$0x1F0F8] =	vst v63  }
0x1e7: {  	s0 =	smulhi.u32 $0xAAAAAAAB, s23;
	_ =	sdelay $0x1  }
0x1e8: {  	s0 =	sshrl.u32 s0, $0x1  }
0x1e9: {  	s0 =	smul.u32 $0x3, s0;
	_ =	sdelay $0x1  }
0x1ea: {  	s0 =	ssub.s32 s23, s0  }
0x1eb: {  	s1 =	simm.s32 $0x1;
	s0 =	smul.u32 $0x6C0, s0  }
.Ltmp3:
0x1ec: {  	s1 =	simm.s32 @!p0 $0x0;
	(pc) =	sbr.rel .LBB2_4-.Ltmp3, $4  }
0x1ed: {  	s1 =	smul.u32 $0x36000, s1  }
0x1ee: {  	p3 =	slt.s32 @!p2 s22, $0x1B0;
	s0 =	sshrl.u32 s0, $0x2  }
0x1ef: {  	p2 =	por !p3, p2;
	s1 =	sshrl.u32 s1, $0x2;
	s0 =	sadd.s32 $0x3888, s0  }
0x1f0: {  	s24 =	simm.s32 $0x0;
	s22 =	simm.s32 @p2 $0x1B0;
	s23 =	sadd.s32 $0x40F8, s1;
	v1 =	vmov s0  }
.LBB2_3:
0x1f1: {  	p2 =	sge.s32 s24, s22  }
.Ltmp4:
0x1f2: {  	_ = 	snop;
	(pc) =	sbr.rel @p2 .LBB2_7-.Ltmp4, $2  }
0x1f3: {  	_ =	sdelay $0x2  }
0x1f4: {  	s23 =	sadd.s32 $0x800, s23  }
.LBB2_4:
0x1f5: {  	p2 =	sle.s32 s22, s24  }
.Ltmp5:
0x1f6: {  	_ = 	snop;
	(pc) =	sbr.rel @p2 .LBB2_3-.Ltmp5, $2  }
0x1f7: {  	_ =	sdelay $0x2  }
0x1f8: {  	s0 =	smov.u32 s24;
	s24 =	sadd.s32 $0x10, s24  }
0x1f9: {  	s1 =	ssub.s32 s22, s0  }
0x1fa: {  	p2 =	slt.s32 s1, $0x10  }
0x1fb: {  	s1 =	simm.s32 @!p2 $0x10  }
0x1fc: {  	v2 =	vmov s1  }
0x1fd: {  	vm0 =	vgt.s32 v2, v0;
	_ =	sdelay $0x5  }
0x1fe: {  	v2 =	vld.idx.msk [tilespmem:v1+s0+$0x0 ss:$0x1], vm0;
	_ =	sdelay $0x2  }
0x1ff: {  	p2 =	slt.s32 s24, s22;
	s1 =	smov.u32 s22  }
0x200: {  	s2 =	smov.u32 s23;
	s25 =	simm.s32 $0x0;
	s1 =	smov.u32 @p2 s24  }
.LBB2_6:
0x201: {  	(v2sf) =	vpush v2, s25;
	_ =	sdelay $0xc  }
0x202: {  	s25 =	sadd.s32 $0x1, s25  }
0x203: {  	s31 =	sadd.s32 s25, s0  }
0x204: {  	p2 =	slt.s32 s31, s1;
	s5 =	spop (v2sf)  }
.Ltmp6:
0x205: {  	s5 =	sshll.u32 s5, $0x4;
	(pc) =	sbr.rel @p2 .LBB2_6-.Ltmp6, $4  }
0x206: {  	s5 =	sand.u32 $0x1FFFFFF0, s5  }
0x207: {  	s5 =	sadd.s32 s11, s5  }
0x208: {  	[tilespmem:s2], [sflag:$0x9] =	stream.linear.gather [hbm4b:s5+s16], $0x4, $0x38;
	[tilespmem:$0x1F0F8] =	vst v63  }
0x209: {  	s2 =	sadd.s32 $0x80, s2  }
.Ltmp7:
0x20a: {  	_ = 	snop;
	(pc) =	sbr.rel .LBB2_3-.Ltmp7, $1  }
0x20b: {  	_ =	sdelay $0x3  }
.LBB2_7:
0x20c: {  	p2 =	slt.u32 s20, $0x2  }
.Ltmp8:
0x20d: {  	_ = 	snop;
	(pc) =	sbr.rel @p2 .LBB2_20-.Ltmp8, $1  }
0x20e: {  	_ =	sdelay $0x3  }
0x20f: {  	p2 =	sgt.s32 s21, $0x26F50  }
0x210: {  	s0 =	smov.u32 s21;
	s1 =	sshra.s32 s21, $0x1F;
	s2 =	ssub.s32 $0x27100, s21  }
0x211: {  	s0 =	simm.s32 @!p2 $0x26F50;
	s1 =	sand.u32 s1, s21;
	p2 =	slt.s32 s2, $0x1B0  }
0x212: {  	s0 =	ssub.s32 s0, s1;
	s2 =	simm.s32 @!p2 $0x1B0  }
0x213: {  	s0 =	sadd.s32 $0xFFFD90B0, s0;
	s24 =	sshll.u32 s2, $0x2  }
0x214: {  	s28 =	simm.s32 $0x9;
	s25 =	sshll.u32 s0, $0x2;
	s1 =	sand.u32 $0x3FFFFFFC, s24  }
0x215: {  	p2 =	sgt.s32 s0, $0x1AF;
	s26 =	ssub.s32 $0x6C0, s25;
	_ =	swait.ge [sflag:s28], s1  }
0x216: {  	s1 =	ssub.s32 $0x0, s1;
	[sflag:s28] =	ssyncset.done $0x0;
	s0 =	sshrl.u32 s26, $0x2  }
0x217: {  	s30 =	simm.s32 $0xB;
	[sflag:s28] =	ssyncadd.s32 s1;
	s0 =	simm.s32 @p2 $0x0  }
0x218: {  	_ =	swait.ge [sflag:s30], s0  }
0x219: {  	s0 =	ssub.s32 $0x0, s0;
	[sflag:s30] =	ssyncset.done $0x0  }
0x21a: {  	[sflag:s30] =	ssyncadd.s32 s0  }
0x21b: {  	v1 =	vld [tilespmem:$0x3648];
	_ =	sdelay $0x4  }
0x21c: {  	(v2sf) =	vpush v1, $0x0  }
0x21d: {  	(v2sf) =	vpush v1, $0x1  }
0x21e: {  	(v2sf) =	vpush v1, $0x2;
	_ =	sdelay $0x3  }
0x21f: {  	s0 =	sadd.s32 $0x1B0, s21  }
0x220: {  	s1 =	ssub.s32 $0x4E200, s21;
	p2 =	slt.s32 s7, s0  }
0x221: {  	s0 =	smov.u32 @p2 s7;
	p2 =	sgt.s32 s1, $0x0  }
0x222: {  	s25 =	ssub.s32 s0, s21;
	s1 =	simm.s32 @!p2 $0x0  }
0x223: {  	p2 =	slt.s32 s1, s25  }
0x224: {  	s25 =	smov.u32 @p2 s1  }
0x225: {  	s24 =	simm.s32 $0x1;
	p2 =	slt.s32 s25, $0x1  }
.Ltmp9:
0x226: {  	s24 =	simm.s32 @!p4 $0x0;
	(pc) =	sbr.rel @p2 .LBB2_12-.Ltmp9, $4  }
0x227: {  	s31 =	smul.u32 $0x6C0, s24  }
0x228: {  	s26 =	spop (v2sf)  }
0x229: {  	s0 =	sshrl.u32 s31, $0x2;
	s29 =	spop (v2sf)  }
0x22a: {  	s22 =	sadd.s32 $0x3D98, s0;
	s21 =	spop (v2sf)  }
0x22b: {  	s0 =	smin.u32 s25, $0x10  }
0x22c: {  	v1 =	vmov s0  }
0x22d: {  	p3 =	sgt.s32 s25, $0x10;
	vm1 =	vgt.u32 v1, v0  }
.Ltmp10:
0x22e: {  	_ = 	snop;
	(pc) =	sbr.rel @!p3 .LBB2_11-.Ltmp10, $2  }
0x22f: {  	_ =	sdelay $0x2  }
0x230: {  	s23 =	simm.s32 $0x10;
	s28 =	sadd.s32 $0xFFFFFFF0, s25;
	s0 =	smov.u32 s22;
	vm0 =	vmmov vm1  }
.LBB2_10:
0x231: {  	s1 =	smin.u32 s28, $0x10;
	s23 =	sadd.s32 $0x10, s23;
	v1 =	vld.msk [tilespmem:s0+$0x0 ss:$0x1], vm1  }
0x232: {  	v2 =	vmov s1;
	p3 =	slt.s32 s23, s25  }
0x233: {  	vm1 =	vgt.u32 v2, v0  }
.Ltmp11:
0x234: {  	(pc) =	sbr.rel @p3 .LBB2_10-.Ltmp11, $3  }
0x235: {  	_ =	sdelay $0x1  }
0x236: {  	v1 =	vshll.u32 v1, $0x4  }
0x237: {  	s28 =	sadd.s32 $0xFFFFFFF0, s28;
	[tilespmem:s0+$0x0] =	vst.msk vm0, v1;
	s0 =	sadd.s32 $0x10, s0;
	vm0 =	vmmov vm1  }
.LBB2_11:
0x238: {  	_ =	sdelay $0x4  }
0x239: {  	v1 =	vld.msk [tilespmem:s0+$0x0 ss:$0x1], vm1;
	_ =	sdelay $0x4  }
0x23a: {  	v1 =	vshll.u32 v1, $0x4  }
0x23b: {  	[tilespmem:s0+$0x0] =	vst.msk vm0, v1  }
.LBB2_12:
0x23c: {  	s0 =	sand.u32 $0x1, s20  }
0x23d: {  	s0 =	smul.u32 $0x1B0, s0  }
0x23e: {  	p3 =	sne.s32 s29, $0xFFFFFFFF  }
0x23f: {  	v1 =	vld.msk @!p3 [tilespmem:s0+$0x3D98], $0x1;
	_ =	sdelay $0x4  }
0x240: {  	(v2sf) =	vpush @!p3 v1, $0x0;
	_ =	sdelay $0xc  }
.Ltmp12:
0x241: {  	_ = 	snop;
	(pc) =	sbr.rel @p2 .LBB2_18-.Ltmp12, $4  }
0x242: {  	_ = 	snop  }
0x243: {  	s28 =	spop @!p3 (v2sf)  }
0x244: {  	s21 =	simm.s32 @!p3 $0x0;
	s23 =	smov.u32 s28  }
0x245: {  	[sflag:s17] =	ssyncpa.u1 $0x0;
	s28 =	smov.u32 @p3 s26;
	s23 =	smov.u32 @p3 s29  }
0x246: {  	v1 =	vld.msk [tilespmem:s22+$0x0], $0x1;
	_ =	sdelay $0x4  }
0x247: {  	(v2sf) =	vpush v1, $0x0;
	_ =	sdelay $0xe  }
0x248: {  	s0 =	simm.s32 @!p4 $0x0;
	s26 =	smul.u32 $0x36000, s24;
	s31 =	spop (v2sf)  }
0x249: {  	s29 =	ssub.s32 $0x0, s25;
	s0 =	simm.s32 @p4 $0x1;
	p2 =	seq.s32 s28, s31  }
0x24a: {  	s1 =	smov.u32 s28;
	[smem:$0x7FD] =	sst s0;
	p3 =	sgt.s32 @!p2 s28, $0x0  }
0x24b: {  	s0 =	sshrl.u32 s26, $0x2;
	s26 =	sadd.s32 $0x1, s29;
	p3 =	por !p3, p2  }
0x24c: {  	s1 =	simm.s32 @p3 $0x0;
	p3 =	seq.s32 s26, $0x0  }
.Ltmp13:
0x24d: {  	_ = 	snop;
	(pc) =	sbr.rel @p3 .LBB2_15-.Ltmp13, $4  }
0x24e: {  	s6 =	smov.u32 s4;
	s25 =	simm.s32 $0x0  }
0x24f: {  	s24 =	sadd.s32 $0x40F8, s0;
	s0 =	simm.s32 @!p2 $0x1;
	s2 =	smin.u32 @!p2 s1, $0x270FF  }
0x250: {  	s30 =	sadd.s32 $0x1, s22;
	s0 =	smov.u32 @p2 s25;
	s5 =	sand.u32 @!p2 $0x3FFF8, s2  }
0x251: {  	s1 =	simm.s32 @!p2 $0x1B38;
	s2 =	sand.u32 @!p2 $0x7, s2;
	s5 =	sadd.s32 @!p2 s3, s5  }
.LBB2_14:
0x252: {  	s4 =	smov.u32 s0  }
0x253: {  	[tilespmem:s1], [sflag:$0x2] =	stream.linear.gather @!p2 [hbm4b:s5+s2], $0x4, $0x38;
	[tilespmem:$0x1F0F8] =	vst v63  }
0x254: {  	s26 =	sadd.s32 $0x1, s26;
	s2 =	smov.u32 s31;
	v1 =	vld.msk [tilespmem:s30+$0x0], $0x1  }
0x255: {  	p3 =	seq.s32 s26, $0x0;
	_ =	sdelay $0x3  }
0x256: {  	(v2sf) =	vpush v1, $0x0;
	_ =	sdelay $0xe  }
0x257: {  	s31 =	spop (v2sf)  }
0x258: {  	p2 =	seq.s32 s2, s31  }
0x259: {  	p4 =	sgt.s32 @!p2 s2, $0x0;
	s1 =	sshll.u32 @!p2 s0, $0x6;
	s0 =	sadd.s32 @!p2 $0x1, s0  }
.Ltmp14:
0x25a: {  	p4 =	por !p4, p2;
	s1 =	sshra.s32 @!p2 s1, $0x2;
	(pc) =	sbr.rel @!p3 .LBB2_14-.Ltmp14, $4  }
0x25b: {  	s0 =	smov.u32 @p2 s4;
	s2 =	simm.s32 @p4 $0x0;
	s1 =	sadd.s32 @!p2 $0x1B38, s1  }
0x25c: {  	s2 =	smin.u32 @!p2 s2, $0x270FF  }
0x25d: {  	s4 =	sand.u32 @!p2 $0x3FFF8, s2;
	s2 =	sand.u32 @!p2 $0x7, s2  }
0x25e: {  	s30 =	sadd.s32 $0x1, s30;
	s5 =	sadd.s32 @!p2 s3, s4  }
.LBB2_15:
0x25f: {  	[tilespmem:s1], [sflag:$0x2] =	stream.linear.gather @!p2 [hbm4b:s5+s2], $0x4, $0x38;
	[tilespmem:$0x1F0F8] =	vst v63  }
0x260: {  	s0 =	sshll.u32 s0, $0x2  }
0x261: {  	s31 =	simm.s32 $0x2;
	s0 =	sand.u32 $0x3FFFFFFC, s0  }
0x262: {  	_ =	swait.ge [sflag:s31], s0  }
0x263: {  	s0 =	ssub.s32 $0x0, s0;
	[sflag:s31] =	ssyncset.done $0x0  }
0x264: {  	[sflag:s31] =	ssyncadd.s32 s0  }
0x265: {  	v1 =	vld.msk [tilespmem:s22+$0x0], $0x1;
	_ =	sdelay $0x4  }
0x266: {  	(v2sf) =	vpush v1, $0x0;
	_ =	sdelay $0xe  }
0x267: {  	s26 =	spop (v2sf)  }
0x268: {  	p2 =	sne.s32 s28, s26  }
0x269: {  	p4 =	sne.s32 @p2 s28, s23  }
0x26a: {  	p3 =	por !p4, !p2  }
0x26b: {  	s0 =	simm.s32 @!p3 $0x0  }
0x26c: {  	v1 =	vld.msk @!p3 [tilespmem:s0+$0x1B38], $0xf  }
0x26d: {  	p5 =	sgt.u32 @!p3 s28, $0x270FF  }
0x26e: {  	s1 =	sshll.u32 @!p3 s21, $0x6;
	p6 =	por @p2 p5, !p4  }
0x26f: {  	s1 =	sshra.s32 @!p3 s1, $0x2;
	p1 =	por p6, !p2;
	p6 =	por p4, !p2  }
0x270: {  	s2 =	sadd.s32 @!p3 $0x28, s1;
	s4 =	sand.u32 @!p1 $0x3FFF8, s28;
	s5 =	sshll.u32 @!p6 s21, $0x6  }
0x271: {  	s28 =	sand.u32 @!p1 $0x7, s28;
	[tilespmem:s1+$0x28] =	vst.add.f32.msk @!p3 $0xf, v1;
	s1 =	sadd.s32 @!p1 s3, s4;
	s4 =	sshra.s32 @!p6 s5, $0x2  }
0x272: {  	[hbm4b:s1+s28] =	stream.linear.scatter @!p1 [tilespmem:s2], [sflag:$0xC], $0x4, $0x38;
	[tilespmem:$0x1F0F8] =	vst v63  }
0x273: {  	s0 =	rddreg [dreg:$0x4];
	s1 =	sadd.s32 @!p6 $0x28, s4;
	s2 =	simm.s32 @!p6 $0x1  }
0x274: {  	[spmem:s0] =	stream.linear.scatter @!p6 [tilespmem:s1], [sflag:$0x1], $0x4, $0x38;
	[tilespmem:$0x1F0F8] =	vst v63  }
0x275: {  	s0 =	sadd.s32 @p2 $0x1, s21;
	_ =	swait.ge @!p6 [sflag:s2], $0x4  }
0x276: {  	s1 =	sshrl.u32 @p2 s0, $0x4;
	[sflag:s2] =	ssyncset.done @!p6 $0x0  }
0x277: {  	s1 =	smulhi.u32 @p2 $0x97B425F, s1;
	[sflag:s2] =	ssyncadd.s32 @!p6 $0xFFFFFFFC  }
0x278: {  	s28 =	sadd.s32 $0x1, s29;
	v1 =	vld.msk @p2 [tilespmem:s24+$0x0], $0xf  }
0x279: {  	p1 =	por @p2 !p5, !p4;
	p4 =	seq.s32 s28, $0x0;
	s1 =	smul.u32 @p2 $0x1B0, s1  }
.Ltmp15:
0x27a: {  	p1 =	por !p1, !p2;
	s2 =	simm.s32 @!p3 $0x0;
	(pc) =	sbr.rel @p4 .LBB2_17-.Ltmp15, $4  }
0x27b: {  	s4 =	sshll.u32 @!p2 s21, $0x6;
	s2 =	simm.s32 @!p1 $0x10;
	s0 =	ssub.s32 @p2 s0, s1  }
0x27c: {  	s29 =	simm.s32 $0x0;
	s2 =	sadd.s32 @!p3 $0x0, s2;
	s5 =	sshll.u32 @p2 s0, $0x4  }
0x27d: {  	s30 =	sshra.s32 @!p2 s4, $0x2;
	s1 =	simm.s32 @p2 $0x1;
	s2 =	smov.u32 @p3 s25;
	[tilespmem:s5+$0x28] =	vst.msk @p2 $0xf, v1  }
0x27e: {  	s21 =	smov.u32 @p2 s0;
	s29 =	smov.u32 @p2 s2;
	s25 =	smov.u32 @p2 s1;
	v1 =	vld.msk @!p2 [tilespmem:s24+$0x0], $0xf  }
.LBB2_16:
0x27f: {  	_ =	sdelay $0x3  }
0x280: {  	s22 =	sadd.s32 $0x1, s22;
	[tilespmem:s30+$0x28] =	vst.add.f32.msk @!p2 $0xf, v1  }
0x281: {  	v1 =	vld.msk [tilespmem:s22+$0x0], $0x1;
	_ =	sdelay $0x4  }
0x282: {  	(v2sf) =	vpush v1, $0x0;
	_ =	sdelay $0xe  }
0x283: {  	s0 =	smov.u32 s26;
	s26 =	spop (v2sf)  }
0x284: {  	p2 =	sne.s32 s0, s26  }
0x285: {  	p5 =	sne.s32 @p2 s0, s23  }
0x286: {  	s4 =	sshll.u32 @!p2 s21, $0x6;
	p4 =	por !p5, !p2  }
0x287: {  	s30 =	sshra.s32 @!p2 s4, $0x2;
	s4 =	sshll.u32 @!p4 s25, $0x6  }
0x288: {  	s4 =	sshra.s32 @!p4 s4, $0x2  }
0x289: {  	p1 =	sgt.u32 @!p4 s0, $0x270FF;
	v1 =	vld.msk @!p4 [tilespmem:s4+$0x1B38], $0xf  }
0x28a: {  	s31 =	sshll.u32 @!p4 s21, $0x6;
	p6 =	por @p2 p1, !p5;
	p1 =	por @p2 !p1, !p5  }
0x28b: {  	s8 =	simm.s32 @!p4 $0x0;
	s31 =	sshra.s32 @!p4 s31, $0x2;
	p1 =	por !p1, !p2  }
0x28c: {  	p5 =	por p5, !p2;
	s8 =	simm.s32 @!p1 $0x10;
	p1 =	por p6, !p2  }
0x28d: {  	s4 =	sadd.s32 @!p4 $0x28, s31;
	s13 =	sshll.u32 @!p5 s21, $0x6;
	s10 =	sand.u32 @!p1 $0x3FFF8, s0  }
0x28e: {  	s13 =	sshra.s32 @!p5 s13, $0x2;
	s0 =	sand.u32 @!p1 $0x7, s0;
	s10 =	sadd.s32 @!p1 s3, s10;
	[tilespmem:s31+$0x28] =	vst.add.f32.msk @!p4 $0xf, v1  }
0x28f: {  	[hbm4b:s10+s0] =	stream.linear.scatter @!p1 [tilespmem:s4], [sflag:$0xC], $0x4, $0x38;
	[tilespmem:$0x1F0F8] =	vst v63  }
0x290: {  	s1 =	rddreg [dreg:$0x4];
	s0 =	sadd.s32 @!p5 $0x28, s13;
	s4 =	simm.s32 @!p5 $0x1  }
0x291: {  	[spmem:s1] =	stream.linear.scatter @!p5 [tilespmem:s0], [sflag:$0x1], $0x4, $0x38;
	[tilespmem:$0x1F0F8] =	vst v63  }
0x292: {  	s2 =	sadd.s32 @p2 $0x1, s21;
	_ =	swait.ge @!p5 [sflag:s4], $0x4  }
0x293: {  	s5 =	sshrl.u32 @p2 s2, $0x4;
	[sflag:s4] =	ssyncset.done @!p5 $0x0  }
0x294: {  	s24 =	sadd.s32 $0x80, s24;
	s5 =	smulhi.u32 @p2 $0x97B425F, s5;
	[sflag:s4] =	ssyncadd.s32 @!p5 $0xFFFFFFFC  }
0x295: {  	s28 =	sadd.s32 $0x1, s28;
	v1 =	vld.msk @p2 [tilespmem:s24+$0x0], $0xf  }
0x296: {  	p3 =	seq.s32 s28, $0x0;
	s5 =	smul.u32 @p2 $0x1B0, s5  }
.Ltmp16:
0x297: {  	_ = 	snop;
	(pc) =	sbr.rel @!p3 .LBB2_16-.Ltmp16, $4  }
0x298: {  	s2 =	ssub.s32 @p2 s2, s5  }
0x299: {  	s8 =	sadd.s32 @!p4 s8, s29;
	s5 =	sshll.u32 @p2 s2, $0x4  }
0x29a: {  	s9 =	sadd.s32 @p2 $0x1, s25;
	s8 =	smov.u32 @p4 s29;
	[tilespmem:s5+$0x28] =	vst.msk @p2 $0xf, v1  }
0x29b: {  	s25 =	smov.u32 @p2 s9;
	s21 =	smov.u32 @p2 s2;
	s29 =	smov.u32 @p2 s8;
	v1 =	vld.msk @!p2 [tilespmem:s24+$0x0], $0xf  }
.LBB2_17:
.Ltmp17:
0x29c: {  	_ = 	snop;
	(pc) =	sbr.rel .LBB2_19-.Ltmp17, $3  }
0x29d: {  	s1 =	sld [smem:$0x7FD];
	_ =	sdelay $0x1  }
0x29e: {  	s0 =	sshrl.u32 s29, $0x2;
	s28 =	smov.u32 s26  }
0x29f: {  	s4 =	smov.u32 s6;
	s6 =	rddreg [dreg:$0x6];
	p4 =	seq.s32 s1, $0x1;
	[tilespmem:s30+$0x28] =	vst.add.f32.msk @!p2 $0xf, v1  }
.LBB2_21:
0x2a0: {  	_ =	sfence.sel $0x180000  }
0x2a1: {  	s0 =	simm.s32 $0x9;
	[bflag:$0x0] =	sbarrier.arrive $0xFFFF  }
0x2a2: {  	s24 =	simm.s32 $0xA;
	[sflag:s0] =	ssyncpa.u1 $0x1  }
0x2a3: {  	s25 =	simm.s32 $0xB;
	[sflag:s24] =	ssyncpa.u1 $0x1  }
0x2a4: {  	s26 =	simm.s32 $0x2;
	[sflag:s25] =	ssyncpa.u1 $0x1  }
0x2a5: {  	[sflag:s26] =	ssyncpa.u1 $0x1  }
0x2a6: {  	v0 =	vld [tilespmem:$0x3648];
	_ =	sdelay $0x4  }
0x2a7: {  	(v2sf) =	vpush v0, $0x0  }
0x2a8: {  	(v2sf) =	vpush v0, $0x1;
	_ =	sdelay $0x1  }
0x2a9: {  	(v2sf) =	vpush v0, $0x2;
	_ =	sdelay $0xb  }
0x2aa: {  	s0 =	spop (v2sf)  }
0x2ab: {  	s1 =	spop (v2sf)  }
0x2ac: {  	s2 =	smov.u32 s0;
	p0 =	sne.s32 s0, s1  }
0x2ad: {  	s4 =	spop (v2sf);
	s2 =	simm.s32 @!p0 $0xFFFFFFFF  }
0x2ae: {  	v2 =	vimm.s32 $0x1;
	v3 =	vlaneseq.u32;
	p0 =	seq.s32 s4, $0xFFFFFFFF;
	v1 =	vmov s2  }
0x2af: {  	s16 =	stileid.u32;
	v0 =	vperm.xlane v0, v2;
	p1 =	sne.s32 @!p0 s0, s1;
	v1 =	vperm.xlane v1, v3  }
0x2b0: {  	vm0 =	vcmask $0x3F04;
	s6 =	simm.s32 $0x3648;
	s0 =	simm.s32 @!p0 $0x1;
	p1 =	por !p1, p0  }
0x2b1: {  	s2 =	sshll.u32 s16, $0x1;
	s1 =	sshll.u32 @!p0 s4, $0x6;
	s0 =	simm.s32 @p1 $0x0;
	v0 =	vsel vm0, v1, v0  }
0x2b2: {  	s5 =	sor.u32 $0x200, s2;
	s1 =	sshra.s32 @!p0 s1, $0x2;
	s0 =	sor.u32 @!p0 s0, s2;
	[tilespmem:$0x3648] =	vst v0  }
0x2b3: {  	[spmem:s5] =	stream.linear.scatter [tilespmem:s6], [sflag:$0x1], $0x2, $0x38;
	[tilespmem:$0x1F0F8] =	vst v63  }
0x2b4: {  	s1 =	sadd.s32 @!p0 $0x28, s1;
	s0 =	sshll.u32 @!p0 s0, $0x4  }
0x2b5: {  	[spmem:s0] =	stream.linear.scatter @!p0 [tilespmem:s1], [sflag:$0x1], $0x10, $0x38;
	[tilespmem:$0x1F0F8] =	vst v63  }
0x2b6: {  	s0 =	simm.s32 @!p0 $0x12  }
0x2b7: {  	s28 =	simm.s32 $0x1;
	s0 =	simm.s32 @p0 $0x2  }
0x2b8: {  	_ =	swait.ge [sflag:s28], s0  }
0x2b9: {  	s0 =	ssub.s32 $0x0, s0;
	[sflag:s28] =	ssyncset.done $0x0  }
0x2ba: {  	p0 =	sne.s32 s16, $0x0;
	[sflag:s28] =	ssyncadd.s32 s0  }
.Ltmp18:
0x2bb: {  	_ =	sfence.stream.spmem;
	(pc) =	sbr.rel @p0 .LBB2_38-.Ltmp18, $4  }
0x2bc: {  	s29 =	simm.s32 $0x3;
	[bflag:$0x0] =	sbarrier.arrive $0xFFFF  }
0x2bd: {  	s30 =	simm.s32 $0x4;
	[sflag:s29] =	ssyncpa.u1 $0x1  }
0x2be: {  	s31 =	simm.s32 $0x3C;
	[sflag:s30] =	ssyncpa.u1 $0x1  }
0x2bf: {  	s17 =	rddreg [dreg:$0x5];
	[sflag:s31] =	ssyncpa.u1 $0x1  }
0x2c0: {  	_ =	sfence.stream.spmem;
	s0 =	simm.s32 $0x5  }
0x2c1: {  	s1 =	simm.s32 $0x200;
	s2 =	simm.s32 $0x3658;
	[sflag:s0] =	ssyncpa.u1 $0x0  }
0x2c2: {  	[tilespmem:s2], [sflag:$0x5] =	stream.linear.gather [spmem:s1], $0x20, $0x38;
	[tilespmem:$0x1F0F8] =	vst v63  }
0x2c3: {  	s26 =	simm.s32 $0x0;
	s28 =	simm.s32 $0x3678  }
0x2c4: {  	[tilespmem:s28], [sflag:$0x5] =	stream.linear.gather [spmem:s26], $0x200, $0x38;
	[tilespmem:$0x1F0F8] =	vst v63  }
0x2c5: {  	_ =	swait.ge [sflag:s0], $0x220  }
0x2c6: {  	[sflag:s0] =	ssyncset.done $0x0  }
0x2c7: {  	s29 =	simm.s32 $0x0;
	[sflag:s0] =	ssyncadd.s32 $0xFFFFFDE0  }
0x2c8: {  	v0 =	vld.msk [tilespmem:s29+$0x3658], $0x1;
	_ =	sdelay $0x1  }
0x2c9: {  	s30 =	simm.s32 $0x1  }
0x2ca: {  	v1 =	vld.msk [tilespmem:s30+$0x3658], $0x1;
	_ =	sdelay $0x1  }
0x2cb: {  	(v2sf) =	vpush v0, $0x0;
	_ =	sdelay $0x2  }
0x2cc: {  	(v2sf) =	vpush v1, $0x0;
	_ =	sdelay $0x2  }
0x2cd: {  	s31 =	simm.s32 $0x2  }
0x2ce: {  	v0 =	vld.msk [tilespmem:s31+$0x3658], $0x1;
	_ =	sdelay $0x2  }
0x2cf: {  	s6 =	simm.s32 $0xFFFFFFFF;
	s1 =	simm.s32 $0xFFFFFFFF;
	s0 =	simm.s32 $0xC  }
.LBB2_23:
0x2d0: {  	s2 =	smov.u32 s6;
	s4 =	smov.u32 s1  }
0x2d1: {  	s1 =	sshra.s32 s0, $0x2;
	p1 =	sne.s32 s0, $0x7C;
	s0 =	sadd.s32 $0x4, s0;
	(v2sf) =	vpush v0, $0x0  }
0x2d2: {  	v0 =	vld.msk [tilespmem:s1+$0x3658], $0x1  }
.Ltmp19:
0x2d3: {  	(pc) =	sbr.rel @p1 .LBB2_23-.Ltmp19, $4  }
0x2d4: {  	s6 =	spop (v2sf)  }
0x2d5: {  	p2 =	sne.s32 s4, $0xFFFFFFFF;
	s1 =	smov.u32 s6  }
0x2d6: {  	p3 =	seq.s32 s6, $0xFFFFFFFF;
	s1 =	smov.u32 @p2 s4  }
0x2d7: {  	s6 =	smov.u32 @p3 s2;
	s1 =	smov.u32 @p3 s4  }
0x2d8: {  	(v2sf) =	vpush v0, $0x0;
	_ =	sdelay $0x8  }
0x2d9: {  	s0 =	spop (v2sf)  }
0x2da: {  	p1 =	sne.s32 s1, $0xFFFFFFFF;
	s2 =	smov.u32 s0  }
0x2db: {  	s9 =	simm.s32 $0x6;
	p2 =	seq.s32 s0, $0xFFFFFFFF;
	s2 =	smov.u32 @p1 s1  }
0x2dc: {  	s10 =	simm.s32 $0x3638;
	s2 =	smov.u32 @p2 s1;
	s1 =	spop (v2sf)  }
0x2dd: {  	s0 =	smov.u32 @p2 s6;
	p1 =	sne.s32 s2, $0xFFFFFFFF;
	s4 =	smov.u32 s1  }
.Ltmp20:
0x2de: {  	p2 =	seq.s32 s1, $0xFFFFFFFF;
	s4 =	smov.u32 @p1 s2;
	(pc) =	sbr.rel .LBB2_25-.Ltmp20, $4  }
0x2df: {  	s11 =	simm.s32 $0x0;
	s4 =	smov.u32 @p2 s2;
	s7 =	spop (v2sf)  }
0x2e0: {  	[sflag:s9] =	ssyncpa.u1 $0x0;
	p1 =	sne.s32 s4, $0xFFFFFFFF;
	s8 =	smov.u32 s7  }
0x2e1: {  	s1 =	smov.u32 @p2 s0;
	p2 =	seq.s32 s7, $0xFFFFFFFF;
	s8 =	smov.u32 @p1 s4  }
0x2e2: {  	s6 =	simm.s32 $0x0;
	s7 =	smov.u32 @p2 s1;
	s8 =	smov.u32 @p2 s4  }
.LBB2_30:
0x2e3: {  	p1 =	sgt.u32 s12, $0x270FF  }
0x2e4: {  	p2 =	seq.s32 @!p1 s12, s8  }
0x2e5: {  	p1 =	por p1, p2  }
0x2e6: {  	p2 =	sne.s32 @!p1 s12, s7  }
0x2e7: {  	p1 =	por p1, !p2  }
0x2e8: {  	s0 =	sshll.u32 @p1 s11, $0x6  }
0x2e9: {  	s0 =	sand.u32 @!p1 $0x3FFF8, s12  }
0x2ea: {  	s1 =	sand.u32 @!p1 $0x7, s12;
	s0 =	sadd.s32 @!p1 s3, s0  }
0x2eb: {  	[tilespmem:s10], [sflag:$0x6] =	stream.linear.gather @!p1 [hbm4b:s0+s1], $0x4, $0x38;
	[tilespmem:$0x1F0F8] =	vst v63  }
0x2ec: {  	_ =	swait.ge @!p1 [sflag:s9], $0x4  }
0x2ed: {  	[sflag:s9] =	ssyncset.done @!p1 $0x0  }
0x2ee: {  	[sflag:s9] =	ssyncadd.s32 @!p1 $0xFFFFFFFC  }
0x2ef: {  	v1 =	vld @!p1 [tilespmem:$0x3638];
	_ =	sdelay $0x2  }
0x2f0: {  	s0 =	sshll.u32 @!p1 s11, $0x6  }
0x2f1: {  	s1 =	sshrl.u32 @!p1 s0, $0x2  }
0x2f2: {  	[tilespmem:s1+$0x3678] =	vst.add.f32.msk @!p1 $0xffff, v1  }
0x2f3: {  	s0 =	sshrl.u32 s0, $0x2;
	[tilespmem:s6+$0x3658] =	vst.msk $0x1, v0  }
0x2f4: {  	v0 =	vld [tilespmem:s0+$0x3678];
	_ =	sdelay $0x2  }
0x2f5: {  	s31 =	sshll.u32 s6, $0x6  }
0x2f6: {  	s0 =	sshra.s32 s31, $0x2  }
0x2f7: {  	s6 =	sadd.s32 $0x1, s6;
	[tilespmem:s0+$0x3678] =	vst v0  }
.LBB2_32:
0x2f8: {  	s11 =	sadd.s32 $0x1, s11  }
0x2f9: {  	p1 =	sne.s32 s11, $0x20  }
.Ltmp21:
0x2fa: {  	_ = 	snop;
	(pc) =	sbr.rel @!p1 .LBB2_33-.Ltmp21, $1  }
0x2fb: {  	_ =	sdelay $0x3  }
.LBB2_25:
0x2fc: {  	v0 =	vld.msk [tilespmem:s11+$0x3658], $0x1;
	_ =	sdelay $0x4  }
0x2fd: {  	(v2sf) =	vpush v0, $0x0;
	_ =	sdelay $0xe  }
0x2fe: {  	s12 =	spop (v2sf)  }
0x2ff: {  	p1 =	seq.s32 s12, $0xFFFFFFFF  }
.Ltmp22:
0x300: {  	_ = 	snop;
	(pc) =	sbr.rel @p1 .LBB2_32-.Ltmp22, $1  }
0x301: {  	_ =	sdelay $0x3  }
0x302: {  	p1 =	slt.s32 s6, $0x1  }
.Ltmp23:
0x303: {  	_ = 	snop;
	(pc) =	sbr.rel @p1 .LBB2_30-.Ltmp23, $1  }
0x304: {  	_ =	sdelay $0x3  }
0x305: {  	s13 =	simm.s32 $0x3658;
	p1 =	por $0x0, $0x0  }
0x306: {  	v1 =	vld.msk @!p1 [tilespmem:s13+$0x0], $0x1;
	_ =	sdelay $0x4  }
0x307: {  	(v2sf) =	vpush @!p1 v1, $0x0;
	_ =	sdelay $0xd  }
0x308: {  	p3 =	sne.s32 s6, $0x1  }
.Ltmp24:
0x309: {  	s0 =	spop @!p1 (v2sf);
	(pc) =	sbr.rel @!p3 .LBB2_29-.Ltmp24, $4  }
0x30a: {  	p2 =	seq.s32 @!p1 s12, s0  }
0x30b: {  	s14 =	simm.s32 $0x0;
	p2 =	por !p2, p1  }
0x30c: {  	s0 =	simm.s32 $0xFFFFFFFF;
	s14 =	simm.s32 @p2 $0xFFFFFFFF  }
0x30d: {  	s15 =	simm.s32 $0x1;
	s14 =	smov.u32 @p1 s0  }
.LBB2_28:
0x30e: {  	s0 =	smov.u32 s14;
	p1 =	sne.s32 s14, $0xFFFFFFFF  }
0x30f: {  	s13 =	sadd.s32 $0x1, s13;
	s14 =	smov.u32 s15;
	s15 =	sadd.s32 $0x1, s15  }
0x310: {  	p2 =	sne.s32 s6, s15;
	v1 =	vld.msk @!p1 [tilespmem:s13+$0x0], $0x1;
	_ =	sdelay $0x4  }
0x311: {  	(v2sf) =	vpush @!p1 v1, $0x0;
	_ =	sdelay $0xe  }
.Ltmp25:
0x312: {  	s1 =	spop @!p1 (v2sf);
	(pc) =	sbr.rel @p2 .LBB2_28-.Ltmp25, $4  }
0x313: {  	p3 =	seq.s32 @!p1 s12, s1  }
0x314: {  	p3 =	por !p3, p1  }
0x315: {  	s14 =	simm.s32 @p3 $0xFFFFFFFF  }
0x316: {  	s14 =	smov.u32 @p1 s0  }
.LBB2_29:
0x317: {  	p1 =	sne.s32 s14, $0xFFFFFFFF  }
.Ltmp26:
0x318: {  	_ = 	snop;
	(pc) =	sbr.rel @!p1 .LBB2_30-.Ltmp26, $1  }
0x319: {  	_ =	sdelay $0x3  }
0x31a: {  	s0 =	sshll.u32 s11, $0x4  }
0x31b: {  	s0 =	sand.u32 $0x3FFFFFF0, s0  }
0x31c: {  	v0 =	vld [tilespmem:s0+$0x3678]  }
.Ltmp27:
0x31d: {  	_ = 	snop;
	(pc) =	sbr.rel .LBB2_32-.Ltmp27, $4  }
0x31e: {  	_ = 	snop  }
0x31f: {  	s31 =	sshll.u32 s14, $0x6  }
0x320: {  	s0 =	sshra.s32 s31, $0x2  }
0x321: {  	[tilespmem:s0+$0x3678] =	vst.add.f32.msk $0xffff, v0  }
.LBB2_33:
0x322: {  	s0 =	simm.s32 $0x6;
	p1 =	seq.s32 s6, $0x0  }
0x323: {  	[sflag:s0] =	ssyncpa.u1 $0x1;
	v0 =	vimm.s32 @p1 $0xFFFFFFFF  }
0x324: {  	s9 =	sadd.s32 $0xFFFFFFFF, s6;
	[tilespmem:$0x3878] =	vst @p1 v0  }
0x325: {  	v0 =	vld.msk @!p1 [tilespmem:s9+$0x3658], $0x1;
	_ =	sdelay $0x1  }
0x326: {  	v1 =	vld.msk @!p1 [tilespmem:$0x3658], $0x1;
	_ =	sdelay $0x2  }
0x327: {  	p2 =	seq.s32 @!p1 s9, $0x0;
	v0 =	vbroadcast @!p1 v0, $0x0  }
0x328: {  	vm0 =	vmmov @!p1 $0x1;
	p2 =	por !p2, p1  }
0x329: {  	v1 =	vnsel @!p1 vm0, $0xFFFFFFFF, v1;
	vm0 =	vcmask @!p1 $0x308;
	v0 =	vpsel !p2, $0xFFFFFFFF, v0  }
0x32a: {  	p2 =	sne.s32 @!p1 s8, s7;
	v0 =	vsel @!p1 vm0, v1, v0  }
0x32b: {  	s0 =	simm.s32 @!p1 $0x3678;
	s1 =	simm.s32 @!p1 $0x0;
	p3 =	por !p2, p1;
	[tilespmem:$0x3878] =	vst @!p1 v0  }
0x32c: {  	[spmem:s1] =	stream.linear.scatter @!p1 [tilespmem:s0], [sflag:$0x1], $0x10, $0x38;
	[tilespmem:$0x1F0F8] =	vst v63  }
0x32d: {  	s0 =	sshll.u32 @!p3 s9, $0x6  }
0x32e: {  	s0 =	sshra.s32 @!p3 s0, $0x2  }
0x32f: {  	s1 =	simm.s32 @!p3 $0x10;
	s0 =	sadd.s32 @!p3 $0x3678, s0  }
0x330: {  	[spmem:s1] =	stream.linear.scatter @!p3 [tilespmem:s0], [sflag:$0x1], $0x10, $0x38;
	[tilespmem:$0x1F0F8] =	vst v63  }
0x331: {  	s0 =	simm.s32 @!p3 $0x1  }
0x332: {  	_ =	swait.ge @!p3 [sflag:s0], $0x20  }
0x333: {  	p1 =	por p2, p1;
	[sflag:s0] =	ssyncset.done @!p3 $0x0  }
0x334: {  	[sflag:s0] =	ssyncadd.s32 @!p3 $0xFFFFFFE0;
	s0 =	simm.s32 @!p1 $0x1  }
0x335: {  	_ =	swait.ge @!p1 [sflag:s0], $0x10  }
0x336: {  	s29 =	simm.s32 $0x3878;
	[sflag:s0] =	ssyncset.done @!p1 $0x0  }
0x337: {  	s30 =	simm.s32 $0x200;
	s31 =	simm.s32 $0x1;
	[sflag:s0] =	ssyncadd.s32 @!p1 $0xFFFFFFF0  }
0x338: {  	[spmem:s30] =	stream.linear.scatter [tilespmem:s29], [sflag:$0x1], $0x10, $0x38;
	[tilespmem:$0x1F0F8] =	vst v63  }
0x339: {  	_ =	swait.ge [sflag:s31], $0x10  }
0x33a: {  	[sflag:s31] =	ssyncset.done $0x0  }
0x33b: {  	p1 =	seq.s32 s17, $0x0;
	s8 =	rddreg [dreg:$0x1];
	[sflag:s31] =	ssyncadd.s32 $0xFFFFFFF0  }
0x33c: {  	s1 =	sshll.u32 @p1 s8, $0xE;
	s7 =	rddreg [dreg:$0x2]  }
0x33d: {  	s0 =	sadd.s32 @p1 $0x15C3C, s1;
	s1 =	sshll.u32 @p1 s7, $0x11  }
0x33e: {  	_ =	sfence.stream.spmem;
	s0 =	sor.u32 @p1 s1, s0  }
0x33f: {  	[sflag:s0] =	ssyncadd.remote.s32 @p1 $0x1;
	s0 =	simm.s32 @p1 $0x4  }
0x340: {  	s2 =	simm.s32 @!p1 $0x3C;
	s1 =	sand.u32 $0xFFFFFFFE, s8;
	_ =	swait.ge @p1 [sflag:s0], $0x6  }
0x341: {  	s4 =	simm.s32 @!p1 $0x0;
	s1 =	sadd.s32 @!p1 $0x4, s1;
	[sflag:s0] =	ssyncset.done @p1 $0x0  }
0x342: {  	s5 =	simm.s32 @!p1 $0x20;
	[sflag:s0] =	ssyncadd.s32 @p1 $0xFFFFFFFA;
	s0 =	sshll.u32 @!p1 s1, $0x1A  }
0x343: {  	s1 =	sshll.u32 @!p1 s1, $0xD;
	s0 =	sor.u32 @!p1 s0, s7;
	_ =	swait.eq @!p1 [sflag:s2], $0x1  }
0x344: {  	s1 =	sor.u32 @!p1 $0x1C04, s1;
	s2 =	simm.s32 @!p1 $0x1C03;
	s0 =	sor.u32 @!p1 $0x80004000, s0  }
0x345: {  	[spmem:s5], [sflag:s1] =	dma.general @!p1 [spmem:s4], [sflag:s2], length:$0x4, [dreg:$0x0], stride_count:$0x0, ici_dest:s0, dma_misc:DstOpCode:WRITE  }
0x346: {  	p2 =	slt.s32 s9, $0x2;
	s4 =	simm.s32 @!p1 $0x40;
	s5 =	simm.s32 @!p1 $0x42  }
0x347: {  	[spmem:s5], [sflag:s1] =	dma.general @!p1 [spmem:s4], [sflag:s2], length:$0x2, [dreg:$0x0], stride_count:$0x0, ici_dest:s0, dma_misc:DstOpCode:WRITE  }
.Ltmp28:
0x348: {  	s0 =	simm.s32 @!p1 $0x3;
	(pc) =	sbr.rel @p2 .LBB2_37-.Ltmp28, $4  }
0x349: {  	s1 =	sshll.u32 @!p1 s8, $0xE;
	_ =	swait.ge @!p1 [sflag:s0], $0x6  }
0x34a: {  	s2 =	sshll.u32 @!p1 s7, $0x11;
	s1 =	sadd.s32 @!p1 $0x11C3C, s1;
	[sflag:s0] =	ssyncset.done @!p1 $0x0  }
0x34b: {  	[sflag:s0] =	ssyncadd.s32 @!p1 $0xFFFFFFFA;
	s0 =	sor.u32 @!p1 s2, s1  }
0x34c: {  	[sflag:s0] =	ssyncadd.remote.s32 @!p1 $0xFFFFFFFF;
	s0 =	simm.s32 $0x0  }
0x34d: {  	s0 =	simm.s32 $0x3659  }
0x34e: {  	v0 =	vld.msk [tilespmem:s0+$0x0], $0x1;
	_ =	sdelay $0x4  }
0x34f: {  	(v2sf) =	vpush v0, $0x0;
	_ =	sdelay $0xd  }
0x350: {  	s2 =	sadd.s32 $0xFFFFFFFE, s6  }
0x351: {  	s2 =	sadd.s32 $0xFFFFFFFF, s2;
	s0 =	spop (v2sf)  }
0x352: {  	p2 =	sne.s32 s2, $0x0;
	p1 =	sgt.u32 s0, $0x270FF  }
.Ltmp29:
0x353: {  	s4 =	sand.u32 @!p1 $0x3FFF8, s0;
	(pc) =	sbr.rel @!p2 .LBB2_36-.Ltmp29, $4  }
0x354: {  	s1 =	simm.s32 $0x3688;
	s0 =	sand.u32 @!p1 $0x7, s0;
	s4 =	sadd.s32 @!p1 s3, s4  }
0x355: {  	[hbm4b:s4+s0] =	stream.linear.scatter @!p1 [tilespmem:s1], [sflag:$0x5], $0x4, $0x38;
	[tilespmem:$0x1F0F8] =	vst v63  }
0x356: {  	s0 =	simm.s32 $0x0  }
0x357: {  	s6 =	simm.s32 $0x0;
	s7 =	simm.s32 $0x365A;
	s0 =	simm.s32 @!p1 $0x10  }
.LBB2_35:
0x358: {  	v0 =	vld.msk [tilespmem:s7+$0x0], $0x1;
	s2 =	sadd.s32 $0xFFFFFFFF, s2;
	s6 =	sadd.s32 s6, s0  }
0x359: {  	p1 =	sne.s32 s2, $0x0;
	_ =	sdelay $0x3  }
0x35a: {  	(v2sf) =	vpush v0, $0x0;
	_ =	sdelay $0xe  }
.Ltmp30:
0x35b: {  	s4 =	spop (v2sf);
	(pc) =	sbr.rel @p1 .LBB2_35-.Ltmp30, $4  }
0x35c: {  	s0 =	simm.s32 $0x0;
	p2 =	sgt.u32 s4, $0x270FF  }
0x35d: {  	s1 =	sadd.s32 $0x10, s1;
	s0 =	simm.s32 @!p2 $0x10;
	s5 =	sand.u32 @!p2 $0x3FFF8, s4  }
0x35e: {  	s7 =	sadd.s32 $0x1, s7;
	s4 =	sand.u32 @!p2 $0x7, s4;
	s5 =	sadd.s32 @!p2 s3, s5  }
0x35f: {  	[hbm4b:s5+s4] =	stream.linear.scatter @!p2 [tilespmem:s1], [sflag:$0x5], $0x4, $0x38;
	[tilespmem:$0x1F0F8] =	vst v63  }
.LBB2_36:
0x360: {  	s0 =	sadd.s32 s6, s0  }
0x361: {  	s0 =	sshrl.u32 s0, $0x2  }
.LBB2_37:
0x362: {  	s1 =	simm.s32 $0x5  }
0x363: {  	_ =	swait.ge [sflag:s1], s0  }
0x364: {  	s31 =	ssub.s32 $0x0, s0;
	[sflag:s1] =	ssyncset.done $0x0  }
0x365: {  	[sflag:s1] =	ssyncadd.s32 s31  }
0x366: {  	[sflag:s1] =	ssyncpa.u1 $0x1  }
.LBB2_38:
0x367: {  	s0 =	sor.u32 s17, s16  }
0x368: {  	p1 =	sne.s32 s0, $0x0  }
.Ltmp31:
0x369: {  	_ = 	snop;
	(pc) =	sbr.rel @p1 .LBB2_53-.Ltmp31, $3  }
0x36a: {  	_ =	sdelay $0x1  }
0x36b: {  	[bflag:$0x0] =	sbarrier.arrive $0xFFFF  }
0x36c: {  	_ =	sfence  }
0x36d: {  	s0 =	simm.s32 $0x7  }
0x36e: {  	s1 =	simm.s32 $0x200;
	s2 =	simm.s32 $0x3658;
	[sflag:s0] =	ssyncpa.u1 $0x0  }
0x36f: {  	[tilespmem:s2], [sflag:$0x7] =	stream.linear.gather [spmem:s1], $0x20, $0x38;
	[tilespmem:$0x1F0F8] =	vst v63  }
0x370: {  	s30 =	simm.s32 $0x3678;
	s1 =	simm.s32 $0x0  }
0x371: {  	[tilespmem:s30], [sflag:$0x7] =	stream.linear.gather [spmem:s1], $0x200, $0x38;
	[tilespmem:$0x1F0F8] =	vst v63  }
.Ltmp32:
0x372: {  	_ = 	snop;
	(pc) =	sbr.rel .LBB2_40-.Ltmp32, $4  }
0x373: {  	_ =	swait.ge [sflag:s0], $0x220  }
0x374: {  	[sflag:s0] =	ssyncset.done $0x0  }
0x375: {  	s31 =	simm.s32 $0x8;
	[sflag:s0] =	ssyncadd.s32 $0xFFFFFDE0  }
0x376: {  	s2 =	simm.s32 $0x0;
	[sflag:s31] =	ssyncpa.u1 $0x0  }
.LBB2_45:
0x377: {  	p1 =	slt.u32 s4, $0x27100  }
0x378: {  	s0 =	sand.u32 @p1 $0x3FFF8, s4  }
0x379: {  	s4 =	sand.u32 @p1 $0x7, s4;
	s5 =	simm.s32 @p1 $0x3638;
	s0 =	sadd.s32 @p1 s3, s0  }
0x37a: {  	[tilespmem:s5], [sflag:$0x8] =	stream.linear.gather @p1 [hbm4b:s0+s4], $0x4, $0x38;
	[tilespmem:$0x1F0F8] =	vst v63  }
0x37b: {  	s0 =	simm.s32 @p1 $0x8  }
0x37c: {  	_ =	swait.ge @p1 [sflag:s0], $0x4  }
0x37d: {  	[sflag:s0] =	ssyncset.done @p1 $0x0  }
0x37e: {  	[sflag:s0] =	ssyncadd.s32 @p1 $0xFFFFFFFC  }
0x37f: {  	v1 =	vld @p1 [tilespmem:$0x3638];
	_ =	sdelay $0x2  }
0x380: {  	s0 =	sshll.u32 @p1 s2, $0x6  }
0x381: {  	s5 =	sshll.u32 @!p1 s2, $0x6;
	s4 =	sshrl.u32 @p1 s0, $0x2  }
0x382: {  	s5 =	smov.u32 @p1 s0;
	[tilespmem:s4+$0x3678] =	vst.add.f32.msk @p1 $0xffff, v1  }
0x383: {  	s0 =	sshrl.u32 s5, $0x2;
	[tilespmem:s1+$0x3658] =	vst.msk $0x1, v0  }
0x384: {  	v0 =	vld [tilespmem:s0+$0x3678];
	_ =	sdelay $0x2  }
0x385: {  	s31 =	sshll.u32 s1, $0x6  }
0x386: {  	s0 =	sshra.s32 s31, $0x2  }
0x387: {  	s1 =	sadd.s32 $0x1, s1;
	[tilespmem:s0+$0x3678] =	vst v0  }
.LBB2_47:
0x388: {  	s2 =	sadd.s32 $0x1, s2  }
0x389: {  	p1 =	sne.s32 s2, $0x20  }
.Ltmp33:
0x38a: {  	_ = 	snop;
	(pc) =	sbr.rel @!p1 .LBB2_48-.Ltmp33, $1  }
0x38b: {  	_ =	sdelay $0x3  }
.LBB2_40:
0x38c: {  	v0 =	vld.msk [tilespmem:s2+$0x3658], $0x1;
	_ =	sdelay $0x4  }
0x38d: {  	(v2sf) =	vpush v0, $0x0;
	_ =	sdelay $0xe  }
0x38e: {  	s4 =	spop (v2sf)  }
0x38f: {  	p1 =	seq.s32 s4, $0xFFFFFFFF  }
.Ltmp34:
0x390: {  	_ = 	snop;
	(pc) =	sbr.rel @p1 .LBB2_47-.Ltmp34, $1  }
0x391: {  	_ =	sdelay $0x3  }
0x392: {  	p1 =	slt.s32 s1, $0x1  }
.Ltmp35:
0x393: {  	_ = 	snop;
	(pc) =	sbr.rel @p1 .LBB2_45-.Ltmp35, $1  }
0x394: {  	_ =	sdelay $0x3  }
0x395: {  	s5 =	simm.s32 $0x3658;
	p1 =	por $0x0, $0x0  }
0x396: {  	v1 =	vld.msk @!p1 [tilespmem:s5+$0x0], $0x1;
	_ =	sdelay $0x4  }
0x397: {  	(v2sf) =	vpush @!p1 v1, $0x0;
	_ =	sdelay $0xd  }
0x398: {  	p3 =	sne.s32 s1, $0x1  }
.Ltmp36:
0x399: {  	s0 =	spop @!p1 (v2sf);
	(pc) =	sbr.rel @!p3 .LBB2_44-.Ltmp36, $4  }
0x39a: {  	p2 =	seq.s32 @!p1 s4, s0  }
0x39b: {  	s6 =	simm.s32 $0x0;
	p2 =	por !p2, p1  }
0x39c: {  	s0 =	simm.s32 $0xFFFFFFFF;
	s6 =	simm.s32 @p2 $0xFFFFFFFF  }
0x39d: {  	s7 =	simm.s32 $0x1;
	s6 =	smov.u32 @p1 s0  }
.LBB2_43:
0x39e: {  	s0 =	smov.u32 s6;
	p1 =	sne.s32 s6, $0xFFFFFFFF  }
0x39f: {  	s5 =	sadd.s32 $0x1, s5;
	s6 =	smov.u32 s7;
	s7 =	sadd.s32 $0x1, s7  }
0x3a0: {  	p2 =	sne.s32 s1, s7;
	v1 =	vld.msk @!p1 [tilespmem:s5+$0x0], $0x1;
	_ =	sdelay $0x4  }
0x3a1: {  	(v2sf) =	vpush @!p1 v1, $0x0;
	_ =	sdelay $0xe  }
.Ltmp37:
0x3a2: {  	s8 =	spop @!p1 (v2sf);
	(pc) =	sbr.rel @p2 .LBB2_43-.Ltmp37, $4  }
0x3a3: {  	p3 =	seq.s32 @!p1 s4, s8  }
0x3a4: {  	p3 =	por !p3, p1  }
0x3a5: {  	s6 =	simm.s32 @p3 $0xFFFFFFFF  }
0x3a6: {  	s6 =	smov.u32 @p1 s0  }
.LBB2_44:
0x3a7: {  	p1 =	sne.s32 s6, $0xFFFFFFFF  }
.Ltmp38:
0x3a8: {  	_ = 	snop;
	(pc) =	sbr.rel @!p1 .LBB2_45-.Ltmp38, $1  }
0x3a9: {  	_ =	sdelay $0x3  }
0x3aa: {  	s0 =	sshll.u32 s2, $0x4  }
0x3ab: {  	s0 =	sand.u32 $0x3FFFFFF0, s0  }
0x3ac: {  	v0 =	vld [tilespmem:s0+$0x3678]  }
.Ltmp39:
0x3ad: {  	_ = 	snop;
	(pc) =	sbr.rel .LBB2_47-.Ltmp39, $4  }
0x3ae: {  	_ = 	snop  }
0x3af: {  	s31 =	sshll.u32 s6, $0x6  }
0x3b0: {  	s0 =	sshra.s32 s31, $0x2  }
0x3b1: {  	[tilespmem:s0+$0x3678] =	vst.add.f32.msk $0xffff, v0  }
.LBB2_48:
0x3b2: {  	p1 =	slt.s32 s1, $0x1  }
.Ltmp40:
0x3b3: {  	_ = 	snop;
	(pc) =	sbr.rel @p1 .LBB2_52-.Ltmp40, $3  }
0x3b4: {  	_ =	sdelay $0x1  }
0x3b5: {  	s0 =	simm.s32 $0x8  }
0x3b6: {  	s2 =	simm.s32 $0x0;
	[sflag:s0] =	ssyncpa.u1 $0x1  }
0x3b7: {  	s0 =	simm.s32 $0x3658  }
0x3b8: {  	v0 =	vld.msk [tilespmem:s0+$0x0], $0x1;
	_ =	sdelay $0x4  }
0x3b9: {  	(v2sf) =	vpush v0, $0x0;
	_ =	sdelay $0xe  }
0x3ba: {  	s1 =	sadd.s32 $0xFFFFFFFF, s1;
	s0 =	spop (v2sf)  }
0x3bb: {  	p2 =	sne.s32 s1, $0x0;
	p1 =	sgt.u32 s0, $0x270FF  }
.Ltmp41:
0x3bc: {  	s5 =	sand.u32 @!p1 $0x3FFF8, s0;
	(pc) =	sbr.rel @!p2 .LBB2_51-.Ltmp41, $4  }
0x3bd: {  	s4 =	simm.s32 $0x3678;
	s0 =	sand.u32 @!p1 $0x7, s0;
	s5 =	sadd.s32 @!p1 s3, s5  }
0x3be: {  	[hbm4b:s5+s0] =	stream.linear.scatter @!p1 [tilespmem:s4], [sflag:$0x7], $0x4, $0x38;
	[tilespmem:$0x1F0F8] =	vst v63  }
0x3bf: {  	s0 =	simm.s32 $0x0  }
0x3c0: {  	s5 =	simm.s32 $0x3659;
	s0 =	simm.s32 @!p1 $0x10  }
.LBB2_50:
0x3c1: {  	v0 =	vld.msk [tilespmem:s5+$0x0], $0x1;
	s1 =	sadd.s32 $0xFFFFFFFF, s1;
	s2 =	sadd.s32 s2, s0  }
0x3c2: {  	p1 =	sne.s32 s1, $0x0;
	_ =	sdelay $0x3  }
0x3c3: {  	(v2sf) =	vpush v0, $0x0;
	_ =	sdelay $0xe  }
.Ltmp42:
0x3c4: {  	s6 =	spop (v2sf);
	(pc) =	sbr.rel @p1 .LBB2_50-.Ltmp42, $4  }
0x3c5: {  	s0 =	simm.s32 $0x0;
	p2 =	sgt.u32 s6, $0x270FF  }
0x3c6: {  	s4 =	sadd.s32 $0x10, s4;
	s0 =	simm.s32 @!p2 $0x10;
	s7 =	sand.u32 @!p2 $0x3FFF8, s6  }
0x3c7: {  	s5 =	sadd.s32 $0x1, s5;
	s6 =	sand.u32 @!p2 $0x7, s6;
	s7 =	sadd.s32 @!p2 s3, s7  }
0x3c8: {  	[hbm4b:s7+s6] =	stream.linear.scatter @!p2 [tilespmem:s4], [sflag:$0x7], $0x4, $0x38;
	[tilespmem:$0x1F0F8] =	vst v63  }
.LBB2_51:
0x3c9: {  	s0 =	sadd.s32 s2, s0  }
0x3ca: {  	s2 =	sshrl.u32 s0, $0x2  }
.LBB2_52:
0x3cb: {  	s0 =	simm.s32 $0x7  }
0x3cc: {  	_ =	swait.ge [sflag:s0], s2  }
0x3cd: {  	s1 =	ssub.s32 $0x0, s2;
	[sflag:s0] =	ssyncset.done $0x0  }
0x3ce: {  	[sflag:s0] =	ssyncadd.s32 s1  }
0x3cf: {  	[sflag:s0] =	ssyncpa.u1 $0x1  }
.LBB2_53:
0x3d0: {  	_ =	sfence;
	s0 =	simm.s32 $0x1  }
0x3d1: {  	[sflag:s0] =	ssyncpa.u1 $0x1  }
0x3d2: {  	_ =	strace $0x90000056  }
0x3d3: {  	[bflag:$0x2] =	sbarrier.arrive $0xFFFF  }
0x3d4: {  	s0 =	rddreg [dreg:$0x3]  }
0x3d5: {  	s0 =	sadd.s32 @!p0 $0x100000, s0  }
0x3d6: {  	[sflag:s0] =	ssyncadd.tile.s32 @!p0 $0x1;
	_ =	shalt  }
.Lfunc_end2:
_tile_overlayer_lowered:
.L_overlay_start_2:
0x3d7: {  	(tag) =	ssettag $0x2  }
0x3d8: {  	s0 =	rddreg [dreg:$0x0];
	s2 =	stileid.u32  }
0x3d9: {  	s1 =	rddreg [dreg:$0x1];
	p0 =	sne.s32 s2, $0x0  }
0x3da: {  	s3 =	rddreg [dreg:$0x2];
	[bflag:$0x3] =	sbarrier.arrive $0xFFFF;
	s2 =	simm.s32 @!p0 $0x1C01  }
0x3db: {  	[timem:s3], [sflag:s2] =	dma.local @!p0 [hbm:s0], s1  }
0x3dc: {  	s0 =	simm.s32 @!p0 $0x1  }
0x3dd: {  	_ =	swait.ge @!p0 [sflag:s0], s1  }
0x3de: {  	s1 =	ssub.s32 @!p0 $0x0, s1;
	[sflag:s0] =	ssyncset.done @!p0 $0x0  }
0x3df: {  	[sflag:s0] =	ssyncadd.s32 @!p0 s1  }
0x3e0: {  	[bflag:$0x3] =	sbarrier.arrive $0xFFFF  }
0x3e1: {  	_ =	shalt  }

// kernel: scatter_offload_async_start
scs
__scs_entry_jumppad:
0x0: {  	(pc) =	sbr.rel $0x88, $3  }
0x1: {  	(tag) =	ssettag $0x0;
	lr =	simm.s32 $0x1  }
0x2: {  	[smem:$0x3F82] =	sst lr;
	_ =	strace $0xD0000000  }
0x3: {  	_ = 	snop  }
0x4: {  	_ = 	snop  }
0x5: {  	_ = 	snop  }
0x6: {  	_ = 	snop  }
0x7: {  	_ = 	snop  }
__scs_overlays_trampoline_lowered:
0x8: {  	[smem:$0x3F91] =	sst s0  }
0x9: {  	[smem:$0x3F92] =	sst s1  }
0xa: {  	[smem:$0x3F93] =	sst s2  }
0xb: {  	[smem:$0x3F94] =	sst s3  }
0xc: {  	[smem:$0x3F95] =	sst s4  }
0xd: {  	[smem:$0x3F96] =	sst s5  }
0xe: {  	[smem:$0x3F97] =	sst s6  }
0xf: {  	[smem:$0x3F98] =	sst s7  }
0x10: {  	[smem:$0x3F99] =	sst s8  }
0x11: {  	[smem:$0x3F9A] =	sst s9;
	s0 =	simm.s32 @!p0 $0x0  }
0x12: {  	s1 =	sld [smem:$0x3F80];
	s0 =	simm.s32 @p0 $0x1  }
0x13: {  	[smem:$0x3F9B] =	sst s0;
	s0 =	simm.s32 @!p1 $0x0  }
0x14: {  	s2 =	sld [smem:$0x3F7F];
	s0 =	simm.s32 @p1 $0x1  }
0x15: {  	[smem:$0x3F9C] =	sst s0;
	s0 =	simm.s32 @!p2 $0x0  }
0x16: {  	s3 =	sld [smem:$0x3FDB];
	s0 =	simm.s32 @p2 $0x1  }
0x17: {  	s4 =	simm.s32 $0x1BF5;
	[smem:$0x3F9E] =	sst s0  }
0x18: {  	s0 =	sld [smem:$0x3F81];
	_ =	swait.ge [sflag:s4], $0x0  }
0x19: {  	s7 =	sld [smem:$0x3F82]  }
0x1a: {  	s8 =	sadd.s32 $0xFFFFE003, lr  }
0x1b: {  	s9 =	sadd.s32 $0xFFFFFEF7, lr;
	s5 =	simm.s32 $0xFFFFFFFF;
	p2 =	slt.u32 s8, $0xFFFFF086  }
0x1c: {  	p1 =	slt.u32 s9, $0xF7A;
	s5 =	simm.s32 @!p2 $0x0  }
0x1d: {  	s5 =	simm.s32 @p1 $0x1;
	p0 =	seq.s32 s7, s2  }
0x1e: {  	s7 =	smul.u32 @!p0 $0xF7A, s2;
	p2 =	seq.s32 @!p0 s5, $0x0  }
0x1f: {  	s9 =	smul.u32 $0xF7A, s1;
	s8 =	simm.s32 @!p0 $0x1BF5;
	p2 =	por !p2, p0  }
0x20: {  	[sflag:s8] =	ssyncset.s32 @!p0 $0xFFFFF086;
	s6 =	sadd.s32 @!p0 s3, s7;
	s7 =	simm.s32 @!p0 $0x108  }
0x21: {  	s3 =	sadd.s32 s3, s9;
	s6 =	sadd.s32 @!p0 $0x88, s6;
	s7 =	simm.s32 @p2 $0x1082  }
0x22: {  	[simem:s7], [sflag:s8] =	dma.local @!p0 [hbm:s6], $0xF7A  }
0x23: {  	s9 =	sor.u32 $0xD0000000, s2;
	s6 =	simm.s32 $0x108;
	_ =	swait.ge @!p0 [sflag:s8], $0x0  }
0x24: {  	s3 =	sadd.s32 $0x88, s3;
	s6 =	simm.s32 @!p1 $0x1082;
	[sflag:s4] =	ssyncset.s32 $0xFFFFF086  }
0x25: {  	[simem:s6], [sflag:s4] =	dma.local [hbm:s3], $0xF7A  }
0x26: {  	[smem:$0x3F82] =	sst s1;
	(tag) =	ssettag s2;
	_ =	strace s9  }
0x27: {  	s1 =	sld [smem:$0x3F92]  }
0x28: {  	s2 =	sld [smem:$0x3F93]  }
0x29: {  	s4 =	sld [smem:$0x3F95]  }
0x2a: {  	p0 =	seq.s32 s5, $0x0;
	s5 =	sld [smem:$0x3F96]  }
0x2b: {  	s6 =	sld [smem:$0x3F97]  }
0x2c: {  	s7 =	sld [smem:$0x3F98]  }
0x2d: {  	s3 =	simm.s32 $0x108;
	s8 =	sld [smem:$0x3F99]  }
0x2e: {  	s3 =	simm.s32 @!p0 $0x1082;
	s9 =	sld [smem:$0x3F9A]  }
0x2f: {  	lr =	sadd.s32 s0, s3;
	s0 =	sld [smem:$0x3F91]  }
0x30: {  	s3 =	sld [smem:$0x3F94]  }
0x31: {  	[smem:$0x3F9D] =	sst s10  }
0x32: {  	s10 =	sld [smem:$0x3F9B];
	_ =	sdelay $0x3  }
0x33: {  	p0 =	seq.s32 s10, $0x1;
	s10 =	sld [smem:$0x3F9D];
	_ =	sdelay $0x3  }
0x34: {  	[smem:$0x3F9D] =	sst s10  }
0x35: {  	s10 =	sld [smem:$0x3F9C];
	_ =	sdelay $0x3  }
0x36: {  	p1 =	seq.s32 s10, $0x1;
	s10 =	sld [smem:$0x3F9D];
	_ =	sdelay $0x3  }
0x37: {  	[smem:$0x3F9D] =	sst s10  }
0x38: {  	s10 =	sld [smem:$0x3F9E]  }
0x39: {  	_ = 	snop;
	(pc) =	sbr.ind lr, $3  }
0x3a: {  	_ = 	snop  }
0x3b: {  	_ = 	snop  }
0x3c: {  	p2 =	seq.s32 s10, $0x1;
	s10 =	sld [smem:$0x3F9D]  }
0x3d: {  	_ =	shalt  }
0x3e: {  	_ =	shalt  }
0x3f: {  	_ =	shalt  }
0x40: {  	_ =	shalt  }
0x41: {  	_ =	shalt  }
0x42: {  	_ =	shalt  }
0x43: {  	_ =	shalt  }
0x44: {  	_ =	shalt  }
0x45: {  	_ =	shalt  }
0x46: {  	_ =	shalt  }
0x47: {  	_ =	shalt  }
0x48: {  	_ =	shalt  }
0x49: {  	_ =	shalt  }
0x4a: {  	_ =	shalt  }
0x4b: {  	_ =	shalt  }
0x4c: {  	_ =	shalt  }
0x4d: {  	_ =	shalt  }
0x4e: {  	_ =	shalt  }
0x4f: {  	_ =	shalt  }
0x50: {  	_ =	shalt  }
0x51: {  	_ =	shalt  }
0x52: {  	_ =	shalt  }
0x53: {  	_ =	shalt  }
0x54: {  	_ =	shalt  }
0x55: {  	_ =	shalt  }
0x56: {  	_ =	shalt  }
0x57: {  	_ =	shalt  }
0x58: {  	_ =	shalt  }
0x59: {  	_ =	shalt  }
0x5a: {  	_ =	shalt  }
0x5b: {  	_ =	shalt  }
0x5c: {  	_ =	shalt  }
0x5d: {  	_ =	shalt  }
0x5e: {  	_ =	shalt  }
0x5f: {  	_ =	shalt  }
0x60: {  	_ =	shalt  }
0x61: {  	_ =	shalt  }
0x62: {  	_ =	shalt  }
0x63: {  	_ =	shalt  }
0x64: {  	_ =	shalt  }
0x65: {  	_ =	shalt  }
0x66: {  	_ =	shalt  }
0x67: {  	_ =	shalt  }
0x68: {  	_ =	shalt  }
0x69: {  	_ =	shalt  }
0x6a: {  	_ =	shalt  }
0x6b: {  	_ =	shalt  }
0x6c: {  	_ =	shalt  }
0x6d: {  	_ =	shalt  }
0x6e: {  	_ =	shalt  }
0x6f: {  	_ =	shalt  }
0x70: {  	_ =	shalt  }
0x71: {  	_ =	shalt  }
0x72: {  	_ =	shalt  }
0x73: {  	_ =	shalt  }
0x74: {  	_ =	shalt  }
0x75: {  	_ =	shalt  }
0x76: {  	_ =	shalt  }
0x77: {  	_ =	shalt  }
0x78: {  	_ =	shalt  }
0x79: {  	_ =	shalt  }
0x7a: {  	_ =	shalt  }
0x7b: {  	_ =	shalt  }
0x7c: {  	_ =	shalt  }
0x7d: {  	_ =	shalt  }
0x7e: {  	_ =	shalt  }
0x7f: {  	_ =	shalt  }
0x80: {  	_ =	shalt  }
0x81: {  	_ =	shalt  }
0x82: {  	_ =	shalt  }
0x83: {  	_ =	shalt  }
0x84: {  	_ =	shalt  }
0x85: {  	_ =	shalt  }
0x86: {  	_ =	shalt  }
0x87: {  	_ =	shalt  }
.Lfunc_end0:
.L_simem_size_0:
called_computation_lowered:
.L_overlay_start_0:
0x88: {  	s2 =	sld [smem:$0x3FD9]  }
0x89: {  	s3 =	sld [smem:$0x3FFE];
	_ =	sdelay $0x1  }
0x8a: {  	s1 =	srdreg.scid  }
0x8b: {  	s0 =	sand.u32 $0x1, s1  }
0x8c: {  	s15 =	sshll.u32 s0, $0xA;
	s2 =	sadd.s32 s3, s2  }
0x8d: {  	s2 =	sadd.s32 s2, s15  }
0x8e: {  	[smem:$0x3FA9] =	sst s2  }
0x8f: {  	_ = 	snop  }
0x90: {  	(tm) =	ssettm $0x1  }
0x91: {  	s16 =	sld [smem:$0x3FFB];
	_ =	sdelay $0x3  }
0x92: {  	_ =	strace s16  }
0x93: {  	s2 =	sld [smem:$0x3FFC];
	_ =	sdelay $0x3  }
0x94: {  	_ =	strace s2  }
0x95: {  	s2 =	sld [smem:$0x3FFD];
	_ =	sdelay $0x3  }
0x96: {  	_ =	strace s2  }
0x97: {  	_ =	strace $0x8FFFFFFF  }
0x98: {  	s17 =	sld [smem:$0x3FDB];
	_ =	sdelay $0x1  }
0x99: {  	s18 =	simm.s32 $_scs_section_size  }
0x9a: {  	s4 =	simm.s32 $_size__tile_overlayer_lowered;
	s5 =	simm.s32 $_tile_overlayer_lowered  }
0x9b: {  	s21 =	simm.s32 $0x1BFF;
	s20 =	sshll.u32 s5, $0x1;
	s2 =	sadd.s32 s18, s17  }
0x9c: {  	s6 =	simm.s32 $0x0;
	s19 =	sshll.u32 s4, $0x1;
	s4 =	sadd.s32 s20, s2  }
0x9d: {  	[timem:s6], [sflag:s21] =	dma.local [hbm:s4], s19  }
0x9e: {  	_ =	swait.ge [sflag:s21], s19  }
0x9f: {  	s3 =	ssub.s32 $0x0, s19;
	[sflag:s21] =	ssyncset.done $0x0  }
0xa0: {  	[sflag:s21] =	ssyncadd.s32 s3;
	_ =	sdelay $0x1  }
0xa1: {  	s22 =	simm.s32 $0x1B8B  }
0xa2: {  	_ =	swait.ge [sflag:s22], $0x1  }
0xa3: {  	[sflag:s22] =	ssyncset.done $0x0  }
0xa4: {  	s23 =	sld [smem:$0x3FFE];
	[sflag:s22] =	ssyncadd.s32 $0xFFFFFFFF  }
0xa5: {  	s25 =	simm.s32 $0x1B8E;
	s24 =	sld [smem:$0x0]  }
0xa6: {  	s26 =	simm.s32 $execute0_lowered;
	[smem:$0x3FD2] =	sst s25  }
0xa7: {  	s5 =	sshll.u32 s26, $0x1;
	_ =	strace $0x8000004C;
	[dreg:$0x1] =	wrdreg $0xFFFFFFFF  }
0xa8: {  	s28 =	simm.s32 $_size_execute0_lowered;
	s2 =	sadd.s32 s2, s5;
	[dreg:$0x0] =	wrdreg $0x0  }
0xa9: {  	s5 =	sshll.u32 s28, $0x1;
	[dreg:$0x2] =	wrdreg s2  }
0xaa: {  	[dreg:$0x3] =	wrdreg s5  }
0xab: {  	[dreg:$0x4] =	wrdreg $0xC0  }
0xac: {  	_ =	task [dreg:s6], $0x5FFFF  }
0xad: {  	[dreg:$0x1] =	wrdreg $0xFFFFFFFF  }
0xae: {  	[dreg:$0x0] =	wrdreg $0x60  }
0xaf: {  	[dreg:$0x2] =	wrdreg s23  }
0xb0: {  	[dreg:$0x3] =	wrdreg s1  }
0xb1: {  	[dreg:$0x4] =	wrdreg s24  }
0xb2: {  	[dreg:$0x5] =	wrdreg $0x9  }
0xb3: {  	_ =	task.clear_ibuf [dreg:s6], $0x6FFFF;
	_ =	strace $0x9000004C  }
0xb4: {  	s29 =	simm.s32 $0x9;
	_ =	strace $0x8000004E  }
0xb5: {  	_ =	swait.ge [sflag:s29], $0x1  }
0xb6: {  	[sflag:s29] =	ssyncadd.s32 $0xFFFFFFFF  }
0xb7: {  	_ =	strace $0x9000004E  }
0xb8: {  	_ =	sfence  }
0xb9: {  	s30 =	sld [smem:$0x0];
	_ =	sdelay $0x2  }
0xba: {  	s31 =	sshll.u32 s1, $0xD;
	s1 =	sshrl.u32 s1, $0x2  }
0xbb: {  	s3 =	sand.u32 $0x4000, s31;
	s1 =	sadd.s32 s1, s30  }
0xbc: {  	s0 =	sor.u32 s3, s0;
	s1 =	sshll.u32 s1, $0x11  }
0xbd: {  	s0 =	sor.u32 s1, s0  }
0xbe: {  	s0 =	sadd.s32 $0x8F2B, s0  }
0xbf: {  	[sflag:s0] =	ssyncadd.remote.s32 $0x1  }
0xc0: {  	_ =	sfence.sel $0xFFFF  }
0xc1: {  	[dreg:$0x0] =	wrdreg $0xFFFFFFFF;
	(pc) =	sbr.abs _section_cstart, $3  }
0xc2: {  	[dreg:$0x1] =	wrdreg $0xFFFFFFFF  }
0xc3: {  	_ =	task.clear_ibuf [dreg:s6], $0x2FFFF;
	_ =	strace $0x9FFFFFFF  }
0xc4: {  	(tm) =	ssettm $0x7FFFFFFF  }
0xc5: {  	_ =	shalt  }
tec
execute0_lowered:
.L_overlay_start_1:
0x0: {  	(tag) =	ssettag $0x1  }
0x1: {  	s2 =	rddreg [dreg:$0x0]  }
0x2: {  	s3 =	rddreg [dreg:$0x1];
	_ =	strace $0x8000004D;
	s0 =	simm.s32 $0x1  }
0x3: {  	s4 =	simm.s32 $0x408;
	v0 =	vimm.s32 $0x0;
	[sflag:s0] =	ssyncpa.u1 $0x0  }
0x4: {  	[tilespmem:s4+$0x70] =	vst v0  }
0x5: {  	[tilespmem:s4+$0x60] =	vst v0  }
0x6: {  	[tilespmem:s4+$0x50] =	vst v0  }
0x7: {  	[tilespmem:s4+$0x40] =	vst v0  }
0x8: {  	[tilespmem:s4+$0x30] =	vst v0  }
0x9: {  	s1 =	sadd.s32 $0x13F9200, s2;
	s0 =	sadd.s32 $0x4C00, s2;
	s6 =	sadd.s32 $0x71200, s2;
	[tilespmem:s4+$0x20] =	vst v0  }
0xa: {  	s2 =	sadd.s32 $0xEA00, s2;
	s7 =	sand.u32 $0x1, s3;
	s3 =	simm.s32 $0x40;
	[tilespmem:s4+$0x10] =	vst v0  }
.LBB2_1:
0xb: {  	s3 =	sadd.s32 $0x40, s3;
	[tilespmem:s4+$0x0] =	vst v0;
	s4 =	sadd.s32 $0x80, s4  }
0xc: {  	p0 =	slt.u32 s3, $0x3100;
	[tilespmem:s4+$0x70] =	vst v0  }
0xd: {  	[tilespmem:s4+$0x60] =	vst v0  }
.Ltmp0:
0xe: {  	[tilespmem:s4+$0x50] =	vst v0;
	(pc) =	sbr.rel @p0 .LBB2_1-.Ltmp0, $4  }
0xf: {  	[tilespmem:s4+$0x40] =	vst v0  }
0x10: {  	[tilespmem:s4+$0x30] =	vst v0  }
0x11: {  	[tilespmem:s4+$0x20] =	vst v0  }
0x12: {  	[tilespmem:s4+$0x10] =	vst v0  }
0x13: {  	s10 =	stileid.u32  }
0x14: {  	s3 =	smul.u32 $0xD0, s10  }
0x15: {  	s5 =	smin.u32 s10, $0x6  }
0x16: {  	s3 =	sor.u32 s5, s3  }
0x17: {  	p0 =	slt.u32 s10, $0x6;
	s11 =	smul.u32 $0x30, s3;
	s3 =	simm.s32 $0x2730  }
0x18: {  	s3 =	simm.s32 @!p0 $0x2700  }
0x19: {  	s3 =	sadd.s32 s3, s11  }
0x1a: {  	s8 =	smin.u32 s3, $0x27100  }
0x1b: {  	s26 =	simm.s32 $0x2;
	s9 =	simm.s32 $0x9;
	s3 =	ssub.s32 s8, s11  }
0x1c: {  	s29 =	simm.s32 $0xA;
	s30 =	simm.s32 $0xB;
	p0 =	sgt.s32 s3, $0x0  }
0x1d: {  	[dreg:$0x4] =	wrdreg s7;
	s31 =	smul.u32 $0x4E20, s7;
	s3 =	simm.s32 @!p0 $0x0  }
0x1e: {  	s12 =	simm.s32 $0x1;
	s24 =	simm.s32 $0x0;
	s25 =	smulhi.u32 $0x2AAAAAAB, s3  }
0x1f: {  	p1 =	por $0x0, $0x0;
	s18 =	simm.s32 $0x80;
	s19 =	simm.s32 $0x400  }
0x20: {  	s20 =	simm.s32 $0xC;
	s21 =	simm.s32 $0x0;
	s28 =	sshrl.u32 s25, $0x3  }
0x21: {  	[tilespmem:s4+$0x0] =	vst v0;
	v0 =	vimm.s32 $0xFFFFFFFF;
	s23 =	simm.s32 $0x0;
	[sflag:s26] =	ssyncpa.u1 $0x0;
	s5 =	smul.u32 $0x30, s28  }
0x22: {  	s16 =	sshll.u32 s10, $0xA;
	[tilespmem:$0xC808] =	vst v0;
	[sflag:s9] =	ssyncpa.u1 $0x0;
	s14 =	sadd.s32 s31, s2  }
.Ltmp1:
0x23: {  	p0 =	sne.s32 s3, s5;
	s3 =	simm.s32 $0x1;
	(pc) =	sbr.rel .LBB2_3-.Ltmp1, $4  }
0x24: {  	s15 =	sadd.s32 s31, s0;
	[dreg:$0x6] =	wrdreg s14;
	s3 =	simm.s32 @!p0 $0x0  }
0x25: {  	[sflag:s29] =	ssyncpa.u1 $0x0;
	[dreg:$0x7] =	wrdreg s15;
	s13 =	sadd.s32 s3, s28  }
0x26: {  	[sflag:s30] =	ssyncpa.u1 $0x0;
	s17 =	sadd.s32 $0x1, s13;
	[dreg:$0x5] =	wrdreg s13  }
0x27: {  	v0 =	vlaneseq.u32;
	s22 =	smov.u32 s11;
	p0 =	por $0x1, $0x1;
	[dreg:$0x8] =	wrdreg s17  }
.LBB2_30:
0x28: {  	s0 =	sshrl.u32 s0, $0x2  }
.LBB2_32:
0x29: {  	_ =	swait.ge [sflag:s20], s0  }
0x2a: {  	s30 =	ssub.s32 $0x0, s0;
	v1 =	vmov s26;
	vm0 =	veq.s32 v0, $0x0;
	[sflag:s20] =	ssyncset.done $0x0  }
0x2b: {  	vm15 =	veq.s32 v0, $0x2;
	v1 =	vsel vm0, s31, v1;
	[sflag:s20] =	ssyncadd.s32 s30  }
0x2c: {  	v1 =	vsel vm15, s24, v1;
	[sflag:s20] =	ssyncpa.u1 $0x1  }
0x2d: {  	[tilespmem:$0xC808] =	vst v1  }
.LBB2_33:
0x2e: {  	s0 =	sadd.s32 $0x30, s22  }
0x2f: {  	s2 =	smov.u32 s11;
	p2 =	slt.s32 s0, s8  }
0x30: {  	s2 =	smov.u32 @p2 s0;
	p2 =	sne.s32 s23, s17  }
.Ltmp2:
0x31: {  	_ = 	snop;
	(pc) =	sbr.rel @!p2 .LBB2_34-.Ltmp2, $4  }
0x32: {  	_ = 	snop  }
0x33: {  	s24 =	smov.u32 s21  }
0x34: {  	s31 =	sadd.s32 $0x1, s23;
	s21 =	smov.u32 s22;
	p0 =	por !p0, !p0  }
0x35: {  	p1 =	por !p1, !p1;
	s23 =	smov.u32 s31;
	s22 =	smov.u32 s2  }
.LBB2_3:
0x36: {  	p2 =	sge.u32 s23, s13  }
0x37: {  	s0 =	smulhi.u32 @!p2 $0xAAAAAAAB, s23  }
0x38: {  	s2 =	smov.u32 s22;
	p3 =	sgt.s32 @!p2 s22, $0x270D0  }
0x39: {  	s3 =	sshra.s32 @!p2 s22, $0x1F;
	p3 =	por !p3, p2;
	s0 =	sshrl.u32 @!p2 s0, $0x1  }
0x3a: {  	s3 =	sand.u32 @!p2 s3, s22;
	s2 =	simm.s32 @p3 $0x270D0;
	s0 =	smul.u32 @!p2 $0x3, s0  }
0x3b: {  	s2 =	ssub.s32 @!p2 s2, s3  }
0x3c: {  	s2 =	sadd.s32 @!p2 $0xFFFD8F30, s2;
	s0 =	ssub.s32 @!p2 s23, s0  }
0x3d: {  	s3 =	sshll.u32 @!p2 s2, $0x2;
	p3 =	sgt.s32 @!p2 s2, $0x2F;
	s0 =	smul.u32 @!p2 $0xC0, s0  }
0x3e: {  	s4 =	sand.u32 @!p2 $0x7, s22;
	s2 =	ssub.s32 @!p2 $0xC0, s3;
	p3 =	por !p3, p2  }
0x3f: {  	s3 =	sshrl.u32 @!p2 s22, $0x3;
	s2 =	sshrl.u32 @!p2 s2, $0x2;
	s0 =	sshrl.u32 @!p2 s0, $0x2  }
0x40: {  	s3 =	sadd.s32 @!p2 s3, s14;
	s2 =	simm.s32 @!p3 $0x0;
	s0 =	sadd.s32 @!p2 $0x10848, s0  }
0x41: {  	[tilespmem:s0], [sflag:$0xA] =	stream.linear.gather @!p2 [hbm4b:s3+s4], s2, $0x38;
	[tilespmem:$0x1C938] =	vst v63  }
0x42: {  	s2 =	sadd.s32 $0xFFFFFFFF, s23  }
0x43: {  	p2 =	sge.u32 s2, s13  }
0x44: {  	p3 =	sgt.s32 @!p2 s21, $0x270D0  }
0x45: {  	s0 =	smov.u32 s21;
	s3 =	sshra.s32 @!p2 s21, $0x1F;
	p3 =	por !p3, p2  }
0x46: {  	s3 =	sand.u32 @!p2 s3, s21;
	s0 =	simm.s32 @p3 $0x270D0  }
0x47: {  	s0 =	ssub.s32 @!p2 s0, s3  }
0x48: {  	s0 =	sadd.s32 @!p2 $0xFFFD8F30, s0  }
0x49: {  	s3 =	sshll.u32 @!p2 s0, $0x2  }
0x4a: {  	p3 =	sgt.s32 @!p2 s0, $0x2F;
	s0 =	ssub.s32 @!p2 $0xC0, s3  }
0x4b: {  	p3 =	por !p3, p2;
	s0 =	sshrl.u32 @!p2 s0, $0x2  }
0x4c: {  	s4 =	simm.s32 @!p2 $0xA;
	s3 =	sand.u32 @!p2 $0x1, s2;
	s0 =	simm.s32 @!p3 $0x0  }
0x4d: {  	s3 =	smul.u32 @!p2 $0xC0, s3;
	_ =	swait.ge @!p2 [sflag:s4], s0  }
0x4e: {  	s5 =	ssub.s32 @!p2 $0x0, s0;
	[sflag:s4] =	ssyncset.done @!p2 $0x0  }
0x4f: {  	s3 =	sshrl.u32 @!p2 s3, $0x2;
	[sflag:s4] =	ssyncadd.s32 @!p2 s5;
	s4 =	sshrl.u32 @!p2 s21, $0x3  }
0x50: {  	s3 =	sadd.s32 @!p2 $0x108D8, s3;
	s5 =	sand.u32 @!p2 $0x7, s21;
	s4 =	sadd.s32 @!p2 s4, s15  }
0x51: {  	[tilespmem:s3], [sflag:$0xB] =	stream.linear.gather @!p2 [hbm4b:s4+s5], s0, $0x38;
	[tilespmem:$0x1C938] =	vst v63  }
0x52: {  	s0 =	ssub.s32 @!p2 $0x27100, s21  }
0x53: {  	p3 =	slt.s32 @!p2 s0, $0x1  }
0x54: {  	p3 =	por p2, p3  }
.Ltmp3:
0x55: {  	_ = 	snop;
	(pc) =	sbr.rel @p3 .LBB2_9-.Ltmp3, $1  }
0x56: {  	_ =	sdelay $0x3  }
0x57: {  	s3 =	smulhi.u32 $0xAAAAAAAB, s2;
	_ =	sdelay $0x1  }
0x58: {  	s3 =	sshrl.u32 s3, $0x1  }
0x59: {  	s3 =	smul.u32 $0x3, s3;
	_ =	sdelay $0x1  }
0x5a: {  	s29 =	ssub.s32 s2, s3  }
0x5b: {  	s4 =	simm.s32 $0x1;
	s2 =	smul.u32 $0xC0, s29  }
.Ltmp4:
0x5c: {  	s4 =	simm.s32 @!p0 $0x0;
	(pc) =	sbr.rel .LBB2_6-.Ltmp4, $4  }
0x5d: {  	s30 =	smul.u32 $0x18000, s4  }
0x5e: {  	p3 =	slt.s32 @!p2 s0, $0x30;
	s2 =	sshrl.u32 s2, $0x2  }
0x5f: {  	p2 =	por !p3, p2;
	s3 =	sshrl.u32 s30, $0x2;
	s31 =	sadd.s32 $0x10848, s2  }
0x60: {  	s0 =	simm.s32 @p2 $0x30;
	s2 =	sor.u32 $0x10938, s3;
	s3 =	simm.s32 $0x0;
	v1 =	vmov s31  }
.LBB2_5:
0x61: {  	p2 =	sge.s32 s3, s0  }
.Ltmp5:
0x62: {  	_ = 	snop;
	(pc) =	sbr.rel @p2 .LBB2_9-.Ltmp5, $2  }
0x63: {  	_ =	sdelay $0x2  }
0x64: {  	s2 =	sadd.s32 $0x2000, s2  }
.LBB2_6:
0x65: {  	p2 =	sle.s32 s0, s3  }
.Ltmp6:
0x66: {  	_ = 	snop;
	(pc) =	sbr.rel @p2 .LBB2_5-.Ltmp6, $2  }
0x67: {  	_ =	sdelay $0x2  }
0x68: {  	s4 =	smov.u32 s3;
	s3 =	sadd.s32 $0x10, s3  }
0x69: {  	s5 =	ssub.s32 s0, s4  }
0x6a: {  	p2 =	slt.s32 s5, $0x10  }
0x6b: {  	s5 =	simm.s32 @!p2 $0x10  }
0x6c: {  	v2 =	vmov s5  }
0x6d: {  	vm0 =	vgt.s32 v2, v0;
	_ =	sdelay $0x5  }
0x6e: {  	v2 =	vld.idx.msk [tilespmem:v1+s4+$0x0 ss:$0x1], vm0;
	_ =	sdelay $0x2  }
0x6f: {  	p2 =	slt.s32 s3, s0;
	s5 =	smov.u32 s0  }
0x70: {  	s9 =	smov.u32 s2;
	s25 =	simm.s32 $0x0;
	s5 =	smov.u32 @p2 s3  }
.LBB2_8:
0x71: {  	(v2sf) =	vpush v2, s25;
	_ =	sdelay $0xe  }
0x72: {  	s25 =	sadd.s32 $0x1, s25;
	s10 =	spop (v2sf)  }
0x73: {  	s31 =	sadd.s32 s25, s4;
	s26 =	sshll.u32 s10, $0x9;
	s10 =	sshll.u32 s10, $0x7  }
0x74: {  	p2 =	slt.s32 s31, s5;
	s26 =	sand.u32 $0xFFFFF000, s26;
	s10 =	sand.u32 $0x380, s10  }
.Ltmp7:
0x75: {  	s10 =	sor.u32 s10, s26;
	(pc) =	sbr.rel @p2 .LBB2_8-.Ltmp7, $4  }
0x76: {  	s10 =	sshrl.u32 s10, $0x3  }
0x77: {  	s10 =	sadd.s32 s6, s10  }
0x78: {  	[tilespmem:s9], [sflag:$0x9] =	stream.strided.gather [hbm4b:s10+s18], $0x200, s19, s18, $0x38;
	[tilespmem:$0x1C938] =	vst v63  }
0x79: {  	s9 =	sadd.s32 $0x200, s9  }
.Ltmp8:
0x7a: {  	_ = 	snop;
	(pc) =	sbr.rel .LBB2_5-.Ltmp8, $1  }
0x7b: {  	_ =	sdelay $0x3  }
.LBB2_9:
0x7c: {  	p2 =	slt.u32 s23, $0x2  }
.Ltmp9:
0x7d: {  	_ = 	snop;
	(pc) =	sbr.rel @p2 .LBB2_33-.Ltmp9, $1  }
0x7e: {  	_ =	sdelay $0x3  }
0x7f: {  	p2 =	sgt.s32 s24, $0x270D0  }
0x80: {  	s0 =	smov.u32 s24;
	s2 =	sshra.s32 s24, $0x1F;
	s3 =	ssub.s32 $0x27100, s24  }
0x81: {  	s0 =	simm.s32 @!p2 $0x270D0;
	s2 =	sand.u32 s2, s24;
	p2 =	slt.s32 s3, $0x30  }
0x82: {  	s0 =	ssub.s32 s0, s2;
	s3 =	simm.s32 @!p2 $0x30  }
0x83: {  	s0 =	sadd.s32 $0xFFFD8F30, s0;
	s25 =	sshll.u32 s3, $0x9  }
0x84: {  	s29 =	simm.s32 $0x9;
	s26 =	sshll.u32 s0, $0x2;
	s2 =	sand.u32 $0x3FFFFE00, s25  }
0x85: {  	p2 =	sgt.s32 s0, $0x2F;
	s28 =	ssub.s32 $0xC0, s26;
	_ =	swait.ge [sflag:s29], s2  }
0x86: {  	s2 =	ssub.s32 $0x0, s2;
	[sflag:s29] =	ssyncset.done $0x0;
	s0 =	sshrl.u32 s28, $0x2  }
0x87: {  	s30 =	simm.s32 $0xB;
	[sflag:s29] =	ssyncadd.s32 s2;
	s0 =	simm.s32 @p2 $0x0  }
0x88: {  	_ =	swait.ge [sflag:s30], s0  }
0x89: {  	s0 =	ssub.s32 $0x0, s0;
	[sflag:s30] =	ssyncset.done $0x0  }
0x8a: {  	[sflag:s30] =	ssyncadd.s32 s0  }
0x8b: {  	v1 =	vld [tilespmem:$0xC808];
	_ =	sdelay $0x4  }
0x8c: {  	(v2sf) =	vpush v1, $0x0  }
0x8d: {  	(v2sf) =	vpush v1, $0x1  }
0x8e: {  	(v2sf) =	vpush v1, $0x2;
	_ =	sdelay $0x3  }
0x8f: {  	s2 =	sadd.s32 $0x30, s24  }
0x90: {  	s3 =	ssub.s32 $0x4E200, s24;
	p2 =	slt.s32 s8, s2  }
0x91: {  	s2 =	smov.u32 @p2 s8;
	p2 =	sgt.s32 s3, $0x0  }
0x92: {  	s25 =	ssub.s32 s2, s24;
	s3 =	simm.s32 @!p2 $0x0  }
0x93: {  	p2 =	slt.s32 s3, s25  }
0x94: {  	s25 =	smov.u32 @p2 s3  }
0x95: {  	s0 =	simm.s32 $0x1;
	p2 =	slt.s32 s25, $0x1  }
.Ltmp10:
0x96: {  	s0 =	simm.s32 @!p1 $0x0;
	(pc) =	sbr.rel @p2 .LBB2_14-.Ltmp10, $4  }
0x97: {  	s4 =	smul.u32 $0xC0, s0  }
0x98: {  	s2 =	spop (v2sf)  }
0x99: {  	s31 =	sshrl.u32 s4, $0x2;
	s5 =	spop (v2sf)  }
0x9a: {  	s4 =	sadd.s32 $0x108D8, s31;
	s24 =	spop (v2sf)  }
0x9b: {  	s3 =	smin.u32 s25, $0x10  }
0x9c: {  	v1 =	vmov s3  }
0x9d: {  	vm1 =	vgt.u32 v1, v0  }
0x9e: {  	p3 =	sgt.s32 s25, $0x10  }
.Ltmp11:
0x9f: {  	_ = 	snop;
	(pc) =	sbr.rel @!p3 .LBB2_13-.Ltmp11, $2  }
0xa0: {  	_ =	sdelay $0x2  }
0xa1: {  	s9 =	simm.s32 $0x10;
	s26 =	sadd.s32 $0xFFFFFFF0, s25;
	s3 =	smov.u32 s4;
	vm0 =	vmmov vm1;
	v1 =	vld.msk [tilespmem:s4+$0x0 ss:$0x1], vm1  }
.LBB2_12:
0xa2: {  	s10 =	smin.u32 s26, $0x10;
	s9 =	sadd.s32 $0x10, s9  }
0xa3: {  	v2 =	vmov s10;
	p3 =	slt.s32 s9, s25  }
0xa4: {  	vm1 =	vgt.u32 v2, v0;
	_ =	sdelay $0x1  }
0xa5: {  	v2 =	vshll.u32 v1, $0x6;
	v1 =	vshll.u32 v1, $0x4  }
.Ltmp12:
0xa6: {  	v2 =	vand.u32 $0xFFFFFE00, v2;
	v1 =	vand.u32 $0x70, v1;
	(pc) =	sbr.rel @p3 .LBB2_12-.Ltmp12, $4  }
0xa7: {  	v1 =	vor.u32 v1, v2  }
0xa8: {  	[tilespmem:s3+$0x0] =	vst.msk vm0, v1;
	s3 =	sadd.s32 $0x10, s3;
	vm0 =	vmmov vm1  }
0xa9: {  	v1 =	vld.msk [tilespmem:s3+$0x0 ss:$0x1], vm1  }
0xaa: {  	s26 =	sadd.s32 $0xFFFFFFF0, s26  }
.LBB2_13:
0xab: {  	_ =	sdelay $0x3  }
0xac: {  	v2 =	vshll.u32 v1, $0x6;
	v1 =	vshll.u32 v1, $0x4  }
0xad: {  	v2 =	vand.u32 $0xFFFFFE00, v2;
	v1 =	vand.u32 $0x70, v1  }
0xae: {  	v1 =	vor.u32 v1, v2  }
0xaf: {  	[tilespmem:s3+$0x0] =	vst.msk vm0, v1  }
.LBB2_14:
0xb0: {  	s3 =	sand.u32 $0x1, s23  }
0xb1: {  	s3 =	smul.u32 $0x30, s3  }
0xb2: {  	p3 =	sne.s32 s5, $0xFFFFFFFF  }
0xb3: {  	v1 =	vld.msk @!p3 [tilespmem:s3+$0x108D8], $0x1;
	_ =	sdelay $0x4  }
0xb4: {  	(v2sf) =	vpush @!p3 v1, $0x0;
	_ =	sdelay $0xc  }
.Ltmp13:
0xb5: {  	_ = 	snop;
	(pc) =	sbr.rel @p2 .LBB2_31-.Ltmp13, $4  }
0xb6: {  	_ = 	snop  }
0xb7: {  	s30 =	spop @!p3 (v2sf)  }
0xb8: {  	s24 =	simm.s32 @!p3 $0x0;
	s26 =	smov.u32 s30  }
0xb9: {  	[sflag:s20] =	ssyncpa.u1 $0x0;
	s30 =	smov.u32 @p3 s2;
	s26 =	smov.u32 @p3 s5  }
0xba: {  	v1 =	vld.msk [tilespmem:s4+$0x0], $0x1;
	_ =	sdelay $0x4  }
0xbb: {  	(v2sf) =	vpush v1, $0x0;
	_ =	sdelay $0xd  }
0xbc: {  	s0 =	smul.u32 $0x18000, s0  }
0xbd: {  	s13 =	smov.u32 s8;
	s8 =	smov.u32 s11;
	s5 =	spop (v2sf)  }
0xbe: {  	s2 =	ssub.s32 $0x0, s25;
	s0 =	sshrl.u32 s0, $0x2;
	p2 =	seq.s32 s30, s5  }
0xbf: {  	s29 =	simm.s32 $0x0;
	s28 =	sor.u32 $0x10938, s0;
	p3 =	sgt.s32 @!p2 s30, $0x0  }
0xc0: {  	s0 =	sadd.s32 $0x108D8, s3;
	s3 =	smov.u32 s30;
	p3 =	por !p3, p2  }
0xc1: {  	s4 =	sadd.s32 $0x1, s4;
	s31 =	sadd.s32 $0x1, s2;
	s3 =	simm.s32 @p3 $0x0  }
0xc2: {  	s2 =	simm.s32 @!p2 $0x1;
	s9 =	simm.s32 @!p2 $0x6608;
	s10 =	smin.u32 @!p2 s3, $0x9C270  }
0xc3: {  	p3 =	seq.s32 s31, $0x0;
	s3 =	sand.u32 @!p2 $0xFFFF8, s10;
	s11 =	sadd.s32 @!p2 $0x80, s10  }
0xc4: {  	s14 =	sadd.s32 @!p2 $0x100, s10;
	s15 =	sadd.s32 @!p2 s1, s3;
	s3 =	sand.u32 @!p2 $0x7, s10  }
0xc5: {  	s11 =	sand.u32 @!p2 $0x1FFFF8, s11;
	s14 =	sand.u32 @!p2 $0x1FFFF8, s14;
	s10 =	sadd.s32 @!p2 $0x180, s10  }
0xc6: {  	[tilespmem:s9], [sflag:$0x2] =	stream.linear.gather @!p2 [hbm4b:s15+s3], $0x80, $0x38;
	[tilespmem:$0x1C938] =	vst v63  }
.Ltmp14:
0xc7: {  	s9 =	simm.s32 @!p2 $0x6688;
	s11 =	sadd.s32 @!p2 s1, s11;
	(pc) =	sbr.rel @p3 .LBB2_17-.Ltmp14, $4  }
0xc8: {  	[tilespmem:s9], [sflag:$0x2] =	stream.linear.gather @!p2 [hbm4b:s11+s3], $0x80, $0x38;
	[tilespmem:$0x1C938] =	vst v63  }
0xc9: {  	s10 =	sand.u32 @!p2 $0x1FFFF8, s10;
	s9 =	simm.s32 @!p2 $0x6708;
	s11 =	sadd.s32 @!p2 s1, s14  }
0xca: {  	[tilespmem:s9], [sflag:$0x2] =	stream.linear.gather @!p2 [hbm4b:s11+s3], $0x80, $0x38;
	[tilespmem:$0x1C938] =	vst v63  }
0xcb: {  	s2 =	smov.u32 @p2 s29;
	s10 =	sadd.s32 @!p2 s1, s10;
	s9 =	simm.s32 @!p2 $0x6788  }
.LBB2_16:
0xcc: {  	s11 =	smov.u32 s2  }
0xcd: {  	[tilespmem:s9], [sflag:$0x2] =	stream.linear.gather @!p2 [hbm4b:s10+s3], $0x80, $0x38;
	[tilespmem:$0x1C938] =	vst v63  }
0xce: {  	s31 =	sadd.s32 $0x1, s31;
	s3 =	smov.u32 s5  }
0xcf: {  	p3 =	seq.s32 s31, $0x0;
	v1 =	vld.msk [tilespmem:s4+$0x0], $0x1;
	_ =	sdelay $0x4  }
0xd0: {  	(v2sf) =	vpush v1, $0x0;
	_ =	sdelay $0xe  }
0xd1: {  	s5 =	spop (v2sf)  }
0xd2: {  	p2 =	seq.s32 s3, s5  }
0xd3: {  	p4 =	sgt.s32 @!p2 s3, $0x0  }
0xd4: {  	s9 =	sshll.u32 @!p2 s2, $0xB;
	s2 =	sadd.s32 @!p2 $0x1, s2;
	p4 =	por !p4, p2  }
0xd5: {  	s9 =	sshra.s32 @!p2 s9, $0x2;
	s2 =	smov.u32 @p2 s11;
	s3 =	simm.s32 @p4 $0x0  }
0xd6: {  	s10 =	sadd.s32 @!p2 $0x6608, s9;
	s11 =	sadd.s32 @!p2 $0x6688, s9;
	s14 =	smin.u32 @!p2 s3, $0x9C270  }
0xd7: {  	s15 =	sadd.s32 @!p2 $0x6708, s9;
	s9 =	sadd.s32 @!p2 $0x6788, s9;
	s3 =	sand.u32 @!p2 $0xFFFF8, s14  }
0xd8: {  	s17 =	sadd.s32 @!p2 $0x80, s14;
	s7 =	sadd.s32 @!p2 $0x100, s14;
	s20 =	sadd.s32 @!p2 s1, s3  }
0xd9: {  	s3 =	sand.u32 @!p2 $0x7, s14;
	s17 =	sand.u32 @!p2 $0x1FFFF8, s17;
	s7 =	sand.u32 @!p2 $0x1FFFF8, s7  }
0xda: {  	[tilespmem:s10], [sflag:$0x2] =	stream.linear.gather @!p2 [hbm4b:s20+s3], $0x80, $0x38;
	[tilespmem:$0x1C938] =	vst v63  }
.Ltmp15:
0xdb: {  	s14 =	sadd.s32 @!p2 $0x180, s14;
	s10 =	sadd.s32 @!p2 s1, s17;
	(pc) =	sbr.rel @!p3 .LBB2_16-.Ltmp15, $4  }
0xdc: {  	[tilespmem:s11], [sflag:$0x2] =	stream.linear.gather @!p2 [hbm4b:s10+s3], $0x80, $0x38;
	[tilespmem:$0x1C938] =	vst v63  }
0xdd: {  	s7 =	sadd.s32 @!p2 s1, s7;
	s10 =	sand.u32 @!p2 $0x1FFFF8, s14  }
0xde: {  	[tilespmem:s15], [sflag:$0x2] =	stream.linear.gather @!p2 [hbm4b:s7+s3], $0x80, $0x38;
	[tilespmem:$0x1C938] =	vst v63  }
0xdf: {  	s4 =	sadd.s32 $0x1, s4;
	s10 =	sadd.s32 @!p2 s1, s10  }
.LBB2_17:
0xe0: {  	[tilespmem:s9], [sflag:$0x2] =	stream.linear.gather @!p2 [hbm4b:s10+s3], $0x80, $0x38;
	[tilespmem:$0x1C938] =	vst v63  }
0xe1: {  	s2 =	sshll.u32 s2, $0x9  }
0xe2: {  	s31 =	simm.s32 $0x2;
	s2 =	sand.u32 $0x3FFFFE00, s2  }
.Ltmp16:
0xe3: {  	_ =	swait.ge [sflag:s31], s2;
	(pc) =	sbr.rel .LBB2_18-.Ltmp16, $4  }
0xe4: {  	s11 =	smov.u32 s8;
	s8 =	smov.u32 s13;
	s13 =	rddreg [dreg:$0x5]  }
0xe5: {  	v1 =	vmov s0;
	s0 =	simm.s32 $0x0;
	s4 =	simm.s32 $0x0;
	s14 =	rddreg [dreg:$0x6]  }
0xe6: {  	s2 =	ssub.s32 $0x0, s2;
	[sflag:s31] =	ssyncset.done $0x0;
	s15 =	rddreg [dreg:$0x7]  }
0xe7: {  	s20 =	simm.s32 $0xC;
	s17 =	rddreg [dreg:$0x8];
	[sflag:s31] =	ssyncadd.s32 s2  }
.LBB2_28:
0xe8: {  	[tilespmem:s2+$0x0] =	vst v2;
	s29 =	sadd.s32 $0x1, s29  }
.LBB2_29:
0xe9: {  	s4 =	sadd.s32 $0x1, s4  }
0xea: {  	p2 =	sne.s32 s4, s25  }
.Ltmp17:
0xeb: {  	_ = 	snop;
	(pc) =	sbr.rel @!p2 .LBB2_30-.Ltmp17, $2  }
0xec: {  	_ =	sdelay $0x2  }
0xed: {  	s28 =	sadd.s32 $0x200, s28;
	s30 =	smov.u32 s31  }
.LBB2_18:
0xee: {  	_ =	sdelay $0x3  }
0xef: {  	v2 =	vld.idx.msk [tilespmem:v1+s4+$0x0 ss:$0x1], $0x1;
	_ =	sdelay $0x4  }
0xf0: {  	(v2sf) =	vpush v2, $0x0;
	_ =	sdelay $0xe  }
0xf1: {  	s31 =	spop (v2sf)  }
0xf2: {  	p2 =	sne.s32 s30, s31  }
.Ltmp18:
0xf3: {  	_ = 	snop;
	(pc) =	sbr.rel @p2 .LBB2_22-.Ltmp18, $3  }
0xf4: {  	_ =	sdelay $0x1  }
0xf5: {  	s2 =	sshll.u32 s24, $0xB  }
0xf6: {  	s2 =	sshra.s32 s2, $0x2  }
0xf7: {  	s2 =	sadd.s32 $0x408, s2;
	s3 =	simm.s32 $0x0;
	v2 =	vld [tilespmem:s28+$0x0];
	s5 =	smov.u32 s28  }
.LBB2_20:
0xf8: {  	s3 =	sadd.s32 $0x10, s3  }
0xf9: {  	p2 =	slt.u32 s3, $0x1F0  }
.Ltmp19:
0xfa: {  	_ = 	snop;
	(pc) =	sbr.rel @p2 .LBB2_20-.Ltmp19, $3  }
0xfb: {  	_ =	sdelay $0x1  }
0xfc: {  	s5 =	sadd.s32 $0x10, s5;
	[tilespmem:s2+$0x0] =	vst.add.f32.msk $0xffff, v2;
	s2 =	sadd.s32 $0x10, s2  }
0xfd: {  	v2 =	vld [tilespmem:s5+$0x0]  }
.Ltmp20:
0xfe: {  	_ = 	snop;
	(pc) =	sbr.rel .LBB2_29-.Ltmp20, $2  }
0xff: {  	_ =	sdelay $0x2  }
0x100: {  	[tilespmem:s2+$0x0] =	vst.add.f32.msk $0xffff, v2  }
.LBB2_22:
0x101: {  	p2 =	seq.s32 s30, s26  }
.Ltmp21:
0x102: {  	_ = 	snop;
	(pc) =	sbr.rel @!p2 .LBB2_23-.Ltmp21, $1  }
0x103: {  	_ =	sdelay $0x3  }
.Ltmp22:
0x104: {  	s2 =	sadd.s32 $0x408, s2;
	(pc) =	sbr.rel .LBB2_26-.Ltmp22, $4  }
0x105: {  	[spmem:s16] =	stream.linear.scatter [tilespmem:s2], [sflag:$0x1], $0x200, $0x38;
	[tilespmem:$0x1C938] =	vst v63  }
0x106: {  	_ =	swait.ge [sflag:s12], $0x200  }
0x107: {  	[sflag:s12] =	ssyncset.done $0x0  }
0x108: {  	[sflag:s12] =	ssyncadd.s32 $0xFFFFFE00  }
.LBB2_23:
0x109: {  	s3 =	sshll.u32 s29, $0xB  }
0x10a: {  	s3 =	sshra.s32 s3, $0x2  }
0x10b: {  	s5 =	sadd.s32 $0x6608, s3;
	s3 =	sadd.s32 $0x408, s2  }
0x10c: {  	s10 =	simm.s32 $0x0;
	v2 =	vld [tilespmem:s5+$0x0];
	s9 =	smov.u32 s3  }
.LBB2_24:
0x10d: {  	s10 =	sadd.s32 $0x10, s10  }
0x10e: {  	p2 =	slt.u32 s10, $0x1F0  }
.Ltmp23:
0x10f: {  	_ = 	snop;
	(pc) =	sbr.rel @p2 .LBB2_24-.Ltmp23, $3  }
0x110: {  	_ =	sdelay $0x1  }
0x111: {  	s5 =	sadd.s32 $0x10, s5;
	[tilespmem:s9+$0x0] =	vst.add.f32.msk $0xffff, v2;
	s9 =	sadd.s32 $0x10, s9  }
0x112: {  	v2 =	vld [tilespmem:s5+$0x0]  }
0x113: {  	_ =	sdelay $0x1  }
0x114: {  	p2 =	sgt.u32 s30, $0x9C270  }
0x115: {  	s5 =	sand.u32 @!p2 $0xFFFF8, s30  }
0x116: {  	s7 =	sand.u32 @!p2 $0x7, s30;
	s5 =	sadd.s32 @!p2 s1, s5;
	[tilespmem:s9+$0x0] =	vst.add.f32.msk $0xffff, v2  }
0x117: {  	[hbm4b:s5+s7] =	stream.linear.scatter @!p2 [tilespmem:s3], [sflag:$0xC], $0x80, $0x38;
	[tilespmem:$0x1C938] =	vst v63  }
0x118: {  	s3 =	sadd.s32 @!p2 $0x80, s30  }
0x119: {  	s3 =	sand.u32 @!p2 $0x1FFFF8, s3  }
0x11a: {  	s5 =	sadd.s32 @!p2 $0x488, s2;
	s3 =	sadd.s32 @!p2 s1, s3  }
0x11b: {  	[hbm4b:s3+s7] =	stream.linear.scatter @!p2 [tilespmem:s5], [sflag:$0xC], $0x80, $0x38;
	[tilespmem:$0x1C938] =	vst v63  }
0x11c: {  	s3 =	sadd.s32 @!p2 $0x100, s30  }
0x11d: {  	s3 =	sand.u32 @!p2 $0x1FFFF8, s3  }
0x11e: {  	s5 =	sadd.s32 @!p2 $0x508, s2;
	s3 =	sadd.s32 @!p2 s1, s3  }
0x11f: {  	[hbm4b:s3+s7] =	stream.linear.scatter @!p2 [tilespmem:s5], [sflag:$0xC], $0x80, $0x38;
	[tilespmem:$0x1C938] =	vst v63  }
0x120: {  	s3 =	sadd.s32 @!p2 $0x180, s30;
	s5 =	simm.s32 $0x0  }
0x121: {  	s3 =	sand.u32 @!p2 $0x1FFFF8, s3;
	s5 =	simm.s32 @!p2 $0x800  }
0x122: {  	s2 =	sadd.s32 @!p2 $0x588, s2;
	s3 =	sadd.s32 @!p2 s1, s3;
	s0 =	sadd.s32 s5, s0  }
0x123: {  	[hbm4b:s3+s7] =	stream.linear.scatter @!p2 [tilespmem:s2], [sflag:$0xC], $0x80, $0x38;
	[tilespmem:$0x1C938] =	vst v63  }
.LBB2_26:
0x124: {  	s2 =	sadd.s32 $0x1, s24  }
0x125: {  	s3 =	smulhi.u32 $0xAAAAAAAB, s2;
	_ =	sdelay $0x1  }
0x126: {  	s3 =	sshrl.u32 s3, $0x5  }
0x127: {  	s3 =	smul.u32 $0x30, s3;
	_ =	sdelay $0x1  }
0x128: {  	s24 =	ssub.s32 s2, s3  }
0x129: {  	s2 =	sshll.u32 s24, $0x9  }
0x12a: {  	v2 =	vld [tilespmem:s28+$0x0];
	s5 =	smov.u32 s28;
	s3 =	simm.s32 $0x0;
	s2 =	sadd.s32 $0x408, s2  }
.LBB2_27:
0x12b: {  	s3 =	sadd.s32 $0x10, s3  }
0x12c: {  	p2 =	slt.u32 s3, $0x1F0  }
.Ltmp24:
0x12d: {  	_ = 	snop;
	(pc) =	sbr.rel @p2 .LBB2_27-.Ltmp24, $3  }
0x12e: {  	_ =	sdelay $0x1  }
0x12f: {  	[tilespmem:s2+$0x0] =	vst v2;
	s2 =	sadd.s32 $0x10, s2;
	s5 =	sadd.s32 $0x10, s5  }
0x130: {  	v2 =	vld [tilespmem:s5+$0x0]  }
.Ltmp25:
0x131: {  	_ = 	snop;
	(pc) =	sbr.rel .LBB2_28-.Ltmp25, $1  }
0x132: {  	_ =	sdelay $0x3  }
.LBB2_31:
.Ltmp26:
0x133: {  	(pc) =	sbr.rel .LBB2_32-.Ltmp26, $4  }
0x134: {  	_ = 	snop  }
0x135: {  	s0 =	simm.s32 $0x2  }
0x136: {  	_ =	swait.ge [sflag:s0], $0x0  }
0x137: {  	s31 =	smov.u32 s30;
	[sflag:s0] =	ssyncset.done $0x0;
	s0 =	simm.s32 $0x0  }
.LBB2_34:
0x138: {  	_ =	sfence.sel $0x180000  }
0x139: {  	s0 =	simm.s32 $0x9;
	[bflag:$0x0] =	sbarrier.arrive $0xFFFF  }
0x13a: {  	s24 =	simm.s32 $0xA;
	[sflag:s0] =	ssyncpa.u1 $0x1  }
0x13b: {  	s25 =	simm.s32 $0xB;
	[sflag:s24] =	ssyncpa.u1 $0x1  }
0x13c: {  	s26 =	simm.s32 $0x2;
	[sflag:s25] =	ssyncpa.u1 $0x1  }
0x13d: {  	[sflag:s26] =	ssyncpa.u1 $0x1  }
0x13e: {  	v0 =	vld [tilespmem:$0xC808];
	_ =	sdelay $0x4  }
0x13f: {  	(v2sf) =	vpush v0, $0x0  }
0x140: {  	(v2sf) =	vpush v0, $0x1;
	_ =	sdelay $0x1  }
0x141: {  	(v2sf) =	vpush v0, $0x2;
	_ =	sdelay $0xb  }
0x142: {  	s0 =	spop (v2sf)  }
0x143: {  	s2 =	spop (v2sf)  }
0x144: {  	s3 =	smov.u32 s0;
	p0 =	sne.s32 s0, s2  }
0x145: {  	s4 =	spop (v2sf);
	s3 =	simm.s32 @!p0 $0xFFFFFFFF  }
0x146: {  	v2 =	vimm.s32 $0x1;
	v3 =	vlaneseq.u32;
	p0 =	seq.s32 s4, $0xFFFFFFFF;
	v1 =	vmov s3  }
0x147: {  	s17 =	stileid.u32;
	v0 =	vperm.xlane v0, v2;
	p1 =	sne.s32 @!p0 s0, s2;
	v1 =	vperm.xlane v1, v3  }
0x148: {  	vm0 =	vcmask $0x3F04;
	s6 =	simm.s32 $0xC808;
	s0 =	simm.s32 @!p0 $0x1;
	p1 =	por !p1, p0  }
0x149: {  	s3 =	sshll.u32 s17, $0x1;
	s2 =	sshll.u32 @!p0 s4, $0xB;
	s0 =	simm.s32 @p1 $0x0;
	v0 =	vsel vm0, v1, v0  }
0x14a: {  	s5 =	sor.u32 $0x4000, s3;
	s2 =	sshra.s32 @!p0 s2, $0x2;
	s0 =	sor.u32 @!p0 s0, s3;
	[tilespmem:$0xC808] =	vst v0  }
0x14b: {  	[spmem:s5] =	stream.linear.scatter [tilespmem:s6], [sflag:$0x1], $0x2, $0x38;
	[tilespmem:$0x1C938] =	vst v63  }
0x14c: {  	s2 =	sadd.s32 @!p0 $0x408, s2;
	s0 =	sshll.u32 @!p0 s0, $0x9  }
0x14d: {  	[spmem:s0] =	stream.linear.scatter @!p0 [tilespmem:s2], [sflag:$0x1], $0x200, $0x38;
	[tilespmem:$0x1C938] =	vst v63  }
0x14e: {  	s0 =	simm.s32 @!p0 $0x202  }
0x14f: {  	s28 =	simm.s32 $0x1;
	s0 =	simm.s32 @p0 $0x2  }
0x150: {  	_ =	swait.ge [sflag:s28], s0  }
0x151: {  	s0 =	ssub.s32 $0x0, s0;
	[sflag:s28] =	ssyncset.done $0x0  }
0x152: {  	p0 =	sne.s32 s17, $0x0;
	[sflag:s28] =	ssyncadd.s32 s0  }
.Ltmp27:
0x153: {  	_ =	sfence.stream.spmem;
	(pc) =	sbr.rel @p0 .LBB2_59-.Ltmp27, $4  }
0x154: {  	s29 =	simm.s32 $0x3;
	[bflag:$0x0] =	sbarrier.arrive $0xFFFF  }
0x155: {  	s30 =	simm.s32 $0x4;
	[sflag:s29] =	ssyncpa.u1 $0x1  }
0x156: {  	s31 =	simm.s32 $0x3C;
	[sflag:s30] =	ssyncpa.u1 $0x1  }
0x157: {  	s16 =	rddreg [dreg:$0x4];
	[sflag:s31] =	ssyncpa.u1 $0x1  }
0x158: {  	_ =	sfence.stream.spmem;
	s0 =	simm.s32 $0x5  }
0x159: {  	s2 =	simm.s32 $0x4000;
	s3 =	simm.s32 $0xC818;
	[sflag:s0] =	ssyncpa.u1 $0x0  }
0x15a: {  	[tilespmem:s3], [sflag:$0x5] =	stream.linear.gather [spmem:s2], $0x20, $0x38;
	[tilespmem:$0x1C938] =	vst v63  }
0x15b: {  	s26 =	simm.s32 $0x0;
	s28 =	simm.s32 $0xC838  }
0x15c: {  	[tilespmem:s28], [sflag:$0x5] =	stream.linear.gather [spmem:s26], $0x4000, $0x38;
	[tilespmem:$0x1C938] =	vst v63  }
0x15d: {  	_ =	swait.ge [sflag:s0], $0x4020  }
0x15e: {  	[sflag:s0] =	ssyncset.done $0x0  }
0x15f: {  	s29 =	simm.s32 $0x0;
	[sflag:s0] =	ssyncadd.s32 $0xFFFFBFE0  }
0x160: {  	v0 =	vld.msk [tilespmem:s29+$0xC818], $0x1;
	_ =	sdelay $0x1  }
0x161: {  	s30 =	simm.s32 $0x1  }
0x162: {  	v1 =	vld.msk [tilespmem:s30+$0xC818], $0x1;
	_ =	sdelay $0x1  }
0x163: {  	(v2sf) =	vpush v0, $0x0;
	_ =	sdelay $0x2  }
0x164: {  	(v2sf) =	vpush v1, $0x0;
	_ =	sdelay $0x2  }
0x165: {  	s31 =	simm.s32 $0x2  }
0x166: {  	v0 =	vld.msk [tilespmem:s31+$0xC818], $0x1;
	_ =	sdelay $0x2  }
0x167: {  	s2 =	simm.s32 $0xFFFFFFFF;
	s3 =	simm.s32 $0xFFFFFFFF;
	s0 =	simm.s32 $0xC  }
.LBB2_36:
0x168: {  	s4 =	smov.u32 s3;
	s5 =	smov.u32 s2  }
0x169: {  	s2 =	sshra.s32 s0, $0x2;
	p1 =	sne.s32 s0, $0x7C;
	s0 =	sadd.s32 $0x4, s0;
	(v2sf) =	vpush v0, $0x0  }
0x16a: {  	v0 =	vld.msk [tilespmem:s2+$0xC818], $0x1  }
.Ltmp28:
0x16b: {  	(pc) =	sbr.rel @p1 .LBB2_36-.Ltmp28, $4  }
0x16c: {  	s3 =	spop (v2sf)  }
0x16d: {  	p2 =	sne.s32 s5, $0xFFFFFFFF;
	s2 =	smov.u32 s3  }
0x16e: {  	p3 =	seq.s32 s3, $0xFFFFFFFF;
	s2 =	smov.u32 @p2 s5  }
0x16f: {  	s3 =	smov.u32 @p3 s4;
	s2 =	smov.u32 @p3 s5  }
0x170: {  	(v2sf) =	vpush v0, $0x0;
	_ =	sdelay $0x8  }
0x171: {  	s0 =	spop (v2sf);
	p1 =	sne.s32 s2, $0xFFFFFFFF;
	s9 =	simm.s32 $0x6  }
0x172: {  	s6 =	simm.s32 $0x0;
	s10 =	simm.s32 $0xC838;
	s4 =	smov.u32 s0  }
0x173: {  	s11 =	simm.s32 $0xC688;
	p2 =	seq.s32 s0, $0xFFFFFFFF;
	s4 =	smov.u32 @p1 s2  }
0x174: {  	s12 =	simm.s32 $0xC708;
	s4 =	smov.u32 @p2 s2;
	s2 =	spop (v2sf)  }
0x175: {  	s0 =	smov.u32 @p2 s3;
	p1 =	sne.s32 s4, $0xFFFFFFFF;
	s5 =	smov.u32 s2  }
.Ltmp29:
0x176: {  	p2 =	seq.s32 s2, $0xFFFFFFFF;
	s5 =	smov.u32 @p1 s4;
	(pc) =	sbr.rel .LBB2_38-.Ltmp29, $4  }
0x177: {  	s13 =	simm.s32 $0xC788;
	s5 =	smov.u32 @p2 s4;
	s7 =	spop (v2sf)  }
0x178: {  	s14 =	simm.s32 $0x0;
	p1 =	sne.s32 s5, $0xFFFFFFFF;
	s8 =	smov.u32 s7  }
0x179: {  	s2 =	smov.u32 @p2 s0;
	p2 =	seq.s32 s7, $0xFFFFFFFF;
	s8 =	smov.u32 @p1 s5  }
0x17a: {  	[sflag:s9] =	ssyncpa.u1 $0x0;
	s7 =	smov.u32 @p2 s2;
	s8 =	smov.u32 @p2 s5  }
.LBB2_53:
0x17b: {  	s14 =	sadd.s32 $0x1, s14  }
0x17c: {  	p1 =	sne.s32 s14, $0x20  }
.Ltmp30:
0x17d: {  	_ = 	snop;
	(pc) =	sbr.rel @!p1 .LBB2_54-.Ltmp30, $2  }
0x17e: {  	_ =	sdelay $0x2  }
0x17f: {  	s10 =	sadd.s32 $0x200, s10  }
.LBB2_38:
0x180: {  	v0 =	vld.msk [tilespmem:s14+$0xC818], $0x1;
	_ =	sdelay $0x4  }
0x181: {  	(v2sf) =	vpush v0, $0x0;
	_ =	sdelay $0xe  }
0x182: {  	s0 =	spop (v2sf)  }
0x183: {  	p1 =	seq.s32 s0, $0xFFFFFFFF  }
.Ltmp31:
0x184: {  	_ = 	snop;
	(pc) =	sbr.rel @p1 .LBB2_53-.Ltmp31, $1  }
0x185: {  	_ =	sdelay $0x3  }
0x186: {  	p1 =	slt.s32 s6, $0x1  }
.Ltmp32:
0x187: {  	_ = 	snop;
	(pc) =	sbr.rel @p1 .LBB2_46-.Ltmp32, $1  }
0x188: {  	_ =	sdelay $0x3  }
0x189: {  	s2 =	simm.s32 $0xC818;
	p1 =	por $0x0, $0x0  }
0x18a: {  	v1 =	vld.msk @!p1 [tilespmem:s2+$0x0], $0x1;
	_ =	sdelay $0x4  }
0x18b: {  	(v2sf) =	vpush @!p1 v1, $0x0;
	_ =	sdelay $0xd  }
0x18c: {  	p3 =	sne.s32 s6, $0x1  }
.Ltmp33:
0x18d: {  	s3 =	spop @!p1 (v2sf);
	(pc) =	sbr.rel @!p3 .LBB2_42-.Ltmp33, $4  }
0x18e: {  	p2 =	seq.s32 @!p1 s0, s3  }
0x18f: {  	s4 =	simm.s32 $0x0;
	p2 =	por !p2, p1  }
0x190: {  	s3 =	simm.s32 $0xFFFFFFFF;
	s4 =	simm.s32 @p2 $0xFFFFFFFF  }
0x191: {  	s5 =	simm.s32 $0x1;
	s4 =	smov.u32 @p1 s3  }
.LBB2_41:
0x192: {  	s3 =	smov.u32 s4;
	p1 =	sne.s32 s4, $0xFFFFFFFF  }
0x193: {  	s2 =	sadd.s32 $0x1, s2;
	s4 =	smov.u32 s5;
	s5 =	sadd.s32 $0x1, s5  }
0x194: {  	p2 =	sne.s32 s6, s5;
	v1 =	vld.msk @!p1 [tilespmem:s2+$0x0], $0x1;
	_ =	sdelay $0x4  }
0x195: {  	(v2sf) =	vpush @!p1 v1, $0x0;
	_ =	sdelay $0xe  }
.Ltmp34:
0x196: {  	s15 =	spop @!p1 (v2sf);
	(pc) =	sbr.rel @p2 .LBB2_41-.Ltmp34, $4  }
0x197: {  	p3 =	seq.s32 @!p1 s0, s15  }
0x198: {  	p3 =	por !p3, p1  }
0x199: {  	s4 =	simm.s32 @p3 $0xFFFFFFFF  }
0x19a: {  	s4 =	smov.u32 @p1 s3  }
.LBB2_42:
0x19b: {  	p1 =	seq.s32 s4, $0xFFFFFFFF  }
.Ltmp35:
0x19c: {  	_ = 	snop;
	(pc) =	sbr.rel @p1 .LBB2_46-.Ltmp35, $1  }
0x19d: {  	_ =	sdelay $0x3  }
0x19e: {  	s0 =	sshll.u32 s4, $0xB  }
0x19f: {  	s0 =	sshra.s32 s0, $0x2  }
0x1a0: {  	s2 =	simm.s32 $0x0;
	v0 =	vld [tilespmem:s10+$0x0];
	s3 =	smov.u32 s10;
	s0 =	sadd.s32 $0xC838, s0  }
.LBB2_44:
0x1a1: {  	s2 =	sadd.s32 $0x10, s2  }
0x1a2: {  	p1 =	slt.u32 s2, $0x1F0  }
.Ltmp36:
0x1a3: {  	_ = 	snop;
	(pc) =	sbr.rel @p1 .LBB2_44-.Ltmp36, $3  }
0x1a4: {  	_ =	sdelay $0x1  }
0x1a5: {  	s3 =	sadd.s32 $0x10, s3;
	[tilespmem:s0+$0x0] =	vst.add.f32.msk $0xffff, v0;
	s0 =	sadd.s32 $0x10, s0  }
0x1a6: {  	v0 =	vld [tilespmem:s3+$0x0]  }
.Ltmp37:
0x1a7: {  	_ = 	snop;
	(pc) =	sbr.rel .LBB2_53-.Ltmp37, $2  }
0x1a8: {  	_ =	sdelay $0x2  }
0x1a9: {  	[tilespmem:s0+$0x0] =	vst.add.f32.msk $0xffff, v0  }
.LBB2_46:
0x1aa: {  	p1 =	sgt.u32 s0, $0x9C270  }
0x1ab: {  	p2 =	seq.s32 @!p1 s0, s8  }
0x1ac: {  	p1 =	por p1, p2  }
0x1ad: {  	p2 =	seq.s32 @!p1 s0, s7  }
0x1ae: {  	p1 =	por p1, p2  }
.Ltmp38:
0x1af: {  	_ = 	snop;
	(pc) =	sbr.rel @p1 .LBB2_50-.Ltmp38, $1  }
0x1b0: {  	_ =	sdelay $0x3  }
0x1b1: {  	s2 =	sand.u32 $0xFFFF8, s0;
	s4 =	sand.u32 $0x7, s0  }
0x1b2: {  	s29 =	sadd.s32 $0x80, s0;
	s3 =	sadd.s32 s1, s2;
	s2 =	simm.s32 $0xC608  }
0x1b3: {  	[tilespmem:s2], [sflag:$0x6] =	stream.linear.gather [hbm4b:s3+s4], $0x80, $0x38;
	[tilespmem:$0x1C938] =	vst v63  }
0x1b4: {  	s3 =	sand.u32 $0x1FFFF8, s29  }
0x1b5: {  	s30 =	sadd.s32 $0x100, s0;
	s3 =	sadd.s32 s1, s3  }
0x1b6: {  	[tilespmem:s11], [sflag:$0x6] =	stream.linear.gather [hbm4b:s3+s4], $0x80, $0x38;
	[tilespmem:$0x1C938] =	vst v63  }
0x1b7: {  	s31 =	sadd.s32 $0x180, s0;
	s3 =	sand.u32 $0x1FFFF8, s30  }
0x1b8: {  	s0 =	sand.u32 $0x1FFFF8, s31;
	s3 =	sadd.s32 s1, s3  }
0x1b9: {  	[tilespmem:s12], [sflag:$0x6] =	stream.linear.gather [hbm4b:s3+s4], $0x80, $0x38;
	[tilespmem:$0x1C938] =	vst v63  }
0x1ba: {  	s0 =	sadd.s32 s1, s0  }
0x1bb: {  	[tilespmem:s13], [sflag:$0x6] =	stream.linear.gather [hbm4b:s0+s4], $0x80, $0x38;
	[tilespmem:$0x1C938] =	vst v63  }
0x1bc: {  	_ =	swait.ge [sflag:s9], $0x200  }
0x1bd: {  	[sflag:s9] =	ssyncset.done $0x0  }
0x1be: {  	[sflag:s9] =	ssyncadd.s32 $0xFFFFFE00  }
0x1bf: {  	s3 =	smov.u32 s10;
	s0 =	simm.s32 $0x0;
	v1 =	vld [tilespmem:s2+$0x0]  }
.LBB2_48:
0x1c0: {  	s0 =	sadd.s32 $0x10, s0  }
0x1c1: {  	p1 =	slt.u32 s0, $0x1F0  }
.Ltmp39:
0x1c2: {  	_ = 	snop;
	(pc) =	sbr.rel @p1 .LBB2_48-.Ltmp39, $3  }
0x1c3: {  	_ =	sdelay $0x1  }
0x1c4: {  	s2 =	sadd.s32 $0x10, s2;
	[tilespmem:s3+$0x0] =	vst.add.f32.msk $0xffff, v1;
	s3 =	sadd.s32 $0x10, s3  }
0x1c5: {  	v1 =	vld [tilespmem:s2+$0x0]  }
0x1c6: {  	_ =	sdelay $0x3  }
0x1c7: {  	[tilespmem:s3+$0x0] =	vst.add.f32.msk $0xffff, v1  }
.LBB2_50:
0x1c8: {  	s0 =	sshll.u32 s6, $0xB  }
0x1c9: {  	[tilespmem:s6+$0xC818] =	vst.msk $0x1, v0;
	s0 =	sshra.s32 s0, $0x2  }
0x1ca: {  	s2 =	simm.s32 $0x0;
	s3 =	smov.u32 s10;
	v0 =	vld [tilespmem:s10+$0x0];
	s0 =	sadd.s32 $0xC838, s0  }
.LBB2_51:
0x1cb: {  	s2 =	sadd.s32 $0x10, s2  }
0x1cc: {  	p1 =	slt.u32 s2, $0x1F0  }
.Ltmp40:
0x1cd: {  	_ = 	snop;
	(pc) =	sbr.rel @p1 .LBB2_51-.Ltmp40, $3  }
0x1ce: {  	_ =	sdelay $0x1  }
0x1cf: {  	s3 =	sadd.s32 $0x10, s3;
	[tilespmem:s0+$0x0] =	vst v0;
	s0 =	sadd.s32 $0x10, s0  }
0x1d0: {  	v0 =	vld [tilespmem:s3+$0x0]  }
.Ltmp41:
0x1d1: {  	_ = 	snop;
	(pc) =	sbr.rel .LBB2_53-.Ltmp41, $2  }
0x1d2: {  	_ =	sdelay $0x2  }
0x1d3: {  	s6 =	sadd.s32 $0x1, s6;
	[tilespmem:s0+$0x0] =	vst v0  }
.LBB2_54:
0x1d4: {  	s0 =	simm.s32 $0x6;
	p1 =	seq.s32 s6, $0x0  }
0x1d5: {  	[sflag:s0] =	ssyncpa.u1 $0x1;
	v0 =	vimm.s32 @p1 $0xFFFFFFFF  }
0x1d6: {  	s0 =	sadd.s32 $0xFFFFFFFF, s6;
	[tilespmem:$0x10838] =	vst @p1 v0  }
0x1d7: {  	v0 =	vld.msk @!p1 [tilespmem:s0+$0xC818], $0x1;
	_ =	sdelay $0x1  }
0x1d8: {  	v1 =	vld.msk @!p1 [tilespmem:$0xC818], $0x1;
	_ =	sdelay $0x2  }
0x1d9: {  	p2 =	seq.s32 @!p1 s0, $0x0;
	v0 =	vbroadcast @!p1 v0, $0x0  }
0x1da: {  	vm0 =	vmmov @!p1 $0x1;
	p2 =	por !p2, p1  }
0x1db: {  	v1 =	vnsel @!p1 vm0, $0xFFFFFFFF, v1;
	vm0 =	vcmask @!p1 $0x308;
	v0 =	vpsel !p2, $0xFFFFFFFF, v0  }
0x1dc: {  	p2 =	sne.s32 @!p1 s8, s7;
	v0 =	vsel @!p1 vm0, v1, v0  }
0x1dd: {  	s2 =	simm.s32 @!p1 $0xC838;
	s3 =	simm.s32 @!p1 $0x0;
	p3 =	por !p2, p1;
	[tilespmem:$0x10838] =	vst @!p1 v0  }
0x1de: {  	[spmem:s3] =	stream.linear.scatter @!p1 [tilespmem:s2], [sflag:$0x1], $0x200, $0x38;
	[tilespmem:$0x1C938] =	vst v63  }
0x1df: {  	s2 =	sshll.u32 @!p3 s0, $0xB  }
0x1e0: {  	s2 =	sshra.s32 @!p3 s2, $0x2  }
0x1e1: {  	s3 =	simm.s32 @!p3 $0x200;
	s2 =	sadd.s32 @!p3 $0xC838, s2  }
0x1e2: {  	[spmem:s3] =	stream.linear.scatter @!p3 [tilespmem:s2], [sflag:$0x1], $0x200, $0x38;
	[tilespmem:$0x1C938] =	vst v63  }
0x1e3: {  	s2 =	simm.s32 @!p3 $0x1  }
0x1e4: {  	_ =	swait.ge @!p3 [sflag:s2], $0x400  }
0x1e5: {  	p1 =	por p2, p1;
	[sflag:s2] =	ssyncset.done @!p3 $0x0  }
0x1e6: {  	[sflag:s2] =	ssyncadd.s32 @!p3 $0xFFFFFC00;
	s2 =	simm.s32 @!p1 $0x1  }
0x1e7: {  	_ =	swait.ge @!p1 [sflag:s2], $0x200  }
0x1e8: {  	s29 =	simm.s32 $0x10838;
	[sflag:s2] =	ssyncset.done @!p1 $0x0  }
0x1e9: {  	s30 =	simm.s32 $0x4000;
	s31 =	simm.s32 $0x1;
	[sflag:s2] =	ssyncadd.s32 @!p1 $0xFFFFFE00  }
0x1ea: {  	[spmem:s30] =	stream.linear.scatter [tilespmem:s29], [sflag:$0x1], $0x10, $0x38;
	[tilespmem:$0x1C938] =	vst v63  }
0x1eb: {  	_ =	swait.ge [sflag:s31], $0x10  }
0x1ec: {  	[sflag:s31] =	ssyncset.done $0x0  }
0x1ed: {  	p1 =	seq.s32 s16, $0x0;
	s9 =	rddreg [dreg:$0x1];
	[sflag:s31] =	ssyncadd.s32 $0xFFFFFFF0  }
0x1ee: {  	s3 =	sshll.u32 @p1 s9, $0xE;
	s8 =	rddreg [dreg:$0x2]  }
0x1ef: {  	s2 =	sadd.s32 @p1 $0x15C3C, s3;
	s3 =	sshll.u32 @p1 s8, $0x11  }
0x1f0: {  	_ =	sfence.stream.spmem;
	s2 =	sor.u32 @p1 s3, s2  }
0x1f1: {  	[sflag:s2] =	ssyncadd.remote.s32 @p1 $0x1;
	s2 =	simm.s32 @p1 $0x4  }
0x1f2: {  	s4 =	simm.s32 @!p1 $0x3C;
	s3 =	sand.u32 $0xFFFFFFFE, s9;
	_ =	swait.ge @p1 [sflag:s2], $0x82  }
0x1f3: {  	s5 =	simm.s32 @!p1 $0x0;
	s3 =	sadd.s32 @!p1 $0x4, s3;
	[sflag:s2] =	ssyncset.done @p1 $0x0  }
0x1f4: {  	s7 =	simm.s32 @!p1 $0x400;
	[sflag:s2] =	ssyncadd.s32 @p1 $0xFFFFFF7E;
	s2 =	sshll.u32 @!p1 s3, $0x1A  }
0x1f5: {  	s3 =	sshll.u32 @!p1 s3, $0xD;
	s2 =	sor.u32 @!p1 s2, s8;
	_ =	swait.eq @!p1 [sflag:s4], $0x1  }
0x1f6: {  	s3 =	sor.u32 @!p1 $0x1C04, s3;
	s4 =	simm.s32 @!p1 $0x1C03;
	s2 =	sor.u32 @!p1 $0x80004000, s2  }
0x1f7: {  	[spmem:s7], [sflag:s3] =	dma.general @!p1 [spmem:s5], [sflag:s4], length:$0x80, [dreg:$0x0], stride_count:$0x0, ici_dest:s2, dma_misc:DstOpCode:WRITE  }
0x1f8: {  	p2 =	slt.s32 s0, $0x2;
	s5 =	simm.s32 @!p1 $0x800;
	s7 =	simm.s32 @!p1 $0x802  }
0x1f9: {  	[spmem:s7], [sflag:s3] =	dma.general @!p1 [spmem:s5], [sflag:s4], length:$0x2, [dreg:$0x0], stride_count:$0x0, ici_dest:s2, dma_misc:DstOpCode:WRITE  }
.Ltmp42:
0x1fa: {  	s2 =	simm.s32 @!p1 $0x3;
	(pc) =	sbr.rel @p2 .LBB2_58-.Ltmp42, $4  }
0x1fb: {  	s3 =	sshll.u32 @!p1 s9, $0xE;
	_ =	swait.ge @!p1 [sflag:s2], $0x82  }
0x1fc: {  	s4 =	sshll.u32 @!p1 s8, $0x11;
	s3 =	sadd.s32 @!p1 $0x11C3C, s3;
	[sflag:s2] =	ssyncset.done @!p1 $0x0  }
0x1fd: {  	[sflag:s2] =	ssyncadd.s32 @!p1 $0xFFFFFF7E;
	s2 =	sor.u32 @!p1 s4, s3  }
0x1fe: {  	s0 =	simm.s32 $0x0;
	[sflag:s2] =	ssyncadd.remote.s32 @!p1 $0xFFFFFFFF  }
0x1ff: {  	s0 =	simm.s32 $0xC819  }
0x200: {  	v0 =	vld.msk [tilespmem:s0+$0x0], $0x1;
	_ =	sdelay $0x4  }
0x201: {  	(v2sf) =	vpush v0, $0x0;
	_ =	sdelay $0xe  }
0x202: {  	s2 =	sadd.s32 $0xFFFFFFFE, s6;
	s3 =	spop (v2sf)  }
0x203: {  	s5 =	simm.s32 $0xCA38;
	s4 =	sadd.s32 $0xFFFFFFFF, s2;
	p1 =	sgt.u32 s3, $0x9C270  }
0x204: {  	s0 =	simm.s32 $0x0;
	p2 =	sne.s32 s4, $0x0;
	s2 =	sand.u32 @!p1 $0xFFFF8, s3  }
0x205: {  	s6 =	sadd.s32 @!p1 $0x80, s3;
	s7 =	sadd.s32 @!p1 $0x100, s3;
	s8 =	sadd.s32 @!p1 s1, s2  }
0x206: {  	s2 =	sand.u32 @!p1 $0x7, s3;
	s6 =	sand.u32 @!p1 $0x1FFFF8, s6;
	s7 =	sand.u32 @!p1 $0x1FFFF8, s7  }
0x207: {  	[hbm4b:s8+s2] =	stream.linear.scatter @!p1 [tilespmem:s5], [sflag:$0x5], $0x80, $0x38;
	[tilespmem:$0x1C938] =	vst v63  }
0x208: {  	s5 =	simm.s32 @!p1 $0xCAB8;
	s6 =	sadd.s32 @!p1 s1, s6;
	s7 =	sadd.s32 @!p1 s1, s7  }
.Ltmp43:
0x209: {  	s8 =	sadd.s32 @!p1 $0x180, s3;
	s3 =	simm.s32 $0x0;
	(pc) =	sbr.rel @!p2 .LBB2_57-.Ltmp43, $4  }
0x20a: {  	[hbm4b:s6+s2] =	stream.linear.scatter @!p1 [tilespmem:s5], [sflag:$0x5], $0x80, $0x38;
	[tilespmem:$0x1C938] =	vst v63  }
0x20b: {  	s3 =	simm.s32 @!p1 $0x800;
	s8 =	sand.u32 @!p1 $0x1FFFF8, s8;
	s6 =	simm.s32 @!p1 $0xCB38  }
0x20c: {  	[hbm4b:s7+s2] =	stream.linear.scatter @!p1 [tilespmem:s6], [sflag:$0x5], $0x80, $0x38;
	[tilespmem:$0x1C938] =	vst v63  }
0x20d: {  	s5 =	simm.s32 $0xC81A;
	s6 =	simm.s32 $0xCC38;
	s7 =	simm.s32 @!p1 $0xCBB8  }
.LBB2_56:
0x20e: {  	s4 =	sadd.s32 $0xFFFFFFFF, s4;
	s8 =	sadd.s32 @!p1 s1, s8;
	s0 =	sadd.s32 s0, s3  }
0x20f: {  	[hbm4b:s8+s2] =	stream.linear.scatter @!p1 [tilespmem:s7], [sflag:$0x5], $0x80, $0x38;
	[tilespmem:$0x1C938] =	vst v63  }
0x210: {  	p2 =	sne.s32 s4, $0x0;
	s7 =	smov.u32 s6;
	v0 =	vld.msk [tilespmem:s5+$0x0], $0x1;
	_ =	sdelay $0x4  }
0x211: {  	(v2sf) =	vpush v0, $0x0;
	_ =	sdelay $0xe  }
0x212: {  	s3 =	spop (v2sf)  }
0x213: {  	s6 =	sadd.s32 $0x200, s6;
	s5 =	sadd.s32 $0x1, s5;
	p1 =	sgt.u32 s3, $0x9C270  }
0x214: {  	s2 =	sand.u32 @!p1 $0xFFFF8, s3;
	s8 =	sadd.s32 @!p1 $0x80, s3;
	s9 =	sadd.s32 @!p1 $0x100, s3  }
0x215: {  	s10 =	sadd.s32 @!p1 s1, s2;
	s2 =	sand.u32 @!p1 $0x7, s3;
	s8 =	sand.u32 @!p1 $0x1FFFF8, s8  }
0x216: {  	[hbm4b:s10+s2] =	stream.linear.scatter @!p1 [tilespmem:s7], [sflag:$0x5], $0x80, $0x38;
	[tilespmem:$0x1C938] =	vst v63  }
0x217: {  	s9 =	sand.u32 @!p1 $0x1FFFF8, s9;
	s10 =	sadd.s32 @!p1 $0x80, s7  }
.Ltmp44:
0x218: {  	s8 =	sadd.s32 @!p1 s1, s8;
	s9 =	sadd.s32 @!p1 s1, s9;
	(pc) =	sbr.rel @p2 .LBB2_56-.Ltmp44, $4  }
0x219: {  	[hbm4b:s8+s2] =	stream.linear.scatter @!p1 [tilespmem:s10], [sflag:$0x5], $0x80, $0x38;
	[tilespmem:$0x1C938] =	vst v63  }
0x21a: {  	s8 =	sadd.s32 @!p1 $0x100, s7;
	s10 =	sadd.s32 @!p1 $0x180, s3;
	s3 =	simm.s32 $0x0  }
0x21b: {  	[hbm4b:s9+s2] =	stream.linear.scatter @!p1 [tilespmem:s8], [sflag:$0x5], $0x80, $0x38;
	[tilespmem:$0x1C938] =	vst v63  }
0x21c: {  	s7 =	sadd.s32 @!p1 $0x180, s7;
	s3 =	simm.s32 @!p1 $0x800;
	s8 =	sand.u32 @!p1 $0x1FFFF8, s10  }
.LBB2_57:
0x21d: {  	s4 =	sadd.s32 @!p1 s1, s8;
	s0 =	sadd.s32 s0, s3  }
0x21e: {  	[hbm4b:s4+s2] =	stream.linear.scatter @!p1 [tilespmem:s7], [sflag:$0x5], $0x80, $0x38;
	[tilespmem:$0x1C938] =	vst v63  }
0x21f: {  	s0 =	sshrl.u32 s0, $0x2  }
.LBB2_58:
0x220: {  	s2 =	simm.s32 $0x5  }
0x221: {  	_ =	swait.ge [sflag:s2], s0  }
0x222: {  	s31 =	ssub.s32 $0x0, s0;
	[sflag:s2] =	ssyncset.done $0x0  }
0x223: {  	[sflag:s2] =	ssyncadd.s32 s31  }
0x224: {  	[sflag:s2] =	ssyncpa.u1 $0x1  }
.LBB2_59:
0x225: {  	s0 =	sor.u32 s16, s17  }
0x226: {  	p1 =	sne.s32 s0, $0x0  }
.Ltmp45:
0x227: {  	_ = 	snop;
	(pc) =	sbr.rel @p1 .LBB2_82-.Ltmp45, $3  }
0x228: {  	_ =	sdelay $0x1  }
0x229: {  	[bflag:$0x0] =	sbarrier.arrive $0xFFFF  }
0x22a: {  	_ =	sfence  }
0x22b: {  	s0 =	simm.s32 $0x7  }
0x22c: {  	s2 =	simm.s32 $0x4000;
	s3 =	simm.s32 $0xC818;
	[sflag:s0] =	ssyncpa.u1 $0x0  }
0x22d: {  	[tilespmem:s3], [sflag:$0x7] =	stream.linear.gather [spmem:s2], $0x20, $0x38;
	[tilespmem:$0x1C938] =	vst v63  }
0x22e: {  	s2 =	simm.s32 $0x0;
	s3 =	simm.s32 $0xC838  }
0x22f: {  	[tilespmem:s3], [sflag:$0x7] =	stream.linear.gather [spmem:s2], $0x4000, $0x38;
	[tilespmem:$0x1C938] =	vst v63  }
.Ltmp46:
0x230: {  	_ = 	snop;
	(pc) =	sbr.rel .LBB2_61-.Ltmp46, $4  }
0x231: {  	_ =	swait.ge [sflag:s0], $0x4020  }
0x232: {  	s4 =	simm.s32 $0x8;
	[sflag:s0] =	ssyncset.done $0x0  }
0x233: {  	s5 =	simm.s32 $0xC688;
	s6 =	simm.s32 $0xC708;
	[sflag:s0] =	ssyncadd.s32 $0xFFFFBFE0  }
0x234: {  	s7 =	simm.s32 $0xC788;
	s8 =	simm.s32 $0x0;
	[sflag:s4] =	ssyncpa.u1 $0x0  }
.LBB2_76:
0x235: {  	s8 =	sadd.s32 $0x1, s8  }
0x236: {  	p1 =	sne.s32 s8, $0x20  }
.Ltmp47:
0x237: {  	_ = 	snop;
	(pc) =	sbr.rel @!p1 .LBB2_77-.Ltmp47, $2  }
0x238: {  	_ =	sdelay $0x2  }
0x239: {  	s3 =	sadd.s32 $0x200, s3  }
.LBB2_61:
0x23a: {  	v0 =	vld.msk [tilespmem:s8+$0xC818], $0x1;
	_ =	sdelay $0x4  }
0x23b: {  	(v2sf) =	vpush v0, $0x0;
	_ =	sdelay $0xe  }
0x23c: {  	s0 =	spop (v2sf)  }
0x23d: {  	p1 =	seq.s32 s0, $0xFFFFFFFF  }
.Ltmp48:
0x23e: {  	_ = 	snop;
	(pc) =	sbr.rel @p1 .LBB2_76-.Ltmp48, $1  }
0x23f: {  	_ =	sdelay $0x3  }
0x240: {  	p1 =	slt.s32 s2, $0x1  }
.Ltmp49:
0x241: {  	_ = 	snop;
	(pc) =	sbr.rel @p1 .LBB2_69-.Ltmp49, $1  }
0x242: {  	_ =	sdelay $0x3  }
0x243: {  	s9 =	simm.s32 $0xC818;
	p1 =	por $0x0, $0x0  }
0x244: {  	v1 =	vld.msk @!p1 [tilespmem:s9+$0x0], $0x1;
	_ =	sdelay $0x4  }
0x245: {  	(v2sf) =	vpush @!p1 v1, $0x0;
	_ =	sdelay $0xd  }
0x246: {  	p3 =	sne.s32 s2, $0x1  }
.Ltmp50:
0x247: {  	s10 =	spop @!p1 (v2sf);
	(pc) =	sbr.rel @!p3 .LBB2_65-.Ltmp50, $4  }
0x248: {  	p2 =	seq.s32 @!p1 s0, s10  }
0x249: {  	s10 =	simm.s32 $0x0;
	p2 =	por !p2, p1  }
0x24a: {  	s12 =	simm.s32 $0xFFFFFFFF;
	s10 =	simm.s32 @p2 $0xFFFFFFFF  }
0x24b: {  	s11 =	simm.s32 $0x1;
	s10 =	smov.u32 @p1 s12  }
.LBB2_64:
0x24c: {  	s12 =	smov.u32 s10;
	p1 =	sne.s32 s10, $0xFFFFFFFF  }
0x24d: {  	s9 =	sadd.s32 $0x1, s9;
	s10 =	smov.u32 s11;
	s11 =	sadd.s32 $0x1, s11  }
0x24e: {  	p2 =	sne.s32 s2, s11;
	v1 =	vld.msk @!p1 [tilespmem:s9+$0x0], $0x1;
	_ =	sdelay $0x4  }
0x24f: {  	(v2sf) =	vpush @!p1 v1, $0x0;
	_ =	sdelay $0xe  }
.Ltmp51:
0x250: {  	s13 =	spop @!p1 (v2sf);
	(pc) =	sbr.rel @p2 .LBB2_64-.Ltmp51, $4  }
0x251: {  	p3 =	seq.s32 @!p1 s0, s13  }
0x252: {  	p3 =	por !p3, p1  }
0x253: {  	s10 =	simm.s32 @p3 $0xFFFFFFFF  }
0x254: {  	s10 =	smov.u32 @p1 s12  }
.LBB2_65:
0x255: {  	p1 =	seq.s32 s10, $0xFFFFFFFF  }
.Ltmp52:
0x256: {  	_ = 	snop;
	(pc) =	sbr.rel @p1 .LBB2_69-.Ltmp52, $1  }
0x257: {  	_ =	sdelay $0x3  }
0x258: {  	s0 =	sshll.u32 s10, $0xB  }
0x259: {  	s0 =	sshra.s32 s0, $0x2  }
0x25a: {  	s9 =	simm.s32 $0x0;
	v0 =	vld [tilespmem:s3+$0x0];
	s10 =	smov.u32 s3;
	s0 =	sadd.s32 $0xC838, s0  }
.LBB2_67:
0x25b: {  	s9 =	sadd.s32 $0x10, s9  }
0x25c: {  	p1 =	slt.u32 s9, $0x1F0  }
.Ltmp53:
0x25d: {  	_ = 	snop;
	(pc) =	sbr.rel @p1 .LBB2_67-.Ltmp53, $3  }
0x25e: {  	_ =	sdelay $0x1  }
0x25f: {  	s10 =	sadd.s32 $0x10, s10;
	[tilespmem:s0+$0x0] =	vst.add.f32.msk $0xffff, v0;
	s0 =	sadd.s32 $0x10, s0  }
0x260: {  	v0 =	vld [tilespmem:s10+$0x0]  }
.Ltmp54:
0x261: {  	_ = 	snop;
	(pc) =	sbr.rel .LBB2_76-.Ltmp54, $2  }
0x262: {  	_ =	sdelay $0x2  }
0x263: {  	[tilespmem:s0+$0x0] =	vst.add.f32.msk $0xffff, v0  }
.LBB2_69:
0x264: {  	p1 =	sgt.u32 s0, $0x9C270  }
.Ltmp55:
0x265: {  	_ = 	snop;
	(pc) =	sbr.rel @p1 .LBB2_73-.Ltmp55, $1  }
0x266: {  	_ =	sdelay $0x3  }
0x267: {  	s9 =	sand.u32 $0xFFFF8, s0;
	s11 =	sand.u32 $0x7, s0  }
0x268: {  	s29 =	sadd.s32 $0x80, s0;
	s10 =	sadd.s32 s1, s9;
	s9 =	simm.s32 $0xC608  }
0x269: {  	[tilespmem:s9], [sflag:$0x8] =	stream.linear.gather [hbm4b:s10+s11], $0x80, $0x38;
	[tilespmem:$0x1C938] =	vst v63  }
0x26a: {  	s10 =	sand.u32 $0x1FFFF8, s29  }
0x26b: {  	s30 =	sadd.s32 $0x100, s0;
	s10 =	sadd.s32 s1, s10  }
0x26c: {  	[tilespmem:s5], [sflag:$0x8] =	stream.linear.gather [hbm4b:s10+s11], $0x80, $0x38;
	[tilespmem:$0x1C938] =	vst v63  }
0x26d: {  	s31 =	sadd.s32 $0x180, s0;
	s10 =	sand.u32 $0x1FFFF8, s30  }
0x26e: {  	s0 =	sand.u32 $0x1FFFF8, s31;
	s10 =	sadd.s32 s1, s10  }
0x26f: {  	[tilespmem:s6], [sflag:$0x8] =	stream.linear.gather [hbm4b:s10+s11], $0x80, $0x38;
	[tilespmem:$0x1C938] =	vst v63  }
0x270: {  	s0 =	sadd.s32 s1, s0  }
0x271: {  	[tilespmem:s7], [sflag:$0x8] =	stream.linear.gather [hbm4b:s0+s11], $0x80, $0x38;
	[tilespmem:$0x1C938] =	vst v63  }
0x272: {  	_ =	swait.ge [sflag:s4], $0x200  }
0x273: {  	[sflag:s4] =	ssyncset.done $0x0  }
0x274: {  	[sflag:s4] =	ssyncadd.s32 $0xFFFFFE00  }
0x275: {  	s10 =	smov.u32 s3;
	s0 =	simm.s32 $0x0;
	v1 =	vld [tilespmem:s9+$0x0]  }
.LBB2_71:
0x276: {  	s0 =	sadd.s32 $0x10, s0  }
0x277: {  	p1 =	slt.u32 s0, $0x1F0  }
.Ltmp56:
0x278: {  	_ = 	snop;
	(pc) =	sbr.rel @p1 .LBB2_71-.Ltmp56, $3  }
0x279: {  	_ =	sdelay $0x1  }
0x27a: {  	s9 =	sadd.s32 $0x10, s9;
	[tilespmem:s10+$0x0] =	vst.add.f32.msk $0xffff, v1;
	s10 =	sadd.s32 $0x10, s10  }
0x27b: {  	v1 =	vld [tilespmem:s9+$0x0]  }
0x27c: {  	_ =	sdelay $0x3  }
0x27d: {  	[tilespmem:s10+$0x0] =	vst.add.f32.msk $0xffff, v1  }
.LBB2_73:
0x27e: {  	s0 =	sshll.u32 s2, $0xB  }
0x27f: {  	[tilespmem:s2+$0xC818] =	vst.msk $0x1, v0;
	s0 =	sshra.s32 s0, $0x2  }
0x280: {  	s9 =	simm.s32 $0x0;
	s10 =	smov.u32 s3;
	v0 =	vld [tilespmem:s3+$0x0];
	s0 =	sadd.s32 $0xC838, s0  }
.LBB2_74:
0x281: {  	s9 =	sadd.s32 $0x10, s9  }
0x282: {  	p1 =	slt.u32 s9, $0x1F0  }
.Ltmp57:
0x283: {  	_ = 	snop;
	(pc) =	sbr.rel @p1 .LBB2_74-.Ltmp57, $3  }
0x284: {  	_ =	sdelay $0x1  }
0x285: {  	s10 =	sadd.s32 $0x10, s10;
	[tilespmem:s0+$0x0] =	vst v0;
	s0 =	sadd.s32 $0x10, s0  }
0x286: {  	v0 =	vld [tilespmem:s10+$0x0]  }
.Ltmp58:
0x287: {  	_ = 	snop;
	(pc) =	sbr.rel .LBB2_76-.Ltmp58, $2  }
0x288: {  	_ =	sdelay $0x2  }
0x289: {  	s2 =	sadd.s32 $0x1, s2;
	[tilespmem:s0+$0x0] =	vst v0  }
.LBB2_77:
0x28a: {  	p1 =	slt.s32 s2, $0x1  }
.Ltmp59:
0x28b: {  	_ = 	snop;
	(pc) =	sbr.rel @p1 .LBB2_81-.Ltmp59, $3  }
0x28c: {  	_ =	sdelay $0x1  }
0x28d: {  	s0 =	simm.s32 $0x8  }
0x28e: {  	[sflag:s0] =	ssyncpa.u1 $0x1;
	s0 =	simm.s32 $0x0  }
0x28f: {  	s3 =	simm.s32 $0xC818  }
0x290: {  	v0 =	vld.msk [tilespmem:s3+$0x0], $0x1;
	_ =	sdelay $0x4  }
0x291: {  	(v2sf) =	vpush v0, $0x0;
	_ =	sdelay $0xe  }
0x292: {  	s7 =	spop (v2sf)  }
0x293: {  	s2 =	sadd.s32 $0xFFFFFFFF, s2;
	p1 =	sgt.u32 s7, $0x9C270  }
0x294: {  	s3 =	simm.s32 $0xC838;
	s4 =	sand.u32 @!p1 $0xFFFF8, s7;
	s8 =	sadd.s32 @!p1 $0x80, s7  }
0x295: {  	s5 =	sand.u32 @!p1 $0x7, s7;
	s4 =	sadd.s32 @!p1 s1, s4;
	s8 =	sand.u32 @!p1 $0x1FFFF8, s8  }
0x296: {  	[hbm4b:s4+s5] =	stream.linear.scatter @!p1 [tilespmem:s3], [sflag:$0x7], $0x80, $0x38;
	[tilespmem:$0x1C938] =	vst v63  }
0x297: {  	p2 =	sne.s32 s2, $0x0;
	s3 =	simm.s32 @!p1 $0xC8B8;
	s4 =	sadd.s32 @!p1 s1, s8  }
0x298: {  	[hbm4b:s4+s5] =	stream.linear.scatter @!p1 [tilespmem:s3], [sflag:$0x7], $0x80, $0x38;
	[tilespmem:$0x1C938] =	vst v63  }
.Ltmp60:
0x299: {  	s6 =	simm.s32 $0x0;
	s9 =	sadd.s32 @!p1 $0x100, s7;
	(pc) =	sbr.rel @!p2 .LBB2_80-.Ltmp60, $4  }
0x29a: {  	s6 =	simm.s32 @!p1 $0x800;
	s8 =	sand.u32 @!p1 $0x1FFFF8, s9;
	s3 =	simm.s32 @!p1 $0xC938  }
0x29b: {  	s4 =	sadd.s32 @!p1 s1, s8;
	s8 =	sadd.s32 @!p1 $0x180, s7;
	s7 =	simm.s32 @!p1 $0xC9B8  }
0x29c: {  	[hbm4b:s4+s5] =	stream.linear.scatter @!p1 [tilespmem:s3], [sflag:$0x7], $0x80, $0x38;
	[tilespmem:$0x1C938] =	vst v63  }
0x29d: {  	s8 =	sand.u32 @!p1 $0x1FFFF8, s8;
	s3 =	simm.s32 $0xC819;
	s4 =	simm.s32 $0xCA38  }
.LBB2_79:
0x29e: {  	s2 =	sadd.s32 $0xFFFFFFFF, s2;
	s8 =	sadd.s32 @!p1 s1, s8;
	s0 =	sadd.s32 s0, s6  }
0x29f: {  	[hbm4b:s8+s5] =	stream.linear.scatter @!p1 [tilespmem:s7], [sflag:$0x7], $0x80, $0x38;
	[tilespmem:$0x1C938] =	vst v63  }
0x2a0: {  	p2 =	sne.s32 s2, $0x0;
	s7 =	smov.u32 s4;
	v0 =	vld.msk [tilespmem:s3+$0x0], $0x1;
	_ =	sdelay $0x4  }
0x2a1: {  	(v2sf) =	vpush v0, $0x0;
	_ =	sdelay $0xe  }
0x2a2: {  	s6 =	spop (v2sf)  }
0x2a3: {  	s4 =	sadd.s32 $0x200, s4;
	s3 =	sadd.s32 $0x1, s3;
	p1 =	sgt.u32 s6, $0x9C270  }
0x2a4: {  	s5 =	sand.u32 @!p1 $0xFFFF8, s6;
	s8 =	sadd.s32 @!p1 $0x80, s6;
	s9 =	sadd.s32 @!p1 $0x100, s6  }
0x2a5: {  	s10 =	sadd.s32 @!p1 s1, s5;
	s5 =	sand.u32 @!p1 $0x7, s6;
	s8 =	sand.u32 @!p1 $0x1FFFF8, s8  }
0x2a6: {  	[hbm4b:s10+s5] =	stream.linear.scatter @!p1 [tilespmem:s7], [sflag:$0x7], $0x80, $0x38;
	[tilespmem:$0x1C938] =	vst v63  }
0x2a7: {  	s9 =	sand.u32 @!p1 $0x1FFFF8, s9;
	s10 =	sadd.s32 @!p1 $0x80, s7  }
.Ltmp61:
0x2a8: {  	s8 =	sadd.s32 @!p1 s1, s8;
	s9 =	sadd.s32 @!p1 s1, s9;
	(pc) =	sbr.rel @p2 .LBB2_79-.Ltmp61, $4  }
0x2a9: {  	[hbm4b:s8+s5] =	stream.linear.scatter @!p1 [tilespmem:s10], [sflag:$0x7], $0x80, $0x38;
	[tilespmem:$0x1C938] =	vst v63  }
0x2aa: {  	s8 =	sadd.s32 @!p1 $0x100, s7;
	s10 =	sadd.s32 @!p1 $0x180, s6;
	s6 =	simm.s32 $0x0  }
0x2ab: {  	[hbm4b:s9+s5] =	stream.linear.scatter @!p1 [tilespmem:s8], [sflag:$0x7], $0x80, $0x38;
	[tilespmem:$0x1C938] =	vst v63  }
0x2ac: {  	s7 =	sadd.s32 @!p1 $0x180, s7;
	s6 =	simm.s32 @!p1 $0x800;
	s8 =	sand.u32 @!p1 $0x1FFFF8, s10  }
.LBB2_80:
0x2ad: {  	s1 =	sadd.s32 @!p1 s1, s8;
	s0 =	sadd.s32 s0, s6  }
0x2ae: {  	[hbm4b:s1+s5] =	stream.linear.scatter @!p1 [tilespmem:s7], [sflag:$0x7], $0x80, $0x38;
	[tilespmem:$0x1C938] =	vst v63  }
0x2af: {  	s0 =	sshrl.u32 s0, $0x2  }
.LBB2_81:
0x2b0: {  	s1 =	simm.s32 $0x7  }
0x2b1: {  	_ =	swait.ge [sflag:s1], s0  }
0x2b2: {  	s31 =	ssub.s32 $0x0, s0;
	[sflag:s1] =	ssyncset.done $0x0  }
0x2b3: {  	[sflag:s1] =	ssyncadd.s32 s31  }
0x2b4: {  	[sflag:s1] =	ssyncpa.u1 $0x1  }
.LBB2_82:
0x2b5: {  	_ =	sfence;
	s0 =	simm.s32 $0x1  }
0x2b6: {  	[sflag:s0] =	ssyncpa.u1 $0x1  }
0x2b7: {  	_ =	strace $0x9000004D  }
0x2b8: {  	[bflag:$0x2] =	sbarrier.arrive $0xFFFF  }
0x2b9: {  	s0 =	rddreg [dreg:$0x3]  }
0x2ba: {  	s0 =	sadd.s32 @!p0 $0x100000, s0  }
0x2bb: {  	[sflag:s0] =	ssyncadd.tile.s32 @!p0 $0x1;
	_ =	shalt  }
.Lfunc_end2:
_tile_overlayer_lowered:
.L_overlay_start_2:
0x2bc: {  	(tag) =	ssettag $0x2  }
0x2bd: {  	s0 =	rddreg [dreg:$0x0];
	s2 =	stileid.u32  }
0x2be: {  	s1 =	rddreg [dreg:$0x1];
	p0 =	sne.s32 s2, $0x0  }
0x2bf: {  	s3 =	rddreg [dreg:$0x2];
	[bflag:$0x3] =	sbarrier.arrive $0xFFFF;
	s2 =	simm.s32 @!p0 $0x1C01  }
0x2c0: {  	[timem:s3], [sflag:s2] =	dma.local @!p0 [hbm:s0], s1  }
0x2c1: {  	s0 =	simm.s32 @!p0 $0x1  }
0x2c2: {  	_ =	swait.ge @!p0 [sflag:s0], s1  }
0x2c3: {  	s1 =	ssub.s32 @!p0 $0x0, s1;
	[sflag:s0] =	ssyncset.done @!p0 $0x0  }
0x2c4: {  	[sflag:s0] =	ssyncadd.s32 @!p0 s1  }
0x2c5: {  	[bflag:$0x3] =	sbarrier.arrive $0xFFFF  }
0x2c6: {  	_ =	shalt  }

// kernel: sparse-core-data-format-call.cloned.1.call-start
scs
called_computation.3_lowered:
.L_overlay_start_0:
0x0: {  	s1 =	sld [smem:$0x3FD9]  }
0x1: {  	s2 =	sld [smem:$0x3FFE];
	_ =	sdelay $0x1  }
0x2: {  	s3 =	srdreg.scid  }
0x3: {  	s0 =	sand.u32 $0x1, s3  }
0x4: {  	s17 =	sshll.u32 s0, $0xA;
	s1 =	sadd.s32 s2, s1  }
0x5: {  	s1 =	sadd.s32 s1, s17  }
0x6: {  	[smem:$0x3FA9] =	sst s1  }
0x7: {  	_ = 	snop  }
0x8: {  	(tm) =	ssettm $0x1  }
0x9: {  	s18 =	sld [smem:$0x3FFB];
	_ =	sdelay $0x3  }
0xa: {  	_ =	strace s18  }
0xb: {  	s1 =	sld [smem:$0x3FFC];
	_ =	sdelay $0x3  }
0xc: {  	_ =	strace s1  }
0xd: {  	s1 =	sld [smem:$0x3FFD];
	_ =	sdelay $0x3  }
0xe: {  	_ =	strace s1  }
0xf: {  	_ =	strace $0x8FFFFFFF  }
0x10: {  	s19 =	sld [smem:$0x3FDB];
	_ =	sdelay $0x1  }
0x11: {  	s20 =	simm.s32 $_scs_section_size  }
0x12: {  	s4 =	simm.s32 $_size__tile_overlayer_lowered;
	s5 =	simm.s32 $_tile_overlayer_lowered  }
0x13: {  	s23 =	simm.s32 $0x1BFF;
	s22 =	sshll.u32 s5, $0x1;
	s1 =	sadd.s32 s20, s19  }
0x14: {  	s6 =	simm.s32 $0x0;
	s21 =	sshll.u32 s4, $0x1;
	s4 =	sadd.s32 s22, s1  }
0x15: {  	[timem:s6], [sflag:s23] =	dma.local [hbm:s4], s21  }
0x16: {  	_ =	swait.ge [sflag:s23], s21  }
0x17: {  	s2 =	ssub.s32 $0x0, s21;
	[sflag:s23] =	ssyncset.done $0x0  }
0x18: {  	[sflag:s23] =	ssyncadd.s32 s2;
	_ =	sdelay $0x1  }
0x19: {  	s24 =	simm.s32 $0x1B8B  }
0x1a: {  	_ =	swait.ge [sflag:s24], $0x1  }
0x1b: {  	[sflag:s24] =	ssyncset.done $0x0  }
0x1c: {  	s26 =	simm.s32 $0x1B8E;
	s25 =	sld [smem:$0x3FFE];
	[sflag:s24] =	ssyncadd.s32 $0xFFFFFFFF  }
0x1d: {  	s27 =	simm.s32 $execute0_lowered;
	[smem:$0x3FD2] =	sst s26  }
0x1e: {  	s4 =	sshll.u32 s27, $0x1;
	_ =	strace $0x80000049;
	[dreg:$0x1] =	wrdreg $0xFFFFFFFF  }
0x1f: {  	s28 =	simm.s32 $_size_execute0_lowered;
	s1 =	sadd.s32 s1, s4;
	[dreg:$0x0] =	wrdreg $0x0  }
0x20: {  	s4 =	sshll.u32 s28, $0x1;
	[dreg:$0x2] =	wrdreg s1  }
0x21: {  	[dreg:$0x3] =	wrdreg s4  }
0x22: {  	[dreg:$0x4] =	wrdreg $0xC0  }
0x23: {  	_ =	task [dreg:s6], $0x5FFFF  }
0x24: {  	[dreg:$0x1] =	wrdreg $0xFFFFFFFF  }
0x25: {  	[dreg:$0x0] =	wrdreg $0x60  }
0x26: {  	[dreg:$0x2] =	wrdreg s25  }
0x27: {  	[dreg:$0x3] =	wrdreg $0x9  }
0x28: {  	_ =	task.clear_ibuf [dreg:s6], $0x4FFFF;
	_ =	strace $0x90000049  }
0x29: {  	s29 =	simm.s32 $0x9;
	_ =	strace $0x8000004B  }
0x2a: {  	_ =	swait.ge [sflag:s29], $0x1  }
0x2b: {  	[sflag:s29] =	ssyncadd.s32 $0xFFFFFFFF  }
0x2c: {  	_ =	strace $0x9000004B  }
0x2d: {  	_ =	sfence  }
0x2e: {  	s30 =	sld [smem:$0x0];
	_ =	sdelay $0x2  }
0x2f: {  	s31 =	sshll.u32 s3, $0xD;
	s3 =	sshrl.u32 s3, $0x2  }
0x30: {  	s2 =	sand.u32 $0x4000, s31;
	s1 =	sadd.s32 s3, s30  }
0x31: {  	s0 =	sor.u32 s2, s0;
	s1 =	sshll.u32 s1, $0x11  }
0x32: {  	s0 =	sor.u32 s1, s0  }
0x33: {  	s0 =	sadd.s32 $0x8F2B, s0  }
0x34: {  	[sflag:s0] =	ssyncadd.remote.s32 $0x1  }
0x35: {  	_ =	sfence.sel $0xFFFF  }
0x36: {  	[dreg:$0x0] =	wrdreg $0xFFFFFFFF;
	(pc) =	sbr.abs _section_cstart, $3  }
0x37: {  	[dreg:$0x1] =	wrdreg $0xFFFFFFFF  }
0x38: {  	_ =	task.clear_ibuf [dreg:s6], $0x2FFFF;
	_ =	strace $0x9FFFFFFF  }
0x39: {  	(tm) =	ssettm $0x7FFFFFFF  }
tec
execute0_lowered:
.L_overlay_start_1:
0x0: {  	(tag) =	ssettag $0x1  }
0x1: {  	s0 =	srdreg.scid  }
0x2: {  	s1 =	sshll.u32 s0, $0x4  }
0x3: {  	s4 =	rddreg [dreg:$0x0];
	s0 =	stileid.u32;
	s1 =	sand.u32 $0x10, s1  }
0x4: {  	s7 =	simm.s32 $0x1;
	s8 =	simm.s32 $0x2;
	s2 =	sor.u32 s0, s1  }
0x5: {  	s9 =	simm.s32 $0x0;
	s12 =	simm.s32 $0x0;
	s2 =	sshll.u32 s2, $0x2  }
0x6: {  	s11 =	simm.s32 $0x0;
	s3 =	sadd.s32 $0x1575400, s4;
	s6 =	ssub.s32 $0x9C40, s2  }
.Ltmp0:
0x7: {  	s4 =	sadd.s32 $0x71200, s4;
	s5 =	sand.u32 $0x7C, s6;
	(pc) =	sbr.rel .LBB1_1-.Ltmp0, $4  }
0x8: {  	s1 =	rddreg [dreg:$0x1];
	_ =	strace $0x8000004A;
	p0 =	sne.s32 s5, $0x0  }
0x9: {  	s6 =	sshrl.u32 s6, $0x7;
	s5 =	simm.s32 $0x1;
	s7 =	simm.s32 @!p0 $0x0  }
0xa: {  	s10 =	smov.u32 s2;
	[sflag:s5] =	ssyncpa.u1 $0x0;
	s6 =	sadd.s32 s7, s6  }
0xb: {  	[sflag:s8] =	ssyncpa.u1 $0x0;
	s8 =	simm.s32 $0x0;
	s7 =	sadd.s32 $0x1, s6  }
.LBB1_9:
0xc: {  	s14 =	sadd.s32 $0x80, s10  }
0xd: {  	p1 =	sgt.s32 s14, $0x9C3F  }
0xe: {  	s14 =	smov.u32 @p1 s2;
	p1 =	sne.s32 s11, s7  }
.Ltmp1:
0xf: {  	p0 =	slt.u32 s11, $0x2;
	(pc) =	sbr.rel @!p1 .LBB1_10-.Ltmp1, $4  }
0x10: {  	s13 =	simm.s32 @!p0 $0x2  }
0x11: {  	s15 =	sadd.s32 $0x1, s11;
	_ =	swait.ge @!p0 [sflag:s13], $0x4000  }
0x12: {  	s12 =	smov.u32 s10;
	s9 =	sadd.s32 $0x4000, s9;
	[sflag:s13] =	ssyncset.done @!p0 $0x0  }
0x13: {  	s11 =	smov.u32 s15;
	s10 =	smov.u32 s14;
	[sflag:s13] =	ssyncadd.s32 @!p0 $0xFFFFC000  }
.LBB1_1:
0x14: {  	p0 =	sge.u32 s11, s6  }
0x15: {  	s13 =	sxor.u32 @!p0 $0xFFFFFFFF, s11  }
0x16: {  	s31 =	sadd.s32 $0xFFFFFFFF, s11;
	s14 =	sshll.u32 @!p0 s10, $0x9;
	s13 =	sshll.u32 @!p0 s13, $0xE  }
0x17: {  	s15 =	simm.s32 @!p0 $0x0;
	s14 =	sadd.s32 @!p0 s3, s14;
	s13 =	sand.u32 @!p0 $0x4000, s13  }
0x18: {  	[tilespmem:s13], [sflag:$0x1] =	stream.linear.gather @!p0 [hbm4b:s14+s15], $0x4000, $0x38;
	[tilespmem:$0x10000] =	vst v63  }
0x19: {  	p0 =	sge.u32 s31, s6  }
.Ltmp2:
0x1a: {  	_ = 	snop;
	(pc) =	sbr.rel @p0 .LBB1_9-.Ltmp2, $1  }
0x1b: {  	_ =	sdelay $0x3  }
0x1c: {  	s14 =	sand.u32 $0x4000, s9  }
0x1d: {  	_ =	swait.ge [sflag:s5], $0x4000;
	s15 =	sshll.u32 s11, $0xE;
	s16 =	simm.s32 $0x0  }
0x1e: {  	s13 =	sor.u32 $0x8040, s14;
	[sflag:s5] =	ssyncset.done $0x0;
	s15 =	sand.u32 $0x4000, s15  }
0x1f: {  	s14 =	sor.u32 $0x40, s14;
	[sflag:s5] =	ssyncadd.s32 $0xFFFFC000;
	s15 =	sor.u32 $0x8000, s15  }
.LBB1_3:
0x20: {  	s17 =	smov.u32 s14;
	s18 =	smov.u32 s13;
	s19 =	simm.s32 $0x0  }
.LBB1_4:
0x21: {  	v0 =	vmov s17;
	_ =	sdelay $0x3  }
0x22: {  	s21 =	simm.s32 $0x0  }
0x23: {  	v6 =	vld.idx.msk [tilespmem:v0+s21+$0x30 ss:$0x1], $0xffff  }
0x24: {  	v7 =	vld.idx.msk [tilespmem:v0+s21+$0xFFFFFFC0 ss:$0x1], $0xffff  }
0x25: {  	v5 =	vld.idx.msk [tilespmem:v0+s21+$0xFFFFFFD0 ss:$0x1], $0xffff  }
0x26: {  	v4 =	vld.idx.msk [tilespmem:v0+s21+$0xFFFFFFE0 ss:$0x1], $0xffff  }
0x27: {  	v3 =	vld.idx.msk [tilespmem:v0+s21+$0xFFFFFFF0 ss:$0x1], $0xffff  }
0x28: {  	v1 =	vld.idx.msk [tilespmem:v0+s21+$0x0 ss:$0x1], $0xffff  }
0x29: {  	v2 =	vld.idx.msk [tilespmem:v0+s21+$0x10 ss:$0x1], $0xffff;
	[tilespmem:s18+$0x30] =	vst v6  }
0x2a: {  	s20 =	simm.s32 $0x80;
	s22 =	simm.s32 $0x400;
	[tilespmem:s18+$0xFFFFFFC0] =	vst v7;
	v6 =	vld.idx.msk [tilespmem:v0+s21+$0x20 ss:$0x1], $0xffff;
	s21 =	smov.u32 s18  }
.LBB1_5:
0x2b: {  	p0 =	sne.s32 s22, $0x600;
	v7 =	vld.idx.msk [tilespmem:v0+s20+$0x30 ss:$0x1], $0xffff;
	[tilespmem:s21+$0xFFFFFFD0] =	vst v5  }
0x2c: {  	v8 =	vld.idx.msk [tilespmem:v0+s20+$0xFFFFFFC0 ss:$0x1], $0xffff;
	[tilespmem:s21+$0xFFFFFFE0] =	vst v4  }
0x2d: {  	v5 =	vld.idx.msk [tilespmem:v0+s20+$0xFFFFFFD0 ss:$0x1], $0xffff;
	[tilespmem:s21+$0xFFFFFFF0] =	vst v3  }
.Ltmp3:
0x2e: {  	v4 =	vld.idx.msk [tilespmem:v0+s20+$0xFFFFFFE0 ss:$0x1], $0xffff;
	[tilespmem:s21+$0x0] =	vst v1;
	(pc) =	sbr.rel @p0 .LBB1_5-.Ltmp3, $4  }
0x2f: {  	v3 =	vld.idx.msk [tilespmem:v0+s20+$0xFFFFFFF0 ss:$0x1], $0xffff;
	[tilespmem:s21+$0x10] =	vst v2  }
0x30: {  	v1 =	vld.idx.msk [tilespmem:v0+s20+$0x0 ss:$0x1], $0xffff;
	[tilespmem:s21+$0x20] =	vst v6;
	s21 =	sadd.s32 $0x400, s21  }
0x31: {  	v2 =	vld.idx.msk [tilespmem:v0+s20+$0x10 ss:$0x1], $0xffff;
	[tilespmem:s21+$0x30] =	vst v7  }
0x32: {  	[tilespmem:s21+$0xFFFFFFC0] =	vst v8;
	v6 =	vld.idx.msk [tilespmem:v0+s20+$0x20 ss:$0x1], $0xffff;
	s20 =	sshra.s32 s22, $0x2;
	s22 =	sadd.s32 $0x200, s22  }
0x33: {  	_ =	sdelay $0x2  }
0x34: {  	[tilespmem:s21+$0xFFFFFFD0] =	vst v5  }
0x35: {  	v56 =	vld.idx.msk [tilespmem:v0+s20+$0x30 ss:$0x1], $0xffff;
	[tilespmem:s21+$0xFFFFFFE0] =	vst v4  }
0x36: {  	v57 =	vld.idx.msk [tilespmem:v0+s20+$0xFFFFFFC0 ss:$0x1], $0xffff;
	[tilespmem:s21+$0xFFFFFFF0] =	vst v3  }
0x37: {  	v58 =	vld.idx.msk [tilespmem:v0+s20+$0xFFFFFFD0 ss:$0x1], $0xffff;
	[tilespmem:s21+$0x0] =	vst v1  }
0x38: {  	v59 =	vld.idx.msk [tilespmem:v0+s20+$0xFFFFFFE0 ss:$0x1], $0xffff;
	[tilespmem:s21+$0x10] =	vst v2  }
0x39: {  	v60 =	vld.idx.msk [tilespmem:v0+s20+$0xFFFFFFF0 ss:$0x1], $0xffff;
	s31 =	sadd.s32 $0x400, s21;
	[tilespmem:s21+$0x20] =	vst v6  }
0x3a: {  	v61 =	vld.idx.msk [tilespmem:v0+s20+$0x0 ss:$0x1], $0xffff;
	[tilespmem:s31+$0x30] =	vst v56  }
0x3b: {  	v62 =	vld.idx.msk [tilespmem:v0+s20+$0x10 ss:$0x1], $0xffff;
	s19 =	sadd.s32 $0x1, s19;
	[tilespmem:s31+$0xFFFFFFC0] =	vst v57  }
0x3c: {  	v63 =	vld.idx.msk [tilespmem:v0+s20+$0x20 ss:$0x1], $0xffff;
	p0 =	sne.s32 s19, $0x8;
	[tilespmem:s31+$0xFFFFFFD0] =	vst v58  }
.Ltmp4:
0x3d: {  	[tilespmem:s31+$0xFFFFFFE0] =	vst v59;
	(pc) =	sbr.rel @p0 .LBB1_4-.Ltmp4, $4  }
0x3e: {  	[tilespmem:s31+$0xFFFFFFF0] =	vst v60  }
0x3f: {  	[tilespmem:s31+$0x0] =	vst v61  }
0x40: {  	[tilespmem:s31+$0x10] =	vst v62  }
0x41: {  	s18 =	sadd.s32 $0x80, s18;
	s17 =	sadd.s32 $0x200, s17;
	[tilespmem:s31+$0x20] =	vst v63  }
0x42: {  	s16 =	sadd.s32 $0x1, s16  }
0x43: {  	p0 =	sne.s32 s16, $0x4  }
.Ltmp5:
0x44: {  	_ = 	snop;
	(pc) =	sbr.rel @p0 .LBB1_3-.Ltmp5, $2  }
0x45: {  	_ =	sdelay $0x2  }
0x46: {  	s13 =	sadd.s32 $0x1000, s13;
	s14 =	sadd.s32 $0x1000, s14  }
.Ltmp6:
0x47: {  	(pc) =	sbr.rel .LBB1_9-.Ltmp6, $4  }
0x48: {  	_ = 	snop  }
0x49: {  	s12 =	sshll.u32 s12, $0x9  }
0x4a: {  	s12 =	sadd.s32 s4, s12  }
0x4b: {  	[hbm4b:s12+s8] =	stream.linear.scatter [tilespmem:s15], [sflag:$0x2], $0x4000, $0x38;
	[tilespmem:$0x10000] =	vst v63  }
.LBB1_10:
0x4c: {  	_ =	sfence.sel $0x180000  }
0x4d: {  	s2 =	simm.s32 $0x1;
	[bflag:$0x0] =	sbarrier.arrive $0xFFFF  }
0x4e: {  	s31 =	simm.s32 $0x2;
	[sflag:s2] =	ssyncpa.u1 $0x1  }
0x4f: {  	[sflag:s31] =	ssyncpa.u1 $0x1  }
0x50: {  	p0 =	sne.s32 s0, $0x0;
	_ =	strace $0x9000004A  }
0x51: {  	s0 =	sadd.s32 @!p0 $0x100000, s1;
	[bflag:$0x2] =	sbarrier.arrive $0xFFFF  }
0x52: {  	[sflag:s0] =	ssyncadd.tile.s32 @!p0 $0x1;
	_ =	shalt  }
.Lfunc_end1:
_tile_overlayer_lowered:
.L_overlay_start_2:
0x53: {  	(tag) =	ssettag $0x2  }
0x54: {  	s0 =	rddreg [dreg:$0x0];
	s2 =	stileid.u32  }
0x55: {  	s1 =	rddreg [dreg:$0x1];
	p0 =	sne.s32 s2, $0x0  }
0x56: {  	s3 =	rddreg [dreg:$0x2];
	[bflag:$0x3] =	sbarrier.arrive $0xFFFF;
	s2 =	simm.s32 @!p0 $0x1C01  }
0x57: {  	[timem:s3], [sflag:s2] =	dma.local @!p0 [hbm:s0], s1  }
0x58: {  	s0 =	simm.s32 @!p0 $0x1  }
0x59: {  	_ =	swait.ge @!p0 [sflag:s0], s1  }
0x5a: {  	s1 =	ssub.s32 @!p0 $0x0, s1;
	[sflag:s0] =	ssyncset.done @!p0 $0x0  }
0x5b: {  	[sflag:s0] =	ssyncadd.s32 @!p0 s1  }
0x5c: {  	[bflag:$0x3] =	sbarrier.arrive $0xFFFF  }
0x5d: {  	_ =	shalt  }

</sc_bundles>
